<compile_context>
chip_gen: v7x
topology: tpu7x:2x2x1
jax: 0.10.2.dev20260603
libtpu: 0.0.44.dev20260713+nightly
codegen_flags: <defaults>
</compile_context>

<pallas_src>
import functools

import jax
import jax.numpy as jnp
from jax.experimental import pallas as pl
from jax.experimental.pallas import tpu as pltpu
from jax.experimental.pallas import tpu_sc as plsc


def _sc_gather(table, idx2d, num_b, row_words):
    info = plsc.get_sparse_core_info()
    nc = info.num_cores
    nw = 8
    rpw = num_b // nw
    mesh = plsc.VectorSubcoreMesh(core_axis_name="c", subcore_axis_name="s")

    @functools.partial(
        pl.kernel, mesh=mesh,
        out_type=jax.ShapeDtypeStruct((num_b, row_words), jnp.int32),
        scratch_types=[
            pltpu.VMEM((rpw,), jnp.int32),
            pltpu.VMEM((rpw, row_words), jnp.int32),
            pltpu.SemaphoreType.DMA,
        ],
    )
    def k(table_hbm, idx_hbm, out_hbm, idx_v, rows_v, sem):
        w = jax.lax.axis_index("s") * nc + jax.lax.axis_index("c")

        @pl.when(w < nw)
        def _():
            pltpu.sync_copy(idx_hbm.at[w], idx_v)
            pltpu.async_copy(table_hbm.at[idx_v], rows_v, sem).wait()
            pltpu.sync_copy(rows_v, out_hbm.at[pl.ds(w * rpw, rpw)])

    return k(table, idx2d)


def _fwd_kernel(seq_ref, px_ref, py_ref, lens_ref, out_ref,
                emit_ref, offs_ref, *, num_b, seq_len, chunk):
    py = py_ref[...]
    l1mpy = jnp.log1p(-py)
    w = (jnp.log(py) - l1mpy).astype(jnp.bfloat16)
    bias = jnp.sum(l1mpy, axis=1).reshape(1, -1)
    t_iota = jax.lax.broadcasted_iota(jnp.int32, (seq_len, 1), 0)

    for b in range(num_b):
        s = seq_ref[b].astype(jnp.bfloat16)
        e = jax.lax.dot_general(s, w, (((1,), (1,)), ((), ())),
                                preferred_element_type=jnp.float32) + bias
        me = jnp.max(e, axis=1, keepdims=True)
        emit_ref[b] = jnp.exp(e - me).astype(jnp.bfloat16)
        offs_ref[pl.ds(b, 1), :] = jnp.sum(
            jnp.where(t_iota < lens_ref[b, 0], me, 0.0), axis=0,
            keepdims=True)

    px = px_ref[...].astype(jnp.bfloat16)
    lens = lens_ref[...]
    half = seq_len // 2
    nck = half // chunk

    p = (px[0:1, :] * emit_ref[:, 0, :]).astype(jnp.float32)
    macc = jnp.zeros_like(offs_ref)
    cap_p = jnp.where(lens == 1, p, 0.0)
    cap_m = jnp.zeros_like(macc)
    c = jnp.ones((lens.shape[0], px.shape[0]), jnp.float32)
    bacc = jnp.zeros_like(macc)

    def fwd_steps(k0, blk, p, macc, cap_p, cap_m, js):
        for j in js:
            t = k0 + j
            q = jax.lax.dot_general(p.astype(jnp.bfloat16), px,
                                    (((1,), (0,)), ((), ())),
                                    preferred_element_type=jnp.float32)
            p = q * blk[:, j, :].astype(jnp.float32)
            cap_p = jnp.where(lens == t + 1, p, cap_p)
        in_range = (lens > k0) & (lens <= k0 + chunk)
        cap_m = jnp.where(in_range, macc, cap_m)
        mm = jnp.max(p, axis=1, keepdims=True)
        p = p * (1.0 / mm)
        macc = macc + jnp.log(mm)
        return p, macc, cap_p, cap_m

    def bwd_steps(k0, blk, c, bacc):
        for j in reversed(range(chunk)):
            t = k0 + j
            w = (c * blk[:, j, :].astype(jnp.float32)).astype(jnp.bfloat16)
            c = jax.lax.dot_general(w, px, (((1,), (1,)), ((), ())),
                                    preferred_element_type=jnp.float32)
            c = jnp.where(lens == t, 1.0, c)
        injected = (lens >= k0) & (lens <= k0 + chunk)
        bacc = jnp.where(injected, 0.0, bacc)
        mm = jnp.max(c, axis=1, keepdims=True)
        c = c * (1.0 / mm)
        bacc = bacc + jnp.log(mm)
        return c, bacc

    blk2 = 2 * chunk
    nblk = seq_len // blk2

    blkf0 = emit_ref[:, 0:blk2, :]
    p, macc, cap_p, cap_m = fwd_steps(
        0, blkf0[:, 0:chunk, :], p, macc, cap_p, cap_m, range(1, chunk))
    p, macc, cap_p, cap_m = fwd_steps(
        chunk, blkf0[:, chunk:, :], p, macc, cap_p, cap_m, range(chunk))
    blkb0 = emit_ref[:, (nblk - 1) * blk2:, :]
    c, bacc = bwd_steps((2 * nblk - 1) * chunk, blkb0[:, chunk:, :], c, bacc)
    c, bacc = bwd_steps((2 * nblk - 2) * chunk, blkb0[:, 0:chunk, :], c, bacc)

    def chunk_body(k, carry):
        p, macc, cap_p, cap_m, c, bacc = carry
        blkf = emit_ref[:, pl.ds(pl.multiple_of(k * blk2, blk2), blk2), :]
        p, macc, cap_p, cap_m = fwd_steps(
            k * blk2, blkf[:, 0:chunk, :], p, macc, cap_p, cap_m, range(chunk))
        p, macc, cap_p, cap_m = fwd_steps(
            k * blk2 + chunk, blkf[:, chunk:, :], p, macc, cap_p, cap_m,
            range(chunk))
        kb = nblk - 1 - k
        blkb = emit_ref[:, pl.ds(pl.multiple_of(kb * blk2, blk2), blk2), :]
        c, bacc = bwd_steps((2 * kb + 1) * chunk, blkb[:, chunk:, :], c, bacc)
        c, bacc = bwd_steps(2 * kb * chunk, blkb[:, 0:chunk, :], c, bacc)
        return p, macc, cap_p, cap_m, c, bacc

    p, macc, cap_p, cap_m, c, bacc = jax.lax.fori_loop(
        1, nblk // 2, chunk_body, (p, macc, cap_p, cap_m, c, bacc))

    ll_f = cap_m + jnp.log(jnp.sum(cap_p, axis=1, keepdims=True))
    ll_b = macc + bacc + jnp.log(
        jnp.sum(p * c, axis=1, keepdims=True))
    ll = offs_ref[...] + jnp.where(lens <= half, ll_f, ll_b)
    out_ref[...] = jnp.sum(ll, axis=0, keepdims=True)


def kernel(sequences, lengths, mb, probs_x, probs_y, scale=1.0):
    num_seq, seq_len, data_dim = sequences.shape
    hidden = probs_x.shape[0]
    num_b = mb.shape[0]
    chunk = 8

    lens = lengths[mb].reshape(num_b, 1)

    row_words = seq_len * data_dim // 4
    seq_pack = jax.lax.bitcast_convert_type(
        sequences.astype(jnp.int8).reshape(num_seq, row_words, 4), jnp.int32)
    gathered = _sc_gather(seq_pack, mb.reshape(8, -1).astype(jnp.int32),
                          num_b, row_words)
    seq_g = jax.lax.bitcast_convert_type(gathered, jnp.int8).reshape(
        num_b, seq_len, data_dim)

    grid_spec = pltpu.PrefetchScalarGridSpec(
        num_scalar_prefetch=0,
        grid=(1,),
        in_specs=[
            pl.BlockSpec((num_b, seq_len, data_dim), lambda i: (0, 0, 0)),
            pl.BlockSpec((hidden, hidden), lambda i: (0, 0)),
            pl.BlockSpec((hidden, data_dim), lambda i: (0, 0)),
            pl.BlockSpec((num_b, 1), lambda i: (0, 0)),
        ],
        out_specs=pl.BlockSpec((1, 1), lambda i: (0, 0)),
        scratch_shapes=[
            pltpu.VMEM((num_b, seq_len, hidden), jnp.bfloat16),
            pltpu.VMEM((num_b, 1), jnp.float32),
        ],
    )

    out = pl.pallas_call(
        functools.partial(_fwd_kernel, num_b=num_b, seq_len=seq_len, chunk=chunk),
        grid_spec=grid_spec,
        out_shape=jax.ShapeDtypeStruct((1, 1), jnp.float32),
    )(seq_g, probs_x, probs_y, lens)

    return (scale * out[0, 0]).astype(jnp.float32)

# --- scband reference (transcript-rebuilt; emitter-appended) ---
"""Pipeline reference for scband-model1-85074712199835 (READ-ONLY COPY).

The authoritative reference and input builder live on the scoring server;
editing this copy changes nothing except your own understanding.
"""

import jax, jax.numpy as jnp
import numpy as np

HIDDEN_DIM = 128
DATA_DIM = 88
NUM_SEQ = 256
MAX_LEN = 256
MB = 64


def setup_inputs(seed: int = 0) -> dict:
    key = jax.random.key(seed)
    k1, k2, k3, k4 = jax.random.split(key, 4)
    # Bernoulli observations (binary piano-roll style data)
    sequences = (jax.random.uniform(k1, (NUM_SEQ, MAX_LEN, DATA_DIM)) < 0.2).astype(jnp.float32)
    lengths = jax.random.randint(k2, (NUM_SEQ,), 1, MAX_LEN + 1).astype(jnp.int32)
    mb = jax.random.randint(k3, (MB,), 0, NUM_SEQ).astype(jnp.int32)
    # pyro.param 'probs_x': 0.9*I + 0.1*ones, simplex-constrained (row-normalized)
    probs_x = 0.9 * jnp.eye(HIDDEN_DIM) + 0.1 * jnp.ones((HIDDEN_DIM, HIDDEN_DIM))
    probs_x = probs_x / probs_x.sum(axis=-1, keepdims=True)
    # pyro.param 'probs_y': uniform in (0,1), unit-interval constrained
    probs_y = jax.random.uniform(k4, (HIDDEN_DIM, DATA_DIM), minval=0.05, maxval=0.95)
    return {"sequences": sequences, "lengths": lengths, "mb": mb,
            "probs_x": probs_x, "probs_y": probs_y,
            "scale": jnp.asarray(1.0, dtype=jnp.float32)}


def reference(sequences, lengths, mb, probs_x, probs_y, scale=1.0):
    # Faithful translation of the Pyro enumerated HMM model: the model with
    # infer={'enumerate':'parallel'} computes the exact marginal log-likelihood
    # log p(y_{1:T} | probs_x, probs_y) via the forward algorithm, with the
    # initial hidden state index x=0 (so initial distribution is probs_x[0]),
    # Categorical transitions probs_x[x_{t-1}], Bernoulli emissions probs_y[x]
    # over data_dim tones, masked by t < lengths, scaled by `scale`,
    # subsampled by minibatch indices mb.
    seq = sequences[mb]            # [B, T, D]
    lens = lengths[mb]             # [B]
    log_px = jnp.log(probs_x)      # [H, H]
    log_py = jnp.log(probs_y)      # [H, D]
    log_1mpy = jnp.log1p(-probs_y)
    # emission log-prob per (seq, time, hidden): Bernoulli over tones plate
    emit = jnp.einsum('btd,hd->bth', seq, log_py) + \
           jnp.einsum('btd,hd->bth', 1.0 - seq, log_1mpy)   # [B, T, H]
    # t = 0: x_0 ~ Categorical(probs_x[0]) (since x starts as integer 0)
    alpha0 = log_px[0][None, :] + emit[:, 0, :]             # [B, H]

    emit_rest = jnp.swapaxes(emit[:, 1:, :], 0, 1)          # [T-1, B, H]
    ts = jnp.arange(1, seq.shape[1])

    def step(alpha, inp):
        t, e_t = inp
        new = jax.scipy.special.logsumexp(alpha[:, :, None] + log_px[None, :, :], axis=1) + e_t
        mask = (t < lens)[:, None]
        alpha = jnp.where(mask, new, alpha)
        return alpha, None

    alpha, _ = jax.lax.scan(step, alpha0, (ts, emit_rest))
    ll = jax.scipy.special.logsumexp(alpha, axis=-1)        # [B]
    return scale * jnp.sum(ll)

if __name__ == "__main__":
    import jax
    _d = setup_inputs()
    print(jax.jit(kernel)(*tuple(_d.values())))

</pallas_src>

<mosaic_0001>
#map = affine_map<(d0, d1) -> (0, 0)>
module attributes {stable_mosaic.version = 14 : i64} {
  func.func @k(%arg0: i32, %arg1: i32, %arg2: memref<256x5632xi32, #tpu.memory_space<hbm>>, %arg3: memref<8x8xi32, #tpu.memory_space<hbm>>, %arg4: memref<64x5632xi32, #tpu.memory_space<hbm>>, %arg5: memref<8xi32, #tpu.memory_space<vmem>>, %arg6: memref<8x5632xi32, #tpu.memory_space<vmem>>, %arg7: memref<!tpu.dma_semaphore, #tpu.memory_space<semaphore_mem>>) attributes {dimension_semantics = [#tpu.dimension_semantics<core_parallel>, #tpu.dimension_semantics<subcore_parallel>], iteration_bounds = array<i64: 2, 16>, scalar_prefetch = 0 : i64, scratch_operands = 3 : i64, tpu.core_type = #tpu.core_type<sc_vector_subcore>, window_params = [{transform_indices = #map}, {transform_indices = #map}, {transform_indices = #map}]} {
    %mul3A = arith.constant 2 : i32
    %mul3A_0 = arith.muli %arg1, %mul3A : i32
    %add3A = arith.addi %mul3A_0, %arg0 : i32
    %lt3A = arith.constant 8 : i32
    %lt3A_1 = arith.cmpi slt, %add3A, %lt3A : i32
    %convert_element_type3A = arith.extui %lt3A_1 : i1 to i32
    %cond3A = arith.constant 0 : i32
    %cond3A_2 = arith.cmpi ne, %convert_element_type3A, %cond3A : i32
    scf.if %cond3A_2 {
      "tpu.region"() ({
        %run_scoped3A = tpu.sem_alloc : memref<!tpu.dma_semaphore, #tpu.memory_space<semaphore_mem>>
        %dma_start3A_9 = arith.constant 0 : i32
        %dma_start3A_10 = tpu.memref_slice %arg3[%add3A, %dma_start3A_9] : memref<8x8xi32, #tpu.memory_space<hbm>> -> memref<1x8xi32, #tpu.memory_space<hbm>>
        %dma_start3A_11 = tpu.memref_squeeze %dma_start3A_10 : memref<1x8xi32, #tpu.memory_space<hbm>> -> memref<8xi32, #tpu.memory_space<hbm>>
        %dma_start3A_12 = arith.constant 0 : i32
        %dma_start3A_13 = tpu.memref_slice %arg3[%add3A, %dma_start3A_12] : memref<8x8xi32, #tpu.memory_space<hbm>> -> memref<1x8xi32, #tpu.memory_space<hbm>>
        %dma_start3A_14 = tpu.memref_squeeze %dma_start3A_13 : memref<1x8xi32, #tpu.memory_space<hbm>> -> memref<8xi32, #tpu.memory_space<hbm>>
        tpu.enqueue_dma source(%dma_start3A_14 : memref<8xi32, #tpu.memory_space<hbm>>) target(%arg5 : memref<8xi32, #tpu.memory_space<vmem>>) target_semaphore(%run_scoped3A : memref<!tpu.dma_semaphore, #tpu.memory_space<semaphore_mem>>)
        %dma_wait3A_15 = arith.constant 0 : i32
        %dma_wait3A_16 = tpu.memref_slice %arg3[%add3A, %dma_wait3A_15] : memref<8x8xi32, #tpu.memory_space<hbm>> -> memref<1x8xi32, #tpu.memory_space<hbm>>
        %dma_wait3A_17 = tpu.memref_squeeze %dma_wait3A_16 : memref<1x8xi32, #tpu.memory_space<hbm>> -> memref<8xi32, #tpu.memory_space<hbm>>
        %dma_wait3A_18 = arith.constant 0 : i32
        %dma_wait3A_19 = tpu.memref_slice %arg3[%add3A, %dma_wait3A_18] : memref<8x8xi32, #tpu.memory_space<hbm>> -> memref<1x8xi32, #tpu.memory_space<hbm>>
        %dma_wait3A_20 = tpu.memref_squeeze %dma_wait3A_19 : memref<1x8xi32, #tpu.memory_space<hbm>> -> memref<8xi32, #tpu.memory_space<hbm>>
        tpu.wait_dma2 semaphore(%run_scoped3A : memref<!tpu.dma_semaphore, #tpu.memory_space<semaphore_mem>>) src(%dma_wait3A_20 : memref<8xi32, #tpu.memory_space<hbm>>) dst(%arg5 : memref<8xi32, #tpu.memory_space<vmem>>)
        tpu.yield
      }) : () -> ()
      %dma_start3A = arith.constant 0 : i32
      %dma_start3A_3 = arith.constant 0 : i32
      %dma_start3A_4 = tpu.memref_slice %arg2[%dma_start3A, %dma_start3A_3] : memref<256x5632xi32, #tpu.memory_space<hbm>> -> memref<256x5632xi32, #tpu.memory_space<hbm>>
      tpu.enqueue_indirect_dma source(%dma_start3A_4 : memref<256x5632xi32, #tpu.memory_space<hbm>>) target(%arg6 : memref<8x5632xi32, #tpu.memory_space<vmem>>) offsets(%arg5 : memref<8xi32, #tpu.memory_space<vmem>>) semaphore(%arg7 : memref<!tpu.dma_semaphore, #tpu.memory_space<semaphore_mem>>)
      %dma_wait3A = arith.constant 0 : i32
      %dma_wait3A_5 = arith.constant 0 : i32
      %dma_wait3A_6 = tpu.memref_slice %arg2[%dma_wait3A, %dma_wait3A_5] : memref<256x5632xi32, #tpu.memory_space<hbm>> -> memref<256x5632xi32, #tpu.memory_space<hbm>>
      tpu.wait_indirect_dma semaphore(%arg7 : memref<!tpu.dma_semaphore, #tpu.memory_space<semaphore_mem>>) src(%dma_wait3A_6 : memref<256x5632xi32, #tpu.memory_space<hbm>>) dst(%arg6 : memref<8x5632xi32, #tpu.memory_space<vmem>>)
      %mul3A_7 = arith.constant 8 : i32
      %mul3A_8 = arith.muli %add3A, %mul3A_7 : i32
      "tpu.region"() ({
        %run_scoped3A = tpu.sem_alloc : memref<!tpu.dma_semaphore, #tpu.memory_space<semaphore_mem>>
        %dma_start3A_9 = arith.constant 0 : i32
        %dma_start3A_10 = tpu.memref_slice %arg4[%mul3A_8, %dma_start3A_9] : memref<64x5632xi32, #tpu.memory_space<hbm>> -> memref<8x5632xi32, #tpu.memory_space<hbm>>
        %dma_start3A_11 = arith.constant 0 : i32
        %dma_start3A_12 = tpu.memref_slice %arg4[%mul3A_8, %dma_start3A_11] : memref<64x5632xi32, #tpu.memory_space<hbm>> -> memref<8x5632xi32, #tpu.memory_space<hbm>>
        tpu.enqueue_dma source(%arg6 : memref<8x5632xi32, #tpu.memory_space<vmem>>) target(%dma_start3A_12 : memref<8x5632xi32, #tpu.memory_space<hbm>>) target_semaphore(%run_scoped3A : memref<!tpu.dma_semaphore, #tpu.memory_space<semaphore_mem>>)
        %dma_wait3A_13 = arith.constant 0 : i32
        %dma_wait3A_14 = tpu.memref_slice %arg4[%mul3A_8, %dma_wait3A_13] : memref<64x5632xi32, #tpu.memory_space<hbm>> -> memref<8x5632xi32, #tpu.memory_space<hbm>>
        %dma_wait3A_15 = arith.constant 0 : i32
        %dma_wait3A_16 = tpu.memref_slice %arg4[%mul3A_8, %dma_wait3A_15] : memref<64x5632xi32, #tpu.memory_space<hbm>> -> memref<8x5632xi32, #tpu.memory_space<hbm>>
        tpu.wait_dma2 semaphore(%run_scoped3A : memref<!tpu.dma_semaphore, #tpu.memory_space<semaphore_mem>>) src(%arg6 : memref<8x5632xi32, #tpu.memory_space<vmem>>) dst(%dma_wait3A_16 : memref<8x5632xi32, #tpu.memory_space<hbm>>)
        tpu.yield
      }) : () -> ()
    } else {
    }
    return
  }
}

module attributes {stable_mosaic.version = 14 : i64} {
  func.func @_fwd_kernel(%arg0: i32, %arg1: memref<64x256x88xi8, #tpu.memory_space<vmem>>, %arg2: memref<128x128xf32, #tpu.memory_space<vmem>>, %arg3: memref<128x88xf32, #tpu.memory_space<vmem>>, %arg4: memref<64x1xi32, #tpu.memory_space<vmem>>, %arg5: memref<1x1xf32, #tpu.memory_space<vmem>>, %arg6: memref<64x256x128xbf16, #tpu.memory_space<vmem>>, %arg7: memref<64x1xf32, #tpu.memory_space<vmem>>) attributes {dimension_semantics = [#tpu.dimension_semantics<arbitrary>], iteration_bounds = array<i64: 1>, scalar_prefetch = 0 : i64, scratch_operands = 2 : i64, tpu.core_type = #tpu.core_type<tc>, window_params = [{pipeline_mode = #tpu.pipeline_mode<synchronous>, transform_indices = @transform_0, window_bounds = array<i64: 64, 256, 88>}, {pipeline_mode = #tpu.pipeline_mode<synchronous>, transform_indices = @transform_1, window_bounds = array<i64: 128, 128>}, {pipeline_mode = #tpu.pipeline_mode<synchronous>, transform_indices = @transform_2, window_bounds = array<i64: 128, 88>}, {pipeline_mode = #tpu.pipeline_mode<synchronous>, transform_indices = @transform_3, window_bounds = array<i64: 64, 1>}, {pipeline_mode = #tpu.pipeline_mode<synchronous>, transform_indices = @transform_4, window_bounds = array<i64: 1, 1>}]} {
    %get3A = arith.constant 0 : index
    %get3A_0 = arith.constant 0 : index
    %get3A_1 = vector.load %arg3[%get3A, %get3A_0] : memref<128x88xf32, #tpu.memory_space<vmem>>, vector<128x88xf32>
    %neg3A = arith.constant 0.000000e+00 : f32
    %neg3A_2 = vector.broadcast %neg3A : f32 to vector<128x88xf32>
    %neg3A_3 = arith.subf %neg3A_2, %get3A_1 : vector<128x88xf32>
    %log1p3A = math.log1p %neg3A_3 : vector<128x88xf32>
    %log3A = math.log %get3A_1 : vector<128x88xf32>
    %sub3A = arith.subf %log3A, %log1p3A : vector<128x88xf32>
    %convert_element_type3A = arith.truncf %sub3A : vector<128x88xf32> to vector<128x88xbf16>
    %reduce_sum3A = arith.constant dense<0.000000e+00> : vector<128xf32>
    %reduce_sum3A_4 = vector.multi_reduction <add>, %log1p3A, %reduce_sum3A [1] : vector<128x88xf32> to vector<128xf32>
    %reshape3A = vector.shape_cast %reduce_sum3A_4 : vector<128xf32> to vector<1x128xf32>
    %iota3A = tpu.iota {dimensions = array<i32: 0>} : vector<256x1xi32>
    %get3A_5 = arith.constant 0 : index
    %get3A_6 = arith.constant 0 : index
    %get3A_7 = arith.constant 0 : index
    %get3A_8 = vector.load %arg1[%get3A_5, %get3A_6, %get3A_7] : memref<64x256x88xi8, #tpu.memory_space<vmem>>, vector<1x256x88xi8>
    %get3A_9 = vector.shape_cast %get3A_8 : vector<1x256x88xi8> to vector<256x88xi8>
    %convert_element_type3A_10 = arith.sitofp %get3A_9 : vector<256x88xi8> to vector<256x88xbf16>
    %dot_general3A = arith.constant dense<0.000000e+00> : vector<256x128xf32>
    %dot_general3A_11 = tpu.matmul %convert_element_type3A_10, %convert_element_type3A, %dot_general3A {dimension_numbers = #tpu.dot_dimension_numbers<[1], [1], [0], [0], [0, 0, 1, 0], [], []>, transpose_lhs_hint = false} : vector<256x88xbf16>, vector<128x88xbf16>, vector<256x128xf32> -> vector<256x128xf32>
    %add3A = vector.broadcast %reshape3A : vector<1x128xf32> to vector<256x128xf32>
    %add3A_12 = arith.addf %dot_general3A_11, %add3A : vector<256x128xf32>
    %reduce_max3A = arith.constant dense<0xFF800000> : vector<256xf32>
    %reduce_max3A_13 = vector.multi_reduction <maximumf>, %add3A_12, %reduce_max3A [1] : vector<256x128xf32> to vector<256xf32>
    %broadcast_in_dim3A = vector.shape_cast %reduce_max3A_13 : vector<256xf32> to vector<256x1xf32>
    %sub3A_14 = vector.broadcast %broadcast_in_dim3A : vector<256x1xf32> to vector<256x128xf32>
    %sub3A_15 = arith.subf %add3A_12, %sub3A_14 : vector<256x128xf32>
    %exp3A = math.exp %sub3A_15 : vector<256x128xf32>
    %convert_element_type3A_16 = arith.truncf %exp3A : vector<256x128xf32> to vector<256x128xbf16>
    %swap3A = arith.constant 0 : index
    %swap3A_17 = arith.constant 0 : index
    %swap3A_18 = arith.constant 0 : index
    %swap3A_19 = vector.load %arg6[%swap3A, %swap3A_17, %swap3A_18] : memref<64x256x128xbf16, #tpu.memory_space<vmem>>, vector<1x256x128xbf16>
    %swap3A_20 = vector.shape_cast %swap3A_19 : vector<1x256x128xbf16> to vector<256x128xbf16>
    %swap3A_21 = vector.shape_cast %convert_element_type3A_16 : vector<256x128xbf16> to vector<1x256x128xbf16>
    tpu.vector_store %arg6[%swap3A, %swap3A_17, %swap3A_18], %swap3A_21 {strides = array<i32>} : memref<64x256x128xbf16, #tpu.memory_space<vmem>>, vector<1x256x128xbf16>,
    %get3A_22 = arith.constant 0 : index
    %get3A_23 = arith.constant 0 : index
    %get3A_24 = vector.load %arg4[%get3A_22, %get3A_23] : memref<64x1xi32, #tpu.memory_space<vmem>>, vector<1x1xi32>
    %get3A_25 = vector.extract %get3A_24[0, 0] : i32 from vector<1x1xi32>
    %lt3A = vector.broadcast %get3A_25 : i32 to vector<256x1xi32>
    %lt3A_26 = arith.cmpi slt, %iota3A, %lt3A : vector<256x1xi32>
    %jit3A = arith.constant 0.000000e+00 : f32
    %broadcast_in_dim3A_27 = vector.broadcast %jit3A : f32 to vector<256x1xf32>
    %select_n3A = arith.select %lt3A_26, %broadcast_in_dim3A, %broadcast_in_dim3A_27 : vector<256x1xi1>, vector<256x1xf32>
    %reduce_sum3A_28 = arith.constant dense<0.000000e+00> : vector<1xf32>
    %reduce_sum3A_29 = vector.multi_reduction <add>, %select_n3A, %reduce_sum3A_28 [0] : vector<256x1xf32> to vector<1xf32>
    %broadcast_in_dim3A_30 = vector.shape_cast %reduce_sum3A_29 : vector<1xf32> to vector<1x1xf32>
    %swap3A_31 = arith.constant 0 : index
    %swap3A_32 = arith.constant 0 : index
    %swap3A_33 = vector.load %arg7[%swap3A_31, %swap3A_32] : memref<64x1xf32, #tpu.memory_space<vmem>>, vector<1x1xf32>
    tpu.vector_store %arg7[%swap3A_31, %swap3A_32], %broadcast_in_dim3A_30 {strides = array<i32>} : memref<64x1xf32, #tpu.memory_space<vmem>>, vector<1x1xf32>,
    %get3A_34 = arith.constant 1 : index
    %get3A_35 = arith.constant 0 : index
    %get3A_36 = arith.constant 0 : index
    %get3A_37 = vector.load %arg1[%get3A_34, %get3A_35, %get3A_36] : memref<64x256x88xi8, #tpu.memory_space<vmem>>, vector<1x256x88xi8>
    %get3A_38 = vector.shape_cast %get3A_37 : vector<1x256x88xi8> to vector<256x88xi8>
    %convert_element_type3A_39 = arith.sitofp %get3A_38 : vector<256x88xi8> to vector<256x88xbf16>
    %dot_general3A_40 = arith.constant dense<0.000000e+00> : vector<256x128xf32>
    %dot_general3A_41 = tpu.matmul %convert_element_type3A_39, %convert_element_type3A, %dot_general3A_40 {dimension_numbers = #tpu.dot_dimension_numbers<[1], [1], [0], [0], [0, 0, 1, 0], [], []>, transpose_lhs_hint = false} : vector<256x88xbf16>, vector<128x88xbf16>, vector<256x128xf32> -> vector<256x128xf32>
    %add3A_42 = vector.broadcast %reshape3A : vector<1x128xf32> to vector<256x128xf32>
    %add3A_43 = arith.addf %dot_general3A_41, %add3A_42 : vector<256x128xf32>
    %reduce_max3A_44 = arith.constant dense<0xFF800000> : vector<256xf32>
    %reduce_max3A_45 = vector.multi_reduction <maximumf>, %add3A_43, %reduce_max3A_44 [1] : vector<256x128xf32> to vector<256xf32>
    %broadcast_in_dim3A_46 = vector.shape_cast %reduce_max3A_45 : vector<256xf32> to vector<256x1xf32>
    %sub3A_47 = vector.broadcast %broadcast_in_dim3A_46 : vector<256x1xf32> to vector<256x128xf32>
    %sub3A_48 = arith.subf %add3A_43, %sub3A_47 : vector<256x128xf32>
    %exp3A_49 = math.exp %sub3A_48 : vector<256x128xf32>
    %convert_element_type3A_50 = arith.truncf %exp3A_49 : vector<256x128xf32> to vector<256x128xbf16>
    %swap3A_51 = arith.constant 1 : index
    %swap3A_52 = arith.constant 0 : index
    %swap3A_53 = arith.constant 0 : index
    %swap3A_54 = vector.load %arg6[%swap3A_51, %swap3A_52, %swap3A_53] : memref<64x256x128xbf16, #tpu.memory_space<vmem>>, vector<1x256x128xbf16>
    %swap3A_55 = vector.shape_cast %swap3A_54 : vector<1x256x128xbf16> to vector<256x128xbf16>
    %swap3A_56 = vector.shape_cast %convert_element_type3A_50 : vector<256x128xbf16> to vector<1x256x128xbf16>
    tpu.vector_store %arg6[%swap3A_51, %swap3A_52, %swap3A_53], %swap3A_56 {strides = array<i32>} : memref<64x256x128xbf16, #tpu.memory_space<vmem>>, vector<1x256x128xbf16>,
    %get3A_57 = arith.constant 1 : index
    %get3A_58 = arith.constant 0 : index
    %get3A_59 = vector.load %arg4[%get3A_57, %get3A_58] : memref<64x1xi32, #tpu.memory_space<vmem>>, vector<1x1xi32>
    %get3A_60 = vector.extract %get3A_59[0, 0] : i32 from vector<1x1xi32>
    %lt3A_61 = vector.broadcast %get3A_60 : i32 to vector<256x1xi32>
    %lt3A_62 = arith.cmpi slt, %iota3A, %lt3A_61 : vector<256x1xi32>
    %jit3A_63 = arith.constant 0.000000e+00 : f32
    %broadcast_in_dim3A_64 = vector.broadcast %jit3A_63 : f32 to vector<256x1xf32>
    %select_n3A_65 = arith.select %lt3A_62, %broadcast_in_dim3A_46, %broadcast_in_dim3A_64 : vector<256x1xi1>, vector<256x1xf32>
    %reduce_sum3A_66 = arith.constant dense<0.000000e+00> : vector<1xf32>
    %reduce_sum3A_67 = vector.multi_reduction <add>, %select_n3A_65, %reduce_sum3A_66 [0] : vector<256x1xf32> to vector<1xf32>
    %broadcast_in_dim3A_68 = vector.shape_cast %reduce_sum3A_67 : vector<1xf32> to vector<1x1xf32>
    %swap3A_69 = arith.constant 1 : index
    %swap3A_70 = arith.constant 0 : index
    %swap3A_71 = vector.load %arg7[%swap3A_69, %swap3A_70] : memref<64x1xf32, #tpu.memory_space<vmem>>, vector<1x1xf32>
    tpu.vector_store %arg7[%swap3A_69, %swap3A_70], %broadcast_in_dim3A_68 {strides = array<i32>} : memref<64x1xf32, #tpu.memory_space<vmem>>, vector<1x1xf32>,
    %get3A_72 = arith.constant 2 : index
    %get3A_73 = arith.constant 0 : index
    %get3A_74 = arith.constant 0 : index
    %get3A_75 = vector.load %arg1[%get3A_72, %get3A_73, %get3A_74] : memref<64x256x88xi8, #tpu.memory_space<vmem>>, vector<1x256x88xi8>
    %get3A_76 = vector.shape_cast %get3A_75 : vector<1x256x88xi8> to vector<256x88xi8>
    %convert_element_type3A_77 = arith.sitofp %get3A_76 : vector<256x88xi8> to vector<256x88xbf16>
    %dot_general3A_78 = arith.constant dense<0.000000e+00> : vector<256x128xf32>
    %dot_general3A_79 = tpu.matmul %convert_element_type3A_77, %convert_element_type3A, %dot_general3A_78 {dimension_numbers = #tpu.dot_dimension_numbers<[1], [1], [0], [0], [0, 0, 1, 0], [], []>, transpose_lhs_hint = false} : vector<256x88xbf16>, vector<128x88xbf16>, vector<256x128xf32> -> vector<256x128xf32>
    %add3A_80 = vector.broadcast %reshape3A : vector<1x128xf32> to vector<256x128xf32>
    %add3A_81 = arith.addf %dot_general3A_79, %add3A_80 : vector<256x128xf32>
    %reduce_max3A_82 = arith.constant dense<0xFF800000> : vector<256xf32>
    %reduce_max3A_83 = vector.multi_reduction <maximumf>, %add3A_81, %reduce_max3A_82 [1] : vector<256x128xf32> to vector<256xf32>
    %broadcast_in_dim3A_84 = vector.shape_cast %reduce_max3A_83 : vector<256xf32> to vector<256x1xf32>
    %sub3A_85 = vector.broadcast %broadcast_in_dim3A_84 : vector<256x1xf32> to vector<256x128xf32>
    %sub3A_86 = arith.subf %add3A_81, %sub3A_85 : vector<256x128xf32>
    %exp3A_87 = math.exp %sub3A_86 : vector<256x128xf32>
    %convert_element_type3A_88 = arith.truncf %exp3A_87 : vector<256x128xf32> to vector<256x128xbf16>
    %swap3A_89 = arith.constant 2 : index
    %swap3A_90 = arith.constant 0 : index
    %swap3A_91 = arith.constant 0 : index
    %swap3A_92 = vector.load %arg6[%swap3A_89, %swap3A_90, %swap3A_91] : memref<64x256x128xbf16, #tpu.memory_space<vmem>>, vector<1x256x128xbf16>
    %swap3A_93 = vector.shape_cast %swap3A_92 : vector<1x256x128xbf16> to vector<256x128xbf16>
    %swap3A_94 = vector.shape_cast %convert_element_type3A_88 : vector<256x128xbf16> to vector<1x256x128xbf16>
    tpu.vector_store %arg6[%swap3A_89, %swap3A_90, %swap3A_91], %swap3A_94 {strides = array<i32>} : memref<64x256x128xbf16, #tpu.memory_space<vmem>>, vector<1x256x128xbf16>,
    %get3A_95 = arith.constant 2 : index
    %get3A_96 = arith.constant 0 : index
    %get3A_97 = vector.load %arg4[%get3A_95, %get3A_96] : memref<64x1xi32, #tpu.memory_space<vmem>>, vector<1x1xi32>
    %get3A_98 = vector.extract %get3A_97[0, 0] : i32 from vector<1x1xi32>
    %lt3A_99 = vector.broadcast %get3A_98 : i32 to vector<256x1xi32>
    %lt3A_100 = arith.cmpi slt, %iota3A, %lt3A_99 : vector<256x1xi32>
    %jit3A_101 = arith.constant 0.000000e+00 : f32
    %broadcast_in_dim3A_102 = vector.broadcast %jit3A_101 : f32 to vector<256x1xf32>
    %select_n3A_103 = arith.select %lt3A_100, %broadcast_in_dim3A_84, %broadcast_in_dim3A_102 : vector<256x1xi1>, vector<256x1xf32>
    %reduce_sum3A_104 = arith.constant dense<0.000000e+00> : vector<1xf32>
    %reduce_sum3A_105 = vector.multi_reduction <add>, %select_n3A_103, %reduce_sum3A_104 [0] : vector<256x1xf32> to vector<1xf32>
    %broadcast_in_dim3A_106 = vector.shape_cast %reduce_sum3A_105 : vector<1xf32> to vector<1x1xf32>
    %swap3A_107 = arith.constant 2 : index
    %swap3A_108 = arith.constant 0 : index
    %swap3A_109 = vector.load %arg7[%swap3A_107, %swap3A_108] : memref<64x1xf32, #tpu.memory_space<vmem>>, vector<1x1xf32>
    tpu.vector_store %arg7[%swap3A_107, %swap3A_108], %broadcast_in_dim3A_106 {strides = array<i32>} : memref<64x1xf32, #tpu.memory_space<vmem>>, vector<1x1xf32>,
    %get3A_110 = arith.constant 3 : index
    %get3A_111 = arith.constant 0 : index
    %get3A_112 = arith.constant 0 : index
    %get3A_113 = vector.load %arg1[%get3A_110, %get3A_111, %get3A_112] : memref<64x256x88xi8, #tpu.memory_space<vmem>>, vector<1x256x88xi8>
    %get3A_114 = vector.shape_cast %get3A_113 : vector<1x256x88xi8> to vector<256x88xi8>
    %convert_element_type3A_115 = arith.sitofp %get3A_114 : vector<256x88xi8> to vector<256x88xbf16>
    %dot_general3A_116 = arith.constant dense<0.000000e+00> : vector<256x128xf32>
    %dot_general3A_117 = tpu.matmul %convert_element_type3A_115, %convert_element_type3A, %dot_general3A_116 {dimension_numbers = #tpu.dot_dimension_numbers<[1], [1], [0], [0], [0, 0, 1, 0], [], []>, transpose_lhs_hint = false} : vector<256x88xbf16>, vector<128x88xbf16>, vector<256x128xf32> -> vector<256x128xf32>
    %add3A_118 = vector.broadcast %reshape3A : vector<1x128xf32> to vector<256x128xf32>
    %add3A_119 = arith.addf %dot_general3A_117, %add3A_118 : vector<256x128xf32>
    %reduce_max3A_120 = arith.constant dense<0xFF800000> : vector<256xf32>
    %reduce_max3A_121 = vector.multi_reduction <maximumf>, %add3A_119, %reduce_max3A_120 [1] : vector<256x128xf32> to vector<256xf32>
    %broadcast_in_dim3A_122 = vector.shape_cast %reduce_max3A_121 : vector<256xf32> to vector<256x1xf32>
    %sub3A_123 = vector.broadcast %broadcast_in_dim3A_122 : vector<256x1xf32> to vector<256x128xf32>
    %sub3A_124 = arith.subf %add3A_119, %sub3A_123 : vector<256x128xf32>
    %exp3A_125 = math.exp %sub3A_124 : vector<256x128xf32>
    %convert_element_type3A_126 = arith.truncf %exp3A_125 : vector<256x128xf32> to vector<256x128xbf16>
    %swap3A_127 = arith.constant 3 : index
    %swap3A_128 = arith.constant 0 : index
    %swap3A_129 = arith.constant 0 : index
    %swap3A_130 = vector.load %arg6[%swap3A_127, %swap3A_128, %swap3A_129] : memref<64x256x128xbf16, #tpu.memory_space<vmem>>, vector<1x256x128xbf16>
    %swap3A_131 = vector.shape_cast %swap3A_130 : vector<1x256x128xbf16> to vector<256x128xbf16>
    %swap3A_132 = vector.shape_cast %convert_element_type3A_126 : vector<256x128xbf16> to vector<1x256x128xbf16>
    tpu.vector_store %arg6[%swap3A_127, %swap3A_128, %swap3A_129], %swap3A_132 {strides = array<i32>} : memref<64x256x128xbf16, #tpu.memory_space<vmem>>, vector<1x256x128xbf16>,
    %get3A_133 = arith.constant 3 : index
    %get3A_134 = arith.constant 0 : index
    %get3A_135 = vector.load %arg4[%get3A_133, %get3A_134] : memref<64x1xi32, #tpu.memory_space<vmem>>, vector<1x1xi32>
    %get3A_136 = vector.extract %get3A_135[0, 0] : i32 from vector<1x1xi32>
    %lt3A_137 = vector.broadcast %get3A_136 : i32 to vector<256x1xi32>
    %lt3A_138 = arith.cmpi slt, %iota3A, %lt3A_137 : vector<256x1xi32>
    %jit3A_139 = arith.constant 0.000000e+00 : f32
    %broadcast_in_dim3A_140 = vector.broadcast %jit3A_139 : f32 to vector<256x1xf32>
    %select_n3A_141 = arith.select %lt3A_138, %broadcast_in_dim3A_122, %broadcast_in_dim3A_140 : vector<256x1xi1>, vector<256x1xf32>
    %reduce_sum3A_142 = arith.constant dense<0.000000e+00> : vector<1xf32>
    %reduce_sum3A_143 = vector.multi_reduction <add>, %select_n3A_141, %reduce_sum3A_142 [0] : vector<256x1xf32> to vector<1xf32>
    %broadcast_in_dim3A_144 = vector.shape_cast %reduce_sum3A_143 : vector<1xf32> to vector<1x1xf32>
    %swap3A_145 = arith.constant 3 : index
    %swap3A_146 = arith.constant 0 : index
    %swap3A_147 = vector.load %arg7[%swap3A_145, %swap3A_146] : memref<64x1xf32, #tpu.memory_space<vmem>>, vector<1x1xf32>
    tpu.vector_store %arg7[%swap3A_145, %swap3A_146], %broadcast_in_dim3A_144 {strides = array<i32>} : memref<64x1xf32, #tpu.memory_space<vmem>>, vector<1x1xf32>,
    %get3A_148 = arith.constant 4 : index
    %get3A_149 = arith.constant 0 : index
    %get3A_150 = arith.constant 0 : index
    %get3A_151 = vector.load %arg1[%get3A_148, %get3A_149, %get3A_150] : memref<64x256x88xi8, #tpu.memory_space<vmem>>, vector<1x256x88xi8>
    %get3A_152 = vector.shape_cast %get3A_151 : vector<1x256x88xi8> to vector<256x88xi8>
    %convert_element_type3A_153 = arith.sitofp %get3A_152 : vector<256x88xi8> to vector<256x88xbf16>
    %dot_general3A_154 = arith.constant dense<0.000000e+00> : vector<256x128xf32>
    %dot_general3A_155 = tpu.matmul %convert_element_type3A_153, %convert_element_type3A, %dot_general3A_154 {dimension_numbers = #tpu.dot_dimension_numbers<[1], [1], [0], [0], [0, 0, 1, 0], [], []>, transpose_lhs_hint = false} : vector<256x88xbf16>, vector<128x88xbf16>, vector<256x128xf32> -> vector<256x128xf32>
    %add3A_156 = vector.broadcast %reshape3A : vector<1x128xf32> to vector<256x128xf32>
    %add3A_157 = arith.addf %dot_general3A_155, %add3A_156 : vector<256x128xf32>
    %reduce_max3A_158 = arith.constant dense<0xFF800000> : vector<256xf32>
    %reduce_max3A_159 = vector.multi_reduction <maximumf>, %add3A_157, %reduce_max3A_158 [1] : vector<256x128xf32> to vector<256xf32>
    %broadcast_in_dim3A_160 = vector.shape_cast %reduce_max3A_159 : vector<256xf32> to vector<256x1xf32>
    %sub3A_161 = vector.broadcast %broadcast_in_dim3A_160 : vector<256x1xf32> to vector<256x128xf32>
    %sub3A_162 = arith.subf %add3A_157, %sub3A_161 : vector<256x128xf32>
    %exp3A_163 = math.exp %sub3A_162 : vector<256x128xf32>
    %convert_element_type3A_164 = arith.truncf %exp3A_163 : vector<256x128xf32> to vector<256x128xbf16>
    %swap3A_165 = arith.constant 4 : index
    %swap3A_166 = arith.constant 0 : index
    %swap3A_167 = arith.constant 0 : index
    %swap3A_168 = vector.load %arg6[%swap3A_165, %swap3A_166, %swap3A_167] : memref<64x256x128xbf16, #tpu.memory_space<vmem>>, vector<1x256x128xbf16>
    %swap3A_169 = vector.shape_cast %swap3A_168 : vector<1x256x128xbf16> to vector<256x128xbf16>
    %swap3A_170 = vector.shape_cast %convert_element_type3A_164 : vector<256x128xbf16> to vector<1x256x128xbf16>
    tpu.vector_store %arg6[%swap3A_165, %swap3A_166, %swap3A_167], %swap3A_170 {strides = array<i32>} : memref<64x256x128xbf16, #tpu.memory_space<vmem>>, vector<1x256x128xbf16>,
    %get3A_171 = arith.constant 4 : index
    %get3A_172 = arith.constant 0 : index
    %get3A_173 = vector.load %arg4[%get3A_171, %get3A_172] : memref<64x1xi32, #tpu.memory_space<vmem>>, vector<1x1xi32>
    %get3A_174 = vector.extract %get3A_173[0, 0] : i32 from vector<1x1xi32>
    %lt3A_175 = vector.broadcast %get3A_174 : i32 to vector<256x1xi32>
    %lt3A_176 = arith.cmpi slt, %iota3A, %lt3A_175 : vector<256x1xi32>
    %jit3A_177 = arith.constant 0.000000e+00 : f32
    %broadcast_in_dim3A_178 = vector.broadcast %jit3A_177 : f32 to vector<256x1xf32>
    %select_n3A_179 = arith.select %lt3A_176, %broadcast_in_dim3A_160, %broadcast_in_dim3A_178 : vector<256x1xi1>, vector<256x1xf32>
    %reduce_sum3A_180 = arith.constant dense<0.000000e+00> : vector<1xf32>
    %reduce_sum3A_181 = vector.multi_reduction <add>, %select_n3A_179, %reduce_sum3A_180 [0] : vector<256x1xf32> to vector<1xf32>
    %broadcast_in_dim3A_182 = vector.shape_cast %reduce_sum3A_181 : vector<1xf32> to vector<1x1xf32>
    %swap3A_183 = arith.constant 4 : index
    %swap3A_184 = arith.constant 0 : index
    %swap3A_185 = vector.load %arg7[%swap3A_183, %swap3A_184] : memref<64x1xf32, #tpu.memory_space<vmem>>, vector<1x1xf32>
    tpu.vector_store %arg7[%swap3A_183, %swap3A_184], %broadcast_in_dim3A_182 {strides = array<i32>} : memref<64x1xf32, #tpu.memory_space<vmem>>, vector<1x1xf32>,
    %get3A_186 = arith.constant 5 : index
    %get3A_187 = arith.constant 0 : index
    %get3A_188 = arith.constant 0 : index
    %get3A_189 = vector.load %arg1[%get3A_186, %get3A_187, %get3A_188] : memref<64x256x88xi8, #tpu.memory_space<vmem>>, vector<1x256x88xi8>
    %get3A_190 = vector.shape_cast %get3A_189 : vector<1x256x88xi8> to vector<256x88xi8>
    %convert_element_type3A_191 = arith.sitofp %get3A_190 : vector<256x88xi8> to vector<256x88xbf16>
    %dot_general3A_192 = arith.constant dense<0.000000e+00> : vector<256x128xf32>
    %dot_general3A_193 = tpu.matmul %convert_element_type3A_191, %convert_element_type3A, %dot_general3A_192 {dimension_numbers = #tpu.dot_dimension_numbers<[1], [1], [0], [0], [0, 0, 1, 0], [], []>, transpose_lhs_hint = false} : vector<256x88xbf16>, vector<128x88xbf16>, vector<256x128xf32> -> vector<256x128xf32>
    %add3A_194 = vector.broadcast %reshape3A : vector<1x128xf32> to vector<256x128xf32>
    %add3A_195 = arith.addf %dot_general3A_193, %add3A_194 : vector<256x128xf32>
    %reduce_max3A_196 = arith.constant dense<0xFF800000> : vector<256xf32>
    %reduce_max3A_197 = vector.multi_reduction <maximumf>, %add3A_195, %reduce_max3A_196 [1] : vector<256x128xf32> to vector<256xf32>
    %broadcast_in_dim3A_198 = vector.shape_cast %reduce_max3A_197 : vector<256xf32> to vector<256x1xf32>
    %sub3A_199 = vector.broadcast %broadcast_in_dim3A_198 : vector<256x1xf32> to vector<256x128xf32>
    %sub3A_200 = arith.subf %add3A_195, %sub3A_199 : vector<256x128xf32>
    %exp3A_201 = math.exp %sub3A_200 : vector<256x128xf32>
    %convert_element_type3A_202 = arith.truncf %exp3A_201 : vector<256x128xf32> to vector<256x128xbf16>
    %swap3A_203 = arith.constant 5 : index
    %swap3A_204 = arith.constant 0 : index
    %swap3A_205 = arith.constant 0 : index
    %swap3A_206 = vector.load %arg6[%swap3A_203, %swap3A_204, %swap3A_205] : memref<64x256x128xbf16, #tpu.memory_space<vmem>>, vector<1x256x128xbf16>
    %swap3A_207 = vector.shape_cast %swap3A_206 : vector<1x256x128xbf16> to vector<256x128xbf16>
    %swap3A_208 = vector.shape_cast %convert_element_type3A_202 : vector<256x128xbf16> to vector<1x256x128xbf16>
    tpu.vector_store %arg6[%swap3A_203, %swap3A_204, %swap3A_205], %swap3A_208 {strides = array<i32>} : memref<64x256x128xbf16, #tpu.memory_space<vmem>>, vector<1x256x128xbf16>,
    %get3A_209 = arith.constant 5 : index
    %get3A_210 = arith.constant 0 : index
    %get3A_211 = vector.load %arg4[%get3A_209, %get3A_210] : memref<64x1xi32, #tpu.memory_space<vmem>>, vector<1x1xi32>
    %get3A_212 = vector.extract %get3A_211[0, 0] : i32 from vector<1x1xi32>
    %lt3A_213 = vector.broadcast %get3A_212 : i32 to vector<256x1xi32>
    %lt3A_214 = arith.cmpi slt, %iota3A, %lt3A_213 : vector<256x1xi32>
    %jit3A_215 = arith.constant 0.000000e+00 : f32
    %broadcast_in_dim3A_216 = vector.broadcast %jit3A_215 : f32 to vector<256x1xf32>
    %select_n3A_217 = arith.select %lt3A_214, %broadcast_in_dim3A_198, %broadcast_in_dim3A_216 : vector<256x1xi1>, vector<256x1xf32>
    %reduce_sum3A_218 = arith.constant dense<0.000000e+00> : vector<1xf32>
    %reduce_sum3A_219 = vector.multi_reduction <add>, %select_n3A_217, %reduce_sum3A_218 [0] : vector<256x1xf32> to vector<1xf32>
    %broadcast_in_dim3A_220 = vector.shape_cast %reduce_sum3A_219 : vector<1xf32> to vector<1x1xf32>
    %swap3A_221 = arith.constant 5 : index
    %swap3A_222 = arith.constant 0 : index
    %swap3A_223 = vector.load %arg7[%swap3A_221, %swap3A_222] : memref<64x1xf32, #tpu.memory_space<vmem>>, vector<1x1xf32>
    tpu.vector_store %arg7[%swap3A_221, %swap3A_222], %broadcast_in_dim3A_220 {strides = array<i32>} : memref<64x1xf32, #tpu.memory_space<vmem>>, vector<1x1xf32>,
    %get3A_224 = arith.constant 6 : index
    %get3A_225 = arith.constant 0 : index
    %get3A_226 = arith.constant 0 : index
    %get3A_227 = vector.load %arg1[%get3A_224, %get3A_225, %get3A_226] : memref<64x256x88xi8, #tpu.memory_space<vmem>>, vector<1x256x88xi8>
    %get3A_228 = vector.shape_cast %get3A_227 : vector<1x256x88xi8> to vector<256x88xi8>
    %convert_element_type3A_229 = arith.sitofp %get3A_228 : vector<256x88xi8> to vector<256x88xbf16>
    %dot_general3A_230 = arith.constant dense<0.000000e+00> : vector<256x128xf32>
    %dot_general3A_231 = tpu.matmul %convert_element_type3A_229, %convert_element_type3A, %dot_general3A_230 {dimension_numbers = #tpu.dot_dimension_numbers<[1], [1], [0], [0], [0, 0, 1, 0], [], []>, transpose_lhs_hint = false} : vector<256x88xbf16>, vector<128x88xbf16>, vector<256x128xf32> -> vector<256x128xf32>
    %add3A_232 = vector.broadcast %reshape3A : vector<1x128xf32> to vector<256x128xf32>
    %add3A_233 = arith.addf %dot_general3A_231, %add3A_232 : vector<256x128xf32>
    %reduce_max3A_234 = arith.constant dense<0xFF800000> : vector<256xf32>
    %reduce_max3A_235 = vector.multi_reduction <maximumf>, %add3A_233, %reduce_max3A_234 [1] : vector<256x128xf32> to vector<256xf32>
    %broadcast_in_dim3A_236 = vector.shape_cast %reduce_max3A_235 : vector<256xf32> to vector<256x1xf32>
    %sub3A_237 = vector.broadcast %broadcast_in_dim3A_236 : vector<256x1xf32> to vector<256x128xf32>
    %sub3A_238 = arith.subf %add3A_233, %sub3A_237 : vector<256x128xf32>
    %exp3A_239 = math.exp %sub3A_238 : vector<256x128xf32>
    %convert_element_type3A_240 = arith.truncf %exp3A_239 : vector<256x128xf32> to vector<256x128xbf16>
    %swap3A_241 = arith.constant 6 : index
    %swap3A_242 = arith.constant 0 : index
    %swap3A_243 = arith.constant 0 : index
    %swap3A_244 = vector.load %arg6[%swap3A_241, %swap3A_242, %swap3A_243] : memref<64x256x128xbf16, #tpu.memory_space<vmem>>, vector<1x256x128xbf16>
    %swap3A_245 = vector.shape_cast %swap3A_244 : vector<1x256x128xbf16> to vector<256x128xbf16>
    %swap3A_246 = vector.shape_cast %convert_element_type3A_240 : vector<256x128xbf16> to vector<1x256x128xbf16>
    tpu.vector_store %arg6[%swap3A_241, %swap3A_242, %swap3A_243], %swap3A_246 {strides = array<i32>} : memref<64x256x128xbf16, #tpu.memory_space<vmem>>, vector<1x256x128xbf16>,
    %get3A_247 = arith.constant 6 : index
    %get3A_248 = arith.constant 0 : index
    %get3A_249 = vector.load %arg4[%get3A_247, %get3A_248] : memref<64x1xi32, #tpu.memory_space<vmem>>, vector<1x1xi32>
    %get3A_250 = vector.extract %get3A_249[0, 0] : i32 from vector<1x1xi32>
    %lt3A_251 = vector.broadcast %get3A_250 : i32 to vector<256x1xi32>
    %lt3A_252 = arith.cmpi slt, %iota3A, %lt3A_251 : vector<256x1xi32>
    %jit3A_253 = arith.constant 0.000000e+00 : f32
    %broadcast_in_dim3A_254 = vector.broadcast %jit3A_253 : f32 to vector<256x1xf32>
    %select_n3A_255 = arith.select %lt3A_252, %broadcast_in_dim3A_236, %broadcast_in_dim3A_254 : vector<256x1xi1>, vector<256x1xf32>
    %reduce_sum3A_256 = arith.constant dense<0.000000e+00> : vector<1xf32>
    %reduce_sum3A_257 = vector.multi_reduction <add>, %select_n3A_255, %reduce_sum3A_256 [0] : vector<256x1xf32> to vector<1xf32>
    %broadcast_in_dim3A_258 = vector.shape_cast %reduce_sum3A_257 : vector<1xf32> to vector<1x1xf32>
    %swap3A_259 = arith.constant 6 : index
    %swap3A_260 = arith.constant 0 : index
    %swap3A_261 = vector.load %arg7[%swap3A_259, %swap3A_260] : memref<64x1xf32, #tpu.memory_space<vmem>>, vector<1x1xf32>
    tpu.vector_store %arg7[%swap3A_259, %swap3A_260], %broadcast_in_dim3A_258 {strides = array<i32>} : memref<64x1xf32, #tpu.memory_space<vmem>>, vector<1x1xf32>,
    %get3A_262 = arith.constant 7 : index
    %get3A_263 = arith.constant 0 : index
    %get3A_264 = arith.constant 0 : index
    %get3A_265 = vector.load %arg1[%get3A_262, %get3A_263, %get3A_264] : memref<64x256x88xi8, #tpu.memory_space<vmem>>, vector<1x256x88xi8>
    %get3A_266 = vector.shape_cast %get3A_265 : vector<1x256x88xi8> to vector<256x88xi8>
    %convert_element_type3A_267 = arith.sitofp %get3A_266 : vector<256x88xi8> to vector<256x88xbf16>
    %dot_general3A_268 = arith.constant dense<0.000000e+00> : vector<256x128xf32>
    %dot_general3A_269 = tpu.matmul %convert_element_type3A_267, %convert_element_type3A, %dot_general3A_268 {dimension_numbers = #tpu.dot_dimension_numbers<[1], [1], [0], [0], [0, 0, 1, 0], [], []>, transpose_lhs_hint = false} : vector<256x88xbf16>, vector<128x88xbf16>, vector<256x128xf32> -> vector<256x128xf32>
    %add3A_270 = vector.broadcast %reshape3A : vector<1x128xf32> to vector<256x128xf32>
    %add3A_271 = arith.addf %dot_general3A_269, %add3A_270 : vector<256x128xf32>
    %reduce_max3A_272 = arith.constant dense<0xFF800000> : vector<256xf32>
    %reduce_max3A_273 = vector.multi_reduction <maximumf>, %add3A_271, %reduce_max3A_272 [1] : vector<256x128xf32> to vector<256xf32>
    %broadcast_in_dim3A_274 = vector.shape_cast %reduce_max3A_273 : vector<256xf32> to vector<256x1xf32>
    %sub3A_275 = vector.broadcast %broadcast_in_dim3A_274 : vector<256x1xf32> to vector<256x128xf32>
    %sub3A_276 = arith.subf %add3A_271, %sub3A_275 : vector<256x128xf32>
    %exp3A_277 = math.exp %sub3A_276 : vector<256x128xf32>
    %convert_element_type3A_278 = arith.truncf %exp3A_277 : vector<256x128xf32> to vector<256x128xbf16>
    %swap3A_279 = arith.constant 7 : index
    %swap3A_280 = arith.constant 0 : index
    %swap3A_281 = arith.constant 0 : index
    %swap3A_282 = vector.load %arg6[%swap3A_279, %swap3A_280, %swap3A_281] : memref<64x256x128xbf16, #tpu.memory_space<vmem>>, vector<1x256x128xbf16>
    %swap3A_283 = vector.shape_cast %swap3A_282 : vector<1x256x128xbf16> to vector<256x128xbf16>
    %swap3A_284 = vector.shape_cast %convert_element_type3A_278 : vector<256x128xbf16> to vector<1x256x128xbf16>
    tpu.vector_store %arg6[%swap3A_279, %swap3A_280, %swap3A_281], %swap3A_284 {strides = array<i32>} : memref<64x256x128xbf16, #tpu.memory_space<vmem>>, vector<1x256x128xbf16>,
    %get3A_285 = arith.constant 7 : index
    %get3A_286 = arith.constant 0 : index
    %get3A_287 = vector.load %arg4[%get3A_285, %get3A_286] : memref<64x1xi32, #tpu.memory_space<vmem>>, vector<1x1xi32>
    %get3A_288 = vector.extract %get3A_287[0, 0] : i32 from vector<1x1xi32>
    %lt3A_289 = vector.broadcast %get3A_288 : i32 to vector<256x1xi32>
    %lt3A_290 = arith.cmpi slt, %iota3A, %lt3A_289 : vector<256x1xi32>
    %jit3A_291 = arith.constant 0.000000e+00 : f32
    %broadcast_in_dim3A_292 = vector.broadcast %jit3A_291 : f32 to vector<256x1xf32>
    %select_n3A_293 = arith.select %lt3A_290, %broadcast_in_dim3A_274, %broadcast_in_dim3A_292 : vector<256x1xi1>, vector<256x1xf32>
    %reduce_sum3A_294 = arith.constant dense<0.000000e+00> : vector<1xf32>
    %reduce_sum3A_295 = vector.multi_reduction <add>, %select_n3A_293, %reduce_sum3A_294 [0] : vector<256x1xf32> to vector<1xf32>
    %broadcast_in_dim3A_296 = vector.shape_cast %reduce_sum3A_295 : vector<1xf32> to vector<1x1xf32>
    %swap3A_297 = arith.constant 7 : index
    %swap3A_298 = arith.constant 0 : index
    %swap3A_299 = vector.load %arg7[%swap3A_297, %swap3A_298] : memref<64x1xf32, #tpu.memory_space<vmem>>, vector<1x1xf32>
    tpu.vector_store %arg7[%swap3A_297, %swap3A_298], %broadcast_in_dim3A_296 {strides = array<i32>} : memref<64x1xf32, #tpu.memory_space<vmem>>, vector<1x1xf32>,
    %get3A_300 = arith.constant 8 : index
    %get3A_301 = arith.constant 0 : index
    %get3A_302 = arith.constant 0 : index
    %get3A_303 = vector.load %arg1[%get3A_300, %get3A_301, %get3A_302] : memref<64x256x88xi8, #tpu.memory_space<vmem>>, vector<1x256x88xi8>
    %get3A_304 = vector.shape_cast %get3A_303 : vector<1x256x88xi8> to vector<256x88xi8>
    %convert_element_type3A_305 = arith.sitofp %get3A_304 : vector<256x88xi8> to vector<256x88xbf16>
    %dot_general3A_306 = arith.constant dense<0.000000e+00> : vector<256x128xf32>
    %dot_general3A_307 = tpu.matmul %convert_element_type3A_305, %convert_element_type3A, %dot_general3A_306 {dimension_numbers = #tpu.dot_dimension_numbers<[1], [1], [0], [0], [0, 0, 1, 0], [], []>, transpose_lhs_hint = false} : vector<256x88xbf16>, vector<128x88xbf16>, vector<256x128xf32> -> vector<256x128xf32>
    %add3A_308 = vector.broadcast %reshape3A : vector<1x128xf32> to vector<256x128xf32>
    %add3A_309 = arith.addf %dot_general3A_307, %add3A_308 : vector<256x128xf32>
    %reduce_max3A_310 = arith.constant dense<0xFF800000> : vector<256xf32>
    %reduce_max3A_311 = vector.multi_reduction <maximumf>, %add3A_309, %reduce_max3A_310 [1] : vector<256x128xf32> to vector<256xf32>
    %broadcast_in_dim3A_312 = vector.shape_cast %reduce_max3A_311 : vector<256xf32> to vector<256x1xf32>
    %sub3A_313 = vector.broadcast %broadcast_in_dim3A_312 : vector<256x1xf32> to vector<256x128xf32>
    %sub3A_314 = arith.subf %add3A_309, %sub3A_313 : vector<256x128xf32>
    %exp3A_315 = math.exp %sub3A_314 : vector<256x128xf32>
    %convert_element_type3A_316 = arith.truncf %exp3A_315 : vector<256x128xf32> to vector<256x128xbf16>
    %swap3A_317 = arith.constant 8 : index
    %swap3A_318 = arith.constant 0 : index
    %swap3A_319 = arith.constant 0 : index
    %swap3A_320 = vector.load %arg6[%swap3A_317, %swap3A_318, %swap3A_319] : memref<64x256x128xbf16, #tpu.memory_space<vmem>>, vector<1x256x128xbf16>
    %swap3A_321 = vector.shape_cast %swap3A_320 : vector<1x256x128xbf16> to vector<256x128xbf16>
    %swap3A_322 = vector.shape_cast %convert_element_type3A_316 : vector<256x128xbf16> to vector<1x256x128xbf16>
    tpu.vector_store %arg6[%swap3A_317, %swap3A_318, %swap3A_319], %swap3A_322 {strides = array<i32>} : memref<64x256x128xbf16, #tpu.memory_space<vmem>>, vector<1x256x128xbf16>,
    %get3A_323 = arith.constant 8 : index
    %get3A_324 = arith.constant 0 : index
    %get3A_325 = vector.load %arg4[%get3A_323, %get3A_324] : memref<64x1xi32, #tpu.memory_space<vmem>>, vector<1x1xi32>
    %get3A_326 = vector.extract %get3A_325[0, 0] : i32 from vector<1x1xi32>
    %lt3A_327 = vector.broadcast %get3A_326 : i32 to vector<256x1xi32>
    %lt3A_328 = arith.cmpi slt, %iota3A, %lt3A_327 : vector<256x1xi32>
    %jit3A_329 = arith.constant 0.000000e+00 : f32
    %broadcast_in_dim3A_330 = vector.broadcast %jit3A_329 : f32 to vector<256x1xf32>
    %select_n3A_331 = arith.select %lt3A_328, %broadcast_in_dim3A_312, %broadcast_in_dim3A_330 : vector<256x1xi1>, vector<256x1xf32>
    %reduce_sum3A_332 = arith.constant dense<0.000000e+00> : vector<1xf32>
    %reduce_sum3A_333 = vector.multi_reduction <add>, %select_n3A_331, %reduce_sum3A_332 [0] : vector<256x1xf32> to vector<1xf32>
    %broadcast_in_dim3A_334 = vector.shape_cast %reduce_sum3A_333 : vector<1xf32> to vector<1x1xf32>
    %swap3A_335 = arith.constant 8 : index
    %swap3A_336 = arith.constant 0 : index
    %swap3A_337 = vector.load %arg7[%swap3A_335, %swap3A_336] : memref<64x1xf32, #tpu.memory_space<vmem>>, vector<1x1xf32>
    tpu.vector_store %arg7[%swap3A_335, %swap3A_336], %broadcast_in_dim3A_334 {strides = array<i32>} : memref<64x1xf32, #tpu.memory_space<vmem>>, vector<1x1xf32>,
    %get3A_338 = arith.constant 9 : index
    %get3A_339 = arith.constant 0 : index
    %get3A_340 = arith.constant 0 : index
    %get3A_341 = vector.load %arg1[%get3A_338, %get3A_339, %get3A_340] : memref<64x256x88xi8, #tpu.memory_space<vmem>>, vector<1x256x88xi8>
    %get3A_342 = vector.shape_cast %get3A_341 : vector<1x256x88xi8> to vector<256x88xi8>
    %convert_element_type3A_343 = arith.sitofp %get3A_342 : vector<256x88xi8> to vector<256x88xbf16>
    %dot_general3A_344 = arith.constant dense<0.000000e+00> : vector<256x128xf32>
    %dot_general3A_345 = tpu.matmul %convert_element_type3A_343, %convert_element_type3A, %dot_general3A_344 {dimension_numbers = #tpu.dot_dimension_numbers<[1], [1], [0], [0], [0, 0, 1, 0], [], []>, transpose_lhs_hint = false} : vector<256x88xbf16>, vector<128x88xbf16>, vector<256x128xf32> -> vector<256x128xf32>
    %add3A_346 = vector.broadcast %reshape3A : vector<1x128xf32> to vector<256x128xf32>
    %add3A_347 = arith.addf %dot_general3A_345, %add3A_346 : vector<256x128xf32>
    %reduce_max3A_348 = arith.constant dense<0xFF800000> : vector<256xf32>
    %reduce_max3A_349 = vector.multi_reduction <maximumf>, %add3A_347, %reduce_max3A_348 [1] : vector<256x128xf32> to vector<256xf32>
    %broadcast_in_dim3A_350 = vector.shape_cast %reduce_max3A_349 : vector<256xf32> to vector<256x1xf32>
    %sub3A_351 = vector.broadcast %broadcast_in_dim3A_350 : vector<256x1xf32> to vector<256x128xf32>
    %sub3A_352 = arith.subf %add3A_347, %sub3A_351 : vector<256x128xf32>
    %exp3A_353 = math.exp %sub3A_352 : vector<256x128xf32>
    %convert_element_type3A_354 = arith.truncf %exp3A_353 : vector<256x128xf32> to vector<256x128xbf16>
    %swap3A_355 = arith.constant 9 : index
    %swap3A_356 = arith.constant 0 : index
    %swap3A_357 = arith.constant 0 : index
    %swap3A_358 = vector.load %arg6[%swap3A_355, %swap3A_356, %swap3A_357] : memref<64x256x128xbf16, #tpu.memory_space<vmem>>, vector<1x256x128xbf16>
    %swap3A_359 = vector.shape_cast %swap3A_358 : vector<1x256x128xbf16> to vector<256x128xbf16>
    %swap3A_360 = vector.shape_cast %convert_element_type3A_354 : vector<256x128xbf16> to vector<1x256x128xbf16>
    tpu.vector_store %arg6[%swap3A_355, %swap3A_356, %swap3A_357], %swap3A_360 {strides = array<i32>} : memref<64x256x128xbf16, #tpu.memory_space<vmem>>, vector<1x256x128xbf16>,
    %get3A_361 = arith.constant 9 : index
    %get3A_362 = arith.constant 0 : index
    %get3A_363 = vector.load %arg4[%get3A_361, %get3A_362] : memref<64x1xi32, #tpu.memory_space<vmem>>, vector<1x1xi32>
    %get3A_364 = vector.extract %get3A_363[0, 0] : i32 from vector<1x1xi32>
    %lt3A_365 = vector.broadcast %get3A_364 : i32 to vector<256x1xi32>
    %lt3A_366 = arith.cmpi slt, %iota3A, %lt3A_365 : vector<256x1xi32>
    %jit3A_367 = arith.constant 0.000000e+00 : f32
    %broadcast_in_dim3A_368 = vector.broadcast %jit3A_367 : f32 to vector<256x1xf32>
    %select_n3A_369 = arith.select %lt3A_366, %broadcast_in_dim3A_350, %broadcast_in_dim3A_368 : vector<256x1xi1>, vector<256x1xf32>
    %reduce_sum3A_370 = arith.constant dense<0.000000e+00> : vector<1xf32>
    %reduce_sum3A_371 = vector.multi_reduction <add>, %select_n3A_369, %reduce_sum3A_370 [0] : vector<256x1xf32> to vector<1xf32>
    %broadcast_in_dim3A_372 = vector.shape_cast %reduce_sum3A_371 : vector<1xf32> to vector<1x1xf32>
    %swap3A_373 = arith.constant 9 : index
    %swap3A_374 = arith.constant 0 : index
    %swap3A_375 = vector.load %arg7[%swap3A_373, %swap3A_374] : memref<64x1xf32, #tpu.memory_space<vmem>>, vector<1x1xf32>
    tpu.vector_store %arg7[%swap3A_373, %swap3A_374], %broadcast_in_dim3A_372 {strides = array<i32>} : memref<64x1xf32, #tpu.memory_space<vmem>>, vector<1x1xf32>,
    %get3A_376 = arith.constant 10 : index
    %get3A_377 = arith.constant 0 : index
    %get3A_378 = arith.constant 0 : index
    %get3A_379 = vector.load %arg1[%get3A_376, %get3A_377, %get3A_378] : memref<64x256x88xi8, #tpu.memory_space<vmem>>, vector<1x256x88xi8>
    %get3A_380 = vector.shape_cast %get3A_379 : vector<1x256x88xi8> to vector<256x88xi8>
    %convert_element_type3A_381 = arith.sitofp %get3A_380 : vector<256x88xi8> to vector<256x88xbf16>
    %dot_general3A_382 = arith.constant dense<0.000000e+00> : vector<256x128xf32>
    %dot_general3A_383 = tpu.matmul %convert_element_type3A_381, %convert_element_type3A, %dot_general3A_382 {dimension_numbers = #tpu.dot_dimension_numbers<[1], [1], [0], [0], [0, 0, 1, 0], [], []>, transpose_lhs_hint = false} : vector<256x88xbf16>, vector<128x88xbf16>, vector<256x128xf32> -> vector<256x128xf32>
    %add3A_384 = vector.broadcast %reshape3A : vector<1x128xf32> to vector<256x128xf32>
    %add3A_385 = arith.addf %dot_general3A_383, %add3A_384 : vector<256x128xf32>
    %reduce_max3A_386 = arith.constant dense<0xFF800000> : vector<256xf32>
    %reduce_max3A_387 = vector.multi_reduction <maximumf>, %add3A_385, %reduce_max3A_386 [1] : vector<256x128xf32> to vector<256xf32>
    %broadcast_in_dim3A_388 = vector.shape_cast %reduce_max3A_387 : vector<256xf32> to vector<256x1xf32>
    %sub3A_389 = vector.broadcast %broadcast_in_dim3A_388 : vector<256x1xf32> to vector<256x128xf32>
    %sub3A_390 = arith.subf %add3A_385, %sub3A_389 : vector<256x128xf32>
    %exp3A_391 = math.exp %sub3A_390 : vector<256x128xf32>
    %convert_element_type3A_392 = arith.truncf %exp3A_391 : vector<256x128xf32> to vector<256x128xbf16>
    %swap3A_393 = arith.constant 10 : index
    %swap3A_394 = arith.constant 0 : index
    %swap3A_395 = arith.constant 0 : index
    %swap3A_396 = vector.load %arg6[%swap3A_393, %swap3A_394, %swap3A_395] : memref<64x256x128xbf16, #tpu.memory_space<vmem>>, vector<1x256x128xbf16>
    %swap3A_397 = vector.shape_cast %swap3A_396 : vector<1x256x128xbf16> to vector<256x128xbf16>
    %swap3A_398 = vector.shape_cast %convert_element_type3A_392 : vector<256x128xbf16> to vector<1x256x128xbf16>
    tpu.vector_store %arg6[%swap3A_393, %swap3A_394, %swap3A_395], %swap3A_398 {strides = array<i32>} : memref<64x256x128xbf16, #tpu.memory_space<vmem>>, vector<1x256x128xbf16>,
    %get3A_399 = arith.constant 10 : index
    %get3A_400 = arith.constant 0 : index
    %get3A_401 = vector.load %arg4[%get3A_399, %get3A_400] : memref<64x1xi32, #tpu.memory_space<vmem>>, vector<1x1xi32>
    %get3A_402 = vector.extract %get3A_401[0, 0] : i32 from vector<1x1xi32>
    %lt3A_403 = vector.broadcast %get3A_402 : i32 to vector<256x1xi32>
    %lt3A_404 = arith.cmpi slt, %iota3A, %lt3A_403 : vector<256x1xi32>
    %jit3A_405 = arith.constant 0.000000e+00 : f32
    %broadcast_in_dim3A_406 = vector.broadcast %jit3A_405 : f32 to vector<256x1xf32>
    %select_n3A_407 = arith.select %lt3A_404, %broadcast_in_dim3A_388, %broadcast_in_dim3A_406 : vector<256x1xi1>, vector<256x1xf32>
    %reduce_sum3A_408 = arith.constant dense<0.000000e+00> : vector<1xf32>
    %reduce_sum3A_409 = vector.multi_reduction <add>, %select_n3A_407, %reduce_sum3A_408 [0] : vector<256x1xf32> to vector<1xf32>
    %broadcast_in_dim3A_410 = vector.shape_cast %reduce_sum3A_409 : vector<1xf32> to vector<1x1xf32>
    %swap3A_411 = arith.constant 10 : index
    %swap3A_412 = arith.constant 0 : index
    %swap3A_413 = vector.load %arg7[%swap3A_411, %swap3A_412] : memref<64x1xf32, #tpu.memory_space<vmem>>, vector<1x1xf32>
    tpu.vector_store %arg7[%swap3A_411, %swap3A_412], %broadcast_in_dim3A_410 {strides = array<i32>} : memref<64x1xf32, #tpu.memory_space<vmem>>, vector<1x1xf32>,
    %get3A_414 = arith.constant 11 : index
    %get3A_415 = arith.constant 0 : index
    %get3A_416 = arith.constant 0 : index
    %get3A_417 = vector.load %arg1[%get3A_414, %get3A_415, %get3A_416] : memref<64x256x88xi8, #tpu.memory_space<vmem>>, vector<1x256x88xi8>
    %get3A_418 = vector.shape_cast %get3A_417 : vector<1x256x88xi8> to vector<256x88xi8>
    %convert_element_type3A_419 = arith.sitofp %get3A_418 : vector<256x88xi8> to vector<256x88xbf16>
    %dot_general3A_420 = arith.constant dense<0.000000e+00> : vector<256x128xf32>
    %dot_general3A_421 = tpu.matmul %convert_element_type3A_419, %convert_element_type3A, %dot_general3A_420 {dimension_numbers = #tpu.dot_dimension_numbers<[1], [1], [0], [0], [0, 0, 1, 0], [], []>, transpose_lhs_hint = false} : vector<256x88xbf16>, vector<128x88xbf16>, vector<256x128xf32> -> vector<256x128xf32>
    %add3A_422 = vector.broadcast %reshape3A : vector<1x128xf32> to vector<256x128xf32>
    %add3A_423 = arith.addf %dot_general3A_421, %add3A_422 : vector<256x128xf32>
    %reduce_max3A_424 = arith.constant dense<0xFF800000> : vector<256xf32>
    %reduce_max3A_425 = vector.multi_reduction <maximumf>, %add3A_423, %reduce_max3A_424 [1] : vector<256x128xf32> to vector<256xf32>
    %broadcast_in_dim3A_426 = vector.shape_cast %reduce_max3A_425 : vector<256xf32> to vector<256x1xf32>
    %sub3A_427 = vector.broadcast %broadcast_in_dim3A_426 : vector<256x1xf32> to vector<256x128xf32>
    %sub3A_428 = arith.subf %add3A_423, %sub3A_427 : vector<256x128xf32>
    %exp3A_429 = math.exp %sub3A_428 : vector<256x128xf32>
    %convert_element_type3A_430 = arith.truncf %exp3A_429 : vector<256x128xf32> to vector<256x128xbf16>
    %swap3A_431 = arith.constant 11 : index
    %swap3A_432 = arith.constant 0 : index
    %swap3A_433 = arith.constant 0 : index
    %swap3A_434 = vector.load %arg6[%swap3A_431, %swap3A_432, %swap3A_433] : memref<64x256x128xbf16, #tpu.memory_space<vmem>>, vector<1x256x128xbf16>
    %swap3A_435 = vector.shape_cast %swap3A_434 : vector<1x256x128xbf16> to vector<256x128xbf16>
    %swap3A_436 = vector.shape_cast %convert_element_type3A_430 : vector<256x128xbf16> to vector<1x256x128xbf16>
    tpu.vector_store %arg6[%swap3A_431, %swap3A_432, %swap3A_433], %swap3A_436 {strides = array<i32>} : memref<64x256x128xbf16, #tpu.memory_space<vmem>>, vector<1x256x128xbf16>,
    %get3A_437 = arith.constant 11 : index
    %get3A_438 = arith.constant 0 : index
    %get3A_439 = vector.load %arg4[%get3A_437, %get3A_438] : memref<64x1xi32, #tpu.memory_space<vmem>>, vector<1x1xi32>
    %get3A_440 = vector.extract %get3A_439[0, 0] : i32 from vector<1x1xi32>
    %lt3A_441 = vector.broadcast %get3A_440 : i32 to vector<256x1xi32>
    %lt3A_442 = arith.cmpi slt, %iota3A, %lt3A_441 : vector<256x1xi32>
    %jit3A_443 = arith.constant 0.000000e+00 : f32
    %broadcast_in_dim3A_444 = vector.broadcast %jit3A_443 : f32 to vector<256x1xf32>
    %select_n3A_445 = arith.select %lt3A_442, %broadcast_in_dim3A_426, %broadcast_in_dim3A_444 : vector<256x1xi1>, vector<256x1xf32>
    %reduce_sum3A_446 = arith.constant dense<0.000000e+00> : vector<1xf32>
    %reduce_sum3A_447 = vector.multi_reduction <add>, %select_n3A_445, %reduce_sum3A_446 [0] : vector<256x1xf32> to vector<1xf32>
    %broadcast_in_dim3A_448 = vector.shape_cast %reduce_sum3A_447 : vector<1xf32> to vector<1x1xf32>
    %swap3A_449 = arith.constant 11 : index
    %swap3A_450 = arith.constant 0 : index
    %swap3A_451 = vector.load %arg7[%swap3A_449, %swap3A_450] : memref<64x1xf32, #tpu.memory_space<vmem>>, vector<1x1xf32>
    tpu.vector_store %arg7[%swap3A_449, %swap3A_450], %broadcast_in_dim3A_448 {strides = array<i32>} : memref<64x1xf32, #tpu.memory_space<vmem>>, vector<1x1xf32>,
    %get3A_452 = arith.constant 12 : index
    %get3A_453 = arith.constant 0 : index
    %get3A_454 = arith.constant 0 : index
    %get3A_455 = vector.load %arg1[%get3A_452, %get3A_453, %get3A_454] : memref<64x256x88xi8, #tpu.memory_space<vmem>>, vector<1x256x88xi8>
    %get3A_456 = vector.shape_cast %get3A_455 : vector<1x256x88xi8> to vector<256x88xi8>
    %convert_element_type3A_457 = arith.sitofp %get3A_456 : vector<256x88xi8> to vector<256x88xbf16>
    %dot_general3A_458 = arith.constant dense<0.000000e+00> : vector<256x128xf32>
    %dot_general3A_459 = tpu.matmul %convert_element_type3A_457, %convert_element_type3A, %dot_general3A_458 {dimension_numbers = #tpu.dot_dimension_numbers<[1], [1], [0], [0], [0, 0, 1, 0], [], []>, transpose_lhs_hint = false} : vector<256x88xbf16>, vector<128x88xbf16>, vector<256x128xf32> -> vector<256x128xf32>
    %add3A_460 = vector.broadcast %reshape3A : vector<1x128xf32> to vector<256x128xf32>
    %add3A_461 = arith.addf %dot_general3A_459, %add3A_460 : vector<256x128xf32>
    %reduce_max3A_462 = arith.constant dense<0xFF800000> : vector<256xf32>
    %reduce_max3A_463 = vector.multi_reduction <maximumf>, %add3A_461, %reduce_max3A_462 [1] : vector<256x128xf32> to vector<256xf32>
    %broadcast_in_dim3A_464 = vector.shape_cast %reduce_max3A_463 : vector<256xf32> to vector<256x1xf32>
    %sub3A_465 = vector.broadcast %broadcast_in_dim3A_464 : vector<256x1xf32> to vector<256x128xf32>
    %sub3A_466 = arith.subf %add3A_461, %sub3A_465 : vector<256x128xf32>
    %exp3A_467 = math.exp %sub3A_466 : vector<256x128xf32>
    %convert_element_type3A_468 = arith.truncf %exp3A_467 : vector<256x128xf32> to vector<256x128xbf16>
    %swap3A_469 = arith.constant 12 : index
    %swap3A_470 = arith.constant 0 : index
    %swap3A_471 = arith.constant 0 : index
    %swap3A_472 = vector.load %arg6[%swap3A_469, %swap3A_470, %swap3A_471] : memref<64x256x128xbf16, #tpu.memory_space<vmem>>, vector<1x256x128xbf16>
    %swap3A_473 = vector.shape_cast %swap3A_472 : vector<1x256x128xbf16> to vector<256x128xbf16>
    %swap3A_474 = vector.shape_cast %convert_element_type3A_468 : vector<256x128xbf16> to vector<1x256x128xbf16>
    tpu.vector_store %arg6[%swap3A_469, %swap3A_470, %swap3A_471], %swap3A_474 {strides = array<i32>} : memref<64x256x128xbf16, #tpu.memory_space<vmem>>, vector<1x256x128xbf16>,
    %get3A_475 = arith.constant 12 : index
    %get3A_476 = arith.constant 0 : index
    %get3A_477 = vector.load %arg4[%get3A_475, %get3A_476] : memref<64x1xi32, #tpu.memory_space<vmem>>, vector<1x1xi32>
    %get3A_478 = vector.extract %get3A_477[0, 0] : i32 from vector<1x1xi32>
    %lt3A_479 = vector.broadcast %get3A_478 : i32 to vector<256x1xi32>
    %lt3A_480 = arith.cmpi slt, %iota3A, %lt3A_479 : vector<256x1xi32>
    %jit3A_481 = arith.constant 0.000000e+00 : f32
    %broadcast_in_dim3A_482 = vector.broadcast %jit3A_481 : f32 to vector<256x1xf32>
    %select_n3A_483 = arith.select %lt3A_480, %broadcast_in_dim3A_464, %broadcast_in_dim3A_482 : vector<256x1xi1>, vector<256x1xf32>
    %reduce_sum3A_484 = arith.constant dense<0.000000e+00> : vector<1xf32>
    %reduce_sum3A_485 = vector.multi_reduction <add>, %select_n3A_483, %reduce_sum3A_484 [0] : vector<256x1xf32> to vector<1xf32>
    %broadcast_in_dim3A_486 = vector.shape_cast %reduce_sum3A_485 : vector<1xf32> to vector<1x1xf32>
    %swap3A_487 = arith.constant 12 : index
    %swap3A_488 = arith.constant 0 : index
    %swap3A_489 = vector.load %arg7[%swap3A_487, %swap3A_488] : memref<64x1xf32, #tpu.memory_space<vmem>>, vector<1x1xf32>
    tpu.vector_store %arg7[%swap3A_487, %swap3A_488], %broadcast_in_dim3A_486 {strides = array<i32>} : memref<64x1xf32, #tpu.memory_space<vmem>>, vector<1x1xf32>,
    %get3A_490 = arith.constant 13 : index
    %get3A_491 = arith.constant 0 : index
    %get3A_492 = arith.constant 0 : index
    %get3A_493 = vector.load %arg1[%get3A_490, %get3A_491, %get3A_492] : memref<64x256x88xi8, #tpu.memory_space<vmem>>, vector<1x256x88xi8>
    %get3A_494 = vector.shape_cast %get3A_493 : vector<1x256x88xi8> to vector<256x88xi8>
    %convert_element_type3A_495 = arith.sitofp %get3A_494 : vector<256x88xi8> to vector<256x88xbf16>
    %dot_general3A_496 = arith.constant dense<0.000000e+00> : vector<256x128xf32>
    %dot_general3A_497 = tpu.matmul %convert_element_type3A_495, %convert_element_type3A, %dot_general3A_496 {dimension_numbers = #tpu.dot_dimension_numbers<[1], [1], [0], [0], [0, 0, 1, 0], [], []>, transpose_lhs_hint = false} : vector<256x88xbf16>, vector<128x88xbf16>, vector<256x128xf32> -> vector<256x128xf32>
    %add3A_498 = vector.broadcast %reshape3A : vector<1x128xf32> to vector<256x128xf32>
    %add3A_499 = arith.addf %dot_general3A_497, %add3A_498 : vector<256x128xf32>
    %reduce_max3A_500 = arith.constant dense<0xFF800000> : vector<256xf32>
    %reduce_max3A_501 = vector.multi_reduction <maximumf>, %add3A_499, %reduce_max3A_500 [1] : vector<256x128xf32> to vector<256xf32>
    %broadcast_in_dim3A_502 = vector.shape_cast %reduce_max3A_501 : vector<256xf32> to vector<256x1xf32>
    %sub3A_503 = vector.broadcast %broadcast_in_dim3A_502 : vector<256x1xf32> to vector<256x128xf32>
    %sub3A_504 = arith.subf %add3A_499, %sub3A_503 : vector<256x128xf32>
    %exp3A_505 = math.exp %sub3A_504 : vector<256x128xf32>
    %convert_element_type3A_506 = arith.truncf %exp3A_505 : vector<256x128xf32> to vector<256x128xbf16>
    %swap3A_507 = arith.constant 13 : index
    %swap3A_508 = arith.constant 0 : index
    %swap3A_509 = arith.constant 0 : index
    %swap3A_510 = vector.load %arg6[%swap3A_507, %swap3A_508, %swap3A_509] : memref<64x256x128xbf16, #tpu.memory_space<vmem>>, vector<1x256x128xbf16>
    %swap3A_511 = vector.shape_cast %swap3A_510 : vector<1x256x128xbf16> to vector<256x128xbf16>
    %swap3A_512 = vector.shape_cast %convert_element_type3A_506 : vector<256x128xbf16> to vector<1x256x128xbf16>
    tpu.vector_store %arg6[%swap3A_507, %swap3A_508, %swap3A_509], %swap3A_512 {strides = array<i32>} : memref<64x256x128xbf16, #tpu.memory_space<vmem>>, vector<1x256x128xbf16>,
    %get3A_513 = arith.constant 13 : index
    %get3A_514 = arith.constant 0 : index
    %get3A_515 = vector.load %arg4[%get3A_513, %get3A_514] : memref<64x1xi32, #tpu.memory_space<vmem>>, vector<1x1xi32>
    %get3A_516 = vector.extract %get3A_515[0, 0] : i32 from vector<1x1xi32>
    %lt3A_517 = vector.broadcast %get3A_516 : i32 to vector<256x1xi32>
    %lt3A_518 = arith.cmpi slt, %iota3A, %lt3A_517 : vector<256x1xi32>
    %jit3A_519 = arith.constant 0.000000e+00 : f32
    %broadcast_in_dim3A_520 = vector.broadcast %jit3A_519 : f32 to vector<256x1xf32>
    %select_n3A_521 = arith.select %lt3A_518, %broadcast_in_dim3A_502, %broadcast_in_dim3A_520 : vector<256x1xi1>, vector<256x1xf32>
    %reduce_sum3A_522 = arith.constant dense<0.000000e+00> : vector<1xf32>
    %reduce_sum3A_523 = vector.multi_reduction <add>, %select_n3A_521, %reduce_sum3A_522 [0] : vector<256x1xf32> to vector<1xf32>
    %broadcast_in_dim3A_524 = vector.shape_cast %reduce_sum3A_523 : vector<1xf32> to vector<1x1xf32>
    %swap3A_525 = arith.constant 13 : index
    %swap3A_526 = arith.constant 0 : index
    %swap3A_527 = vector.load %arg7[%swap3A_525, %swap3A_526] : memref<64x1xf32, #tpu.memory_space<vmem>>, vector<1x1xf32>
    tpu.vector_store %arg7[%swap3A_525, %swap3A_526], %broadcast_in_dim3A_524 {strides = array<i32>} : memref<64x1xf32, #tpu.memory_space<vmem>>, vector<1x1xf32>,
    %get3A_528 = arith.constant 14 : index
    %get3A_529 = arith.constant 0 : index
    %get3A_530 = arith.constant 0 : index
    %get3A_531 = vector.load %arg1[%get3A_528, %get3A_529, %get3A_530] : memref<64x256x88xi8, #tpu.memory_space<vmem>>, vector<1x256x88xi8>
    %get3A_532 = vector.shape_cast %get3A_531 : vector<1x256x88xi8> to vector<256x88xi8>
    %convert_element_type3A_533 = arith.sitofp %get3A_532 : vector<256x88xi8> to vector<256x88xbf16>
    %dot_general3A_534 = arith.constant dense<0.000000e+00> : vector<256x128xf32>
    %dot_general3A_535 = tpu.matmul %convert_element_type3A_533, %convert_element_type3A, %dot_general3A_534 {dimension_numbers = #tpu.dot_dimension_numbers<[1], [1], [0], [0], [0, 0, 1, 0], [], []>, transpose_lhs_hint = false} : vector<256x88xbf16>, vector<128x88xbf16>, vector<256x128xf32> -> vector<256x128xf32>
    %add3A_536 = vector.broadcast %reshape3A : vector<1x128xf32> to vector<256x128xf32>
    %add3A_537 = arith.addf %dot_general3A_535, %add3A_536 : vector<256x128xf32>
    %reduce_max3A_538 = arith.constant dense<0xFF800000> : vector<256xf32>
    %reduce_max3A_539 = vector.multi_reduction <maximumf>, %add3A_537, %reduce_max3A_538 [1] : vector<256x128xf32> to vector<256xf32>
    %broadcast_in_dim3A_540 = vector.shape_cast %reduce_max3A_539 : vector<256xf32> to vector<256x1xf32>
    %sub3A_541 = vector.broadcast %broadcast_in_dim3A_540 : vector<256x1xf32> to vector<256x128xf32>
    %sub3A_542 = arith.subf %add3A_537, %sub3A_541 : vector<256x128xf32>
    %exp3A_543 = math.exp %sub3A_542 : vector<256x128xf32>
    %convert_element_type3A_544 = arith.truncf %exp3A_543 : vector<256x128xf32> to vector<256x128xbf16>
    %swap3A_545 = arith.constant 14 : index
    %swap3A_546 = arith.constant 0 : index
    %swap3A_547 = arith.constant 0 : index
    %swap3A_548 = vector.load %arg6[%swap3A_545, %swap3A_546, %swap3A_547] : memref<64x256x128xbf16, #tpu.memory_space<vmem>>, vector<1x256x128xbf16>
    %swap3A_549 = vector.shape_cast %swap3A_548 : vector<1x256x128xbf16> to vector<256x128xbf16>
    %swap3A_550 = vector.shape_cast %convert_element_type3A_544 : vector<256x128xbf16> to vector<1x256x128xbf16>
    tpu.vector_store %arg6[%swap3A_545, %swap3A_546, %swap3A_547], %swap3A_550 {strides = array<i32>} : memref<64x256x128xbf16, #tpu.memory_space<vmem>>, vector<1x256x128xbf16>,
    %get3A_551 = arith.constant 14 : index
    %get3A_552 = arith.constant 0 : index
    %get3A_553 = vector.load %arg4[%get3A_551, %get3A_552] : memref<64x1xi32, #tpu.memory_space<vmem>>, vector<1x1xi32>
    %get3A_554 = vector.extract %get3A_553[0, 0] : i32 from vector<1x1xi32>
    %lt3A_555 = vector.broadcast %get3A_554 : i32 to vector<256x1xi32>
    %lt3A_556 = arith.cmpi slt, %iota3A, %lt3A_555 : vector<256x1xi32>
    %jit3A_557 = arith.constant 0.000000e+00 : f32
    %broadcast_in_dim3A_558 = vector.broadcast %jit3A_557 : f32 to vector<256x1xf32>
    %select_n3A_559 = arith.select %lt3A_556, %broadcast_in_dim3A_540, %broadcast_in_dim3A_558 : vector<256x1xi1>, vector<256x1xf32>
    %reduce_sum3A_560 = arith.constant dense<0.000000e+00> : vector<1xf32>
    %reduce_sum3A_561 = vector.multi_reduction <add>, %select_n3A_559, %reduce_sum3A_560 [0] : vector<256x1xf32> to vector<1xf32>
    %broadcast_in_dim3A_562 = vector.shape_cast %reduce_sum3A_561 : vector<1xf32> to vector<1x1xf32>
    %swap3A_563 = arith.constant 14 : index
    %swap3A_564 = arith.constant 0 : index
    %swap3A_565 = vector.load %arg7[%swap3A_563, %swap3A_564] : memref<64x1xf32, #tpu.memory_space<vmem>>, vector<1x1xf32>
    tpu.vector_store %arg7[%swap3A_563, %swap3A_564], %broadcast_in_dim3A_562 {strides = array<i32>} : memref<64x1xf32, #tpu.memory_space<vmem>>, vector<1x1xf32>,
    %get3A_566 = arith.constant 15 : index
    %get3A_567 = arith.constant 0 : index
    %get3A_568 = arith.constant 0 : index
    %get3A_569 = vector.load %arg1[%get3A_566, %get3A_567, %get3A_568] : memref<64x256x88xi8, #tpu.memory_space<vmem>>, vector<1x256x88xi8>
    %get3A_570 = vector.shape_cast %get3A_569 : vector<1x256x88xi8> to vector<256x88xi8>
    %convert_element_type3A_571 = arith.sitofp %get3A_570 : vector<256x88xi8> to vector<256x88xbf16>
    %dot_general3A_572 = arith.constant dense<0.000000e+00> : vector<256x128xf32>
    %dot_general3A_573 = tpu.matmul %convert_element_type3A_571, %convert_element_type3A, %dot_general3A_572 {dimension_numbers = #tpu.dot_dimension_numbers<[1], [1], [0], [0], [0, 0, 1, 0], [], []>, transpose_lhs_hint = false} : vector<256x88xbf16>, vector<128x88xbf16>, vector<256x128xf32> -> vector<256x128xf32>
    %add3A_574 = vector.broadcast %reshape3A : vector<1x128xf32> to vector<256x128xf32>
    %add3A_575 = arith.addf %dot_general3A_573, %add3A_574 : vector<256x128xf32>
    %reduce_max3A_576 = arith.constant dense<0xFF800000> : vector<256xf32>
    %reduce_max3A_577 = vector.multi_reduction <maximumf>, %add3A_575, %reduce_max3A_576 [1] : vector<256x128xf32> to vector<256xf32>
    %broadcast_in_dim3A_578 = vector.shape_cast %reduce_max3A_577 : vector<256xf32> to vector<256x1xf32>
    %sub3A_579 = vector.broadcast %broadcast_in_dim3A_578 : vector<256x1xf32> to vector<256x128xf32>
    %sub3A_580 = arith.subf %add3A_575, %sub3A_579 : vector<256x128xf32>
    %exp3A_581 = math.exp %sub3A_580 : vector<256x128xf32>
    %convert_element_type3A_582 = arith.truncf %exp3A_581 : vector<256x128xf32> to vector<256x128xbf16>
    %swap3A_583 = arith.constant 15 : index
    %swap3A_584 = arith.constant 0 : index
    %swap3A_585 = arith.constant 0 : index
    %swap3A_586 = vector.load %arg6[%swap3A_583, %swap3A_584, %swap3A_585] : memref<64x256x128xbf16, #tpu.memory_space<vmem>>, vector<1x256x128xbf16>
    %swap3A_587 = vector.shape_cast %swap3A_586 : vector<1x256x128xbf16> to vector<256x128xbf16>
    %swap3A_588 = vector.shape_cast %convert_element_type3A_582 : vector<256x128xbf16> to vector<1x256x128xbf16>
    tpu.vector_store %arg6[%swap3A_583, %swap3A_584, %swap3A_585], %swap3A_588 {strides = array<i32>} : memref<64x256x128xbf16, #tpu.memory_space<vmem>>, vector<1x256x128xbf16>,
    %get3A_589 = arith.constant 15 : index
    %get3A_590 = arith.constant 0 : index
    %get3A_591 = vector.load %arg4[%get3A_589, %get3A_590] : memref<64x1xi32, #tpu.memory_space<vmem>>, vector<1x1xi32>
    %get3A_592 = vector.extract %get3A_591[0, 0] : i32 from vector<1x1xi32>
    %lt3A_593 = vector.broadcast %get3A_592 : i32 to vector<256x1xi32>
    %lt3A_594 = arith.cmpi slt, %iota3A, %lt3A_593 : vector<256x1xi32>
    %jit3A_595 = arith.constant 0.000000e+00 : f32
    %broadcast_in_dim3A_596 = vector.broadcast %jit3A_595 : f32 to vector<256x1xf32>
    %select_n3A_597 = arith.select %lt3A_594, %broadcast_in_dim3A_578, %broadcast_in_dim3A_596 : vector<256x1xi1>, vector<256x1xf32>
    %reduce_sum3A_598 = arith.constant dense<0.000000e+00> : vector<1xf32>
    %reduce_sum3A_599 = vector.multi_reduction <add>, %select_n3A_597, %reduce_sum3A_598 [0] : vector<256x1xf32> to vector<1xf32>
    %broadcast_in_dim3A_600 = vector.shape_cast %reduce_sum3A_599 : vector<1xf32> to vector<1x1xf32>
    %swap3A_601 = arith.constant 15 : index
    %swap3A_602 = arith.constant 0 : index
    %swap3A_603 = vector.load %arg7[%swap3A_601, %swap3A_602] : memref<64x1xf32, #tpu.memory_space<vmem>>, vector<1x1xf32>
    tpu.vector_store %arg7[%swap3A_601, %swap3A_602], %broadcast_in_dim3A_600 {strides = array<i32>} : memref<64x1xf32, #tpu.memory_space<vmem>>, vector<1x1xf32>,
    %get3A_604 = arith.constant 16 : index
    %get3A_605 = arith.constant 0 : index
    %get3A_606 = arith.constant 0 : index
    %get3A_607 = vector.load %arg1[%get3A_604, %get3A_605, %get3A_606] : memref<64x256x88xi8, #tpu.memory_space<vmem>>, vector<1x256x88xi8>
    %get3A_608 = vector.shape_cast %get3A_607 : vector<1x256x88xi8> to vector<256x88xi8>
    %convert_element_type3A_609 = arith.sitofp %get3A_608 : vector<256x88xi8> to vector<256x88xbf16>
    %dot_general3A_610 = arith.constant dense<0.000000e+00> : vector<256x128xf32>
    %dot_general3A_611 = tpu.matmul %convert_element_type3A_609, %convert_element_type3A, %dot_general3A_610 {dimension_numbers = #tpu.dot_dimension_numbers<[1], [1], [0], [0], [0, 0, 1, 0], [], []>, transpose_lhs_hint = false} : vector<256x88xbf16>, vector<128x88xbf16>, vector<256x128xf32> -> vector<256x128xf32>
    %add3A_612 = vector.broadcast %reshape3A : vector<1x128xf32> to vector<256x128xf32>
    %add3A_613 = arith.addf %dot_general3A_611, %add3A_612 : vector<256x128xf32>
    %reduce_max3A_614 = arith.constant dense<0xFF800000> : vector<256xf32>
    %reduce_max3A_615 = vector.multi_reduction <maximumf>, %add3A_613, %reduce_max3A_614 [1] : vector<256x128xf32> to vector<256xf32>
    %broadcast_in_dim3A_616 = vector.shape_cast %reduce_max3A_615 : vector<256xf32> to vector<256x1xf32>
    %sub3A_617 = vector.broadcast %broadcast_in_dim3A_616 : vector<256x1xf32> to vector<256x128xf32>
    %sub3A_618 = arith.subf %add3A_613, %sub3A_617 : vector<256x128xf32>
    %exp3A_619 = math.exp %sub3A_618 : vector<256x128xf32>
    %convert_element_type3A_620 = arith.truncf %exp3A_619 : vector<256x128xf32> to vector<256x128xbf16>
    %swap3A_621 = arith.constant 16 : index
    %swap3A_622 = arith.constant 0 : index
    %swap3A_623 = arith.constant 0 : index
    %swap3A_624 = vector.load %arg6[%swap3A_621, %swap3A_622, %swap3A_623] : memref<64x256x128xbf16, #tpu.memory_space<vmem>>, vector<1x256x128xbf16>
    %swap3A_625 = vector.shape_cast %swap3A_624 : vector<1x256x128xbf16> to vector<256x128xbf16>
    %swap3A_626 = vector.shape_cast %convert_element_type3A_620 : vector<256x128xbf16> to vector<1x256x128xbf16>
    tpu.vector_store %arg6[%swap3A_621, %swap3A_622, %swap3A_623], %swap3A_626 {strides = array<i32>} : memref<64x256x128xbf16, #tpu.memory_space<vmem>>, vector<1x256x128xbf16>,
    %get3A_627 = arith.constant 16 : index
    %get3A_628 = arith.constant 0 : index
    %get3A_629 = vector.load %arg4[%get3A_627, %get3A_628] : memref<64x1xi32, #tpu.memory_space<vmem>>, vector<1x1xi32>
    %get3A_630 = vector.extract %get3A_629[0, 0] : i32 from vector<1x1xi32>
    %lt3A_631 = vector.broadcast %get3A_630 : i32 to vector<256x1xi32>
    %lt3A_632 = arith.cmpi slt, %iota3A, %lt3A_631 : vector<256x1xi32>
    %jit3A_633 = arith.constant 0.000000e+00 : f32
    %broadcast_in_dim3A_634 = vector.broadcast %jit3A_633 : f32 to vector<256x1xf32>
    %select_n3A_635 = arith.select %lt3A_632, %broadcast_in_dim3A_616, %broadcast_in_dim3A_634 : vector<256x1xi1>, vector<256x1xf32>
    %reduce_sum3A_636 = arith.constant dense<0.000000e+00> : vector<1xf32>
    %reduce_sum3A_637 = vector.multi_reduction <add>, %select_n3A_635, %reduce_sum3A_636 [0] : vector<256x1xf32> to vector<1xf32>
    %broadcast_in_dim3A_638 = vector.shape_cast %reduce_sum3A_637 : vector<1xf32> to vector<1x1xf32>
    %swap3A_639 = arith.constant 16 : index
    %swap3A_640 = arith.constant 0 : index
    %swap3A_641 = vector.load %arg7[%swap3A_639, %swap3A_640] : memref<64x1xf32, #tpu.memory_space<vmem>>, vector<1x1xf32>
    tpu.vector_store %arg7[%swap3A_639, %swap3A_640], %broadcast_in_dim3A_638 {strides = array<i32>} : memref<64x1xf32, #tpu.memory_space<vmem>>, vector<1x1xf32>,
    %get3A_642 = arith.constant 17 : index
    %get3A_643 = arith.constant 0 : index
    %get3A_644 = arith.constant 0 : index
    %get3A_645 = vector.load %arg1[%get3A_642, %get3A_643, %get3A_644] : memref<64x256x88xi8, #tpu.memory_space<vmem>>, vector<1x256x88xi8>
    %get3A_646 = vector.shape_cast %get3A_645 : vector<1x256x88xi8> to vector<256x88xi8>
    %convert_element_type3A_647 = arith.sitofp %get3A_646 : vector<256x88xi8> to vector<256x88xbf16>
    %dot_general3A_648 = arith.constant dense<0.000000e+00> : vector<256x128xf32>
    %dot_general3A_649 = tpu.matmul %convert_element_type3A_647, %convert_element_type3A, %dot_general3A_648 {dimension_numbers = #tpu.dot_dimension_numbers<[1], [1], [0], [0], [0, 0, 1, 0], [], []>, transpose_lhs_hint = false} : vector<256x88xbf16>, vector<128x88xbf16>, vector<256x128xf32> -> vector<256x128xf32>
    %add3A_650 = vector.broadcast %reshape3A : vector<1x128xf32> to vector<256x128xf32>
    %add3A_651 = arith.addf %dot_general3A_649, %add3A_650 : vector<256x128xf32>
    %reduce_max3A_652 = arith.constant dense<0xFF800000> : vector<256xf32>
    %reduce_max3A_653 = vector.multi_reduction <maximumf>, %add3A_651, %reduce_max3A_652 [1] : vector<256x128xf32> to vector<256xf32>
    %broadcast_in_dim3A_654 = vector.shape_cast %reduce_max3A_653 : vector<256xf32> to vector<256x1xf32>
    %sub3A_655 = vector.broadcast %broadcast_in_dim3A_654 : vector<256x1xf32> to vector<256x128xf32>
    %sub3A_656 = arith.subf %add3A_651, %sub3A_655 : vector<256x128xf32>
    %exp3A_657 = math.exp %sub3A_656 : vector<256x128xf32>
    %convert_element_type3A_658 = arith.truncf %exp3A_657 : vector<256x128xf32> to vector<256x128xbf16>
    %swap3A_659 = arith.constant 17 : index
    %swap3A_660 = arith.constant 0 : index
    %swap3A_661 = arith.constant 0 : index
    %swap3A_662 = vector.load %arg6[%swap3A_659, %swap3A_660, %swap3A_661] : memref<64x256x128xbf16, #tpu.memory_space<vmem>>, vector<1x256x128xbf16>
    %swap3A_663 = vector.shape_cast %swap3A_662 : vector<1x256x128xbf16> to vector<256x128xbf16>
    %swap3A_664 = vector.shape_cast %convert_element_type3A_658 : vector<256x128xbf16> to vector<1x256x128xbf16>
    tpu.vector_store %arg6[%swap3A_659, %swap3A_660, %swap3A_661], %swap3A_664 {strides = array<i32>} : memref<64x256x128xbf16, #tpu.memory_space<vmem>>, vector<1x256x128xbf16>,
    %get3A_665 = arith.constant 17 : index
    %get3A_666 = arith.constant 0 : index
    %get3A_667 = vector.load %arg4[%get3A_665, %get3A_666] : memref<64x1xi32, #tpu.memory_space<vmem>>, vector<1x1xi32>
    %get3A_668 = vector.extract %get3A_667[0, 0] : i32 from vector<1x1xi32>
    %lt3A_669 = vector.broadcast %get3A_668 : i32 to vector<256x1xi32>
    %lt3A_670 = arith.cmpi slt, %iota3A, %lt3A_669 : vector<256x1xi32>
    %jit3A_671 = arith.constant 0.000000e+00 : f32
    %broadcast_in_dim3A_672 = vector.broadcast %jit3A_671 : f32 to vector<256x1xf32>
    %select_n3A_673 = arith.select %lt3A_670, %broadcast_in_dim3A_654, %broadcast_in_dim3A_672 : vector<256x1xi1>, vector<256x1xf32>
    %reduce_sum3A_674 = arith.constant dense<0.000000e+00> : vector<1xf32>
    %reduce_sum3A_675 = vector.multi_reduction <add>, %select_n3A_673, %reduce_sum3A_674 [0] : vector<256x1xf32> to vector<1xf32>
    %broadcast_in_dim3A_676 = vector.shape_cast %reduce_sum3A_675 : vector<1xf32> to vector<1x1xf32>
    %swap3A_677 = arith.constant 17 : index
    %swap3A_678 = arith.constant 0 : index
    %swap3A_679 = vector.load %arg7[%swap3A_677, %swap3A_678] : memref<64x1xf32, #tpu.memory_space<vmem>>, vector<1x1xf32>
    tpu.vector_store %arg7[%swap3A_677, %swap3A_678], %broadcast_in_dim3A_676 {strides = array<i32>} : memref<64x1xf32, #tpu.memory_space<vmem>>, vector<1x1xf32>,
    %get3A_680 = arith.constant 18 : index
    %get3A_681 = arith.constant 0 : index
    %get3A_682 = arith.constant 0 : index
    %get3A_683 = vector.load %arg1[%get3A_680, %get3A_681, %get3A_682] : memref<64x256x88xi8, #tpu.memory_space<vmem>>, vector<1x256x88xi8>
    %get3A_684 = vector.shape_cast %get3A_683 : vector<1x256x88xi8> to vector<256x88xi8>
    %convert_element_type3A_685 = arith.sitofp %get3A_684 : vector<256x88xi8> to vector<256x88xbf16>
    %dot_general3A_686 = arith.constant dense<0.000000e+00> : vector<256x128xf32>
    %dot_general3A_687 = tpu.matmul %convert_element_type3A_685, %convert_element_type3A, %dot_general3A_686 {dimension_numbers = #tpu.dot_dimension_numbers<[1], [1], [0], [0], [0, 0, 1, 0], [], []>, transpose_lhs_hint = false} : vector<256x88xbf16>, vector<128x88xbf16>, vector<256x128xf32> -> vector<256x128xf32>
    %add3A_688 = vector.broadcast %reshape3A : vector<1x128xf32> to vector<256x128xf32>
    %add3A_689 = arith.addf %dot_general3A_687, %add3A_688 : vector<256x128xf32>
    %reduce_max3A_690 = arith.constant dense<0xFF800000> : vector<256xf32>
    %reduce_max3A_691 = vector.multi_reduction <maximumf>, %add3A_689, %reduce_max3A_690 [1] : vector<256x128xf32> to vector<256xf32>
    %broadcast_in_dim3A_692 = vector.shape_cast %reduce_max3A_691 : vector<256xf32> to vector<256x1xf32>
    %sub3A_693 = vector.broadcast %broadcast_in_dim3A_692 : vector<256x1xf32> to vector<256x128xf32>
    %sub3A_694 = arith.subf %add3A_689, %sub3A_693 : vector<256x128xf32>
    %exp3A_695 = math.exp %sub3A_694 : vector<256x128xf32>
    %convert_element_type3A_696 = arith.truncf %exp3A_695 : vector<256x128xf32> to vector<256x128xbf16>
    %swap3A_697 = arith.constant 18 : index
    %swap3A_698 = arith.constant 0 : index
    %swap3A_699 = arith.constant 0 : index
    %swap3A_700 = vector.load %arg6[%swap3A_697, %swap3A_698, %swap3A_699] : memref<64x256x128xbf16, #tpu.memory_space<vmem>>, vector<1x256x128xbf16>
    %swap3A_701 = vector.shape_cast %swap3A_700 : vector<1x256x128xbf16> to vector<256x128xbf16>
    %swap3A_702 = vector.shape_cast %convert_element_type3A_696 : vector<256x128xbf16> to vector<1x256x128xbf16>
    tpu.vector_store %arg6[%swap3A_697, %swap3A_698, %swap3A_699], %swap3A_702 {strides = array<i32>} : memref<64x256x128xbf16, #tpu.memory_space<vmem>>, vector<1x256x128xbf16>,
    %get3A_703 = arith.constant 18 : index
    %get3A_704 = arith.constant 0 : index
    %get3A_705 = vector.load %arg4[%get3A_703, %get3A_704] : memref<64x1xi32, #tpu.memory_space<vmem>>, vector<1x1xi32>
    %get3A_706 = vector.extract %get3A_705[0, 0] : i32 from vector<1x1xi32>
    %lt3A_707 = vector.broadcast %get3A_706 : i32 to vector<256x1xi32>
    %lt3A_708 = arith.cmpi slt, %iota3A, %lt3A_707 : vector<256x1xi32>
    %jit3A_709 = arith.constant 0.000000e+00 : f32
    %broadcast_in_dim3A_710 = vector.broadcast %jit3A_709 : f32 to vector<256x1xf32>
    %select_n3A_711 = arith.select %lt3A_708, %broadcast_in_dim3A_692, %broadcast_in_dim3A_710 : vector<256x1xi1>, vector<256x1xf32>
    %reduce_sum3A_712 = arith.constant dense<0.000000e+00> : vector<1xf32>
    %reduce_sum3A_713 = vector.multi_reduction <add>, %select_n3A_711, %reduce_sum3A_712 [0] : vector<256x1xf32> to vector<1xf32>
    %broadcast_in_dim3A_714 = vector.shape_cast %reduce_sum3A_713 : vector<1xf32> to vector<1x1xf32>
    %swap3A_715 = arith.constant 18 : index
    %swap3A_716 = arith.constant 0 : index
    %swap3A_717 = vector.load %arg7[%swap3A_715, %swap3A_716] : memref<64x1xf32, #tpu.memory_space<vmem>>, vector<1x1xf32>
    tpu.vector_store %arg7[%swap3A_715, %swap3A_716], %broadcast_in_dim3A_714 {strides = array<i32>} : memref<64x1xf32, #tpu.memory_space<vmem>>, vector<1x1xf32>,
    %get3A_718 = arith.constant 19 : index
    %get3A_719 = arith.constant 0 : index
    %get3A_720 = arith.constant 0 : index
    %get3A_721 = vector.load %arg1[%get3A_718, %get3A_719, %get3A_720] : memref<64x256x88xi8, #tpu.memory_space<vmem>>, vector<1x256x88xi8>
    %get3A_722 = vector.shape_cast %get3A_721 : vector<1x256x88xi8> to vector<256x88xi8>
    %convert_element_type3A_723 = arith.sitofp %get3A_722 : vector<256x88xi8> to vector<256x88xbf16>
    %dot_general3A_724 = arith.constant dense<0.000000e+00> : vector<256x128xf32>
    %dot_general3A_725 = tpu.matmul %convert_element_type3A_723, %convert_element_type3A, %dot_general3A_724 {dimension_numbers = #tpu.dot_dimension_numbers<[1], [1], [0], [0], [0, 0, 1, 0], [], []>, transpose_lhs_hint = false} : vector<256x88xbf16>, vector<128x88xbf16>, vector<256x128xf32> -> vector<256x128xf32>
    %add3A_726 = vector.broadcast %reshape3A : vector<1x128xf32> to vector<256x128xf32>
    %add3A_727 = arith.addf %dot_general3A_725, %add3A_726 : vector<256x128xf32>
    %reduce_max3A_728 = arith.constant dense<0xFF800000> : vector<256xf32>
    %reduce_max3A_729 = vector.multi_reduction <maximumf>, %add3A_727, %reduce_max3A_728 [1] : vector<256x128xf32> to vector<256xf32>
    %broadcast_in_dim3A_730 = vector.shape_cast %reduce_max3A_729 : vector<256xf32> to vector<256x1xf32>
    %sub3A_731 = vector.broadcast %broadcast_in_dim3A_730 : vector<256x1xf32> to vector<256x128xf32>
    %sub3A_732 = arith.subf %add3A_727, %sub3A_731 : vector<256x128xf32>
    %exp3A_733 = math.exp %sub3A_732 : vector<256x128xf32>
    %convert_element_type3A_734 = arith.truncf %exp3A_733 : vector<256x128xf32> to vector<256x128xbf16>
    %swap3A_735 = arith.constant 19 : index
    %swap3A_736 = arith.constant 0 : index
    %swap3A_737 = arith.constant 0 : index
    %swap3A_738 = vector.load %arg6[%swap3A_735, %swap3A_736, %swap3A_737] : memref<64x256x128xbf16, #tpu.memory_space<vmem>>, vector<1x256x128xbf16>
    %swap3A_739 = vector.shape_cast %swap3A_738 : vector<1x256x128xbf16> to vector<256x128xbf16>
    %swap3A_740 = vector.shape_cast %convert_element_type3A_734 : vector<256x128xbf16> to vector<1x256x128xbf16>
    tpu.vector_store %arg6[%swap3A_735, %swap3A_736, %swap3A_737], %swap3A_740 {strides = array<i32>} : memref<64x256x128xbf16, #tpu.memory_space<vmem>>, vector<1x256x128xbf16>,
    %get3A_741 = arith.constant 19 : index
    %get3A_742 = arith.constant 0 : index
    %get3A_743 = vector.load %arg4[%get3A_741, %get3A_742] : memref<64x1xi32, #tpu.memory_space<vmem>>, vector<1x1xi32>
    %get3A_744 = vector.extract %get3A_743[0, 0] : i32 from vector<1x1xi32>
    %lt3A_745 = vector.broadcast %get3A_744 : i32 to vector<256x1xi32>
    %lt3A_746 = arith.cmpi slt, %iota3A, %lt3A_745 : vector<256x1xi32>
    %jit3A_747 = arith.constant 0.000000e+00 : f32
    %broadcast_in_dim3A_748 = vector.broadcast %jit3A_747 : f32 to vector<256x1xf32>
    %select_n3A_749 = arith.select %lt3A_746, %broadcast_in_dim3A_730, %broadcast_in_dim3A_748 : vector<256x1xi1>, vector<256x1xf32>
    %reduce_sum3A_750 = arith.constant dense<0.000000e+00> : vector<1xf32>
    %reduce_sum3A_751 = vector.multi_reduction <add>, %select_n3A_749, %reduce_sum3A_750 [0] : vector<256x1xf32> to vector<1xf32>
    %broadcast_in_dim3A_752 = vector.shape_cast %reduce_sum3A_751 : vector<1xf32> to vector<1x1xf32>
    %swap3A_753 = arith.constant 19 : index
    %swap3A_754 = arith.constant 0 : index
    %swap3A_755 = vector.load %arg7[%swap3A_753, %swap3A_754] : memref<64x1xf32, #tpu.memory_space<vmem>>, vector<1x1xf32>
    tpu.vector_store %arg7[%swap3A_753, %swap3A_754], %broadcast_in_dim3A_752 {strides = array<i32>} : memref<64x1xf32, #tpu.memory_space<vmem>>, vector<1x1xf32>,
    %get3A_756 = arith.constant 20 : index
    %get3A_757 = arith.constant 0 : index
    %get3A_758 = arith.constant 0 : index
    %get3A_759 = vector.load %arg1[%get3A_756, %get3A_757, %get3A_758] : memref<64x256x88xi8, #tpu.memory_space<vmem>>, vector<1x256x88xi8>
    %get3A_760 = vector.shape_cast %get3A_759 : vector<1x256x88xi8> to vector<256x88xi8>
    %convert_element_type3A_761 = arith.sitofp %get3A_760 : vector<256x88xi8> to vector<256x88xbf16>
    %dot_general3A_762 = arith.constant dense<0.000000e+00> : vector<256x128xf32>
    %dot_general3A_763 = tpu.matmul %convert_element_type3A_761, %convert_element_type3A, %dot_general3A_762 {dimension_numbers = #tpu.dot_dimension_numbers<[1], [1], [0], [0], [0, 0, 1, 0], [], []>, transpose_lhs_hint = false} : vector<256x88xbf16>, vector<128x88xbf16>, vector<256x128xf32> -> vector<256x128xf32>
    %add3A_764 = vector.broadcast %reshape3A : vector<1x128xf32> to vector<256x128xf32>
    %add3A_765 = arith.addf %dot_general3A_763, %add3A_764 : vector<256x128xf32>
    %reduce_max3A_766 = arith.constant dense<0xFF800000> : vector<256xf32>
    %reduce_max3A_767 = vector.multi_reduction <maximumf>, %add3A_765, %reduce_max3A_766 [1] : vector<256x128xf32> to vector<256xf32>
    %broadcast_in_dim3A_768 = vector.shape_cast %reduce_max3A_767 : vector<256xf32> to vector<256x1xf32>
    %sub3A_769 = vector.broadcast %broadcast_in_dim3A_768 : vector<256x1xf32> to vector<256x128xf32>
    %sub3A_770 = arith.subf %add3A_765, %sub3A_769 : vector<256x128xf32>
    %exp3A_771 = math.exp %sub3A_770 : vector<256x128xf32>
    %convert_element_type3A_772 = arith.truncf %exp3A_771 : vector<256x128xf32> to vector<256x128xbf16>
    %swap3A_773 = arith.constant 20 : index
    %swap3A_774 = arith.constant 0 : index
    %swap3A_775 = arith.constant 0 : index
    %swap3A_776 = vector.load %arg6[%swap3A_773, %swap3A_774, %swap3A_775] : memref<64x256x128xbf16, #tpu.memory_space<vmem>>, vector<1x256x128xbf16>
    %swap3A_777 = vector.shape_cast %swap3A_776 : vector<1x256x128xbf16> to vector<256x128xbf16>
    %swap3A_778 = vector.shape_cast %convert_element_type3A_772 : vector<256x128xbf16> to vector<1x256x128xbf16>
    tpu.vector_store %arg6[%swap3A_773, %swap3A_774, %swap3A_775], %swap3A_778 {strides = array<i32>} : memref<64x256x128xbf16, #tpu.memory_space<vmem>>, vector<1x256x128xbf16>,
    %get3A_779 = arith.constant 20 : index
    %get3A_780 = arith.constant 0 : index
    %get3A_781 = vector.load %arg4[%get3A_779, %get3A_780] : memref<64x1xi32, #tpu.memory_space<vmem>>, vector<1x1xi32>
    %get3A_782 = vector.extract %get3A_781[0, 0] : i32 from vector<1x1xi32>
    %lt3A_783 = vector.broadcast %get3A_782 : i32 to vector<256x1xi32>
    %lt3A_784 = arith.cmpi slt, %iota3A, %lt3A_783 : vector<256x1xi32>
    %jit3A_785 = arith.constant 0.000000e+00 : f32
    %broadcast_in_dim3A_786 = vector.broadcast %jit3A_785 : f32 to vector<256x1xf32>
    %select_n3A_787 = arith.select %lt3A_784, %broadcast_in_dim3A_768, %broadcast_in_dim3A_786 : vector<256x1xi1>, vector<256x1xf32>
    %reduce_sum3A_788 = arith.constant dense<0.000000e+00> : vector<1xf32>
    %reduce_sum3A_789 = vector.multi_reduction <add>, %select_n3A_787, %reduce_sum3A_788 [0] : vector<256x1xf32> to vector<1xf32>
    %broadcast_in_dim3A_790 = vector.shape_cast %reduce_sum3A_789 : vector<1xf32> to vector<1x1xf32>
    %swap3A_791 = arith.constant 20 : index
    %swap3A_792 = arith.constant 0 : index
    %swap3A_793 = vector.load %arg7[%swap3A_791, %swap3A_792] : memref<64x1xf32, #tpu.memory_space<vmem>>, vector<1x1xf32>
    tpu.vector_store %arg7[%swap3A_791, %swap3A_792], %broadcast_in_dim3A_790 {strides = array<i32>} : memref<64x1xf32, #tpu.memory_space<vmem>>, vector<1x1xf32>,
    %get3A_794 = arith.constant 21 : index
    %get3A_795 = arith.constant 0 : index
    %get3A_796 = arith.constant 0 : index
    %get3A_797 = vector.load %arg1[%get3A_794, %get3A_795, %get3A_796] : memref<64x256x88xi8, #tpu.memory_space<vmem>>, vector<1x256x88xi8>
    %get3A_798 = vector.shape_cast %get3A_797 : vector<1x256x88xi8> to vector<256x88xi8>
    %convert_element_type3A_799 = arith.sitofp %get3A_798 : vector<256x88xi8> to vector<256x88xbf16>
    %dot_general3A_800 = arith.constant dense<0.000000e+00> : vector<256x128xf32>
    %dot_general3A_801 = tpu.matmul %convert_element_type3A_799, %convert_element_type3A, %dot_general3A_800 {dimension_numbers = #tpu.dot_dimension_numbers<[1], [1], [0], [0], [0, 0, 1, 0], [], []>, transpose_lhs_hint = false} : vector<256x88xbf16>, vector<128x88xbf16>, vector<256x128xf32> -> vector<256x128xf32>
    %add3A_802 = vector.broadcast %reshape3A : vector<1x128xf32> to vector<256x128xf32>
    %add3A_803 = arith.addf %dot_general3A_801, %add3A_802 : vector<256x128xf32>
    %reduce_max3A_804 = arith.constant dense<0xFF800000> : vector<256xf32>
    %reduce_max3A_805 = vector.multi_reduction <maximumf>, %add3A_803, %reduce_max3A_804 [1] : vector<256x128xf32> to vector<256xf32>
    %broadcast_in_dim3A_806 = vector.shape_cast %reduce_max3A_805 : vector<256xf32> to vector<256x1xf32>
    %sub3A_807 = vector.broadcast %broadcast_in_dim3A_806 : vector<256x1xf32> to vector<256x128xf32>
    %sub3A_808 = arith.subf %add3A_803, %sub3A_807 : vector<256x128xf32>
    %exp3A_809 = math.exp %sub3A_808 : vector<256x128xf32>
    %convert_element_type3A_810 = arith.truncf %exp3A_809 : vector<256x128xf32> to vector<256x128xbf16>
    %swap3A_811 = arith.constant 21 : index
    %swap3A_812 = arith.constant 0 : index
    %swap3A_813 = arith.constant 0 : index
    %swap3A_814 = vector.load %arg6[%swap3A_811, %swap3A_812, %swap3A_813] : memref<64x256x128xbf16, #tpu.memory_space<vmem>>, vector<1x256x128xbf16>
    %swap3A_815 = vector.shape_cast %swap3A_814 : vector<1x256x128xbf16> to vector<256x128xbf16>
    %swap3A_816 = vector.shape_cast %convert_element_type3A_810 : vector<256x128xbf16> to vector<1x256x128xbf16>
    tpu.vector_store %arg6[%swap3A_811, %swap3A_812, %swap3A_813], %swap3A_816 {strides = array<i32>} : memref<64x256x128xbf16, #tpu.memory_space<vmem>>, vector<1x256x128xbf16>,
    %get3A_817 = arith.constant 21 : index
    %get3A_818 = arith.constant 0 : index
    %get3A_819 = vector.load %arg4[%get3A_817, %get3A_818] : memref<64x1xi32, #tpu.memory_space<vmem>>, vector<1x1xi32>
    %get3A_820 = vector.extract %get3A_819[0, 0] : i32 from vector<1x1xi32>
    %lt3A_821 = vector.broadcast %get3A_820 : i32 to vector<256x1xi32>
    %lt3A_822 = arith.cmpi slt, %iota3A, %lt3A_821 : vector<256x1xi32>
    %jit3A_823 = arith.constant 0.000000e+00 : f32
    %broadcast_in_dim3A_824 = vector.broadcast %jit3A_823 : f32 to vector<256x1xf32>
    %select_n3A_825 = arith.select %lt3A_822, %broadcast_in_dim3A_806, %broadcast_in_dim3A_824 : vector<256x1xi1>, vector<256x1xf32>
    %reduce_sum3A_826 = arith.constant dense<0.000000e+00> : vector<1xf32>
    %reduce_sum3A_827 = vector.multi_reduction <add>, %select_n3A_825, %reduce_sum3A_826 [0] : vector<256x1xf32> to vector<1xf32>
    %broadcast_in_dim3A_828 = vector.shape_cast %reduce_sum3A_827 : vector<1xf32> to vector<1x1xf32>
    %swap3A_829 = arith.constant 21 : index
    %swap3A_830 = arith.constant 0 : index
    %swap3A_831 = vector.load %arg7[%swap3A_829, %swap3A_830] : memref<64x1xf32, #tpu.memory_space<vmem>>, vector<1x1xf32>
    tpu.vector_store %arg7[%swap3A_829, %swap3A_830], %broadcast_in_dim3A_828 {strides = array<i32>} : memref<64x1xf32, #tpu.memory_space<vmem>>, vector<1x1xf32>,
    %get3A_832 = arith.constant 22 : index
    %get3A_833 = arith.constant 0 : index
    %get3A_834 = arith.constant 0 : index
    %get3A_835 = vector.load %arg1[%get3A_832, %get3A_833, %get3A_834] : memref<64x256x88xi8, #tpu.memory_space<vmem>>, vector<1x256x88xi8>
    %get3A_836 = vector.shape_cast %get3A_835 : vector<1x256x88xi8> to vector<256x88xi8>
    %convert_element_type3A_837 = arith.sitofp %get3A_836 : vector<256x88xi8> to vector<256x88xbf16>
    %dot_general3A_838 = arith.constant dense<0.000000e+00> : vector<256x128xf32>
    %dot_general3A_839 = tpu.matmul %convert_element_type3A_837, %convert_element_type3A, %dot_general3A_838 {dimension_numbers = #tpu.dot_dimension_numbers<[1], [1], [0], [0], [0, 0, 1, 0], [], []>, transpose_lhs_hint = false} : vector<256x88xbf16>, vector<128x88xbf16>, vector<256x128xf32> -> vector<256x128xf32>
    %add3A_840 = vector.broadcast %reshape3A : vector<1x128xf32> to vector<256x128xf32>
    %add3A_841 = arith.addf %dot_general3A_839, %add3A_840 : vector<256x128xf32>
    %reduce_max3A_842 = arith.constant dense<0xFF800000> : vector<256xf32>
    %reduce_max3A_843 = vector.multi_reduction <maximumf>, %add3A_841, %reduce_max3A_842 [1] : vector<256x128xf32> to vector<256xf32>
    %broadcast_in_dim3A_844 = vector.shape_cast %reduce_max3A_843 : vector<256xf32> to vector<256x1xf32>
    %sub3A_845 = vector.broadcast %broadcast_in_dim3A_844 : vector<256x1xf32> to vector<256x128xf32>
    %sub3A_846 = arith.subf %add3A_841, %sub3A_845 : vector<256x128xf32>
    %exp3A_847 = math.exp %sub3A_846 : vector<256x128xf32>
    %convert_element_type3A_848 = arith.truncf %exp3A_847 : vector<256x128xf32> to vector<256x128xbf16>
    %swap3A_849 = arith.constant 22 : index
    %swap3A_850 = arith.constant 0 : index
    %swap3A_851 = arith.constant 0 : index
    %swap3A_852 = vector.load %arg6[%swap3A_849, %swap3A_850, %swap3A_851] : memref<64x256x128xbf16, #tpu.memory_space<vmem>>, vector<1x256x128xbf16>
    %swap3A_853 = vector.shape_cast %swap3A_852 : vector<1x256x128xbf16> to vector<256x128xbf16>
    %swap3A_854 = vector.shape_cast %convert_element_type3A_848 : vector<256x128xbf16> to vector<1x256x128xbf16>
    tpu.vector_store %arg6[%swap3A_849, %swap3A_850, %swap3A_851], %swap3A_854 {strides = array<i32>} : memref<64x256x128xbf16, #tpu.memory_space<vmem>>, vector<1x256x128xbf16>,
    %get3A_855 = arith.constant 22 : index
    %get3A_856 = arith.constant 0 : index
    %get3A_857 = vector.load %arg4[%get3A_855, %get3A_856] : memref<64x1xi32, #tpu.memory_space<vmem>>, vector<1x1xi32>
    %get3A_858 = vector.extract %get3A_857[0, 0] : i32 from vector<1x1xi32>
    %lt3A_859 = vector.broadcast %get3A_858 : i32 to vector<256x1xi32>
    %lt3A_860 = arith.cmpi slt, %iota3A, %lt3A_859 : vector<256x1xi32>
    %jit3A_861 = arith.constant 0.000000e+00 : f32
    %broadcast_in_dim3A_862 = vector.broadcast %jit3A_861 : f32 to vector<256x1xf32>
    %select_n3A_863 = arith.select %lt3A_860, %broadcast_in_dim3A_844, %broadcast_in_dim3A_862 : vector<256x1xi1>, vector<256x1xf32>
    %reduce_sum3A_864 = arith.constant dense<0.000000e+00> : vector<1xf32>
    %reduce_sum3A_865 = vector.multi_reduction <add>, %select_n3A_863, %reduce_sum3A_864 [0] : vector<256x1xf32> to vector<1xf32>
    %broadcast_in_dim3A_866 = vector.shape_cast %reduce_sum3A_865 : vector<1xf32> to vector<1x1xf32>
    %swap3A_867 = arith.constant 22 : index
    %swap3A_868 = arith.constant 0 : index
    %swap3A_869 = vector.load %arg7[%swap3A_867, %swap3A_868] : memref<64x1xf32, #tpu.memory_space<vmem>>, vector<1x1xf32>
    tpu.vector_store %arg7[%swap3A_867, %swap3A_868], %broadcast_in_dim3A_866 {strides = array<i32>} : memref<64x1xf32, #tpu.memory_space<vmem>>, vector<1x1xf32>,
    %get3A_870 = arith.constant 23 : index
    %get3A_871 = arith.constant 0 : index
    %get3A_872 = arith.constant 0 : index
    %get3A_873 = vector.load %arg1[%get3A_870, %get3A_871, %get3A_872] : memref<64x256x88xi8, #tpu.memory_space<vmem>>, vector<1x256x88xi8>
    %get3A_874 = vector.shape_cast %get3A_873 : vector<1x256x88xi8> to vector<256x88xi8>
    %convert_element_type3A_875 = arith.sitofp %get3A_874 : vector<256x88xi8> to vector<256x88xbf16>
    %dot_general3A_876 = arith.constant dense<0.000000e+00> : vector<256x128xf32>
    %dot_general3A_877 = tpu.matmul %convert_element_type3A_875, %convert_element_type3A, %dot_general3A_876 {dimension_numbers = #tpu.dot_dimension_numbers<[1], [1], [0], [0], [0, 0, 1, 0], [], []>, transpose_lhs_hint = false} : vector<256x88xbf16>, vector<128x88xbf16>, vector<256x128xf32> -> vector<256x128xf32>
    %add3A_878 = vector.broadcast %reshape3A : vector<1x128xf32> to vector<256x128xf32>
    %add3A_879 = arith.addf %dot_general3A_877, %add3A_878 : vector<256x128xf32>
    %reduce_max3A_880 = arith.constant dense<0xFF800000> : vector<256xf32>
    %reduce_max3A_881 = vector.multi_reduction <maximumf>, %add3A_879, %reduce_max3A_880 [1] : vector<256x128xf32> to vector<256xf32>
    %broadcast_in_dim3A_882 = vector.shape_cast %reduce_max3A_881 : vector<256xf32> to vector<256x1xf32>
    %sub3A_883 = vector.broadcast %broadcast_in_dim3A_882 : vector<256x1xf32> to vector<256x128xf32>
    %sub3A_884 = arith.subf %add3A_879, %sub3A_883 : vector<256x128xf32>
    %exp3A_885 = math.exp %sub3A_884 : vector<256x128xf32>
    %convert_element_type3A_886 = arith.truncf %exp3A_885 : vector<256x128xf32> to vector<256x128xbf16>
    %swap3A_887 = arith.constant 23 : index
    %swap3A_888 = arith.constant 0 : index
    %swap3A_889 = arith.constant 0 : index
    %swap3A_890 = vector.load %arg6[%swap3A_887, %swap3A_888, %swap3A_889] : memref<64x256x128xbf16, #tpu.memory_space<vmem>>, vector<1x256x128xbf16>
    %swap3A_891 = vector.shape_cast %swap3A_890 : vector<1x256x128xbf16> to vector<256x128xbf16>
    %swap3A_892 = vector.shape_cast %convert_element_type3A_886 : vector<256x128xbf16> to vector<1x256x128xbf16>
    tpu.vector_store %arg6[%swap3A_887, %swap3A_888, %swap3A_889], %swap3A_892 {strides = array<i32>} : memref<64x256x128xbf16, #tpu.memory_space<vmem>>, vector<1x256x128xbf16>,
    %get3A_893 = arith.constant 23 : index
    %get3A_894 = arith.constant 0 : index
    %get3A_895 = vector.load %arg4[%get3A_893, %get3A_894] : memref<64x1xi32, #tpu.memory_space<vmem>>, vector<1x1xi32>
    %get3A_896 = vector.extract %get3A_895[0, 0] : i32 from vector<1x1xi32>
    %lt3A_897 = vector.broadcast %get3A_896 : i32 to vector<256x1xi32>
    %lt3A_898 = arith.cmpi slt, %iota3A, %lt3A_897 : vector<256x1xi32>
    %jit3A_899 = arith.constant 0.000000e+00 : f32
    %broadcast_in_dim3A_900 = vector.broadcast %jit3A_899 : f32 to vector<256x1xf32>
    %select_n3A_901 = arith.select %lt3A_898, %broadcast_in_dim3A_882, %broadcast_in_dim3A_900 : vector<256x1xi1>, vector<256x1xf32>
    %reduce_sum3A_902 = arith.constant dense<0.000000e+00> : vector<1xf32>
    %reduce_sum3A_903 = vector.multi_reduction <add>, %select_n3A_901, %reduce_sum3A_902 [0] : vector<256x1xf32> to vector<1xf32>
    %broadcast_in_dim3A_904 = vector.shape_cast %reduce_sum3A_903 : vector<1xf32> to vector<1x1xf32>
    %swap3A_905 = arith.constant 23 : index
    %swap3A_906 = arith.constant 0 : index
    %swap3A_907 = vector.load %arg7[%swap3A_905, %swap3A_906] : memref<64x1xf32, #tpu.memory_space<vmem>>, vector<1x1xf32>
    tpu.vector_store %arg7[%swap3A_905, %swap3A_906], %broadcast_in_dim3A_904 {strides = array<i32>} : memref<64x1xf32, #tpu.memory_space<vmem>>, vector<1x1xf32>,
    %get3A_908 = arith.constant 24 : index
    %get3A_909 = arith.constant 0 : index
    %get3A_910 = arith.constant 0 : index
    %get3A_911 = vector.load %arg1[%get3A_908, %get3A_909, %get3A_910] : memref<64x256x88xi8, #tpu.memory_space<vmem>>, vector<1x256x88xi8>
    %get3A_912 = vector.shape_cast %get3A_911 : vector<1x256x88xi8> to vector<256x88xi8>
    %convert_element_type3A_913 = arith.sitofp %get3A_912 : vector<256x88xi8> to vector<256x88xbf16>
    %dot_general3A_914 = arith.constant dense<0.000000e+00> : vector<256x128xf32>
    %dot_general3A_915 = tpu.matmul %convert_element_type3A_913, %convert_element_type3A, %dot_general3A_914 {dimension_numbers = #tpu.dot_dimension_numbers<[1], [1], [0], [0], [0, 0, 1, 0], [], []>, transpose_lhs_hint = false} : vector<256x88xbf16>, vector<128x88xbf16>, vector<256x128xf32> -> vector<256x128xf32>
    %add3A_916 = vector.broadcast %reshape3A : vector<1x128xf32> to vector<256x128xf32>
    %add3A_917 = arith.addf %dot_general3A_915, %add3A_916 : vector<256x128xf32>
    %reduce_max3A_918 = arith.constant dense<0xFF800000> : vector<256xf32>
    %reduce_max3A_919 = vector.multi_reduction <maximumf>, %add3A_917, %reduce_max3A_918 [1] : vector<256x128xf32> to vector<256xf32>
    %broadcast_in_dim3A_920 = vector.shape_cast %reduce_max3A_919 : vector<256xf32> to vector<256x1xf32>
    %sub3A_921 = vector.broadcast %broadcast_in_dim3A_920 : vector<256x1xf32> to vector<256x128xf32>
    %sub3A_922 = arith.subf %add3A_917, %sub3A_921 : vector<256x128xf32>
    %exp3A_923 = math.exp %sub3A_922 : vector<256x128xf32>
    %convert_element_type3A_924 = arith.truncf %exp3A_923 : vector<256x128xf32> to vector<256x128xbf16>
    %swap3A_925 = arith.constant 24 : index
    %swap3A_926 = arith.constant 0 : index
    %swap3A_927 = arith.constant 0 : index
    %swap3A_928 = vector.load %arg6[%swap3A_925, %swap3A_926, %swap3A_927] : memref<64x256x128xbf16, #tpu.memory_space<vmem>>, vector<1x256x128xbf16>
    %swap3A_929 = vector.shape_cast %swap3A_928 : vector<1x256x128xbf16> to vector<256x128xbf16>
    %swap3A_930 = vector.shape_cast %convert_element_type3A_924 : vector<256x128xbf16> to vector<1x256x128xbf16>
    tpu.vector_store %arg6[%swap3A_925, %swap3A_926, %swap3A_927], %swap3A_930 {strides = array<i32>} : memref<64x256x128xbf16, #tpu.memory_space<vmem>>, vector<1x256x128xbf16>,
    %get3A_931 = arith.constant 24 : index
    %get3A_932 = arith.constant 0 : index
    %get3A_933 = vector.load %arg4[%get3A_931, %get3A_932] : memref<64x1xi32, #tpu.memory_space<vmem>>, vector<1x1xi32>
    %get3A_934 = vector.extract %get3A_933[0, 0] : i32 from vector<1x1xi32>
    %lt3A_935 = vector.broadcast %get3A_934 : i32 to vector<256x1xi32>
    %lt3A_936 = arith.cmpi slt, %iota3A, %lt3A_935 : vector<256x1xi32>
    %jit3A_937 = arith.constant 0.000000e+00 : f32
    %broadcast_in_dim3A_938 = vector.broadcast %jit3A_937 : f32 to vector<256x1xf32>
    %select_n3A_939 = arith.select %lt3A_936, %broadcast_in_dim3A_920, %broadcast_in_dim3A_938 : vector<256x1xi1>, vector<256x1xf32>
    %reduce_sum3A_940 = arith.constant dense<0.000000e+00> : vector<1xf32>
    %reduce_sum3A_941 = vector.multi_reduction <add>, %select_n3A_939, %reduce_sum3A_940 [0] : vector<256x1xf32> to vector<1xf32>
    %broadcast_in_dim3A_942 = vector.shape_cast %reduce_sum3A_941 : vector<1xf32> to vector<1x1xf32>
    %swap3A_943 = arith.constant 24 : index
    %swap3A_944 = arith.constant 0 : index
    %swap3A_945 = vector.load %arg7[%swap3A_943, %swap3A_944] : memref<64x1xf32, #tpu.memory_space<vmem>>, vector<1x1xf32>
    tpu.vector_store %arg7[%swap3A_943, %swap3A_944], %broadcast_in_dim3A_942 {strides = array<i32>} : memref<64x1xf32, #tpu.memory_space<vmem>>, vector<1x1xf32>,
    %get3A_946 = arith.constant 25 : index
    %get3A_947 = arith.constant 0 : index
    %get3A_948 = arith.constant 0 : index
    %get3A_949 = vector.load %arg1[%get3A_946, %get3A_947, %get3A_948] : memref<64x256x88xi8, #tpu.memory_space<vmem>>, vector<1x256x88xi8>
    %get3A_950 = vector.shape_cast %get3A_949 : vector<1x256x88xi8> to vector<256x88xi8>
    %convert_element_type3A_951 = arith.sitofp %get3A_950 : vector<256x88xi8> to vector<256x88xbf16>
    %dot_general3A_952 = arith.constant dense<0.000000e+00> : vector<256x128xf32>
    %dot_general3A_953 = tpu.matmul %convert_element_type3A_951, %convert_element_type3A, %dot_general3A_952 {dimension_numbers = #tpu.dot_dimension_numbers<[1], [1], [0], [0], [0, 0, 1, 0], [], []>, transpose_lhs_hint = false} : vector<256x88xbf16>, vector<128x88xbf16>, vector<256x128xf32> -> vector<256x128xf32>
    %add3A_954 = vector.broadcast %reshape3A : vector<1x128xf32> to vector<256x128xf32>
    %add3A_955 = arith.addf %dot_general3A_953, %add3A_954 : vector<256x128xf32>
    %reduce_max3A_956 = arith.constant dense<0xFF800000> : vector<256xf32>
    %reduce_max3A_957 = vector.multi_reduction <maximumf>, %add3A_955, %reduce_max3A_956 [1] : vector<256x128xf32> to vector<256xf32>
    %broadcast_in_dim3A_958 = vector.shape_cast %reduce_max3A_957 : vector<256xf32> to vector<256x1xf32>
    %sub3A_959 = vector.broadcast %broadcast_in_dim3A_958 : vector<256x1xf32> to vector<256x128xf32>
    %sub3A_960 = arith.subf %add3A_955, %sub3A_959 : vector<256x128xf32>
    %exp3A_961 = math.exp %sub3A_960 : vector<256x128xf32>
    %convert_element_type3A_962 = arith.truncf %exp3A_961 : vector<256x128xf32> to vector<256x128xbf16>
    %swap3A_963 = arith.constant 25 : index
    %swap3A_964 = arith.constant 0 : index
    %swap3A_965 = arith.constant 0 : index
    %swap3A_966 = vector.load %arg6[%swap3A_963, %swap3A_964, %swap3A_965] : memref<64x256x128xbf16, #tpu.memory_space<vmem>>, vector<1x256x128xbf16>
    %swap3A_967 = vector.shape_cast %swap3A_966 : vector<1x256x128xbf16> to vector<256x128xbf16>
    %swap3A_968 = vector.shape_cast %convert_element_type3A_962 : vector<256x128xbf16> to vector<1x256x128xbf16>
    tpu.vector_store %arg6[%swap3A_963, %swap3A_964, %swap3A_965], %swap3A_968 {strides = array<i32>} : memref<64x256x128xbf16, #tpu.memory_space<vmem>>, vector<1x256x128xbf16>,
    %get3A_969 = arith.constant 25 : index
    %get3A_970 = arith.constant 0 : index
    %get3A_971 = vector.load %arg4[%get3A_969, %get3A_970] : memref<64x1xi32, #tpu.memory_space<vmem>>, vector<1x1xi32>
    %get3A_972 = vector.extract %get3A_971[0, 0] : i32 from vector<1x1xi32>
    %lt3A_973 = vector.broadcast %get3A_972 : i32 to vector<256x1xi32>
    %lt3A_974 = arith.cmpi slt, %iota3A, %lt3A_973 : vector<256x1xi32>
    %jit3A_975 = arith.constant 0.000000e+00 : f32
    %broadcast_in_dim3A_976 = vector.broadcast %jit3A_975 : f32 to vector<256x1xf32>
    %select_n3A_977 = arith.select %lt3A_974, %broadcast_in_dim3A_958, %broadcast_in_dim3A_976 : vector<256x1xi1>, vector<256x1xf32>
    %reduce_sum3A_978 = arith.constant dense<0.000000e+00> : vector<1xf32>
    %reduce_sum3A_979 = vector.multi_reduction <add>, %select_n3A_977, %reduce_sum3A_978 [0] : vector<256x1xf32> to vector<1xf32>
    %broadcast_in_dim3A_980 = vector.shape_cast %reduce_sum3A_979 : vector<1xf32> to vector<1x1xf32>
    %swap3A_981 = arith.constant 25 : index
    %swap3A_982 = arith.constant 0 : index
    %swap3A_983 = vector.load %arg7[%swap3A_981, %swap3A_982] : memref<64x1xf32, #tpu.memory_space<vmem>>, vector<1x1xf32>
    tpu.vector_store %arg7[%swap3A_981, %swap3A_982], %broadcast_in_dim3A_980 {strides = array<i32>} : memref<64x1xf32, #tpu.memory_space<vmem>>, vector<1x1xf32>,
    %get3A_984 = arith.constant 26 : index
    %get3A_985 = arith.constant 0 : index
    %get3A_986 = arith.constant 0 : index
    %get3A_987 = vector.load %arg1[%get3A_984, %get3A_985, %get3A_986] : memref<64x256x88xi8, #tpu.memory_space<vmem>>, vector<1x256x88xi8>
    %get3A_988 = vector.shape_cast %get3A_987 : vector<1x256x88xi8> to vector<256x88xi8>
    %convert_element_type3A_989 = arith.sitofp %get3A_988 : vector<256x88xi8> to vector<256x88xbf16>
    %dot_general3A_990 = arith.constant dense<0.000000e+00> : vector<256x128xf32>
    %dot_general3A_991 = tpu.matmul %convert_element_type3A_989, %convert_element_type3A, %dot_general3A_990 {dimension_numbers = #tpu.dot_dimension_numbers<[1], [1], [0], [0], [0, 0, 1, 0], [], []>, transpose_lhs_hint = false} : vector<256x88xbf16>, vector<128x88xbf16>, vector<256x128xf32> -> vector<256x128xf32>
    %add3A_992 = vector.broadcast %reshape3A : vector<1x128xf32> to vector<256x128xf32>
    %add3A_993 = arith.addf %dot_general3A_991, %add3A_992 : vector<256x128xf32>
    %reduce_max3A_994 = arith.constant dense<0xFF800000> : vector<256xf32>
    %reduce_max3A_995 = vector.multi_reduction <maximumf>, %add3A_993, %reduce_max3A_994 [1] : vector<256x128xf32> to vector<256xf32>
    %broadcast_in_dim3A_996 = vector.shape_cast %reduce_max3A_995 : vector<256xf32> to vector<256x1xf32>
    %sub3A_997 = vector.broadcast %broadcast_in_dim3A_996 : vector<256x1xf32> to vector<256x128xf32>
    %sub3A_998 = arith.subf %add3A_993, %sub3A_997 : vector<256x128xf32>
    %exp3A_999 = math.exp %sub3A_998 : vector<256x128xf32>
    %convert_element_type3A_1000 = arith.truncf %exp3A_999 : vector<256x128xf32> to vector<256x128xbf16>
    %swap3A_1001 = arith.constant 26 : index
    %swap3A_1002 = arith.constant 0 : index
    %swap3A_1003 = arith.constant 0 : index
    %swap3A_1004 = vector.load %arg6[%swap3A_1001, %swap3A_1002, %swap3A_1003] : memref<64x256x128xbf16, #tpu.memory_space<vmem>>, vector<1x256x128xbf16>
    %swap3A_1005 = vector.shape_cast %swap3A_1004 : vector<1x256x128xbf16> to vector<256x128xbf16>
    %swap3A_1006 = vector.shape_cast %convert_element_type3A_1000 : vector<256x128xbf16> to vector<1x256x128xbf16>
    tpu.vector_store %arg6[%swap3A_1001, %swap3A_1002, %swap3A_1003], %swap3A_1006 {strides = array<i32>} : memref<64x256x128xbf16, #tpu.memory_space<vmem>>, vector<1x256x128xbf16>,
    %get3A_1007 = arith.constant 26 : index
    %get3A_1008 = arith.constant 0 : index
    %get3A_1009 = vector.load %arg4[%get3A_1007, %get3A_1008] : memref<64x1xi32, #tpu.memory_space<vmem>>, vector<1x1xi32>
    %get3A_1010 = vector.extract %get3A_1009[0, 0] : i32 from vector<1x1xi32>
    %lt3A_1011 = vector.broadcast %get3A_1010 : i32 to vector<256x1xi32>
    %lt3A_1012 = arith.cmpi slt, %iota3A, %lt3A_1011 : vector<256x1xi32>
    %jit3A_1013 = arith.constant 0.000000e+00 : f32
    %broadcast_in_dim3A_1014 = vector.broadcast %jit3A_1013 : f32 to vector<256x1xf32>
    %select_n3A_1015 = arith.select %lt3A_1012, %broadcast_in_dim3A_996, %broadcast_in_dim3A_1014 : vector<256x1xi1>, vector<256x1xf32>
    %reduce_sum3A_1016 = arith.constant dense<0.000000e+00> : vector<1xf32>
    %reduce_sum3A_1017 = vector.multi_reduction <add>, %select_n3A_1015, %reduce_sum3A_1016 [0] : vector<256x1xf32> to vector<1xf32>
    %broadcast_in_dim3A_1018 = vector.shape_cast %reduce_sum3A_1017 : vector<1xf32> to vector<1x1xf32>
    %swap3A_1019 = arith.constant 26 : index
    %swap3A_1020 = arith.constant 0 : index
    %swap3A_1021 = vector.load %arg7[%swap3A_1019, %swap3A_1020] : memref<64x1xf32, #tpu.memory_space<vmem>>, vector<1x1xf32>
    tpu.vector_store %arg7[%swap3A_1019, %swap3A_1020], %broadcast_in_dim3A_1018 {strides = array<i32>} : memref<64x1xf32, #tpu.memory_space<vmem>>, vector<1x1xf32>,
    %get3A_1022 = arith.constant 27 : index
    %get3A_1023 = arith.constant 0 : index
    %get3A_1024 = arith.constant 0 : index
    %get3A_1025 = vector.load %arg1[%get3A_1022, %get3A_1023, %get3A_1024] : memref<64x256x88xi8, #tpu.memory_space<vmem>>, vector<1x256x88xi8>
    %get3A_1026 = vector.shape_cast %get3A_1025 : vector<1x256x88xi8> to vector<256x88xi8>
    %convert_element_type3A_1027 = arith.sitofp %get3A_1026 : vector<256x88xi8> to vector<256x88xbf16>
    %dot_general3A_1028 = arith.constant dense<0.000000e+00> : vector<256x128xf32>
    %dot_general3A_1029 = tpu.matmul %convert_element_type3A_1027, %convert_element_type3A, %dot_general3A_1028 {dimension_numbers = #tpu.dot_dimension_numbers<[1], [1], [0], [0], [0, 0, 1, 0], [], []>, transpose_lhs_hint = false} : vector<256x88xbf16>, vector<128x88xbf16>, vector<256x128xf32> -> vector<256x128xf32>
    %add3A_1030 = vector.broadcast %reshape3A : vector<1x128xf32> to vector<256x128xf32>
    %add3A_1031 = arith.addf %dot_general3A_1029, %add3A_1030 : vector<256x128xf32>
    %reduce_max3A_1032 = arith.constant dense<0xFF800000> : vector<256xf32>
    %reduce_max3A_1033 = vector.multi_reduction <maximumf>, %add3A_1031, %reduce_max3A_1032 [1] : vector<256x128xf32> to vector<256xf32>
    %broadcast_in_dim3A_1034 = vector.shape_cast %reduce_max3A_1033 : vector<256xf32> to vector<256x1xf32>
    %sub3A_1035 = vector.broadcast %broadcast_in_dim3A_1034 : vector<256x1xf32> to vector<256x128xf32>
    %sub3A_1036 = arith.subf %add3A_1031, %sub3A_1035 : vector<256x128xf32>
    %exp3A_1037 = math.exp %sub3A_1036 : vector<256x128xf32>
    %convert_element_type3A_1038 = arith.truncf %exp3A_1037 : vector<256x128xf32> to vector<256x128xbf16>
    %swap3A_1039 = arith.constant 27 : index
    %swap3A_1040 = arith.constant 0 : index
    %swap3A_1041 = arith.constant 0 : index
    %swap3A_1042 = vector.load %arg6[%swap3A_1039, %swap3A_1040, %swap3A_1041] : memref<64x256x128xbf16, #tpu.memory_space<vmem>>, vector<1x256x128xbf16>
    %swap3A_1043 = vector.shape_cast %swap3A_1042 : vector<1x256x128xbf16> to vector<256x128xbf16>
    %swap3A_1044 = vector.shape_cast %convert_element_type3A_1038 : vector<256x128xbf16> to vector<1x256x128xbf16>
    tpu.vector_store %arg6[%swap3A_1039, %swap3A_1040, %swap3A_1041], %swap3A_1044 {strides = array<i32>} : memref<64x256x128xbf16, #tpu.memory_space<vmem>>, vector<1x256x128xbf16>,
    %get3A_1045 = arith.constant 27 : index
    %get3A_1046 = arith.constant 0 : index
    %get3A_1047 = vector.load %arg4[%get3A_1045, %get3A_1046] : memref<64x1xi32, #tpu.memory_space<vmem>>, vector<1x1xi32>
    %get3A_1048 = vector.extract %get3A_1047[0, 0] : i32 from vector<1x1xi32>
    %lt3A_1049 = vector.broadcast %get3A_1048 : i32 to vector<256x1xi32>
    %lt3A_1050 = arith.cmpi slt, %iota3A, %lt3A_1049 : vector<256x1xi32>
    %jit3A_1051 = arith.constant 0.000000e+00 : f32
    %broadcast_in_dim3A_1052 = vector.broadcast %jit3A_1051 : f32 to vector<256x1xf32>
    %select_n3A_1053 = arith.select %lt3A_1050, %broadcast_in_dim3A_1034, %broadcast_in_dim3A_1052 : vector<256x1xi1>, vector<256x1xf32>
    %reduce_sum3A_1054 = arith.constant dense<0.000000e+00> : vector<1xf32>
    %reduce_sum3A_1055 = vector.multi_reduction <add>, %select_n3A_1053, %reduce_sum3A_1054 [0] : vector<256x1xf32> to vector<1xf32>
    %broadcast_in_dim3A_1056 = vector.shape_cast %reduce_sum3A_1055 : vector<1xf32> to vector<1x1xf32>
    %swap3A_1057 = arith.constant 27 : index
    %swap3A_1058 = arith.constant 0 : index
    %swap3A_1059 = vector.load %arg7[%swap3A_1057, %swap3A_1058] : memref<64x1xf32, #tpu.memory_space<vmem>>, vector<1x1xf32>
    tpu.vector_store %arg7[%swap3A_1057, %swap3A_1058], %broadcast_in_dim3A_1056 {strides = array<i32>} : memref<64x1xf32, #tpu.memory_space<vmem>>, vector<1x1xf32>,
    %get3A_1060 = arith.constant 28 : index
    %get3A_1061 = arith.constant 0 : index
    %get3A_1062 = arith.constant 0 : index
    %get3A_1063 = vector.load %arg1[%get3A_1060, %get3A_1061, %get3A_1062] : memref<64x256x88xi8, #tpu.memory_space<vmem>>, vector<1x256x88xi8>
    %get3A_1064 = vector.shape_cast %get3A_1063 : vector<1x256x88xi8> to vector<256x88xi8>
    %convert_element_type3A_1065 = arith.sitofp %get3A_1064 : vector<256x88xi8> to vector<256x88xbf16>
    %dot_general3A_1066 = arith.constant dense<0.000000e+00> : vector<256x128xf32>
    %dot_general3A_1067 = tpu.matmul %convert_element_type3A_1065, %convert_element_type3A, %dot_general3A_1066 {dimension_numbers = #tpu.dot_dimension_numbers<[1], [1], [0], [0], [0, 0, 1, 0], [], []>, transpose_lhs_hint = false} : vector<256x88xbf16>, vector<128x88xbf16>, vector<256x128xf32> -> vector<256x128xf32>
    %add3A_1068 = vector.broadcast %reshape3A : vector<1x128xf32> to vector<256x128xf32>
    %add3A_1069 = arith.addf %dot_general3A_1067, %add3A_1068 : vector<256x128xf32>
    %reduce_max3A_1070 = arith.constant dense<0xFF800000> : vector<256xf32>
    %reduce_max3A_1071 = vector.multi_reduction <maximumf>, %add3A_1069, %reduce_max3A_1070 [1] : vector<256x128xf32> to vector<256xf32>
    %broadcast_in_dim3A_1072 = vector.shape_cast %reduce_max3A_1071 : vector<256xf32> to vector<256x1xf32>
    %sub3A_1073 = vector.broadcast %broadcast_in_dim3A_1072 : vector<256x1xf32> to vector<256x128xf32>
    %sub3A_1074 = arith.subf %add3A_1069, %sub3A_1073 : vector<256x128xf32>
    %exp3A_1075 = math.exp %sub3A_1074 : vector<256x128xf32>
    %convert_element_type3A_1076 = arith.truncf %exp3A_1075 : vector<256x128xf32> to vector<256x128xbf16>
    %swap3A_1077 = arith.constant 28 : index
    %swap3A_1078 = arith.constant 0 : index
    %swap3A_1079 = arith.constant 0 : index
    %swap3A_1080 = vector.load %arg6[%swap3A_1077, %swap3A_1078, %swap3A_1079] : memref<64x256x128xbf16, #tpu.memory_space<vmem>>, vector<1x256x128xbf16>
    %swap3A_1081 = vector.shape_cast %swap3A_1080 : vector<1x256x128xbf16> to vector<256x128xbf16>
    %swap3A_1082 = vector.shape_cast %convert_element_type3A_1076 : vector<256x128xbf16> to vector<1x256x128xbf16>
    tpu.vector_store %arg6[%swap3A_1077, %swap3A_1078, %swap3A_1079], %swap3A_1082 {strides = array<i32>} : memref<64x256x128xbf16, #tpu.memory_space<vmem>>, vector<1x256x128xbf16>,
    %get3A_1083 = arith.constant 28 : index
    %get3A_1084 = arith.constant 0 : index
    %get3A_1085 = vector.load %arg4[%get3A_1083, %get3A_1084] : memref<64x1xi32, #tpu.memory_space<vmem>>, vector<1x1xi32>
    %get3A_1086 = vector.extract %get3A_1085[0, 0] : i32 from vector<1x1xi32>
    %lt3A_1087 = vector.broadcast %get3A_1086 : i32 to vector<256x1xi32>
    %lt3A_1088 = arith.cmpi slt, %iota3A, %lt3A_1087 : vector<256x1xi32>
    %jit3A_1089 = arith.constant 0.000000e+00 : f32
    %broadcast_in_dim3A_1090 = vector.broadcast %jit3A_1089 : f32 to vector<256x1xf32>
    %select_n3A_1091 = arith.select %lt3A_1088, %broadcast_in_dim3A_1072, %broadcast_in_dim3A_1090 : vector<256x1xi1>, vector<256x1xf32>
    %reduce_sum3A_1092 = arith.constant dense<0.000000e+00> : vector<1xf32>
    %reduce_sum3A_1093 = vector.multi_reduction <add>, %select_n3A_1091, %reduce_sum3A_1092 [0] : vector<256x1xf32> to vector<1xf32>
    %broadcast_in_dim3A_1094 = vector.shape_cast %reduce_sum3A_1093 : vector<1xf32> to vector<1x1xf32>
    %swap3A_1095 = arith.constant 28 : index
    %swap3A_1096 = arith.constant 0 : index
    %swap3A_1097 = vector.load %arg7[%swap3A_1095, %swap3A_1096] : memref<64x1xf32, #tpu.memory_space<vmem>>, vector<1x1xf32>
    tpu.vector_store %arg7[%swap3A_1095, %swap3A_1096], %broadcast_in_dim3A_1094 {strides = array<i32>} : memref<64x1xf32, #tpu.memory_space<vmem>>, vector<1x1xf32>,
    %get3A_1098 = arith.constant 29 : index
    %get3A_1099 = arith.constant 0 : index
    %get3A_1100 = arith.constant 0 : index
    %get3A_1101 = vector.load %arg1[%get3A_1098, %get3A_1099, %get3A_1100] : memref<64x256x88xi8, #tpu.memory_space<vmem>>, vector<1x256x88xi8>
    %get3A_1102 = vector.shape_cast %get3A_1101 : vector<1x256x88xi8> to vector<256x88xi8>
    %convert_element_type3A_1103 = arith.sitofp %get3A_1102 : vector<256x88xi8> to vector<256x88xbf16>
    %dot_general3A_1104 = arith.constant dense<0.000000e+00> : vector<256x128xf32>
    %dot_general3A_1105 = tpu.matmul %convert_element_type3A_1103, %convert_element_type3A, %dot_general3A_1104 {dimension_numbers = #tpu.dot_dimension_numbers<[1], [1], [0], [0], [0, 0, 1, 0], [], []>, transpose_lhs_hint = false} : vector<256x88xbf16>, vector<128x88xbf16>, vector<256x128xf32> -> vector<256x128xf32>
    %add3A_1106 = vector.broadcast %reshape3A : vector<1x128xf32> to vector<256x128xf32>
    %add3A_1107 = arith.addf %dot_general3A_1105, %add3A_1106 : vector<256x128xf32>
    %reduce_max3A_1108 = arith.constant dense<0xFF800000> : vector<256xf32>
    %reduce_max3A_1109 = vector.multi_reduction <maximumf>, %add3A_1107, %reduce_max3A_1108 [1] : vector<256x128xf32> to vector<256xf32>
    %broadcast_in_dim3A_1110 = vector.shape_cast %reduce_max3A_1109 : vector<256xf32> to vector<256x1xf32>
    %sub3A_1111 = vector.broadcast %broadcast_in_dim3A_1110 : vector<256x1xf32> to vector<256x128xf32>
    %sub3A_1112 = arith.subf %add3A_1107, %sub3A_1111 : vector<256x128xf32>
    %exp3A_1113 = math.exp %sub3A_1112 : vector<256x128xf32>
    %convert_element_type3A_1114 = arith.truncf %exp3A_1113 : vector<256x128xf32> to vector<256x128xbf16>
    %swap3A_1115 = arith.constant 29 : index
    %swap3A_1116 = arith.constant 0 : index
    %swap3A_1117 = arith.constant 0 : index
    %swap3A_1118 = vector.load %arg6[%swap3A_1115, %swap3A_1116, %swap3A_1117] : memref<64x256x128xbf16, #tpu.memory_space<vmem>>, vector<1x256x128xbf16>
    %swap3A_1119 = vector.shape_cast %swap3A_1118 : vector<1x256x128xbf16> to vector<256x128xbf16>
    %swap3A_1120 = vector.shape_cast %convert_element_type3A_1114 : vector<256x128xbf16> to vector<1x256x128xbf16>
    tpu.vector_store %arg6[%swap3A_1115, %swap3A_1116, %swap3A_1117], %swap3A_1120 {strides = array<i32>} : memref<64x256x128xbf16, #tpu.memory_space<vmem>>, vector<1x256x128xbf16>,
    %get3A_1121 = arith.constant 29 : index
    %get3A_1122 = arith.constant 0 : index
    %get3A_1123 = vector.load %arg4[%get3A_1121, %get3A_1122] : memref<64x1xi32, #tpu.memory_space<vmem>>, vector<1x1xi32>
    %get3A_1124 = vector.extract %get3A_1123[0, 0] : i32 from vector<1x1xi32>
    %lt3A_1125 = vector.broadcast %get3A_1124 : i32 to vector<256x1xi32>
    %lt3A_1126 = arith.cmpi slt, %iota3A, %lt3A_1125 : vector<256x1xi32>
    %jit3A_1127 = arith.constant 0.000000e+00 : f32
    %broadcast_in_dim3A_1128 = vector.broadcast %jit3A_1127 : f32 to vector<256x1xf32>
    %select_n3A_1129 = arith.select %lt3A_1126, %broadcast_in_dim3A_1110, %broadcast_in_dim3A_1128 : vector<256x1xi1>, vector<256x1xf32>
    %reduce_sum3A_1130 = arith.constant dense<0.000000e+00> : vector<1xf32>
    %reduce_sum3A_1131 = vector.multi_reduction <add>, %select_n3A_1129, %reduce_sum3A_1130 [0] : vector<256x1xf32> to vector<1xf32>
    %broadcast_in_dim3A_1132 = vector.shape_cast %reduce_sum3A_1131 : vector<1xf32> to vector<1x1xf32>
    %swap3A_1133 = arith.constant 29 : index
    %swap3A_1134 = arith.constant 0 : index
    %swap3A_1135 = vector.load %arg7[%swap3A_1133, %swap3A_1134] : memref<64x1xf32, #tpu.memory_space<vmem>>, vector<1x1xf32>
    tpu.vector_store %arg7[%swap3A_1133, %swap3A_1134], %broadcast_in_dim3A_1132 {strides = array<i32>} : memref<64x1xf32, #tpu.memory_space<vmem>>, vector<1x1xf32>,
    %get3A_1136 = arith.constant 30 : index
    %get3A_1137 = arith.constant 0 : index
    %get3A_1138 = arith.constant 0 : index
    %get3A_1139 = vector.load %arg1[%get3A_1136, %get3A_1137, %get3A_1138] : memref<64x256x88xi8, #tpu.memory_space<vmem>>, vector<1x256x88xi8>
    %get3A_1140 = vector.shape_cast %get3A_1139 : vector<1x256x88xi8> to vector<256x88xi8>
    %convert_element_type3A_1141 = arith.sitofp %get3A_1140 : vector<256x88xi8> to vector<256x88xbf16>
    %dot_general3A_1142 = arith.constant dense<0.000000e+00> : vector<256x128xf32>
    %dot_general3A_1143 = tpu.matmul %convert_element_type3A_1141, %convert_element_type3A, %dot_general3A_1142 {dimension_numbers = #tpu.dot_dimension_numbers<[1], [1], [0], [0], [0, 0, 1, 0], [], []>, transpose_lhs_hint = false} : vector<256x88xbf16>, vector<128x88xbf16>, vector<256x128xf32> -> vector<256x128xf32>
    %add3A_1144 = vector.broadcast %reshape3A : vector<1x128xf32> to vector<256x128xf32>
    %add3A_1145 = arith.addf %dot_general3A_1143, %add3A_1144 : vector<256x128xf32>
    %reduce_max3A_1146 = arith.constant dense<0xFF800000> : vector<256xf32>
    %reduce_max3A_1147 = vector.multi_reduction <maximumf>, %add3A_1145, %reduce_max3A_1146 [1] : vector<256x128xf32> to vector<256xf32>
    %broadcast_in_dim3A_1148 = vector.shape_cast %reduce_max3A_1147 : vector<256xf32> to vector<256x1xf32>
    %sub3A_1149 = vector.broadcast %broadcast_in_dim3A_1148 : vector<256x1xf32> to vector<256x128xf32>
    %sub3A_1150 = arith.subf %add3A_1145, %sub3A_1149 : vector<256x128xf32>
    %exp3A_1151 = math.exp %sub3A_1150 : vector<256x128xf32>
    %convert_element_type3A_1152 = arith.truncf %exp3A_1151 : vector<256x128xf32> to vector<256x128xbf16>
    %swap3A_1153 = arith.constant 30 : index
    %swap3A_1154 = arith.constant 0 : index
    %swap3A_1155 = arith.constant 0 : index
    %swap3A_1156 = vector.load %arg6[%swap3A_1153, %swap3A_1154, %swap3A_1155] : memref<64x256x128xbf16, #tpu.memory_space<vmem>>, vector<1x256x128xbf16>
    %swap3A_1157 = vector.shape_cast %swap3A_1156 : vector<1x256x128xbf16> to vector<256x128xbf16>
    %swap3A_1158 = vector.shape_cast %convert_element_type3A_1152 : vector<256x128xbf16> to vector<1x256x128xbf16>
    tpu.vector_store %arg6[%swap3A_1153, %swap3A_1154, %swap3A_1155], %swap3A_1158 {strides = array<i32>} : memref<64x256x128xbf16, #tpu.memory_space<vmem>>, vector<1x256x128xbf16>,
    %get3A_1159 = arith.constant 30 : index
    %get3A_1160 = arith.constant 0 : index
    %get3A_1161 = vector.load %arg4[%get3A_1159, %get3A_1160] : memref<64x1xi32, #tpu.memory_space<vmem>>, vector<1x1xi32>
    %get3A_1162 = vector.extract %get3A_1161[0, 0] : i32 from vector<1x1xi32>
    %lt3A_1163 = vector.broadcast %get3A_1162 : i32 to vector<256x1xi32>
    %lt3A_1164 = arith.cmpi slt, %iota3A, %lt3A_1163 : vector<256x1xi32>
    %jit3A_1165 = arith.constant 0.000000e+00 : f32
    %broadcast_in_dim3A_1166 = vector.broadcast %jit3A_1165 : f32 to vector<256x1xf32>
    %select_n3A_1167 = arith.select %lt3A_1164, %broadcast_in_dim3A_1148, %broadcast_in_dim3A_1166 : vector<256x1xi1>, vector<256x1xf32>
    %reduce_sum3A_1168 = arith.constant dense<0.000000e+00> : vector<1xf32>
    %reduce_sum3A_1169 = vector.multi_reduction <add>, %select_n3A_1167, %reduce_sum3A_1168 [0] : vector<256x1xf32> to vector<1xf32>
    %broadcast_in_dim3A_1170 = vector.shape_cast %reduce_sum3A_1169 : vector<1xf32> to vector<1x1xf32>
    %swap3A_1171 = arith.constant 30 : index
    %swap3A_1172 = arith.constant 0 : index
    %swap3A_1173 = vector.load %arg7[%swap3A_1171, %swap3A_1172] : memref<64x1xf32, #tpu.memory_space<vmem>>, vector<1x1xf32>
    tpu.vector_store %arg7[%swap3A_1171, %swap3A_1172], %broadcast_in_dim3A_1170 {strides = array<i32>} : memref<64x1xf32, #tpu.memory_space<vmem>>, vector<1x1xf32>,
    %get3A_1174 = arith.constant 31 : index
    %get3A_1175 = arith.constant 0 : index
    %get3A_1176 = arith.constant 0 : index
    %get3A_1177 = vector.load %arg1[%get3A_1174, %get3A_1175, %get3A_1176] : memref<64x256x88xi8, #tpu.memory_space<vmem>>, vector<1x256x88xi8>
    %get3A_1178 = vector.shape_cast %get3A_1177 : vector<1x256x88xi8> to vector<256x88xi8>
    %convert_element_type3A_1179 = arith.sitofp %get3A_1178 : vector<256x88xi8> to vector<256x88xbf16>
    %dot_general3A_1180 = arith.constant dense<0.000000e+00> : vector<256x128xf32>
    %dot_general3A_1181 = tpu.matmul %convert_element_type3A_1179, %convert_element_type3A, %dot_general3A_1180 {dimension_numbers = #tpu.dot_dimension_numbers<[1], [1], [0], [0], [0, 0, 1, 0], [], []>, transpose_lhs_hint = false} : vector<256x88xbf16>, vector<128x88xbf16>, vector<256x128xf32> -> vector<256x128xf32>
    %add3A_1182 = vector.broadcast %reshape3A : vector<1x128xf32> to vector<256x128xf32>
    %add3A_1183 = arith.addf %dot_general3A_1181, %add3A_1182 : vector<256x128xf32>
    %reduce_max3A_1184 = arith.constant dense<0xFF800000> : vector<256xf32>
    %reduce_max3A_1185 = vector.multi_reduction <maximumf>, %add3A_1183, %reduce_max3A_1184 [1] : vector<256x128xf32> to vector<256xf32>
    %broadcast_in_dim3A_1186 = vector.shape_cast %reduce_max3A_1185 : vector<256xf32> to vector<256x1xf32>
    %sub3A_1187 = vector.broadcast %broadcast_in_dim3A_1186 : vector<256x1xf32> to vector<256x128xf32>
    %sub3A_1188 = arith.subf %add3A_1183, %sub3A_1187 : vector<256x128xf32>
    %exp3A_1189 = math.exp %sub3A_1188 : vector<256x128xf32>
    %convert_element_type3A_1190 = arith.truncf %exp3A_1189 : vector<256x128xf32> to vector<256x128xbf16>
    %swap3A_1191 = arith.constant 31 : index
    %swap3A_1192 = arith.constant 0 : index
    %swap3A_1193 = arith.constant 0 : index
    %swap3A_1194 = vector.load %arg6[%swap3A_1191, %swap3A_1192, %swap3A_1193] : memref<64x256x128xbf16, #tpu.memory_space<vmem>>, vector<1x256x128xbf16>
    %swap3A_1195 = vector.shape_cast %swap3A_1194 : vector<1x256x128xbf16> to vector<256x128xbf16>
    %swap3A_1196 = vector.shape_cast %convert_element_type3A_1190 : vector<256x128xbf16> to vector<1x256x128xbf16>
    tpu.vector_store %arg6[%swap3A_1191, %swap3A_1192, %swap3A_1193], %swap3A_1196 {strides = array<i32>} : memref<64x256x128xbf16, #tpu.memory_space<vmem>>, vector<1x256x128xbf16>,
    %get3A_1197 = arith.constant 31 : index
    %get3A_1198 = arith.constant 0 : index
    %get3A_1199 = vector.load %arg4[%get3A_1197, %get3A_1198] : memref<64x1xi32, #tpu.memory_space<vmem>>, vector<1x1xi32>
    %get3A_1200 = vector.extract %get3A_1199[0, 0] : i32 from vector<1x1xi32>
    %lt3A_1201 = vector.broadcast %get3A_1200 : i32 to vector<256x1xi32>
    %lt3A_1202 = arith.cmpi slt, %iota3A, %lt3A_1201 : vector<256x1xi32>
    %jit3A_1203 = arith.constant 0.000000e+00 : f32
    %broadcast_in_dim3A_1204 = vector.broadcast %jit3A_1203 : f32 to vector<256x1xf32>
    %select_n3A_1205 = arith.select %lt3A_1202, %broadcast_in_dim3A_1186, %broadcast_in_dim3A_1204 : vector<256x1xi1>, vector<256x1xf32>
    %reduce_sum3A_1206 = arith.constant dense<0.000000e+00> : vector<1xf32>
    %reduce_sum3A_1207 = vector.multi_reduction <add>, %select_n3A_1205, %reduce_sum3A_1206 [0] : vector<256x1xf32> to vector<1xf32>
    %broadcast_in_dim3A_1208 = vector.shape_cast %reduce_sum3A_1207 : vector<1xf32> to vector<1x1xf32>
    %swap3A_1209 = arith.constant 31 : index
    %swap3A_1210 = arith.constant 0 : index
    %swap3A_1211 = vector.load %arg7[%swap3A_1209, %swap3A_1210] : memref<64x1xf32, #tpu.memory_space<vmem>>, vector<1x1xf32>
    tpu.vector_store %arg7[%swap3A_1209, %swap3A_1210], %broadcast_in_dim3A_1208 {strides = array<i32>} : memref<64x1xf32, #tpu.memory_space<vmem>>, vector<1x1xf32>,
    %get3A_1212 = arith.constant 32 : index
    %get3A_1213 = arith.constant 0 : index
    %get3A_1214 = arith.constant 0 : index
    %get3A_1215 = vector.load %arg1[%get3A_1212, %get3A_1213, %get3A_1214] : memref<64x256x88xi8, #tpu.memory_space<vmem>>, vector<1x256x88xi8>
    %get3A_1216 = vector.shape_cast %get3A_1215 : vector<1x256x88xi8> to vector<256x88xi8>
    %convert_element_type3A_1217 = arith.sitofp %get3A_1216 : vector<256x88xi8> to vector<256x88xbf16>
    %dot_general3A_1218 = arith.constant dense<0.000000e+00> : vector<256x128xf32>
    %dot_general3A_1219 = tpu.matmul %convert_element_type3A_1217, %convert_element_type3A, %dot_general3A_1218 {dimension_numbers = #tpu.dot_dimension_numbers<[1], [1], [0], [0], [0, 0, 1, 0], [], []>, transpose_lhs_hint = false} : vector<256x88xbf16>, vector<128x88xbf16>, vector<256x128xf32> -> vector<256x128xf32>
    %add3A_1220 = vector.broadcast %reshape3A : vector<1x128xf32> to vector<256x128xf32>
    %add3A_1221 = arith.addf %dot_general3A_1219, %add3A_1220 : vector<256x128xf32>
    %reduce_max3A_1222 = arith.constant dense<0xFF800000> : vector<256xf32>
    %reduce_max3A_1223 = vector.multi_reduction <maximumf>, %add3A_1221, %reduce_max3A_1222 [1] : vector<256x128xf32> to vector<256xf32>
    %broadcast_in_dim3A_1224 = vector.shape_cast %reduce_max3A_1223 : vector<256xf32> to vector<256x1xf32>
    %sub3A_1225 = vector.broadcast %broadcast_in_dim3A_1224 : vector<256x1xf32> to vector<256x128xf32>
    %sub3A_1226 = arith.subf %add3A_1221, %sub3A_1225 : vector<256x128xf32>
    %exp3A_1227 = math.exp %sub3A_1226 : vector<256x128xf32>
    %convert_element_type3A_1228 = arith.truncf %exp3A_1227 : vector<256x128xf32> to vector<256x128xbf16>
    %swap3A_1229 = arith.constant 32 : index
    %swap3A_1230 = arith.constant 0 : index
    %swap3A_1231 = arith.constant 0 : index
    %swap3A_1232 = vector.load %arg6[%swap3A_1229, %swap3A_1230, %swap3A_1231] : memref<64x256x128xbf16, #tpu.memory_space<vmem>>, vector<1x256x128xbf16>
    %swap3A_1233 = vector.shape_cast %swap3A_1232 : vector<1x256x128xbf16> to vector<256x128xbf16>
    %swap3A_1234 = vector.shape_cast %convert_element_type3A_1228 : vector<256x128xbf16> to vector<1x256x128xbf16>
    tpu.vector_store %arg6[%swap3A_1229, %swap3A_1230, %swap3A_1231], %swap3A_1234 {strides = array<i32>} : memref<64x256x128xbf16, #tpu.memory_space<vmem>>, vector<1x256x128xbf16>,
    %get3A_1235 = arith.constant 32 : index
    %get3A_1236 = arith.constant 0 : index
    %get3A_1237 = vector.load %arg4[%get3A_1235, %get3A_1236] : memref<64x1xi32, #tpu.memory_space<vmem>>, vector<1x1xi32>
    %get3A_1238 = vector.extract %get3A_1237[0, 0] : i32 from vector<1x1xi32>
    %lt3A_1239 = vector.broadcast %get3A_1238 : i32 to vector<256x1xi32>
    %lt3A_1240 = arith.cmpi slt, %iota3A, %lt3A_1239 : vector<256x1xi32>
    %jit3A_1241 = arith.constant 0.000000e+00 : f32
    %broadcast_in_dim3A_1242 = vector.broadcast %jit3A_1241 : f32 to vector<256x1xf32>
    %select_n3A_1243 = arith.select %lt3A_1240, %broadcast_in_dim3A_1224, %broadcast_in_dim3A_1242 : vector<256x1xi1>, vector<256x1xf32>
    %reduce_sum3A_1244 = arith.constant dense<0.000000e+00> : vector<1xf32>
    %reduce_sum3A_1245 = vector.multi_reduction <add>, %select_n3A_1243, %reduce_sum3A_1244 [0] : vector<256x1xf32> to vector<1xf32>
    %broadcast_in_dim3A_1246 = vector.shape_cast %reduce_sum3A_1245 : vector<1xf32> to vector<1x1xf32>
    %swap3A_1247 = arith.constant 32 : index
    %swap3A_1248 = arith.constant 0 : index
    %swap3A_1249 = vector.load %arg7[%swap3A_1247, %swap3A_1248] : memref<64x1xf32, #tpu.memory_space<vmem>>, vector<1x1xf32>
    tpu.vector_store %arg7[%swap3A_1247, %swap3A_1248], %broadcast_in_dim3A_1246 {strides = array<i32>} : memref<64x1xf32, #tpu.memory_space<vmem>>, vector<1x1xf32>,
    %get3A_1250 = arith.constant 33 : index
    %get3A_1251 = arith.constant 0 : index
    %get3A_1252 = arith.constant 0 : index
    %get3A_1253 = vector.load %arg1[%get3A_1250, %get3A_1251, %get3A_1252] : memref<64x256x88xi8, #tpu.memory_space<vmem>>, vector<1x256x88xi8>
    %get3A_1254 = vector.shape_cast %get3A_1253 : vector<1x256x88xi8> to vector<256x88xi8>
    %convert_element_type3A_1255 = arith.sitofp %get3A_1254 : vector<256x88xi8> to vector<256x88xbf16>
    %dot_general3A_1256 = arith.constant dense<0.000000e+00> : vector<256x128xf32>
    %dot_general3A_1257 = tpu.matmul %convert_element_type3A_1255, %convert_element_type3A, %dot_general3A_1256 {dimension_numbers = #tpu.dot_dimension_numbers<[1], [1], [0], [0], [0, 0, 1, 0], [], []>, transpose_lhs_hint = false} : vector<256x88xbf16>, vector<128x88xbf16>, vector<256x128xf32> -> vector<256x128xf32>
    %add3A_1258 = vector.broadcast %reshape3A : vector<1x128xf32> to vector<256x128xf32>
    %add3A_1259 = arith.addf %dot_general3A_1257, %add3A_1258 : vector<256x128xf32>
    %reduce_max3A_1260 = arith.constant dense<0xFF800000> : vector<256xf32>
    %reduce_max3A_1261 = vector.multi_reduction <maximumf>, %add3A_1259, %reduce_max3A_1260 [1] : vector<256x128xf32> to vector<256xf32>
    %broadcast_in_dim3A_1262 = vector.shape_cast %reduce_max3A_1261 : vector<256xf32> to vector<256x1xf32>
    %sub3A_1263 = vector.broadcast %broadcast_in_dim3A_1262 : vector<256x1xf32> to vector<256x128xf32>
    %sub3A_1264 = arith.subf %add3A_1259, %sub3A_1263 : vector<256x128xf32>
    %exp3A_1265 = math.exp %sub3A_1264 : vector<256x128xf32>
    %convert_element_type3A_1266 = arith.truncf %exp3A_1265 : vector<256x128xf32> to vector<256x128xbf16>
    %swap3A_1267 = arith.constant 33 : index
    %swap3A_1268 = arith.constant 0 : index
    %swap3A_1269 = arith.constant 0 : index
    %swap3A_1270 = vector.load %arg6[%swap3A_1267, %swap3A_1268, %swap3A_1269] : memref<64x256x128xbf16, #tpu.memory_space<vmem>>, vector<1x256x128xbf16>
    %swap3A_1271 = vector.shape_cast %swap3A_1270 : vector<1x256x128xbf16> to vector<256x128xbf16>
    %swap3A_1272 = vector.shape_cast %convert_element_type3A_1266 : vector<256x128xbf16> to vector<1x256x128xbf16>
    tpu.vector_store %arg6[%swap3A_1267, %swap3A_1268, %swap3A_1269], %swap3A_1272 {strides = array<i32>} : memref<64x256x128xbf16, #tpu.memory_space<vmem>>, vector<1x256x128xbf16>,
    %get3A_1273 = arith.constant 33 : index
    %get3A_1274 = arith.constant 0 : index
    %get3A_1275 = vector.load %arg4[%get3A_1273, %get3A_1274] : memref<64x1xi32, #tpu.memory_space<vmem>>, vector<1x1xi32>
    %get3A_1276 = vector.extract %get3A_1275[0, 0] : i32 from vector<1x1xi32>
    %lt3A_1277 = vector.broadcast %get3A_1276 : i32 to vector<256x1xi32>
    %lt3A_1278 = arith.cmpi slt, %iota3A, %lt3A_1277 : vector<256x1xi32>
    %jit3A_1279 = arith.constant 0.000000e+00 : f32
    %broadcast_in_dim3A_1280 = vector.broadcast %jit3A_1279 : f32 to vector<256x1xf32>
    %select_n3A_1281 = arith.select %lt3A_1278, %broadcast_in_dim3A_1262, %broadcast_in_dim3A_1280 : vector<256x1xi1>, vector<256x1xf32>
    %reduce_sum3A_1282 = arith.constant dense<0.000000e+00> : vector<1xf32>
    %reduce_sum3A_1283 = vector.multi_reduction <add>, %select_n3A_1281, %reduce_sum3A_1282 [0] : vector<256x1xf32> to vector<1xf32>
    %broadcast_in_dim3A_1284 = vector.shape_cast %reduce_sum3A_1283 : vector<1xf32> to vector<1x1xf32>
    %swap3A_1285 = arith.constant 33 : index
    %swap3A_1286 = arith.constant 0 : index
    %swap3A_1287 = vector.load %arg7[%swap3A_1285, %swap3A_1286] : memref<64x1xf32, #tpu.memory_space<vmem>>, vector<1x1xf32>
    tpu.vector_store %arg7[%swap3A_1285, %swap3A_1286], %broadcast_in_dim3A_1284 {strides = array<i32>} : memref<64x1xf32, #tpu.memory_space<vmem>>, vector<1x1xf32>,
    %get3A_1288 = arith.constant 34 : index
    %get3A_1289 = arith.constant 0 : index
    %get3A_1290 = arith.constant 0 : index
    %get3A_1291 = vector.load %arg1[%get3A_1288, %get3A_1289, %get3A_1290] : memref<64x256x88xi8, #tpu.memory_space<vmem>>, vector<1x256x88xi8>
    %get3A_1292 = vector.shape_cast %get3A_1291 : vector<1x256x88xi8> to vector<256x88xi8>
    %convert_element_type3A_1293 = arith.sitofp %get3A_1292 : vector<256x88xi8> to vector<256x88xbf16>
    %dot_general3A_1294 = arith.constant dense<0.000000e+00> : vector<256x128xf32>
    %dot_general3A_1295 = tpu.matmul %convert_element_type3A_1293, %convert_element_type3A, %dot_general3A_1294 {dimension_numbers = #tpu.dot_dimension_numbers<[1], [1], [0], [0], [0, 0, 1, 0], [], []>, transpose_lhs_hint = false} : vector<256x88xbf16>, vector<128x88xbf16>, vector<256x128xf32> -> vector<256x128xf32>
    %add3A_1296 = vector.broadcast %reshape3A : vector<1x128xf32> to vector<256x128xf32>
    %add3A_1297 = arith.addf %dot_general3A_1295, %add3A_1296 : vector<256x128xf32>
    %reduce_max3A_1298 = arith.constant dense<0xFF800000> : vector<256xf32>
    %reduce_max3A_1299 = vector.multi_reduction <maximumf>, %add3A_1297, %reduce_max3A_1298 [1] : vector<256x128xf32> to vector<256xf32>
    %broadcast_in_dim3A_1300 = vector.shape_cast %reduce_max3A_1299 : vector<256xf32> to vector<256x1xf32>
    %sub3A_1301 = vector.broadcast %broadcast_in_dim3A_1300 : vector<256x1xf32> to vector<256x128xf32>
    %sub3A_1302 = arith.subf %add3A_1297, %sub3A_1301 : vector<256x128xf32>
    %exp3A_1303 = math.exp %sub3A_1302 : vector<256x128xf32>
    %convert_element_type3A_1304 = arith.truncf %exp3A_1303 : vector<256x128xf32> to vector<256x128xbf16>
    %swap3A_1305 = arith.constant 34 : index
    %swap3A_1306 = arith.constant 0 : index
    %swap3A_1307 = arith.constant 0 : index
    %swap3A_1308 = vector.load %arg6[%swap3A_1305, %swap3A_1306, %swap3A_1307] : memref<64x256x128xbf16, #tpu.memory_space<vmem>>, vector<1x256x128xbf16>
    %swap3A_1309 = vector.shape_cast %swap3A_1308 : vector<1x256x128xbf16> to vector<256x128xbf16>
    %swap3A_1310 = vector.shape_cast %convert_element_type3A_1304 : vector<256x128xbf16> to vector<1x256x128xbf16>
    tpu.vector_store %arg6[%swap3A_1305, %swap3A_1306, %swap3A_1307], %swap3A_1310 {strides = array<i32>} : memref<64x256x128xbf16, #tpu.memory_space<vmem>>, vector<1x256x128xbf16>,
    %get3A_1311 = arith.constant 34 : index
    %get3A_1312 = arith.constant 0 : index
    %get3A_1313 = vector.load %arg4[%get3A_1311, %get3A_1312] : memref<64x1xi32, #tpu.memory_space<vmem>>, vector<1x1xi32>
    %get3A_1314 = vector.extract %get3A_1313[0, 0] : i32 from vector<1x1xi32>
    %lt3A_1315 = vector.broadcast %get3A_1314 : i32 to vector<256x1xi32>
    %lt3A_1316 = arith.cmpi slt, %iota3A, %lt3A_1315 : vector<256x1xi32>
    %jit3A_1317 = arith.constant 0.000000e+00 : f32
    %broadcast_in_dim3A_1318 = vector.broadcast %jit3A_1317 : f32 to vector<256x1xf32>
    %select_n3A_1319 = arith.select %lt3A_1316, %broadcast_in_dim3A_1300, %broadcast_in_dim3A_1318 : vector<256x1xi1>, vector<256x1xf32>
    %reduce_sum3A_1320 = arith.constant dense<0.000000e+00> : vector<1xf32>
    %reduce_sum3A_1321 = vector.multi_reduction <add>, %select_n3A_1319, %reduce_sum3A_1320 [0] : vector<256x1xf32> to vector<1xf32>
    %broadcast_in_dim3A_1322 = vector.shape_cast %reduce_sum3A_1321 : vector<1xf32> to vector<1x1xf32>
    %swap3A_1323 = arith.constant 34 : index
    %swap3A_1324 = arith.constant 0 : index
    %swap3A_1325 = vector.load %arg7[%swap3A_1323, %swap3A_1324] : memref<64x1xf32, #tpu.memory_space<vmem>>, vector<1x1xf32>
    tpu.vector_store %arg7[%swap3A_1323, %swap3A_1324], %broadcast_in_dim3A_1322 {strides = array<i32>} : memref<64x1xf32, #tpu.memory_space<vmem>>, vector<1x1xf32>,
    %get3A_1326 = arith.constant 35 : index
    %get3A_1327 = arith.constant 0 : index
    %get3A_1328 = arith.constant 0 : index
    %get3A_1329 = vector.load %arg1[%get3A_1326, %get3A_1327, %get3A_1328] : memref<64x256x88xi8, #tpu.memory_space<vmem>>, vector<1x256x88xi8>
    %get3A_1330 = vector.shape_cast %get3A_1329 : vector<1x256x88xi8> to vector<256x88xi8>
    %convert_element_type3A_1331 = arith.sitofp %get3A_1330 : vector<256x88xi8> to vector<256x88xbf16>
    %dot_general3A_1332 = arith.constant dense<0.000000e+00> : vector<256x128xf32>
    %dot_general3A_1333 = tpu.matmul %convert_element_type3A_1331, %convert_element_type3A, %dot_general3A_1332 {dimension_numbers = #tpu.dot_dimension_numbers<[1], [1], [0], [0], [0, 0, 1, 0], [], []>, transpose_lhs_hint = false} : vector<256x88xbf16>, vector<128x88xbf16>, vector<256x128xf32> -> vector<256x128xf32>
    %add3A_1334 = vector.broadcast %reshape3A : vector<1x128xf32> to vector<256x128xf32>
    %add3A_1335 = arith.addf %dot_general3A_1333, %add3A_1334 : vector<256x128xf32>
    %reduce_max3A_1336 = arith.constant dense<0xFF800000> : vector<256xf32>
    %reduce_max3A_1337 = vector.multi_reduction <maximumf>, %add3A_1335, %reduce_max3A_1336 [1] : vector<256x128xf32> to vector<256xf32>
    %broadcast_in_dim3A_1338 = vector.shape_cast %reduce_max3A_1337 : vector<256xf32> to vector<256x1xf32>
    %sub3A_1339 = vector.broadcast %broadcast_in_dim3A_1338 : vector<256x1xf32> to vector<256x128xf32>
    %sub3A_1340 = arith.subf %add3A_1335, %sub3A_1339 : vector<256x128xf32>
    %exp3A_1341 = math.exp %sub3A_1340 : vector<256x128xf32>
    %convert_element_type3A_1342 = arith.truncf %exp3A_1341 : vector<256x128xf32> to vector<256x128xbf16>
    %swap3A_1343 = arith.constant 35 : index
    %swap3A_1344 = arith.constant 0 : index
    %swap3A_1345 = arith.constant 0 : index
    %swap3A_1346 = vector.load %arg6[%swap3A_1343, %swap3A_1344, %swap3A_1345] : memref<64x256x128xbf16, #tpu.memory_space<vmem>>, vector<1x256x128xbf16>
    %swap3A_1347 = vector.shape_cast %swap3A_1346 : vector<1x256x128xbf16> to vector<256x128xbf16>
    %swap3A_1348 = vector.shape_cast %convert_element_type3A_1342 : vector<256x128xbf16> to vector<1x256x128xbf16>
    tpu.vector_store %arg6[%swap3A_1343, %swap3A_1344, %swap3A_1345], %swap3A_1348 {strides = array<i32>} : memref<64x256x128xbf16, #tpu.memory_space<vmem>>, vector<1x256x128xbf16>,
    %get3A_1349 = arith.constant 35 : index
    %get3A_1350 = arith.constant 0 : index
    %get3A_1351 = vector.load %arg4[%get3A_1349, %get3A_1350] : memref<64x1xi32, #tpu.memory_space<vmem>>, vector<1x1xi32>
    %get3A_1352 = vector.extract %get3A_1351[0, 0] : i32 from vector<1x1xi32>
    %lt3A_1353 = vector.broadcast %get3A_1352 : i32 to vector<256x1xi32>
    %lt3A_1354 = arith.cmpi slt, %iota3A, %lt3A_1353 : vector<256x1xi32>
    %jit3A_1355 = arith.constant 0.000000e+00 : f32
    %broadcast_in_dim3A_1356 = vector.broadcast %jit3A_1355 : f32 to vector<256x1xf32>
    %select_n3A_1357 = arith.select %lt3A_1354, %broadcast_in_dim3A_1338, %broadcast_in_dim3A_1356 : vector<256x1xi1>, vector<256x1xf32>
    %reduce_sum3A_1358 = arith.constant dense<0.000000e+00> : vector<1xf32>
    %reduce_sum3A_1359 = vector.multi_reduction <add>, %select_n3A_1357, %reduce_sum3A_1358 [0] : vector<256x1xf32> to vector<1xf32>
    %broadcast_in_dim3A_1360 = vector.shape_cast %reduce_sum3A_1359 : vector<1xf32> to vector<1x1xf32>
    %swap3A_1361 = arith.constant 35 : index
    %swap3A_1362 = arith.constant 0 : index
    %swap3A_1363 = vector.load %arg7[%swap3A_1361, %swap3A_1362] : memref<64x1xf32, #tpu.memory_space<vmem>>, vector<1x1xf32>
    tpu.vector_store %arg7[%swap3A_1361, %swap3A_1362], %broadcast_in_dim3A_1360 {strides = array<i32>} : memref<64x1xf32, #tpu.memory_space<vmem>>, vector<1x1xf32>,
    %get3A_1364 = arith.constant 36 : index
    %get3A_1365 = arith.constant 0 : index
    %get3A_1366 = arith.constant 0 : index
    %get3A_1367 = vector.load %arg1[%get3A_1364, %get3A_1365, %get3A_1366] : memref<64x256x88xi8, #tpu.memory_space<vmem>>, vector<1x256x88xi8>
    %get3A_1368 = vector.shape_cast %get3A_1367 : vector<1x256x88xi8> to vector<256x88xi8>
    %convert_element_type3A_1369 = arith.sitofp %get3A_1368 : vector<256x88xi8> to vector<256x88xbf16>
    %dot_general3A_1370 = arith.constant dense<0.000000e+00> : vector<256x128xf32>
    %dot_general3A_1371 = tpu.matmul %convert_element_type3A_1369, %convert_element_type3A, %dot_general3A_1370 {dimension_numbers = #tpu.dot_dimension_numbers<[1], [1], [0], [0], [0, 0, 1, 0], [], []>, transpose_lhs_hint = false} : vector<256x88xbf16>, vector<128x88xbf16>, vector<256x128xf32> -> vector<256x128xf32>
    %add3A_1372 = vector.broadcast %reshape3A : vector<1x128xf32> to vector<256x128xf32>
    %add3A_1373 = arith.addf %dot_general3A_1371, %add3A_1372 : vector<256x128xf32>
    %reduce_max3A_1374 = arith.constant dense<0xFF800000> : vector<256xf32>
    %reduce_max3A_1375 = vector.multi_reduction <maximumf>, %add3A_1373, %reduce_max3A_1374 [1] : vector<256x128xf32> to vector<256xf32>
    %broadcast_in_dim3A_1376 = vector.shape_cast %reduce_max3A_1375 : vector<256xf32> to vector<256x1xf32>
    %sub3A_1377 = vector.broadcast %broadcast_in_dim3A_1376 : vector<256x1xf32> to vector<256x128xf32>
    %sub3A_1378 = arith.subf %add3A_1373, %sub3A_1377 : vector<256x128xf32>
    %exp3A_1379 = math.exp %sub3A_1378 : vector<256x128xf32>
    %convert_element_type3A_1380 = arith.truncf %exp3A_1379 : vector<256x128xf32> to vector<256x128xbf16>
    %swap3A_1381 = arith.constant 36 : index
    %swap3A_1382 = arith.constant 0 : index
    %swap3A_1383 = arith.constant 0 : index
    %swap3A_1384 = vector.load %arg6[%swap3A_1381, %swap3A_1382, %swap3A_1383] : memref<64x256x128xbf16, #tpu.memory_space<vmem>>, vector<1x256x128xbf16>
    %swap3A_1385 = vector.shape_cast %swap3A_1384 : vector<1x256x128xbf16> to vector<256x128xbf16>
    %swap3A_1386 = vector.shape_cast %convert_element_type3A_1380 : vector<256x128xbf16> to vector<1x256x128xbf16>
    tpu.vector_store %arg6[%swap3A_1381, %swap3A_1382, %swap3A_1383], %swap3A_1386 {strides = array<i32>} : memref<64x256x128xbf16, #tpu.memory_space<vmem>>, vector<1x256x128xbf16>,
    %get3A_1387 = arith.constant 36 : index
    %get3A_1388 = arith.constant 0 : index
    %get3A_1389 = vector.load %arg4[%get3A_1387, %get3A_1388] : memref<64x1xi32, #tpu.memory_space<vmem>>, vector<1x1xi32>
    %get3A_1390 = vector.extract %get3A_1389[0, 0] : i32 from vector<1x1xi32>
    %lt3A_1391 = vector.broadcast %get3A_1390 : i32 to vector<256x1xi32>
    %lt3A_1392 = arith.cmpi slt, %iota3A, %lt3A_1391 : vector<256x1xi32>
    %jit3A_1393 = arith.constant 0.000000e+00 : f32
    %broadcast_in_dim3A_1394 = vector.broadcast %jit3A_1393 : f32 to vector<256x1xf32>
    %select_n3A_1395 = arith.select %lt3A_1392, %broadcast_in_dim3A_1376, %broadcast_in_dim3A_1394 : vector<256x1xi1>, vector<256x1xf32>
    %reduce_sum3A_1396 = arith.constant dense<0.000000e+00> : vector<1xf32>
    %reduce_sum3A_1397 = vector.multi_reduction <add>, %select_n3A_1395, %reduce_sum3A_1396 [0] : vector<256x1xf32> to vector<1xf32>
    %broadcast_in_dim3A_1398 = vector.shape_cast %reduce_sum3A_1397 : vector<1xf32> to vector<1x1xf32>
    %swap3A_1399 = arith.constant 36 : index
    %swap3A_1400 = arith.constant 0 : index
    %swap3A_1401 = vector.load %arg7[%swap3A_1399, %swap3A_1400] : memref<64x1xf32, #tpu.memory_space<vmem>>, vector<1x1xf32>
    tpu.vector_store %arg7[%swap3A_1399, %swap3A_1400], %broadcast_in_dim3A_1398 {strides = array<i32>} : memref<64x1xf32, #tpu.memory_space<vmem>>, vector<1x1xf32>,
    %get3A_1402 = arith.constant 37 : index
    %get3A_1403 = arith.constant 0 : index
    %get3A_1404 = arith.constant 0 : index
    %get3A_1405 = vector.load %arg1[%get3A_1402, %get3A_1403, %get3A_1404] : memref<64x256x88xi8, #tpu.memory_space<vmem>>, vector<1x256x88xi8>
    %get3A_1406 = vector.shape_cast %get3A_1405 : vector<1x256x88xi8> to vector<256x88xi8>
    %convert_element_type3A_1407 = arith.sitofp %get3A_1406 : vector<256x88xi8> to vector<256x88xbf16>
    %dot_general3A_1408 = arith.constant dense<0.000000e+00> : vector<256x128xf32>
    %dot_general3A_1409 = tpu.matmul %convert_element_type3A_1407, %convert_element_type3A, %dot_general3A_1408 {dimension_numbers = #tpu.dot_dimension_numbers<[1], [1], [0], [0], [0, 0, 1, 0], [], []>, transpose_lhs_hint = false} : vector<256x88xbf16>, vector<128x88xbf16>, vector<256x128xf32> -> vector<256x128xf32>
    %add3A_1410 = vector.broadcast %reshape3A : vector<1x128xf32> to vector<256x128xf32>
    %add3A_1411 = arith.addf %dot_general3A_1409, %add3A_1410 : vector<256x128xf32>
    %reduce_max3A_1412 = arith.constant dense<0xFF800000> : vector<256xf32>
    %reduce_max3A_1413 = vector.multi_reduction <maximumf>, %add3A_1411, %reduce_max3A_1412 [1] : vector<256x128xf32> to vector<256xf32>
    %broadcast_in_dim3A_1414 = vector.shape_cast %reduce_max3A_1413 : vector<256xf32> to vector<256x1xf32>
    %sub3A_1415 = vector.broadcast %broadcast_in_dim3A_1414 : vector<256x1xf32> to vector<256x128xf32>
    %sub3A_1416 = arith.subf %add3A_1411, %sub3A_1415 : vector<256x128xf32>
    %exp3A_1417 = math.exp %sub3A_1416 : vector<256x128xf32>
    %convert_element_type3A_1418 = arith.truncf %exp3A_1417 : vector<256x128xf32> to vector<256x128xbf16>
    %swap3A_1419 = arith.constant 37 : index
    %swap3A_1420 = arith.constant 0 : index
    %swap3A_1421 = arith.constant 0 : index
    %swap3A_1422 = vector.load %arg6[%swap3A_1419, %swap3A_1420, %swap3A_1421] : memref<64x256x128xbf16, #tpu.memory_space<vmem>>, vector<1x256x128xbf16>
    %swap3A_1423 = vector.shape_cast %swap3A_1422 : vector<1x256x128xbf16> to vector<256x128xbf16>
    %swap3A_1424 = vector.shape_cast %convert_element_type3A_1418 : vector<256x128xbf16> to vector<1x256x128xbf16>
    tpu.vector_store %arg6[%swap3A_1419, %swap3A_1420, %swap3A_1421], %swap3A_1424 {strides = array<i32>} : memref<64x256x128xbf16, #tpu.memory_space<vmem>>, vector<1x256x128xbf16>,
    %get3A_1425 = arith.constant 37 : index
    %get3A_1426 = arith.constant 0 : index
    %get3A_1427 = vector.load %arg4[%get3A_1425, %get3A_1426] : memref<64x1xi32, #tpu.memory_space<vmem>>, vector<1x1xi32>
    %get3A_1428 = vector.extract %get3A_1427[0, 0] : i32 from vector<1x1xi32>
    %lt3A_1429 = vector.broadcast %get3A_1428 : i32 to vector<256x1xi32>
    %lt3A_1430 = arith.cmpi slt, %iota3A, %lt3A_1429 : vector<256x1xi32>
    %jit3A_1431 = arith.constant 0.000000e+00 : f32
    %broadcast_in_dim3A_1432 = vector.broadcast %jit3A_1431 : f32 to vector<256x1xf32>
    %select_n3A_1433 = arith.select %lt3A_1430, %broadcast_in_dim3A_1414, %broadcast_in_dim3A_1432 : vector<256x1xi1>, vector<256x1xf32>
    %reduce_sum3A_1434 = arith.constant dense<0.000000e+00> : vector<1xf32>
    %reduce_sum3A_1435 = vector.multi_reduction <add>, %select_n3A_1433, %reduce_sum3A_1434 [0] : vector<256x1xf32> to vector<1xf32>
    %broadcast_in_dim3A_1436 = vector.shape_cast %reduce_sum3A_1435 : vector<1xf32> to vector<1x1xf32>
    %swap3A_1437 = arith.constant 37 : index
    %swap3A_1438 = arith.constant 0 : index
    %swap3A_1439 = vector.load %arg7[%swap3A_1437, %swap3A_1438] : memref<64x1xf32, #tpu.memory_space<vmem>>, vector<1x1xf32>
    tpu.vector_store %arg7[%swap3A_1437, %swap3A_1438], %broadcast_in_dim3A_1436 {strides = array<i32>} : memref<64x1xf32, #tpu.memory_space<vmem>>, vector<1x1xf32>,
    %get3A_1440 = arith.constant 38 : index
    %get3A_1441 = arith.constant 0 : index
    %get3A_1442 = arith.constant 0 : index
    %get3A_1443 = vector.load %arg1[%get3A_1440, %get3A_1441, %get3A_1442] : memref<64x256x88xi8, #tpu.memory_space<vmem>>, vector<1x256x88xi8>
    %get3A_1444 = vector.shape_cast %get3A_1443 : vector<1x256x88xi8> to vector<256x88xi8>
    %convert_element_type3A_1445 = arith.sitofp %get3A_1444 : vector<256x88xi8> to vector<256x88xbf16>
    %dot_general3A_1446 = arith.constant dense<0.000000e+00> : vector<256x128xf32>
    %dot_general3A_1447 = tpu.matmul %convert_element_type3A_1445, %convert_element_type3A, %dot_general3A_1446 {dimension_numbers = #tpu.dot_dimension_numbers<[1], [1], [0], [0], [0, 0, 1, 0], [], []>, transpose_lhs_hint = false} : vector<256x88xbf16>, vector<128x88xbf16>, vector<256x128xf32> -> vector<256x128xf32>
    %add3A_1448 = vector.broadcast %reshape3A : vector<1x128xf32> to vector<256x128xf32>
    %add3A_1449 = arith.addf %dot_general3A_1447, %add3A_1448 : vector<256x128xf32>
    %reduce_max3A_1450 = arith.constant dense<0xFF800000> : vector<256xf32>
    %reduce_max3A_1451 = vector.multi_reduction <maximumf>, %add3A_1449, %reduce_max3A_1450 [1] : vector<256x128xf32> to vector<256xf32>
    %broadcast_in_dim3A_1452 = vector.shape_cast %reduce_max3A_1451 : vector<256xf32> to vector<256x1xf32>
    %sub3A_1453 = vector.broadcast %broadcast_in_dim3A_1452 : vector<256x1xf32> to vector<256x128xf32>
    %sub3A_1454 = arith.subf %add3A_1449, %sub3A_1453 : vector<256x128xf32>
    %exp3A_1455 = math.exp %sub3A_1454 : vector<256x128xf32>
    %convert_element_type3A_1456 = arith.truncf %exp3A_1455 : vector<256x128xf32> to vector<256x128xbf16>
    %swap3A_1457 = arith.constant 38 : index
    %swap3A_1458 = arith.constant 0 : index
    %swap3A_1459 = arith.constant 0 : index
    %swap3A_1460 = vector.load %arg6[%swap3A_1457, %swap3A_1458, %swap3A_1459] : memref<64x256x128xbf16, #tpu.memory_space<vmem>>, vector<1x256x128xbf16>
    %swap3A_1461 = vector.shape_cast %swap3A_1460 : vector<1x256x128xbf16> to vector<256x128xbf16>
    %swap3A_1462 = vector.shape_cast %convert_element_type3A_1456 : vector<256x128xbf16> to vector<1x256x128xbf16>
    tpu.vector_store %arg6[%swap3A_1457, %swap3A_1458, %swap3A_1459], %swap3A_1462 {strides = array<i32>} : memref<64x256x128xbf16, #tpu.memory_space<vmem>>, vector<1x256x128xbf16>,
    %get3A_1463 = arith.constant 38 : index
    %get3A_1464 = arith.constant 0 : index
    %get3A_1465 = vector.load %arg4[%get3A_1463, %get3A_1464] : memref<64x1xi32, #tpu.memory_space<vmem>>, vector<1x1xi32>
    %get3A_1466 = vector.extract %get3A_1465[0, 0] : i32 from vector<1x1xi32>
    %lt3A_1467 = vector.broadcast %get3A_1466 : i32 to vector<256x1xi32>
    %lt3A_1468 = arith.cmpi slt, %iota3A, %lt3A_1467 : vector<256x1xi32>
    %jit3A_1469 = arith.constant 0.000000e+00 : f32
    %broadcast_in_dim3A_1470 = vector.broadcast %jit3A_1469 : f32 to vector<256x1xf32>
    %select_n3A_1471 = arith.select %lt3A_1468, %broadcast_in_dim3A_1452, %broadcast_in_dim3A_1470 : vector<256x1xi1>, vector<256x1xf32>
    %reduce_sum3A_1472 = arith.constant dense<0.000000e+00> : vector<1xf32>
    %reduce_sum3A_1473 = vector.multi_reduction <add>, %select_n3A_1471, %reduce_sum3A_1472 [0] : vector<256x1xf32> to vector<1xf32>
    %broadcast_in_dim3A_1474 = vector.shape_cast %reduce_sum3A_1473 : vector<1xf32> to vector<1x1xf32>
    %swap3A_1475 = arith.constant 38 : index
    %swap3A_1476 = arith.constant 0 : index
    %swap3A_1477 = vector.load %arg7[%swap3A_1475, %swap3A_1476] : memref<64x1xf32, #tpu.memory_space<vmem>>, vector<1x1xf32>
    tpu.vector_store %arg7[%swap3A_1475, %swap3A_1476], %broadcast_in_dim3A_1474 {strides = array<i32>} : memref<64x1xf32, #tpu.memory_space<vmem>>, vector<1x1xf32>,
    %get3A_1478 = arith.constant 39 : index
    %get3A_1479 = arith.constant 0 : index
    %get3A_1480 = arith.constant 0 : index
    %get3A_1481 = vector.load %arg1[%get3A_1478, %get3A_1479, %get3A_1480] : memref<64x256x88xi8, #tpu.memory_space<vmem>>, vector<1x256x88xi8>
    %get3A_1482 = vector.shape_cast %get3A_1481 : vector<1x256x88xi8> to vector<256x88xi8>
    %convert_element_type3A_1483 = arith.sitofp %get3A_1482 : vector<256x88xi8> to vector<256x88xbf16>
    %dot_general3A_1484 = arith.constant dense<0.000000e+00> : vector<256x128xf32>
    %dot_general3A_1485 = tpu.matmul %convert_element_type3A_1483, %convert_element_type3A, %dot_general3A_1484 {dimension_numbers = #tpu.dot_dimension_numbers<[1], [1], [0], [0], [0, 0, 1, 0], [], []>, transpose_lhs_hint = false} : vector<256x88xbf16>, vector<128x88xbf16>, vector<256x128xf32> -> vector<256x128xf32>
    %add3A_1486 = vector.broadcast %reshape3A : vector<1x128xf32> to vector<256x128xf32>
    %add3A_1487 = arith.addf %dot_general3A_1485, %add3A_1486 : vector<256x128xf32>
    %reduce_max3A_1488 = arith.constant dense<0xFF800000> : vector<256xf32>
    %reduce_max3A_1489 = vector.multi_reduction <maximumf>, %add3A_1487, %reduce_max3A_1488 [1] : vector<256x128xf32> to vector<256xf32>
    %broadcast_in_dim3A_1490 = vector.shape_cast %reduce_max3A_1489 : vector<256xf32> to vector<256x1xf32>
    %sub3A_1491 = vector.broadcast %broadcast_in_dim3A_1490 : vector<256x1xf32> to vector<256x128xf32>
    %sub3A_1492 = arith.subf %add3A_1487, %sub3A_1491 : vector<256x128xf32>
    %exp3A_1493 = math.exp %sub3A_1492 : vector<256x128xf32>
    %convert_element_type3A_1494 = arith.truncf %exp3A_1493 : vector<256x128xf32> to vector<256x128xbf16>
    %swap3A_1495 = arith.constant 39 : index
    %swap3A_1496 = arith.constant 0 : index
    %swap3A_1497 = arith.constant 0 : index
    %swap3A_1498 = vector.load %arg6[%swap3A_1495, %swap3A_1496, %swap3A_1497] : memref<64x256x128xbf16, #tpu.memory_space<vmem>>, vector<1x256x128xbf16>
    %swap3A_1499 = vector.shape_cast %swap3A_1498 : vector<1x256x128xbf16> to vector<256x128xbf16>
    %swap3A_1500 = vector.shape_cast %convert_element_type3A_1494 : vector<256x128xbf16> to vector<1x256x128xbf16>
    tpu.vector_store %arg6[%swap3A_1495, %swap3A_1496, %swap3A_1497], %swap3A_1500 {strides = array<i32>} : memref<64x256x128xbf16, #tpu.memory_space<vmem>>, vector<1x256x128xbf16>,
    %get3A_1501 = arith.constant 39 : index
    %get3A_1502 = arith.constant 0 : index
    %get3A_1503 = vector.load %arg4[%get3A_1501, %get3A_1502] : memref<64x1xi32, #tpu.memory_space<vmem>>, vector<1x1xi32>
    %get3A_1504 = vector.extract %get3A_1503[0, 0] : i32 from vector<1x1xi32>
    %lt3A_1505 = vector.broadcast %get3A_1504 : i32 to vector<256x1xi32>
    %lt3A_1506 = arith.cmpi slt, %iota3A, %lt3A_1505 : vector<256x1xi32>
    %jit3A_1507 = arith.constant 0.000000e+00 : f32
    %broadcast_in_dim3A_1508 = vector.broadcast %jit3A_1507 : f32 to vector<256x1xf32>
    %select_n3A_1509 = arith.select %lt3A_1506, %broadcast_in_dim3A_1490, %broadcast_in_dim3A_1508 : vector<256x1xi1>, vector<256x1xf32>
    %reduce_sum3A_1510 = arith.constant dense<0.000000e+00> : vector<1xf32>
    %reduce_sum3A_1511 = vector.multi_reduction <add>, %select_n3A_1509, %reduce_sum3A_1510 [0] : vector<256x1xf32> to vector<1xf32>
    %broadcast_in_dim3A_1512 = vector.shape_cast %reduce_sum3A_1511 : vector<1xf32> to vector<1x1xf32>
    %swap3A_1513 = arith.constant 39 : index
    %swap3A_1514 = arith.constant 0 : index
    %swap3A_1515 = vector.load %arg7[%swap3A_1513, %swap3A_1514] : memref<64x1xf32, #tpu.memory_space<vmem>>, vector<1x1xf32>
    tpu.vector_store %arg7[%swap3A_1513, %swap3A_1514], %broadcast_in_dim3A_1512 {strides = array<i32>} : memref<64x1xf32, #tpu.memory_space<vmem>>, vector<1x1xf32>,
    %get3A_1516 = arith.constant 40 : index
    %get3A_1517 = arith.constant 0 : index
    %get3A_1518 = arith.constant 0 : index
    %get3A_1519 = vector.load %arg1[%get3A_1516, %get3A_1517, %get3A_1518] : memref<64x256x88xi8, #tpu.memory_space<vmem>>, vector<1x256x88xi8>
    %get3A_1520 = vector.shape_cast %get3A_1519 : vector<1x256x88xi8> to vector<256x88xi8>
    %convert_element_type3A_1521 = arith.sitofp %get3A_1520 : vector<256x88xi8> to vector<256x88xbf16>
    %dot_general3A_1522 = arith.constant dense<0.000000e+00> : vector<256x128xf32>
    %dot_general3A_1523 = tpu.matmul %convert_element_type3A_1521, %convert_element_type3A, %dot_general3A_1522 {dimension_numbers = #tpu.dot_dimension_numbers<[1], [1], [0], [0], [0, 0, 1, 0], [], []>, transpose_lhs_hint = false} : vector<256x88xbf16>, vector<128x88xbf16>, vector<256x128xf32> -> vector<256x128xf32>
    %add3A_1524 = vector.broadcast %reshape3A : vector<1x128xf32> to vector<256x128xf32>
    %add3A_1525 = arith.addf %dot_general3A_1523, %add3A_1524 : vector<256x128xf32>
    %reduce_max3A_1526 = arith.constant dense<0xFF800000> : vector<256xf32>
    %reduce_max3A_1527 = vector.multi_reduction <maximumf>, %add3A_1525, %reduce_max3A_1526 [1] : vector<256x128xf32> to vector<256xf32>
    %broadcast_in_dim3A_1528 = vector.shape_cast %reduce_max3A_1527 : vector<256xf32> to vector<256x1xf32>
    %sub3A_1529 = vector.broadcast %broadcast_in_dim3A_1528 : vector<256x1xf32> to vector<256x128xf32>
    %sub3A_1530 = arith.subf %add3A_1525, %sub3A_1529 : vector<256x128xf32>
    %exp3A_1531 = math.exp %sub3A_1530 : vector<256x128xf32>
    %convert_element_type3A_1532 = arith.truncf %exp3A_1531 : vector<256x128xf32> to vector<256x128xbf16>
    %swap3A_1533 = arith.constant 40 : index
    %swap3A_1534 = arith.constant 0 : index
    %swap3A_1535 = arith.constant 0 : index
    %swap3A_1536 = vector.load %arg6[%swap3A_1533, %swap3A_1534, %swap3A_1535] : memref<64x256x128xbf16, #tpu.memory_space<vmem>>, vector<1x256x128xbf16>
    %swap3A_1537 = vector.shape_cast %swap3A_1536 : vector<1x256x128xbf16> to vector<256x128xbf16>
    %swap3A_1538 = vector.shape_cast %convert_element_type3A_1532 : vector<256x128xbf16> to vector<1x256x128xbf16>
    tpu.vector_store %arg6[%swap3A_1533, %swap3A_1534, %swap3A_1535], %swap3A_1538 {strides = array<i32>} : memref<64x256x128xbf16, #tpu.memory_space<vmem>>, vector<1x256x128xbf16>,
    %get3A_1539 = arith.constant 40 : index
    %get3A_1540 = arith.constant 0 : index
    %get3A_1541 = vector.load %arg4[%get3A_1539, %get3A_1540] : memref<64x1xi32, #tpu.memory_space<vmem>>, vector<1x1xi32>
    %get3A_1542 = vector.extract %get3A_1541[0, 0] : i32 from vector<1x1xi32>
    %lt3A_1543 = vector.broadcast %get3A_1542 : i32 to vector<256x1xi32>
    %lt3A_1544 = arith.cmpi slt, %iota3A, %lt3A_1543 : vector<256x1xi32>
    %jit3A_1545 = arith.constant 0.000000e+00 : f32
    %broadcast_in_dim3A_1546 = vector.broadcast %jit3A_1545 : f32 to vector<256x1xf32>
    %select_n3A_1547 = arith.select %lt3A_1544, %broadcast_in_dim3A_1528, %broadcast_in_dim3A_1546 : vector<256x1xi1>, vector<256x1xf32>
    %reduce_sum3A_1548 = arith.constant dense<0.000000e+00> : vector<1xf32>
    %reduce_sum3A_1549 = vector.multi_reduction <add>, %select_n3A_1547, %reduce_sum3A_1548 [0] : vector<256x1xf32> to vector<1xf32>
    %broadcast_in_dim3A_1550 = vector.shape_cast %reduce_sum3A_1549 : vector<1xf32> to vector<1x1xf32>
    %swap3A_1551 = arith.constant 40 : index
    %swap3A_1552 = arith.constant 0 : index
    %swap3A_1553 = vector.load %arg7[%swap3A_1551, %swap3A_1552] : memref<64x1xf32, #tpu.memory_space<vmem>>, vector<1x1xf32>
    tpu.vector_store %arg7[%swap3A_1551, %swap3A_1552], %broadcast_in_dim3A_1550 {strides = array<i32>} : memref<64x1xf32, #tpu.memory_space<vmem>>, vector<1x1xf32>,
    %get3A_1554 = arith.constant 41 : index
    %get3A_1555 = arith.constant 0 : index
    %get3A_1556 = arith.constant 0 : index
    %get3A_1557 = vector.load %arg1[%get3A_1554, %get3A_1555, %get3A_1556] : memref<64x256x88xi8, #tpu.memory_space<vmem>>, vector<1x256x88xi8>
    %get3A_1558 = vector.shape_cast %get3A_1557 : vector<1x256x88xi8> to vector<256x88xi8>
    %convert_element_type3A_1559 = arith.sitofp %get3A_1558 : vector<256x88xi8> to vector<256x88xbf16>
    %dot_general3A_1560 = arith.constant dense<0.000000e+00> : vector<256x128xf32>
    %dot_general3A_1561 = tpu.matmul %convert_element_type3A_1559, %convert_element_type3A, %dot_general3A_1560 {dimension_numbers = #tpu.dot_dimension_numbers<[1], [1], [0], [0], [0, 0, 1, 0], [], []>, transpose_lhs_hint = false} : vector<256x88xbf16>, vector<128x88xbf16>, vector<256x128xf32> -> vector<256x128xf32>
    %add3A_1562 = vector.broadcast %reshape3A : vector<1x128xf32> to vector<256x128xf32>
    %add3A_1563 = arith.addf %dot_general3A_1561, %add3A_1562 : vector<256x128xf32>
    %reduce_max3A_1564 = arith.constant dense<0xFF800000> : vector<256xf32>
    %reduce_max3A_1565 = vector.multi_reduction <maximumf>, %add3A_1563, %reduce_max3A_1564 [1] : vector<256x128xf32> to vector<256xf32>
    %broadcast_in_dim3A_1566 = vector.shape_cast %reduce_max3A_1565 : vector<256xf32> to vector<256x1xf32>
    %sub3A_1567 = vector.broadcast %broadcast_in_dim3A_1566 : vector<256x1xf32> to vector<256x128xf32>
    %sub3A_1568 = arith.subf %add3A_1563, %sub3A_1567 : vector<256x128xf32>
    %exp3A_1569 = math.exp %sub3A_1568 : vector<256x128xf32>
    %convert_element_type3A_1570 = arith.truncf %exp3A_1569 : vector<256x128xf32> to vector<256x128xbf16>
    %swap3A_1571 = arith.constant 41 : index
    %swap3A_1572 = arith.constant 0 : index
    %swap3A_1573 = arith.constant 0 : index
    %swap3A_1574 = vector.load %arg6[%swap3A_1571, %swap3A_1572, %swap3A_1573] : memref<64x256x128xbf16, #tpu.memory_space<vmem>>, vector<1x256x128xbf16>
    %swap3A_1575 = vector.shape_cast %swap3A_1574 : vector<1x256x128xbf16> to vector<256x128xbf16>
    %swap3A_1576 = vector.shape_cast %convert_element_type3A_1570 : vector<256x128xbf16> to vector<1x256x128xbf16>
    tpu.vector_store %arg6[%swap3A_1571, %swap3A_1572, %swap3A_1573], %swap3A_1576 {strides = array<i32>} : memref<64x256x128xbf16, #tpu.memory_space<vmem>>, vector<1x256x128xbf16>,
    %get3A_1577 = arith.constant 41 : index
    %get3A_1578 = arith.constant 0 : index
    %get3A_1579 = vector.load %arg4[%get3A_1577, %get3A_1578] : memref<64x1xi32, #tpu.memory_space<vmem>>, vector<1x1xi32>
    %get3A_1580 = vector.extract %get3A_1579[0, 0] : i32 from vector<1x1xi32>
    %lt3A_1581 = vector.broadcast %get3A_1580 : i32 to vector<256x1xi32>
    %lt3A_1582 = arith.cmpi slt, %iota3A, %lt3A_1581 : vector<256x1xi32>
    %jit3A_1583 = arith.constant 0.000000e+00 : f32
    %broadcast_in_dim3A_1584 = vector.broadcast %jit3A_1583 : f32 to vector<256x1xf32>
    %select_n3A_1585 = arith.select %lt3A_1582, %broadcast_in_dim3A_1566, %broadcast_in_dim3A_1584 : vector<256x1xi1>, vector<256x1xf32>
    %reduce_sum3A_1586 = arith.constant dense<0.000000e+00> : vector<1xf32>
    %reduce_sum3A_1587 = vector.multi_reduction <add>, %select_n3A_1585, %reduce_sum3A_1586 [0] : vector<256x1xf32> to vector<1xf32>
    %broadcast_in_dim3A_1588 = vector.shape_cast %reduce_sum3A_1587 : vector<1xf32> to vector<1x1xf32>
    %swap3A_1589 = arith.constant 41 : index
    %swap3A_1590 = arith.constant 0 : index
    %swap3A_1591 = vector.load %arg7[%swap3A_1589, %swap3A_1590] : memref<64x1xf32, #tpu.memory_space<vmem>>, vector<1x1xf32>
    tpu.vector_store %arg7[%swap3A_1589, %swap3A_1590], %broadcast_in_dim3A_1588 {strides = array<i32>} : memref<64x1xf32, #tpu.memory_space<vmem>>, vector<1x1xf32>,
    %get3A_1592 = arith.constant 42 : index
    %get3A_1593 = arith.constant 0 : index
    %get3A_1594 = arith.constant 0 : index
    %get3A_1595 = vector.load %arg1[%get3A_1592, %get3A_1593, %get3A_1594] : memref<64x256x88xi8, #tpu.memory_space<vmem>>, vector<1x256x88xi8>
    %get3A_1596 = vector.shape_cast %get3A_1595 : vector<1x256x88xi8> to vector<256x88xi8>
    %convert_element_type3A_1597 = arith.sitofp %get3A_1596 : vector<256x88xi8> to vector<256x88xbf16>
    %dot_general3A_1598 = arith.constant dense<0.000000e+00> : vector<256x128xf32>
    %dot_general3A_1599 = tpu.matmul %convert_element_type3A_1597, %convert_element_type3A, %dot_general3A_1598 {dimension_numbers = #tpu.dot_dimension_numbers<[1], [1], [0], [0], [0, 0, 1, 0], [], []>, transpose_lhs_hint = false} : vector<256x88xbf16>, vector<128x88xbf16>, vector<256x128xf32> -> vector<256x128xf32>
    %add3A_1600 = vector.broadcast %reshape3A : vector<1x128xf32> to vector<256x128xf32>
    %add3A_1601 = arith.addf %dot_general3A_1599, %add3A_1600 : vector<256x128xf32>
    %reduce_max3A_1602 = arith.constant dense<0xFF800000> : vector<256xf32>
    %reduce_max3A_1603 = vector.multi_reduction <maximumf>, %add3A_1601, %reduce_max3A_1602 [1] : vector<256x128xf32> to vector<256xf32>
    %broadcast_in_dim3A_1604 = vector.shape_cast %reduce_max3A_1603 : vector<256xf32> to vector<256x1xf32>
    %sub3A_1605 = vector.broadcast %broadcast_in_dim3A_1604 : vector<256x1xf32> to vector<256x128xf32>
    %sub3A_1606 = arith.subf %add3A_1601, %sub3A_1605 : vector<256x128xf32>
    %exp3A_1607 = math.exp %sub3A_1606 : vector<256x128xf32>
    %convert_element_type3A_1608 = arith.truncf %exp3A_1607 : vector<256x128xf32> to vector<256x128xbf16>
    %swap3A_1609 = arith.constant 42 : index
    %swap3A_1610 = arith.constant 0 : index
    %swap3A_1611 = arith.constant 0 : index
    %swap3A_1612 = vector.load %arg6[%swap3A_1609, %swap3A_1610, %swap3A_1611] : memref<64x256x128xbf16, #tpu.memory_space<vmem>>, vector<1x256x128xbf16>
    %swap3A_1613 = vector.shape_cast %swap3A_1612 : vector<1x256x128xbf16> to vector<256x128xbf16>
    %swap3A_1614 = vector.shape_cast %convert_element_type3A_1608 : vector<256x128xbf16> to vector<1x256x128xbf16>
    tpu.vector_store %arg6[%swap3A_1609, %swap3A_1610, %swap3A_1611], %swap3A_1614 {strides = array<i32>} : memref<64x256x128xbf16, #tpu.memory_space<vmem>>, vector<1x256x128xbf16>,
    %get3A_1615 = arith.constant 42 : index
    %get3A_1616 = arith.constant 0 : index
    %get3A_1617 = vector.load %arg4[%get3A_1615, %get3A_1616] : memref<64x1xi32, #tpu.memory_space<vmem>>, vector<1x1xi32>
    %get3A_1618 = vector.extract %get3A_1617[0, 0] : i32 from vector<1x1xi32>
    %lt3A_1619 = vector.broadcast %get3A_1618 : i32 to vector<256x1xi32>
    %lt3A_1620 = arith.cmpi slt, %iota3A, %lt3A_1619 : vector<256x1xi32>
    %jit3A_1621 = arith.constant 0.000000e+00 : f32
    %broadcast_in_dim3A_1622 = vector.broadcast %jit3A_1621 : f32 to vector<256x1xf32>
    %select_n3A_1623 = arith.select %lt3A_1620, %broadcast_in_dim3A_1604, %broadcast_in_dim3A_1622 : vector<256x1xi1>, vector<256x1xf32>
    %reduce_sum3A_1624 = arith.constant dense<0.000000e+00> : vector<1xf32>
    %reduce_sum3A_1625 = vector.multi_reduction <add>, %select_n3A_1623, %reduce_sum3A_1624 [0] : vector<256x1xf32> to vector<1xf32>
    %broadcast_in_dim3A_1626 = vector.shape_cast %reduce_sum3A_1625 : vector<1xf32> to vector<1x1xf32>
    %swap3A_1627 = arith.constant 42 : index
    %swap3A_1628 = arith.constant 0 : index
    %swap3A_1629 = vector.load %arg7[%swap3A_1627, %swap3A_1628] : memref<64x1xf32, #tpu.memory_space<vmem>>, vector<1x1xf32>
    tpu.vector_store %arg7[%swap3A_1627, %swap3A_1628], %broadcast_in_dim3A_1626 {strides = array<i32>} : memref<64x1xf32, #tpu.memory_space<vmem>>, vector<1x1xf32>,
    %get3A_1630 = arith.constant 43 : index
    %get3A_1631 = arith.constant 0 : index
    %get3A_1632 = arith.constant 0 : index
    %get3A_1633 = vector.load %arg1[%get3A_1630, %get3A_1631, %get3A_1632] : memref<64x256x88xi8, #tpu.memory_space<vmem>>, vector<1x256x88xi8>
    %get3A_1634 = vector.shape_cast %get3A_1633 : vector<1x256x88xi8> to vector<256x88xi8>
    %convert_element_type3A_1635 = arith.sitofp %get3A_1634 : vector<256x88xi8> to vector<256x88xbf16>
    %dot_general3A_1636 = arith.constant dense<0.000000e+00> : vector<256x128xf32>
    %dot_general3A_1637 = tpu.matmul %convert_element_type3A_1635, %convert_element_type3A, %dot_general3A_1636 {dimension_numbers = #tpu.dot_dimension_numbers<[1], [1], [0], [0], [0, 0, 1, 0], [], []>, transpose_lhs_hint = false} : vector<256x88xbf16>, vector<128x88xbf16>, vector<256x128xf32> -> vector<256x128xf32>
    %add3A_1638 = vector.broadcast %reshape3A : vector<1x128xf32> to vector<256x128xf32>
    %add3A_1639 = arith.addf %dot_general3A_1637, %add3A_1638 : vector<256x128xf32>
    %reduce_max3A_1640 = arith.constant dense<0xFF800000> : vector<256xf32>
    %reduce_max3A_1641 = vector.multi_reduction <maximumf>, %add3A_1639, %reduce_max3A_1640 [1] : vector<256x128xf32> to vector<256xf32>
    %broadcast_in_dim3A_1642 = vector.shape_cast %reduce_max3A_1641 : vector<256xf32> to vector<256x1xf32>
    %sub3A_1643 = vector.broadcast %broadcast_in_dim3A_1642 : vector<256x1xf32> to vector<256x128xf32>
    %sub3A_1644 = arith.subf %add3A_1639, %sub3A_1643 : vector<256x128xf32>
    %exp3A_1645 = math.exp %sub3A_1644 : vector<256x128xf32>
    %convert_element_type3A_1646 = arith.truncf %exp3A_1645 : vector<256x128xf32> to vector<256x128xbf16>
    %swap3A_1647 = arith.constant 43 : index
    %swap3A_1648 = arith.constant 0 : index
    %swap3A_1649 = arith.constant 0 : index
    %swap3A_1650 = vector.load %arg6[%swap3A_1647, %swap3A_1648, %swap3A_1649] : memref<64x256x128xbf16, #tpu.memory_space<vmem>>, vector<1x256x128xbf16>
    %swap3A_1651 = vector.shape_cast %swap3A_1650 : vector<1x256x128xbf16> to vector<256x128xbf16>
    %swap3A_1652 = vector.shape_cast %convert_element_type3A_1646 : vector<256x128xbf16> to vector<1x256x128xbf16>
    tpu.vector_store %arg6[%swap3A_1647, %swap3A_1648, %swap3A_1649], %swap3A_1652 {strides = array<i32>} : memref<64x256x128xbf16, #tpu.memory_space<vmem>>, vector<1x256x128xbf16>,
    %get3A_1653 = arith.constant 43 : index
    %get3A_1654 = arith.constant 0 : index
    %get3A_1655 = vector.load %arg4[%get3A_1653, %get3A_1654] : memref<64x1xi32, #tpu.memory_space<vmem>>, vector<1x1xi32>
    %get3A_1656 = vector.extract %get3A_1655[0, 0] : i32 from vector<1x1xi32>
    %lt3A_1657 = vector.broadcast %get3A_1656 : i32 to vector<256x1xi32>
    %lt3A_1658 = arith.cmpi slt, %iota3A, %lt3A_1657 : vector<256x1xi32>
    %jit3A_1659 = arith.constant 0.000000e+00 : f32
    %broadcast_in_dim3A_1660 = vector.broadcast %jit3A_1659 : f32 to vector<256x1xf32>
    %select_n3A_1661 = arith.select %lt3A_1658, %broadcast_in_dim3A_1642, %broadcast_in_dim3A_1660 : vector<256x1xi1>, vector<256x1xf32>
    %reduce_sum3A_1662 = arith.constant dense<0.000000e+00> : vector<1xf32>
    %reduce_sum3A_1663 = vector.multi_reduction <add>, %select_n3A_1661, %reduce_sum3A_1662 [0] : vector<256x1xf32> to vector<1xf32>
    %broadcast_in_dim3A_1664 = vector.shape_cast %reduce_sum3A_1663 : vector<1xf32> to vector<1x1xf32>
    %swap3A_1665 = arith.constant 43 : index
    %swap3A_1666 = arith.constant 0 : index
    %swap3A_1667 = vector.load %arg7[%swap3A_1665, %swap3A_1666] : memref<64x1xf32, #tpu.memory_space<vmem>>, vector<1x1xf32>
    tpu.vector_store %arg7[%swap3A_1665, %swap3A_1666], %broadcast_in_dim3A_1664 {strides = array<i32>} : memref<64x1xf32, #tpu.memory_space<vmem>>, vector<1x1xf32>,
    %get3A_1668 = arith.constant 44 : index
    %get3A_1669 = arith.constant 0 : index
    %get3A_1670 = arith.constant 0 : index
    %get3A_1671 = vector.load %arg1[%get3A_1668, %get3A_1669, %get3A_1670] : memref<64x256x88xi8, #tpu.memory_space<vmem>>, vector<1x256x88xi8>
    %get3A_1672 = vector.shape_cast %get3A_1671 : vector<1x256x88xi8> to vector<256x88xi8>
    %convert_element_type3A_1673 = arith.sitofp %get3A_1672 : vector<256x88xi8> to vector<256x88xbf16>
    %dot_general3A_1674 = arith.constant dense<0.000000e+00> : vector<256x128xf32>
    %dot_general3A_1675 = tpu.matmul %convert_element_type3A_1673, %convert_element_type3A, %dot_general3A_1674 {dimension_numbers = #tpu.dot_dimension_numbers<[1], [1], [0], [0], [0, 0, 1, 0], [], []>, transpose_lhs_hint = false} : vector<256x88xbf16>, vector<128x88xbf16>, vector<256x128xf32> -> vector<256x128xf32>
    %add3A_1676 = vector.broadcast %reshape3A : vector<1x128xf32> to vector<256x128xf32>
    %add3A_1677 = arith.addf %dot_general3A_1675, %add3A_1676 : vector<256x128xf32>
    %reduce_max3A_1678 = arith.constant dense<0xFF800000> : vector<256xf32>
    %reduce_max3A_1679 = vector.multi_reduction <maximumf>, %add3A_1677, %reduce_max3A_1678 [1] : vector<256x128xf32> to vector<256xf32>
    %broadcast_in_dim3A_1680 = vector.shape_cast %reduce_max3A_1679 : vector<256xf32> to vector<256x1xf32>
    %sub3A_1681 = vector.broadcast %broadcast_in_dim3A_1680 : vector<256x1xf32> to vector<256x128xf32>
    %sub3A_1682 = arith.subf %add3A_1677, %sub3A_1681 : vector<256x128xf32>
    %exp3A_1683 = math.exp %sub3A_1682 : vector<256x128xf32>
    %convert_element_type3A_1684 = arith.truncf %exp3A_1683 : vector<256x128xf32> to vector<256x128xbf16>
    %swap3A_1685 = arith.constant 44 : index
    %swap3A_1686 = arith.constant 0 : index
    %swap3A_1687 = arith.constant 0 : index
    %swap3A_1688 = vector.load %arg6[%swap3A_1685, %swap3A_1686, %swap3A_1687] : memref<64x256x128xbf16, #tpu.memory_space<vmem>>, vector<1x256x128xbf16>
    %swap3A_1689 = vector.shape_cast %swap3A_1688 : vector<1x256x128xbf16> to vector<256x128xbf16>
    %swap3A_1690 = vector.shape_cast %convert_element_type3A_1684 : vector<256x128xbf16> to vector<1x256x128xbf16>
    tpu.vector_store %arg6[%swap3A_1685, %swap3A_1686, %swap3A_1687], %swap3A_1690 {strides = array<i32>} : memref<64x256x128xbf16, #tpu.memory_space<vmem>>, vector<1x256x128xbf16>,
    %get3A_1691 = arith.constant 44 : index
    %get3A_1692 = arith.constant 0 : index
    %get3A_1693 = vector.load %arg4[%get3A_1691, %get3A_1692] : memref<64x1xi32, #tpu.memory_space<vmem>>, vector<1x1xi32>
    %get3A_1694 = vector.extract %get3A_1693[0, 0] : i32 from vector<1x1xi32>
    %lt3A_1695 = vector.broadcast %get3A_1694 : i32 to vector<256x1xi32>
    %lt3A_1696 = arith.cmpi slt, %iota3A, %lt3A_1695 : vector<256x1xi32>
    %jit3A_1697 = arith.constant 0.000000e+00 : f32
    %broadcast_in_dim3A_1698 = vector.broadcast %jit3A_1697 : f32 to vector<256x1xf32>
    %select_n3A_1699 = arith.select %lt3A_1696, %broadcast_in_dim3A_1680, %broadcast_in_dim3A_1698 : vector<256x1xi1>, vector<256x1xf32>
    %reduce_sum3A_1700 = arith.constant dense<0.000000e+00> : vector<1xf32>
    %reduce_sum3A_1701 = vector.multi_reduction <add>, %select_n3A_1699, %reduce_sum3A_1700 [0] : vector<256x1xf32> to vector<1xf32>
    %broadcast_in_dim3A_1702 = vector.shape_cast %reduce_sum3A_1701 : vector<1xf32> to vector<1x1xf32>
    %swap3A_1703 = arith.constant 44 : index
    %swap3A_1704 = arith.constant 0 : index
    %swap3A_1705 = vector.load %arg7[%swap3A_1703, %swap3A_1704] : memref<64x1xf32, #tpu.memory_space<vmem>>, vector<1x1xf32>
    tpu.vector_store %arg7[%swap3A_1703, %swap3A_1704], %broadcast_in_dim3A_1702 {strides = array<i32>} : memref<64x1xf32, #tpu.memory_space<vmem>>, vector<1x1xf32>,
    %get3A_1706 = arith.constant 45 : index
    %get3A_1707 = arith.constant 0 : index
    %get3A_1708 = arith.constant 0 : index
    %get3A_1709 = vector.load %arg1[%get3A_1706, %get3A_1707, %get3A_1708] : memref<64x256x88xi8, #tpu.memory_space<vmem>>, vector<1x256x88xi8>
    %get3A_1710 = vector.shape_cast %get3A_1709 : vector<1x256x88xi8> to vector<256x88xi8>
    %convert_element_type3A_1711 = arith.sitofp %get3A_1710 : vector<256x88xi8> to vector<256x88xbf16>
    %dot_general3A_1712 = arith.constant dense<0.000000e+00> : vector<256x128xf32>
    %dot_general3A_1713 = tpu.matmul %convert_element_type3A_1711, %convert_element_type3A, %dot_general3A_1712 {dimension_numbers = #tpu.dot_dimension_numbers<[1], [1], [0], [0], [0, 0, 1, 0], [], []>, transpose_lhs_hint = false} : vector<256x88xbf16>, vector<128x88xbf16>, vector<256x128xf32> -> vector<256x128xf32>
    %add3A_1714 = vector.broadcast %reshape3A : vector<1x128xf32> to vector<256x128xf32>
    %add3A_1715 = arith.addf %dot_general3A_1713, %add3A_1714 : vector<256x128xf32>
    %reduce_max3A_1716 = arith.constant dense<0xFF800000> : vector<256xf32>
    %reduce_max3A_1717 = vector.multi_reduction <maximumf>, %add3A_1715, %reduce_max3A_1716 [1] : vector<256x128xf32> to vector<256xf32>
    %broadcast_in_dim3A_1718 = vector.shape_cast %reduce_max3A_1717 : vector<256xf32> to vector<256x1xf32>
    %sub3A_1719 = vector.broadcast %broadcast_in_dim3A_1718 : vector<256x1xf32> to vector<256x128xf32>
    %sub3A_1720 = arith.subf %add3A_1715, %sub3A_1719 : vector<256x128xf32>
    %exp3A_1721 = math.exp %sub3A_1720 : vector<256x128xf32>
    %convert_element_type3A_1722 = arith.truncf %exp3A_1721 : vector<256x128xf32> to vector<256x128xbf16>
    %swap3A_1723 = arith.constant 45 : index
    %swap3A_1724 = arith.constant 0 : index
    %swap3A_1725 = arith.constant 0 : index
    %swap3A_1726 = vector.load %arg6[%swap3A_1723, %swap3A_1724, %swap3A_1725] : memref<64x256x128xbf16, #tpu.memory_space<vmem>>, vector<1x256x128xbf16>
    %swap3A_1727 = vector.shape_cast %swap3A_1726 : vector<1x256x128xbf16> to vector<256x128xbf16>
    %swap3A_1728 = vector.shape_cast %convert_element_type3A_1722 : vector<256x128xbf16> to vector<1x256x128xbf16>
    tpu.vector_store %arg6[%swap3A_1723, %swap3A_1724, %swap3A_1725], %swap3A_1728 {strides = array<i32>} : memref<64x256x128xbf16, #tpu.memory_space<vmem>>, vector<1x256x128xbf16>,
    %get3A_1729 = arith.constant 45 : index
    %get3A_1730 = arith.constant 0 : index
    %get3A_1731 = vector.load %arg4[%get3A_1729, %get3A_1730] : memref<64x1xi32, #tpu.memory_space<vmem>>, vector<1x1xi32>
    %get3A_1732 = vector.extract %get3A_1731[0, 0] : i32 from vector<1x1xi32>
    %lt3A_1733 = vector.broadcast %get3A_1732 : i32 to vector<256x1xi32>
    %lt3A_1734 = arith.cmpi slt, %iota3A, %lt3A_1733 : vector<256x1xi32>
    %jit3A_1735 = arith.constant 0.000000e+00 : f32
    %broadcast_in_dim3A_1736 = vector.broadcast %jit3A_1735 : f32 to vector<256x1xf32>
    %select_n3A_1737 = arith.select %lt3A_1734, %broadcast_in_dim3A_1718, %broadcast_in_dim3A_1736 : vector<256x1xi1>, vector<256x1xf32>
    %reduce_sum3A_1738 = arith.constant dense<0.000000e+00> : vector<1xf32>
    %reduce_sum3A_1739 = vector.multi_reduction <add>, %select_n3A_1737, %reduce_sum3A_1738 [0] : vector<256x1xf32> to vector<1xf32>
    %broadcast_in_dim3A_1740 = vector.shape_cast %reduce_sum3A_1739 : vector<1xf32> to vector<1x1xf32>
    %swap3A_1741 = arith.constant 45 : index
    %swap3A_1742 = arith.constant 0 : index
    %swap3A_1743 = vector.load %arg7[%swap3A_1741, %swap3A_1742] : memref<64x1xf32, #tpu.memory_space<vmem>>, vector<1x1xf32>
    tpu.vector_store %arg7[%swap3A_1741, %swap3A_1742], %broadcast_in_dim3A_1740 {strides = array<i32>} : memref<64x1xf32, #tpu.memory_space<vmem>>, vector<1x1xf32>,
    %get3A_1744 = arith.constant 46 : index
    %get3A_1745 = arith.constant 0 : index
    %get3A_1746 = arith.constant 0 : index
    %get3A_1747 = vector.load %arg1[%get3A_1744, %get3A_1745, %get3A_1746] : memref<64x256x88xi8, #tpu.memory_space<vmem>>, vector<1x256x88xi8>
    %get3A_1748 = vector.shape_cast %get3A_1747 : vector<1x256x88xi8> to vector<256x88xi8>
    %convert_element_type3A_1749 = arith.sitofp %get3A_1748 : vector<256x88xi8> to vector<256x88xbf16>
    %dot_general3A_1750 = arith.constant dense<0.000000e+00> : vector<256x128xf32>
    %dot_general3A_1751 = tpu.matmul %convert_element_type3A_1749, %convert_element_type3A, %dot_general3A_1750 {dimension_numbers = #tpu.dot_dimension_numbers<[1], [1], [0], [0], [0, 0, 1, 0], [], []>, transpose_lhs_hint = false} : vector<256x88xbf16>, vector<128x88xbf16>, vector<256x128xf32> -> vector<256x128xf32>
    %add3A_1752 = vector.broadcast %reshape3A : vector<1x128xf32> to vector<256x128xf32>
    %add3A_1753 = arith.addf %dot_general3A_1751, %add3A_1752 : vector<256x128xf32>
    %reduce_max3A_1754 = arith.constant dense<0xFF800000> : vector<256xf32>
    %reduce_max3A_1755 = vector.multi_reduction <maximumf>, %add3A_1753, %reduce_max3A_1754 [1] : vector<256x128xf32> to vector<256xf32>
    %broadcast_in_dim3A_1756 = vector.shape_cast %reduce_max3A_1755 : vector<256xf32> to vector<256x1xf32>
    %sub3A_1757 = vector.broadcast %broadcast_in_dim3A_1756 : vector<256x1xf32> to vector<256x128xf32>
    %sub3A_1758 = arith.subf %add3A_1753, %sub3A_1757 : vector<256x128xf32>
    %exp3A_1759 = math.exp %sub3A_1758 : vector<256x128xf32>
    %convert_element_type3A_1760 = arith.truncf %exp3A_1759 : vector<256x128xf32> to vector<256x128xbf16>
    %swap3A_1761 = arith.constant 46 : index
    %swap3A_1762 = arith.constant 0 : index
    %swap3A_1763 = arith.constant 0 : index
    %swap3A_1764 = vector.load %arg6[%swap3A_1761, %swap3A_1762, %swap3A_1763] : memref<64x256x128xbf16, #tpu.memory_space<vmem>>, vector<1x256x128xbf16>
    %swap3A_1765 = vector.shape_cast %swap3A_1764 : vector<1x256x128xbf16> to vector<256x128xbf16>
    %swap3A_1766 = vector.shape_cast %convert_element_type3A_1760 : vector<256x128xbf16> to vector<1x256x128xbf16>
    tpu.vector_store %arg6[%swap3A_1761, %swap3A_1762, %swap3A_1763], %swap3A_1766 {strides = array<i32>} : memref<64x256x128xbf16, #tpu.memory_space<vmem>>, vector<1x256x128xbf16>,
    %get3A_1767 = arith.constant 46 : index
    %get3A_1768 = arith.constant 0 : index
    %get3A_1769 = vector.load %arg4[%get3A_1767, %get3A_1768] : memref<64x1xi32, #tpu.memory_space<vmem>>, vector<1x1xi32>
    %get3A_1770 = vector.extract %get3A_1769[0, 0] : i32 from vector<1x1xi32>
    %lt3A_1771 = vector.broadcast %get3A_1770 : i32 to vector<256x1xi32>
    %lt3A_1772 = arith.cmpi slt, %iota3A, %lt3A_1771 : vector<256x1xi32>
    %jit3A_1773 = arith.constant 0.000000e+00 : f32
    %broadcast_in_dim3A_1774 = vector.broadcast %jit3A_1773 : f32 to vector<256x1xf32>
    %select_n3A_1775 = arith.select %lt3A_1772, %broadcast_in_dim3A_1756, %broadcast_in_dim3A_1774 : vector<256x1xi1>, vector<256x1xf32>
    %reduce_sum3A_1776 = arith.constant dense<0.000000e+00> : vector<1xf32>
    %reduce_sum3A_1777 = vector.multi_reduction <add>, %select_n3A_1775, %reduce_sum3A_1776 [0] : vector<256x1xf32> to vector<1xf32>
    %broadcast_in_dim3A_1778 = vector.shape_cast %reduce_sum3A_1777 : vector<1xf32> to vector<1x1xf32>
    %swap3A_1779 = arith.constant 46 : index
    %swap3A_1780 = arith.constant 0 : index
    %swap3A_1781 = vector.load %arg7[%swap3A_1779, %swap3A_1780] : memref<64x1xf32, #tpu.memory_space<vmem>>, vector<1x1xf32>
    tpu.vector_store %arg7[%swap3A_1779, %swap3A_1780], %broadcast_in_dim3A_1778 {strides = array<i32>} : memref<64x1xf32, #tpu.memory_space<vmem>>, vector<1x1xf32>,
    %get3A_1782 = arith.constant 47 : index
    %get3A_1783 = arith.constant 0 : index
    %get3A_1784 = arith.constant 0 : index
    %get3A_1785 = vector.load %arg1[%get3A_1782, %get3A_1783, %get3A_1784] : memref<64x256x88xi8, #tpu.memory_space<vmem>>, vector<1x256x88xi8>
    %get3A_1786 = vector.shape_cast %get3A_1785 : vector<1x256x88xi8> to vector<256x88xi8>
    %convert_element_type3A_1787 = arith.sitofp %get3A_1786 : vector<256x88xi8> to vector<256x88xbf16>
    %dot_general3A_1788 = arith.constant dense<0.000000e+00> : vector<256x128xf32>
    %dot_general3A_1789 = tpu.matmul %convert_element_type3A_1787, %convert_element_type3A, %dot_general3A_1788 {dimension_numbers = #tpu.dot_dimension_numbers<[1], [1], [0], [0], [0, 0, 1, 0], [], []>, transpose_lhs_hint = false} : vector<256x88xbf16>, vector<128x88xbf16>, vector<256x128xf32> -> vector<256x128xf32>
    %add3A_1790 = vector.broadcast %reshape3A : vector<1x128xf32> to vector<256x128xf32>
    %add3A_1791 = arith.addf %dot_general3A_1789, %add3A_1790 : vector<256x128xf32>
    %reduce_max3A_1792 = arith.constant dense<0xFF800000> : vector<256xf32>
    %reduce_max3A_1793 = vector.multi_reduction <maximumf>, %add3A_1791, %reduce_max3A_1792 [1] : vector<256x128xf32> to vector<256xf32>
    %broadcast_in_dim3A_1794 = vector.shape_cast %reduce_max3A_1793 : vector<256xf32> to vector<256x1xf32>
    %sub3A_1795 = vector.broadcast %broadcast_in_dim3A_1794 : vector<256x1xf32> to vector<256x128xf32>
    %sub3A_1796 = arith.subf %add3A_1791, %sub3A_1795 : vector<256x128xf32>
    %exp3A_1797 = math.exp %sub3A_1796 : vector<256x128xf32>
    %convert_element_type3A_1798 = arith.truncf %exp3A_1797 : vector<256x128xf32> to vector<256x128xbf16>
    %swap3A_1799 = arith.constant 47 : index
    %swap3A_1800 = arith.constant 0 : index
    %swap3A_1801 = arith.constant 0 : index
    %swap3A_1802 = vector.load %arg6[%swap3A_1799, %swap3A_1800, %swap3A_1801] : memref<64x256x128xbf16, #tpu.memory_space<vmem>>, vector<1x256x128xbf16>
    %swap3A_1803 = vector.shape_cast %swap3A_1802 : vector<1x256x128xbf16> to vector<256x128xbf16>
    %swap3A_1804 = vector.shape_cast %convert_element_type3A_1798 : vector<256x128xbf16> to vector<1x256x128xbf16>
    tpu.vector_store %arg6[%swap3A_1799, %swap3A_1800, %swap3A_1801], %swap3A_1804 {strides = array<i32>} : memref<64x256x128xbf16, #tpu.memory_space<vmem>>, vector<1x256x128xbf16>,
    %get3A_1805 = arith.constant 47 : index
    %get3A_1806 = arith.constant 0 : index
    %get3A_1807 = vector.load %arg4[%get3A_1805, %get3A_1806] : memref<64x1xi32, #tpu.memory_space<vmem>>, vector<1x1xi32>
    %get3A_1808 = vector.extract %get3A_1807[0, 0] : i32 from vector<1x1xi32>
    %lt3A_1809 = vector.broadcast %get3A_1808 : i32 to vector<256x1xi32>
    %lt3A_1810 = arith.cmpi slt, %iota3A, %lt3A_1809 : vector<256x1xi32>
    %jit3A_1811 = arith.constant 0.000000e+00 : f32
    %broadcast_in_dim3A_1812 = vector.broadcast %jit3A_1811 : f32 to vector<256x1xf32>
    %select_n3A_1813 = arith.select %lt3A_1810, %broadcast_in_dim3A_1794, %broadcast_in_dim3A_1812 : vector<256x1xi1>, vector<256x1xf32>
    %reduce_sum3A_1814 = arith.constant dense<0.000000e+00> : vector<1xf32>
    %reduce_sum3A_1815 = vector.multi_reduction <add>, %select_n3A_1813, %reduce_sum3A_1814 [0] : vector<256x1xf32> to vector<1xf32>
    %broadcast_in_dim3A_1816 = vector.shape_cast %reduce_sum3A_1815 : vector<1xf32> to vector<1x1xf32>
    %swap3A_1817 = arith.constant 47 : index
    %swap3A_1818 = arith.constant 0 : index
    %swap3A_1819 = vector.load %arg7[%swap3A_1817, %swap3A_1818] : memref<64x1xf32, #tpu.memory_space<vmem>>, vector<1x1xf32>
    tpu.vector_store %arg7[%swap3A_1817, %swap3A_1818], %broadcast_in_dim3A_1816 {strides = array<i32>} : memref<64x1xf32, #tpu.memory_space<vmem>>, vector<1x1xf32>,
    %get3A_1820 = arith.constant 48 : index
    %get3A_1821 = arith.constant 0 : index
    %get3A_1822 = arith.constant 0 : index
    %get3A_1823 = vector.load %arg1[%get3A_1820, %get3A_1821, %get3A_1822] : memref<64x256x88xi8, #tpu.memory_space<vmem>>, vector<1x256x88xi8>
    %get3A_1824 = vector.shape_cast %get3A_1823 : vector<1x256x88xi8> to vector<256x88xi8>
    %convert_element_type3A_1825 = arith.sitofp %get3A_1824 : vector<256x88xi8> to vector<256x88xbf16>
    %dot_general3A_1826 = arith.constant dense<0.000000e+00> : vector<256x128xf32>
    %dot_general3A_1827 = tpu.matmul %convert_element_type3A_1825, %convert_element_type3A, %dot_general3A_1826 {dimension_numbers = #tpu.dot_dimension_numbers<[1], [1], [0], [0], [0, 0, 1, 0], [], []>, transpose_lhs_hint = false} : vector<256x88xbf16>, vector<128x88xbf16>, vector<256x128xf32> -> vector<256x128xf32>
    %add3A_1828 = vector.broadcast %reshape3A : vector<1x128xf32> to vector<256x128xf32>
    %add3A_1829 = arith.addf %dot_general3A_1827, %add3A_1828 : vector<256x128xf32>
    %reduce_max3A_1830 = arith.constant dense<0xFF800000> : vector<256xf32>
    %reduce_max3A_1831 = vector.multi_reduction <maximumf>, %add3A_1829, %reduce_max3A_1830 [1] : vector<256x128xf32> to vector<256xf32>
    %broadcast_in_dim3A_1832 = vector.shape_cast %reduce_max3A_1831 : vector<256xf32> to vector<256x1xf32>
    %sub3A_1833 = vector.broadcast %broadcast_in_dim3A_1832 : vector<256x1xf32> to vector<256x128xf32>
    %sub3A_1834 = arith.subf %add3A_1829, %sub3A_1833 : vector<256x128xf32>
    %exp3A_1835 = math.exp %sub3A_1834 : vector<256x128xf32>
    %convert_element_type3A_1836 = arith.truncf %exp3A_1835 : vector<256x128xf32> to vector<256x128xbf16>
    %swap3A_1837 = arith.constant 48 : index
    %swap3A_1838 = arith.constant 0 : index
    %swap3A_1839 = arith.constant 0 : index
    %swap3A_1840 = vector.load %arg6[%swap3A_1837, %swap3A_1838, %swap3A_1839] : memref<64x256x128xbf16, #tpu.memory_space<vmem>>, vector<1x256x128xbf16>
    %swap3A_1841 = vector.shape_cast %swap3A_1840 : vector<1x256x128xbf16> to vector<256x128xbf16>
    %swap3A_1842 = vector.shape_cast %convert_element_type3A_1836 : vector<256x128xbf16> to vector<1x256x128xbf16>
    tpu.vector_store %arg6[%swap3A_1837, %swap3A_1838, %swap3A_1839], %swap3A_1842 {strides = array<i32>} : memref<64x256x128xbf16, #tpu.memory_space<vmem>>, vector<1x256x128xbf16>,
    %get3A_1843 = arith.constant 48 : index
    %get3A_1844 = arith.constant 0 : index
    %get3A_1845 = vector.load %arg4[%get3A_1843, %get3A_1844] : memref<64x1xi32, #tpu.memory_space<vmem>>, vector<1x1xi32>
    %get3A_1846 = vector.extract %get3A_1845[0, 0] : i32 from vector<1x1xi32>
    %lt3A_1847 = vector.broadcast %get3A_1846 : i32 to vector<256x1xi32>
    %lt3A_1848 = arith.cmpi slt, %iota3A, %lt3A_1847 : vector<256x1xi32>
    %jit3A_1849 = arith.constant 0.000000e+00 : f32
    %broadcast_in_dim3A_1850 = vector.broadcast %jit3A_1849 : f32 to vector<256x1xf32>
    %select_n3A_1851 = arith.select %lt3A_1848, %broadcast_in_dim3A_1832, %broadcast_in_dim3A_1850 : vector<256x1xi1>, vector<256x1xf32>
    %reduce_sum3A_1852 = arith.constant dense<0.000000e+00> : vector<1xf32>
    %reduce_sum3A_1853 = vector.multi_reduction <add>, %select_n3A_1851, %reduce_sum3A_1852 [0] : vector<256x1xf32> to vector<1xf32>
    %broadcast_in_dim3A_1854 = vector.shape_cast %reduce_sum3A_1853 : vector<1xf32> to vector<1x1xf32>
    %swap3A_1855 = arith.constant 48 : index
    %swap3A_1856 = arith.constant 0 : index
    %swap3A_1857 = vector.load %arg7[%swap3A_1855, %swap3A_1856] : memref<64x1xf32, #tpu.memory_space<vmem>>, vector<1x1xf32>
    tpu.vector_store %arg7[%swap3A_1855, %swap3A_1856], %broadcast_in_dim3A_1854 {strides = array<i32>} : memref<64x1xf32, #tpu.memory_space<vmem>>, vector<1x1xf32>,
    %get3A_1858 = arith.constant 49 : index
    %get3A_1859 = arith.constant 0 : index
    %get3A_1860 = arith.constant 0 : index
    %get3A_1861 = vector.load %arg1[%get3A_1858, %get3A_1859, %get3A_1860] : memref<64x256x88xi8, #tpu.memory_space<vmem>>, vector<1x256x88xi8>
    %get3A_1862 = vector.shape_cast %get3A_1861 : vector<1x256x88xi8> to vector<256x88xi8>
    %convert_element_type3A_1863 = arith.sitofp %get3A_1862 : vector<256x88xi8> to vector<256x88xbf16>
    %dot_general3A_1864 = arith.constant dense<0.000000e+00> : vector<256x128xf32>
    %dot_general3A_1865 = tpu.matmul %convert_element_type3A_1863, %convert_element_type3A, %dot_general3A_1864 {dimension_numbers = #tpu.dot_dimension_numbers<[1], [1], [0], [0], [0, 0, 1, 0], [], []>, transpose_lhs_hint = false} : vector<256x88xbf16>, vector<128x88xbf16>, vector<256x128xf32> -> vector<256x128xf32>
    %add3A_1866 = vector.broadcast %reshape3A : vector<1x128xf32> to vector<256x128xf32>
    %add3A_1867 = arith.addf %dot_general3A_1865, %add3A_1866 : vector<256x128xf32>
    %reduce_max3A_1868 = arith.constant dense<0xFF800000> : vector<256xf32>
    %reduce_max3A_1869 = vector.multi_reduction <maximumf>, %add3A_1867, %reduce_max3A_1868 [1] : vector<256x128xf32> to vector<256xf32>
    %broadcast_in_dim3A_1870 = vector.shape_cast %reduce_max3A_1869 : vector<256xf32> to vector<256x1xf32>
    %sub3A_1871 = vector.broadcast %broadcast_in_dim3A_1870 : vector<256x1xf32> to vector<256x128xf32>
    %sub3A_1872 = arith.subf %add3A_1867, %sub3A_1871 : vector<256x128xf32>
    %exp3A_1873 = math.exp %sub3A_1872 : vector<256x128xf32>
    %convert_element_type3A_1874 = arith.truncf %exp3A_1873 : vector<256x128xf32> to vector<256x128xbf16>
    %swap3A_1875 = arith.constant 49 : index
    %swap3A_1876 = arith.constant 0 : index
    %swap3A_1877 = arith.constant 0 : index
    %swap3A_1878 = vector.load %arg6[%swap3A_1875, %swap3A_1876, %swap3A_1877] : memref<64x256x128xbf16, #tpu.memory_space<vmem>>, vector<1x256x128xbf16>
    %swap3A_1879 = vector.shape_cast %swap3A_1878 : vector<1x256x128xbf16> to vector<256x128xbf16>
    %swap3A_1880 = vector.shape_cast %convert_element_type3A_1874 : vector<256x128xbf16> to vector<1x256x128xbf16>
    tpu.vector_store %arg6[%swap3A_1875, %swap3A_1876, %swap3A_1877], %swap3A_1880 {strides = array<i32>} : memref<64x256x128xbf16, #tpu.memory_space<vmem>>, vector<1x256x128xbf16>,
    %get3A_1881 = arith.constant 49 : index
    %get3A_1882 = arith.constant 0 : index
    %get3A_1883 = vector.load %arg4[%get3A_1881, %get3A_1882] : memref<64x1xi32, #tpu.memory_space<vmem>>, vector<1x1xi32>
    %get3A_1884 = vector.extract %get3A_1883[0, 0] : i32 from vector<1x1xi32>
    %lt3A_1885 = vector.broadcast %get3A_1884 : i32 to vector<256x1xi32>
    %lt3A_1886 = arith.cmpi slt, %iota3A, %lt3A_1885 : vector<256x1xi32>
    %jit3A_1887 = arith.constant 0.000000e+00 : f32
    %broadcast_in_dim3A_1888 = vector.broadcast %jit3A_1887 : f32 to vector<256x1xf32>
    %select_n3A_1889 = arith.select %lt3A_1886, %broadcast_in_dim3A_1870, %broadcast_in_dim3A_1888 : vector<256x1xi1>, vector<256x1xf32>
    %reduce_sum3A_1890 = arith.constant dense<0.000000e+00> : vector<1xf32>
    %reduce_sum3A_1891 = vector.multi_reduction <add>, %select_n3A_1889, %reduce_sum3A_1890 [0] : vector<256x1xf32> to vector<1xf32>
    %broadcast_in_dim3A_1892 = vector.shape_cast %reduce_sum3A_1891 : vector<1xf32> to vector<1x1xf32>
    %swap3A_1893 = arith.constant 49 : index
    %swap3A_1894 = arith.constant 0 : index
    %swap3A_1895 = vector.load %arg7[%swap3A_1893, %swap3A_1894] : memref<64x1xf32, #tpu.memory_space<vmem>>, vector<1x1xf32>
    tpu.vector_store %arg7[%swap3A_1893, %swap3A_1894], %broadcast_in_dim3A_1892 {strides = array<i32>} : memref<64x1xf32, #tpu.memory_space<vmem>>, vector<1x1xf32>,
    %get3A_1896 = arith.constant 50 : index
    %get3A_1897 = arith.constant 0 : index
    %get3A_1898 = arith.constant 0 : index
    %get3A_1899 = vector.load %arg1[%get3A_1896, %get3A_1897, %get3A_1898] : memref<64x256x88xi8, #tpu.memory_space<vmem>>, vector<1x256x88xi8>
    %get3A_1900 = vector.shape_cast %get3A_1899 : vector<1x256x88xi8> to vector<256x88xi8>
    %convert_element_type3A_1901 = arith.sitofp %get3A_1900 : vector<256x88xi8> to vector<256x88xbf16>
    %dot_general3A_1902 = arith.constant dense<0.000000e+00> : vector<256x128xf32>
    %dot_general3A_1903 = tpu.matmul %convert_element_type3A_1901, %convert_element_type3A, %dot_general3A_1902 {dimension_numbers = #tpu.dot_dimension_numbers<[1], [1], [0], [0], [0, 0, 1, 0], [], []>, transpose_lhs_hint = false} : vector<256x88xbf16>, vector<128x88xbf16>, vector<256x128xf32> -> vector<256x128xf32>
    %add3A_1904 = vector.broadcast %reshape3A : vector<1x128xf32> to vector<256x128xf32>
    %add3A_1905 = arith.addf %dot_general3A_1903, %add3A_1904 : vector<256x128xf32>
    %reduce_max3A_1906 = arith.constant dense<0xFF800000> : vector<256xf32>
    %reduce_max3A_1907 = vector.multi_reduction <maximumf>, %add3A_1905, %reduce_max3A_1906 [1] : vector<256x128xf32> to vector<256xf32>
    %broadcast_in_dim3A_1908 = vector.shape_cast %reduce_max3A_1907 : vector<256xf32> to vector<256x1xf32>
    %sub3A_1909 = vector.broadcast %broadcast_in_dim3A_1908 : vector<256x1xf32> to vector<256x128xf32>
    %sub3A_1910 = arith.subf %add3A_1905, %sub3A_1909 : vector<256x128xf32>
    %exp3A_1911 = math.exp %sub3A_1910 : vector<256x128xf32>
    %convert_element_type3A_1912 = arith.truncf %exp3A_1911 : vector<256x128xf32> to vector<256x128xbf16>
    %swap3A_1913 = arith.constant 50 : index
    %swap3A_1914 = arith.constant 0 : index
    %swap3A_1915 = arith.constant 0 : index
    %swap3A_1916 = vector.load %arg6[%swap3A_1913, %swap3A_1914, %swap3A_1915] : memref<64x256x128xbf16, #tpu.memory_space<vmem>>, vector<1x256x128xbf16>
    %swap3A_1917 = vector.shape_cast %swap3A_1916 : vector<1x256x128xbf16> to vector<256x128xbf16>
    %swap3A_1918 = vector.shape_cast %convert_element_type3A_1912 : vector<256x128xbf16> to vector<1x256x128xbf16>
    tpu.vector_store %arg6[%swap3A_1913, %swap3A_1914, %swap3A_1915], %swap3A_1918 {strides = array<i32>} : memref<64x256x128xbf16, #tpu.memory_space<vmem>>, vector<1x256x128xbf16>,
    %get3A_1919 = arith.constant 50 : index
    %get3A_1920 = arith.constant 0 : index
    %get3A_1921 = vector.load %arg4[%get3A_1919, %get3A_1920] : memref<64x1xi32, #tpu.memory_space<vmem>>, vector<1x1xi32>
    %get3A_1922 = vector.extract %get3A_1921[0, 0] : i32 from vector<1x1xi32>
    %lt3A_1923 = vector.broadcast %get3A_1922 : i32 to vector<256x1xi32>
    %lt3A_1924 = arith.cmpi slt, %iota3A, %lt3A_1923 : vector<256x1xi32>
    %jit3A_1925 = arith.constant 0.000000e+00 : f32
    %broadcast_in_dim3A_1926 = vector.broadcast %jit3A_1925 : f32 to vector<256x1xf32>
    %select_n3A_1927 = arith.select %lt3A_1924, %broadcast_in_dim3A_1908, %broadcast_in_dim3A_1926 : vector<256x1xi1>, vector<256x1xf32>
    %reduce_sum3A_1928 = arith.constant dense<0.000000e+00> : vector<1xf32>
    %reduce_sum3A_1929 = vector.multi_reduction <add>, %select_n3A_1927, %reduce_sum3A_1928 [0] : vector<256x1xf32> to vector<1xf32>
    %broadcast_in_dim3A_1930 = vector.shape_cast %reduce_sum3A_1929 : vector<1xf32> to vector<1x1xf32>
    %swap3A_1931 = arith.constant 50 : index
    %swap3A_1932 = arith.constant 0 : index
    %swap3A_1933 = vector.load %arg7[%swap3A_1931, %swap3A_1932] : memref<64x1xf32, #tpu.memory_space<vmem>>, vector<1x1xf32>
    tpu.vector_store %arg7[%swap3A_1931, %swap3A_1932], %broadcast_in_dim3A_1930 {strides = array<i32>} : memref<64x1xf32, #tpu.memory_space<vmem>>, vector<1x1xf32>,
    %get3A_1934 = arith.constant 51 : index
    %get3A_1935 = arith.constant 0 : index
    %get3A_1936 = arith.constant 0 : index
    %get3A_1937 = vector.load %arg1[%get3A_1934, %get3A_1935, %get3A_1936] : memref<64x256x88xi8, #tpu.memory_space<vmem>>, vector<1x256x88xi8>
    %get3A_1938 = vector.shape_cast %get3A_1937 : vector<1x256x88xi8> to vector<256x88xi8>
    %convert_element_type3A_1939 = arith.sitofp %get3A_1938 : vector<256x88xi8> to vector<256x88xbf16>
    %dot_general3A_1940 = arith.constant dense<0.000000e+00> : vector<256x128xf32>
    %dot_general3A_1941 = tpu.matmul %convert_element_type3A_1939, %convert_element_type3A, %dot_general3A_1940 {dimension_numbers = #tpu.dot_dimension_numbers<[1], [1], [0], [0], [0, 0, 1, 0], [], []>, transpose_lhs_hint = false} : vector<256x88xbf16>, vector<128x88xbf16>, vector<256x128xf32> -> vector<256x128xf32>
    %add3A_1942 = vector.broadcast %reshape3A : vector<1x128xf32> to vector<256x128xf32>
    %add3A_1943 = arith.addf %dot_general3A_1941, %add3A_1942 : vector<256x128xf32>
    %reduce_max3A_1944 = arith.constant dense<0xFF800000> : vector<256xf32>
    %reduce_max3A_1945 = vector.multi_reduction <maximumf>, %add3A_1943, %reduce_max3A_1944 [1] : vector<256x128xf32> to vector<256xf32>
    %broadcast_in_dim3A_1946 = vector.shape_cast %reduce_max3A_1945 : vector<256xf32> to vector<256x1xf32>
    %sub3A_1947 = vector.broadcast %broadcast_in_dim3A_1946 : vector<256x1xf32> to vector<256x128xf32>
    %sub3A_1948 = arith.subf %add3A_1943, %sub3A_1947 : vector<256x128xf32>
    %exp3A_1949 = math.exp %sub3A_1948 : vector<256x128xf32>
    %convert_element_type3A_1950 = arith.truncf %exp3A_1949 : vector<256x128xf32> to vector<256x128xbf16>
    %swap3A_1951 = arith.constant 51 : index
    %swap3A_1952 = arith.constant 0 : index
    %swap3A_1953 = arith.constant 0 : index
    %swap3A_1954 = vector.load %arg6[%swap3A_1951, %swap3A_1952, %swap3A_1953] : memref<64x256x128xbf16, #tpu.memory_space<vmem>>, vector<1x256x128xbf16>
    %swap3A_1955 = vector.shape_cast %swap3A_1954 : vector<1x256x128xbf16> to vector<256x128xbf16>
    %swap3A_1956 = vector.shape_cast %convert_element_type3A_1950 : vector<256x128xbf16> to vector<1x256x128xbf16>
    tpu.vector_store %arg6[%swap3A_1951, %swap3A_1952, %swap3A_1953], %swap3A_1956 {strides = array<i32>} : memref<64x256x128xbf16, #tpu.memory_space<vmem>>, vector<1x256x128xbf16>,
    %get3A_1957 = arith.constant 51 : index
    %get3A_1958 = arith.constant 0 : index
    %get3A_1959 = vector.load %arg4[%get3A_1957, %get3A_1958] : memref<64x1xi32, #tpu.memory_space<vmem>>, vector<1x1xi32>
    %get3A_1960 = vector.extract %get3A_1959[0, 0] : i32 from vector<1x1xi32>
    %lt3A_1961 = vector.broadcast %get3A_1960 : i32 to vector<256x1xi32>
    %lt3A_1962 = arith.cmpi slt, %iota3A, %lt3A_1961 : vector<256x1xi32>
    %jit3A_1963 = arith.constant 0.000000e+00 : f32
    %broadcast_in_dim3A_1964 = vector.broadcast %jit3A_1963 : f32 to vector<256x1xf32>
    %select_n3A_1965 = arith.select %lt3A_1962, %broadcast_in_dim3A_1946, %broadcast_in_dim3A_1964 : vector<256x1xi1>, vector<256x1xf32>
    %reduce_sum3A_1966 = arith.constant dense<0.000000e+00> : vector<1xf32>
    %reduce_sum3A_1967 = vector.multi_reduction <add>, %select_n3A_1965, %reduce_sum3A_1966 [0] : vector<256x1xf32> to vector<1xf32>
    %broadcast_in_dim3A_1968 = vector.shape_cast %reduce_sum3A_1967 : vector<1xf32> to vector<1x1xf32>
    %swap3A_1969 = arith.constant 51 : index
    %swap3A_1970 = arith.constant 0 : index
    %swap3A_1971 = vector.load %arg7[%swap3A_1969, %swap3A_1970] : memref<64x1xf32, #tpu.memory_space<vmem>>, vector<1x1xf32>
    tpu.vector_store %arg7[%swap3A_1969, %swap3A_1970], %broadcast_in_dim3A_1968 {strides = array<i32>} : memref<64x1xf32, #tpu.memory_space<vmem>>, vector<1x1xf32>,
    %get3A_1972 = arith.constant 52 : index
    %get3A_1973 = arith.constant 0 : index
    %get3A_1974 = arith.constant 0 : index
    %get3A_1975 = vector.load %arg1[%get3A_1972, %get3A_1973, %get3A_1974] : memref<64x256x88xi8, #tpu.memory_space<vmem>>, vector<1x256x88xi8>
    %get3A_1976 = vector.shape_cast %get3A_1975 : vector<1x256x88xi8> to vector<256x88xi8>
    %convert_element_type3A_1977 = arith.sitofp %get3A_1976 : vector<256x88xi8> to vector<256x88xbf16>
    %dot_general3A_1978 = arith.constant dense<0.000000e+00> : vector<256x128xf32>
    %dot_general3A_1979 = tpu.matmul %convert_element_type3A_1977, %convert_element_type3A, %dot_general3A_1978 {dimension_numbers = #tpu.dot_dimension_numbers<[1], [1], [0], [0], [0, 0, 1, 0], [], []>, transpose_lhs_hint = false} : vector<256x88xbf16>, vector<128x88xbf16>, vector<256x128xf32> -> vector<256x128xf32>
    %add3A_1980 = vector.broadcast %reshape3A : vector<1x128xf32> to vector<256x128xf32>
    %add3A_1981 = arith.addf %dot_general3A_1979, %add3A_1980 : vector<256x128xf32>
    %reduce_max3A_1982 = arith.constant dense<0xFF800000> : vector<256xf32>
    %reduce_max3A_1983 = vector.multi_reduction <maximumf>, %add3A_1981, %reduce_max3A_1982 [1] : vector<256x128xf32> to vector<256xf32>
    %broadcast_in_dim3A_1984 = vector.shape_cast %reduce_max3A_1983 : vector<256xf32> to vector<256x1xf32>
    %sub3A_1985 = vector.broadcast %broadcast_in_dim3A_1984 : vector<256x1xf32> to vector<256x128xf32>
    %sub3A_1986 = arith.subf %add3A_1981, %sub3A_1985 : vector<256x128xf32>
    %exp3A_1987 = math.exp %sub3A_1986 : vector<256x128xf32>
    %convert_element_type3A_1988 = arith.truncf %exp3A_1987 : vector<256x128xf32> to vector<256x128xbf16>
    %swap3A_1989 = arith.constant 52 : index
    %swap3A_1990 = arith.constant 0 : index
    %swap3A_1991 = arith.constant 0 : index
    %swap3A_1992 = vector.load %arg6[%swap3A_1989, %swap3A_1990, %swap3A_1991] : memref<64x256x128xbf16, #tpu.memory_space<vmem>>, vector<1x256x128xbf16>
    %swap3A_1993 = vector.shape_cast %swap3A_1992 : vector<1x256x128xbf16> to vector<256x128xbf16>
    %swap3A_1994 = vector.shape_cast %convert_element_type3A_1988 : vector<256x128xbf16> to vector<1x256x128xbf16>
    tpu.vector_store %arg6[%swap3A_1989, %swap3A_1990, %swap3A_1991], %swap3A_1994 {strides = array<i32>} : memref<64x256x128xbf16, #tpu.memory_space<vmem>>, vector<1x256x128xbf16>,
    %get3A_1995 = arith.constant 52 : index
    %get3A_1996 = arith.constant 0 : index
    %get3A_1997 = vector.load %arg4[%get3A_1995, %get3A_1996] : memref<64x1xi32, #tpu.memory_space<vmem>>, vector<1x1xi32>
    %get3A_1998 = vector.extract %get3A_1997[0, 0] : i32 from vector<1x1xi32>
    %lt3A_1999 = vector.broadcast %get3A_1998 : i32 to vector<256x1xi32>
    %lt3A_2000 = arith.cmpi slt, %iota3A, %lt3A_1999 : vector<256x1xi32>
    %jit3A_2001 = arith.constant 0.000000e+00 : f32
    %broadcast_in_dim3A_2002 = vector.broadcast %jit3A_2001 : f32 to vector<256x1xf32>
    %select_n3A_2003 = arith.select %lt3A_2000, %broadcast_in_dim3A_1984, %broadcast_in_dim3A_2002 : vector<256x1xi1>, vector<256x1xf32>
    %reduce_sum3A_2004 = arith.constant dense<0.000000e+00> : vector<1xf32>
    %reduce_sum3A_2005 = vector.multi_reduction <add>, %select_n3A_2003, %reduce_sum3A_2004 [0] : vector<256x1xf32> to vector<1xf32>
    %broadcast_in_dim3A_2006 = vector.shape_cast %reduce_sum3A_2005 : vector<1xf32> to vector<1x1xf32>
    %swap3A_2007 = arith.constant 52 : index
    %swap3A_2008 = arith.constant 0 : index
    %swap3A_2009 = vector.load %arg7[%swap3A_2007, %swap3A_2008] : memref<64x1xf32, #tpu.memory_space<vmem>>, vector<1x1xf32>
    tpu.vector_store %arg7[%swap3A_2007, %swap3A_2008], %broadcast_in_dim3A_2006 {strides = array<i32>} : memref<64x1xf32, #tpu.memory_space<vmem>>, vector<1x1xf32>,
    %get3A_2010 = arith.constant 53 : index
    %get3A_2011 = arith.constant 0 : index
    %get3A_2012 = arith.constant 0 : index
    %get3A_2013 = vector.load %arg1[%get3A_2010, %get3A_2011, %get3A_2012] : memref<64x256x88xi8, #tpu.memory_space<vmem>>, vector<1x256x88xi8>
    %get3A_2014 = vector.shape_cast %get3A_2013 : vector<1x256x88xi8> to vector<256x88xi8>
    %convert_element_type3A_2015 = arith.sitofp %get3A_2014 : vector<256x88xi8> to vector<256x88xbf16>
    %dot_general3A_2016 = arith.constant dense<0.000000e+00> : vector<256x128xf32>
    %dot_general3A_2017 = tpu.matmul %convert_element_type3A_2015, %convert_element_type3A, %dot_general3A_2016 {dimension_numbers = #tpu.dot_dimension_numbers<[1], [1], [0], [0], [0, 0, 1, 0], [], []>, transpose_lhs_hint = false} : vector<256x88xbf16>, vector<128x88xbf16>, vector<256x128xf32> -> vector<256x128xf32>
    %add3A_2018 = vector.broadcast %reshape3A : vector<1x128xf32> to vector<256x128xf32>
    %add3A_2019 = arith.addf %dot_general3A_2017, %add3A_2018 : vector<256x128xf32>
    %reduce_max3A_2020 = arith.constant dense<0xFF800000> : vector<256xf32>
    %reduce_max3A_2021 = vector.multi_reduction <maximumf>, %add3A_2019, %reduce_max3A_2020 [1] : vector<256x128xf32> to vector<256xf32>
    %broadcast_in_dim3A_2022 = vector.shape_cast %reduce_max3A_2021 : vector<256xf32> to vector<256x1xf32>
    %sub3A_2023 = vector.broadcast %broadcast_in_dim3A_2022 : vector<256x1xf32> to vector<256x128xf32>
    %sub3A_2024 = arith.subf %add3A_2019, %sub3A_2023 : vector<256x128xf32>
    %exp3A_2025 = math.exp %sub3A_2024 : vector<256x128xf32>
    %convert_element_type3A_2026 = arith.truncf %exp3A_2025 : vector<256x128xf32> to vector<256x128xbf16>
    %swap3A_2027 = arith.constant 53 : index
    %swap3A_2028 = arith.constant 0 : index
    %swap3A_2029 = arith.constant 0 : index
    %swap3A_2030 = vector.load %arg6[%swap3A_2027, %swap3A_2028, %swap3A_2029] : memref<64x256x128xbf16, #tpu.memory_space<vmem>>, vector<1x256x128xbf16>
    %swap3A_2031 = vector.shape_cast %swap3A_2030 : vector<1x256x128xbf16> to vector<256x128xbf16>
    %swap3A_2032 = vector.shape_cast %convert_element_type3A_2026 : vector<256x128xbf16> to vector<1x256x128xbf16>
    tpu.vector_store %arg6[%swap3A_2027, %swap3A_2028, %swap3A_2029], %swap3A_2032 {strides = array<i32>} : memref<64x256x128xbf16, #tpu.memory_space<vmem>>, vector<1x256x128xbf16>,
    %get3A_2033 = arith.constant 53 : index
    %get3A_2034 = arith.constant 0 : index
    %get3A_2035 = vector.load %arg4[%get3A_2033, %get3A_2034] : memref<64x1xi32, #tpu.memory_space<vmem>>, vector<1x1xi32>
    %get3A_2036 = vector.extract %get3A_2035[0, 0] : i32 from vector<1x1xi32>
    %lt3A_2037 = vector.broadcast %get3A_2036 : i32 to vector<256x1xi32>
    %lt3A_2038 = arith.cmpi slt, %iota3A, %lt3A_2037 : vector<256x1xi32>
    %jit3A_2039 = arith.constant 0.000000e+00 : f32
    %broadcast_in_dim3A_2040 = vector.broadcast %jit3A_2039 : f32 to vector<256x1xf32>
    %select_n3A_2041 = arith.select %lt3A_2038, %broadcast_in_dim3A_2022, %broadcast_in_dim3A_2040 : vector<256x1xi1>, vector<256x1xf32>
    %reduce_sum3A_2042 = arith.constant dense<0.000000e+00> : vector<1xf32>
    %reduce_sum3A_2043 = vector.multi_reduction <add>, %select_n3A_2041, %reduce_sum3A_2042 [0] : vector<256x1xf32> to vector<1xf32>
    %broadcast_in_dim3A_2044 = vector.shape_cast %reduce_sum3A_2043 : vector<1xf32> to vector<1x1xf32>
    %swap3A_2045 = arith.constant 53 : index
    %swap3A_2046 = arith.constant 0 : index
    %swap3A_2047 = vector.load %arg7[%swap3A_2045, %swap3A_2046] : memref<64x1xf32, #tpu.memory_space<vmem>>, vector<1x1xf32>
    tpu.vector_store %arg7[%swap3A_2045, %swap3A_2046], %broadcast_in_dim3A_2044 {strides = array<i32>} : memref<64x1xf32, #tpu.memory_space<vmem>>, vector<1x1xf32>,
    %get3A_2048 = arith.constant 54 : index
    %get3A_2049 = arith.constant 0 : index
    %get3A_2050 = arith.constant 0 : index
    %get3A_2051 = vector.load %arg1[%get3A_2048, %get3A_2049, %get3A_2050] : memref<64x256x88xi8, #tpu.memory_space<vmem>>, vector<1x256x88xi8>
    %get3A_2052 = vector.shape_cast %get3A_2051 : vector<1x256x88xi8> to vector<256x88xi8>
    %convert_element_type3A_2053 = arith.sitofp %get3A_2052 : vector<256x88xi8> to vector<256x88xbf16>
    %dot_general3A_2054 = arith.constant dense<0.000000e+00> : vector<256x128xf32>
    %dot_general3A_2055 = tpu.matmul %convert_element_type3A_2053, %convert_element_type3A, %dot_general3A_2054 {dimension_numbers = #tpu.dot_dimension_numbers<[1], [1], [0], [0], [0, 0, 1, 0], [], []>, transpose_lhs_hint = false} : vector<256x88xbf16>, vector<128x88xbf16>, vector<256x128xf32> -> vector<256x128xf32>
    %add3A_2056 = vector.broadcast %reshape3A : vector<1x128xf32> to vector<256x128xf32>
    %add3A_2057 = arith.addf %dot_general3A_2055, %add3A_2056 : vector<256x128xf32>
    %reduce_max3A_2058 = arith.constant dense<0xFF800000> : vector<256xf32>
    %reduce_max3A_2059 = vector.multi_reduction <maximumf>, %add3A_2057, %reduce_max3A_2058 [1] : vector<256x128xf32> to vector<256xf32>
    %broadcast_in_dim3A_2060 = vector.shape_cast %reduce_max3A_2059 : vector<256xf32> to vector<256x1xf32>
    %sub3A_2061 = vector.broadcast %broadcast_in_dim3A_2060 : vector<256x1xf32> to vector<256x128xf32>
    %sub3A_2062 = arith.subf %add3A_2057, %sub3A_2061 : vector<256x128xf32>
    %exp3A_2063 = math.exp %sub3A_2062 : vector<256x128xf32>
    %convert_element_type3A_2064 = arith.truncf %exp3A_2063 : vector<256x128xf32> to vector<256x128xbf16>
    %swap3A_2065 = arith.constant 54 : index
    %swap3A_2066 = arith.constant 0 : index
    %swap3A_2067 = arith.constant 0 : index
    %swap3A_2068 = vector.load %arg6[%swap3A_2065, %swap3A_2066, %swap3A_2067] : memref<64x256x128xbf16, #tpu.memory_space<vmem>>, vector<1x256x128xbf16>
    %swap3A_2069 = vector.shape_cast %swap3A_2068 : vector<1x256x128xbf16> to vector<256x128xbf16>
    %swap3A_2070 = vector.shape_cast %convert_element_type3A_2064 : vector<256x128xbf16> to vector<1x256x128xbf16>
    tpu.vector_store %arg6[%swap3A_2065, %swap3A_2066, %swap3A_2067], %swap3A_2070 {strides = array<i32>} : memref<64x256x128xbf16, #tpu.memory_space<vmem>>, vector<1x256x128xbf16>,
    %get3A_2071 = arith.constant 54 : index
    %get3A_2072 = arith.constant 0 : index
    %get3A_2073 = vector.load %arg4[%get3A_2071, %get3A_2072] : memref<64x1xi32, #tpu.memory_space<vmem>>, vector<1x1xi32>
    %get3A_2074 = vector.extract %get3A_2073[0, 0] : i32 from vector<1x1xi32>
    %lt3A_2075 = vector.broadcast %get3A_2074 : i32 to vector<256x1xi32>
    %lt3A_2076 = arith.cmpi slt, %iota3A, %lt3A_2075 : vector<256x1xi32>
    %jit3A_2077 = arith.constant 0.000000e+00 : f32
    %broadcast_in_dim3A_2078 = vector.broadcast %jit3A_2077 : f32 to vector<256x1xf32>
    %select_n3A_2079 = arith.select %lt3A_2076, %broadcast_in_dim3A_2060, %broadcast_in_dim3A_2078 : vector<256x1xi1>, vector<256x1xf32>
    %reduce_sum3A_2080 = arith.constant dense<0.000000e+00> : vector<1xf32>
    %reduce_sum3A_2081 = vector.multi_reduction <add>, %select_n3A_2079, %reduce_sum3A_2080 [0] : vector<256x1xf32> to vector<1xf32>
    %broadcast_in_dim3A_2082 = vector.shape_cast %reduce_sum3A_2081 : vector<1xf32> to vector<1x1xf32>
    %swap3A_2083 = arith.constant 54 : index
    %swap3A_2084 = arith.constant 0 : index
    %swap3A_2085 = vector.load %arg7[%swap3A_2083, %swap3A_2084] : memref<64x1xf32, #tpu.memory_space<vmem>>, vector<1x1xf32>
    tpu.vector_store %arg7[%swap3A_2083, %swap3A_2084], %broadcast_in_dim3A_2082 {strides = array<i32>} : memref<64x1xf32, #tpu.memory_space<vmem>>, vector<1x1xf32>,
    %get3A_2086 = arith.constant 55 : index
    %get3A_2087 = arith.constant 0 : index
    %get3A_2088 = arith.constant 0 : index
    %get3A_2089 = vector.load %arg1[%get3A_2086, %get3A_2087, %get3A_2088] : memref<64x256x88xi8, #tpu.memory_space<vmem>>, vector<1x256x88xi8>
    %get3A_2090 = vector.shape_cast %get3A_2089 : vector<1x256x88xi8> to vector<256x88xi8>
    %convert_element_type3A_2091 = arith.sitofp %get3A_2090 : vector<256x88xi8> to vector<256x88xbf16>
    %dot_general3A_2092 = arith.constant dense<0.000000e+00> : vector<256x128xf32>
    %dot_general3A_2093 = tpu.matmul %convert_element_type3A_2091, %convert_element_type3A, %dot_general3A_2092 {dimension_numbers = #tpu.dot_dimension_numbers<[1], [1], [0], [0], [0, 0, 1, 0], [], []>, transpose_lhs_hint = false} : vector<256x88xbf16>, vector<128x88xbf16>, vector<256x128xf32> -> vector<256x128xf32>
    %add3A_2094 = vector.broadcast %reshape3A : vector<1x128xf32> to vector<256x128xf32>
    %add3A_2095 = arith.addf %dot_general3A_2093, %add3A_2094 : vector<256x128xf32>
    %reduce_max3A_2096 = arith.constant dense<0xFF800000> : vector<256xf32>
    %reduce_max3A_2097 = vector.multi_reduction <maximumf>, %add3A_2095, %reduce_max3A_2096 [1] : vector<256x128xf32> to vector<256xf32>
    %broadcast_in_dim3A_2098 = vector.shape_cast %reduce_max3A_2097 : vector<256xf32> to vector<256x1xf32>
    %sub3A_2099 = vector.broadcast %broadcast_in_dim3A_2098 : vector<256x1xf32> to vector<256x128xf32>
    %sub3A_2100 = arith.subf %add3A_2095, %sub3A_2099 : vector<256x128xf32>
    %exp3A_2101 = math.exp %sub3A_2100 : vector<256x128xf32>
    %convert_element_type3A_2102 = arith.truncf %exp3A_2101 : vector<256x128xf32> to vector<256x128xbf16>
    %swap3A_2103 = arith.constant 55 : index
    %swap3A_2104 = arith.constant 0 : index
    %swap3A_2105 = arith.constant 0 : index
    %swap3A_2106 = vector.load %arg6[%swap3A_2103, %swap3A_2104, %swap3A_2105] : memref<64x256x128xbf16, #tpu.memory_space<vmem>>, vector<1x256x128xbf16>
    %swap3A_2107 = vector.shape_cast %swap3A_2106 : vector<1x256x128xbf16> to vector<256x128xbf16>
    %swap3A_2108 = vector.shape_cast %convert_element_type3A_2102 : vector<256x128xbf16> to vector<1x256x128xbf16>
    tpu.vector_store %arg6[%swap3A_2103, %swap3A_2104, %swap3A_2105], %swap3A_2108 {strides = array<i32>} : memref<64x256x128xbf16, #tpu.memory_space<vmem>>, vector<1x256x128xbf16>,
    %get3A_2109 = arith.constant 55 : index
    %get3A_2110 = arith.constant 0 : index
    %get3A_2111 = vector.load %arg4[%get3A_2109, %get3A_2110] : memref<64x1xi32, #tpu.memory_space<vmem>>, vector<1x1xi32>
    %get3A_2112 = vector.extract %get3A_2111[0, 0] : i32 from vector<1x1xi32>
    %lt3A_2113 = vector.broadcast %get3A_2112 : i32 to vector<256x1xi32>
    %lt3A_2114 = arith.cmpi slt, %iota3A, %lt3A_2113 : vector<256x1xi32>
    %jit3A_2115 = arith.constant 0.000000e+00 : f32
    %broadcast_in_dim3A_2116 = vector.broadcast %jit3A_2115 : f32 to vector<256x1xf32>
    %select_n3A_2117 = arith.select %lt3A_2114, %broadcast_in_dim3A_2098, %broadcast_in_dim3A_2116 : vector<256x1xi1>, vector<256x1xf32>
    %reduce_sum3A_2118 = arith.constant dense<0.000000e+00> : vector<1xf32>
    %reduce_sum3A_2119 = vector.multi_reduction <add>, %select_n3A_2117, %reduce_sum3A_2118 [0] : vector<256x1xf32> to vector<1xf32>
    %broadcast_in_dim3A_2120 = vector.shape_cast %reduce_sum3A_2119 : vector<1xf32> to vector<1x1xf32>
    %swap3A_2121 = arith.constant 55 : index
    %swap3A_2122 = arith.constant 0 : index
    %swap3A_2123 = vector.load %arg7[%swap3A_2121, %swap3A_2122] : memref<64x1xf32, #tpu.memory_space<vmem>>, vector<1x1xf32>
    tpu.vector_store %arg7[%swap3A_2121, %swap3A_2122], %broadcast_in_dim3A_2120 {strides = array<i32>} : memref<64x1xf32, #tpu.memory_space<vmem>>, vector<1x1xf32>,
    %get3A_2124 = arith.constant 56 : index
    %get3A_2125 = arith.constant 0 : index
    %get3A_2126 = arith.constant 0 : index
    %get3A_2127 = vector.load %arg1[%get3A_2124, %get3A_2125, %get3A_2126] : memref<64x256x88xi8, #tpu.memory_space<vmem>>, vector<1x256x88xi8>
    %get3A_2128 = vector.shape_cast %get3A_2127 : vector<1x256x88xi8> to vector<256x88xi8>
    %convert_element_type3A_2129 = arith.sitofp %get3A_2128 : vector<256x88xi8> to vector<256x88xbf16>
    %dot_general3A_2130 = arith.constant dense<0.000000e+00> : vector<256x128xf32>
    %dot_general3A_2131 = tpu.matmul %convert_element_type3A_2129, %convert_element_type3A, %dot_general3A_2130 {dimension_numbers = #tpu.dot_dimension_numbers<[1], [1], [0], [0], [0, 0, 1, 0], [], []>, transpose_lhs_hint = false} : vector<256x88xbf16>, vector<128x88xbf16>, vector<256x128xf32> -> vector<256x128xf32>
    %add3A_2132 = vector.broadcast %reshape3A : vector<1x128xf32> to vector<256x128xf32>
    %add3A_2133 = arith.addf %dot_general3A_2131, %add3A_2132 : vector<256x128xf32>
    %reduce_max3A_2134 = arith.constant dense<0xFF800000> : vector<256xf32>
    %reduce_max3A_2135 = vector.multi_reduction <maximumf>, %add3A_2133, %reduce_max3A_2134 [1] : vector<256x128xf32> to vector<256xf32>
    %broadcast_in_dim3A_2136 = vector.shape_cast %reduce_max3A_2135 : vector<256xf32> to vector<256x1xf32>
    %sub3A_2137 = vector.broadcast %broadcast_in_dim3A_2136 : vector<256x1xf32> to vector<256x128xf32>
    %sub3A_2138 = arith.subf %add3A_2133, %sub3A_2137 : vector<256x128xf32>
    %exp3A_2139 = math.exp %sub3A_2138 : vector<256x128xf32>
    %convert_element_type3A_2140 = arith.truncf %exp3A_2139 : vector<256x128xf32> to vector<256x128xbf16>
    %swap3A_2141 = arith.constant 56 : index
    %swap3A_2142 = arith.constant 0 : index
    %swap3A_2143 = arith.constant 0 : index
    %swap3A_2144 = vector.load %arg6[%swap3A_2141, %swap3A_2142, %swap3A_2143] : memref<64x256x128xbf16, #tpu.memory_space<vmem>>, vector<1x256x128xbf16>
    %swap3A_2145 = vector.shape_cast %swap3A_2144 : vector<1x256x128xbf16> to vector<256x128xbf16>
    %swap3A_2146 = vector.shape_cast %convert_element_type3A_2140 : vector<256x128xbf16> to vector<1x256x128xbf16>
    tpu.vector_store %arg6[%swap3A_2141, %swap3A_2142, %swap3A_2143], %swap3A_2146 {strides = array<i32>} : memref<64x256x128xbf16, #tpu.memory_space<vmem>>, vector<1x256x128xbf16>,
    %get3A_2147 = arith.constant 56 : index
    %get3A_2148 = arith.constant 0 : index
    %get3A_2149 = vector.load %arg4[%get3A_2147, %get3A_2148] : memref<64x1xi32, #tpu.memory_space<vmem>>, vector<1x1xi32>
    %get3A_2150 = vector.extract %get3A_2149[0, 0] : i32 from vector<1x1xi32>
    %lt3A_2151 = vector.broadcast %get3A_2150 : i32 to vector<256x1xi32>
    %lt3A_2152 = arith.cmpi slt, %iota3A, %lt3A_2151 : vector<256x1xi32>
    %jit3A_2153 = arith.constant 0.000000e+00 : f32
    %broadcast_in_dim3A_2154 = vector.broadcast %jit3A_2153 : f32 to vector<256x1xf32>
    %select_n3A_2155 = arith.select %lt3A_2152, %broadcast_in_dim3A_2136, %broadcast_in_dim3A_2154 : vector<256x1xi1>, vector<256x1xf32>
    %reduce_sum3A_2156 = arith.constant dense<0.000000e+00> : vector<1xf32>
    %reduce_sum3A_2157 = vector.multi_reduction <add>, %select_n3A_2155, %reduce_sum3A_2156 [0] : vector<256x1xf32> to vector<1xf32>
    %broadcast_in_dim3A_2158 = vector.shape_cast %reduce_sum3A_2157 : vector<1xf32> to vector<1x1xf32>
    %swap3A_2159 = arith.constant 56 : index
    %swap3A_2160 = arith.constant 0 : index
    %swap3A_2161 = vector.load %arg7[%swap3A_2159, %swap3A_2160] : memref<64x1xf32, #tpu.memory_space<vmem>>, vector<1x1xf32>
    tpu.vector_store %arg7[%swap3A_2159, %swap3A_2160], %broadcast_in_dim3A_2158 {strides = array<i32>} : memref<64x1xf32, #tpu.memory_space<vmem>>, vector<1x1xf32>,
    %get3A_2162 = arith.constant 57 : index
    %get3A_2163 = arith.constant 0 : index
    %get3A_2164 = arith.constant 0 : index
    %get3A_2165 = vector.load %arg1[%get3A_2162, %get3A_2163, %get3A_2164] : memref<64x256x88xi8, #tpu.memory_space<vmem>>, vector<1x256x88xi8>
    %get3A_2166 = vector.shape_cast %get3A_2165 : vector<1x256x88xi8> to vector<256x88xi8>
    %convert_element_type3A_2167 = arith.sitofp %get3A_2166 : vector<256x88xi8> to vector<256x88xbf16>
    %dot_general3A_2168 = arith.constant dense<0.000000e+00> : vector<256x128xf32>
    %dot_general3A_2169 = tpu.matmul %convert_element_type3A_2167, %convert_element_type3A, %dot_general3A_2168 {dimension_numbers = #tpu.dot_dimension_numbers<[1], [1], [0], [0], [0, 0, 1, 0], [], []>, transpose_lhs_hint = false} : vector<256x88xbf16>, vector<128x88xbf16>, vector<256x128xf32> -> vector<256x128xf32>
    %add3A_2170 = vector.broadcast %reshape3A : vector<1x128xf32> to vector<256x128xf32>
    %add3A_2171 = arith.addf %dot_general3A_2169, %add3A_2170 : vector<256x128xf32>
    %reduce_max3A_2172 = arith.constant dense<0xFF800000> : vector<256xf32>
    %reduce_max3A_2173 = vector.multi_reduction <maximumf>, %add3A_2171, %reduce_max3A_2172 [1] : vector<256x128xf32> to vector<256xf32>
    %broadcast_in_dim3A_2174 = vector.shape_cast %reduce_max3A_2173 : vector<256xf32> to vector<256x1xf32>
    %sub3A_2175 = vector.broadcast %broadcast_in_dim3A_2174 : vector<256x1xf32> to vector<256x128xf32>
    %sub3A_2176 = arith.subf %add3A_2171, %sub3A_2175 : vector<256x128xf32>
    %exp3A_2177 = math.exp %sub3A_2176 : vector<256x128xf32>
    %convert_element_type3A_2178 = arith.truncf %exp3A_2177 : vector<256x128xf32> to vector<256x128xbf16>
    %swap3A_2179 = arith.constant 57 : index
    %swap3A_2180 = arith.constant 0 : index
    %swap3A_2181 = arith.constant 0 : index
    %swap3A_2182 = vector.load %arg6[%swap3A_2179, %swap3A_2180, %swap3A_2181] : memref<64x256x128xbf16, #tpu.memory_space<vmem>>, vector<1x256x128xbf16>
    %swap3A_2183 = vector.shape_cast %swap3A_2182 : vector<1x256x128xbf16> to vector<256x128xbf16>
    %swap3A_2184 = vector.shape_cast %convert_element_type3A_2178 : vector<256x128xbf16> to vector<1x256x128xbf16>
    tpu.vector_store %arg6[%swap3A_2179, %swap3A_2180, %swap3A_2181], %swap3A_2184 {strides = array<i32>} : memref<64x256x128xbf16, #tpu.memory_space<vmem>>, vector<1x256x128xbf16>,
    %get3A_2185 = arith.constant 57 : index
    %get3A_2186 = arith.constant 0 : index
    %get3A_2187 = vector.load %arg4[%get3A_2185, %get3A_2186] : memref<64x1xi32, #tpu.memory_space<vmem>>, vector<1x1xi32>
    %get3A_2188 = vector.extract %get3A_2187[0, 0] : i32 from vector<1x1xi32>
    %lt3A_2189 = vector.broadcast %get3A_2188 : i32 to vector<256x1xi32>
    %lt3A_2190 = arith.cmpi slt, %iota3A, %lt3A_2189 : vector<256x1xi32>
    %jit3A_2191 = arith.constant 0.000000e+00 : f32
    %broadcast_in_dim3A_2192 = vector.broadcast %jit3A_2191 : f32 to vector<256x1xf32>
    %select_n3A_2193 = arith.select %lt3A_2190, %broadcast_in_dim3A_2174, %broadcast_in_dim3A_2192 : vector<256x1xi1>, vector<256x1xf32>
    %reduce_sum3A_2194 = arith.constant dense<0.000000e+00> : vector<1xf32>
    %reduce_sum3A_2195 = vector.multi_reduction <add>, %select_n3A_2193, %reduce_sum3A_2194 [0] : vector<256x1xf32> to vector<1xf32>
    %broadcast_in_dim3A_2196 = vector.shape_cast %reduce_sum3A_2195 : vector<1xf32> to vector<1x1xf32>
    %swap3A_2197 = arith.constant 57 : index
    %swap3A_2198 = arith.constant 0 : index
    %swap3A_2199 = vector.load %arg7[%swap3A_2197, %swap3A_2198] : memref<64x1xf32, #tpu.memory_space<vmem>>, vector<1x1xf32>
    tpu.vector_store %arg7[%swap3A_2197, %swap3A_2198], %broadcast_in_dim3A_2196 {strides = array<i32>} : memref<64x1xf32, #tpu.memory_space<vmem>>, vector<1x1xf32>,
    %get3A_2200 = arith.constant 58 : index
    %get3A_2201 = arith.constant 0 : index
    %get3A_2202 = arith.constant 0 : index
    %get3A_2203 = vector.load %arg1[%get3A_2200, %get3A_2201, %get3A_2202] : memref<64x256x88xi8, #tpu.memory_space<vmem>>, vector<1x256x88xi8>
    %get3A_2204 = vector.shape_cast %get3A_2203 : vector<1x256x88xi8> to vector<256x88xi8>
    %convert_element_type3A_2205 = arith.sitofp %get3A_2204 : vector<256x88xi8> to vector<256x88xbf16>
    %dot_general3A_2206 = arith.constant dense<0.000000e+00> : vector<256x128xf32>
    %dot_general3A_2207 = tpu.matmul %convert_element_type3A_2205, %convert_element_type3A, %dot_general3A_2206 {dimension_numbers = #tpu.dot_dimension_numbers<[1], [1], [0], [0], [0, 0, 1, 0], [], []>, transpose_lhs_hint = false} : vector<256x88xbf16>, vector<128x88xbf16>, vector<256x128xf32> -> vector<256x128xf32>
    %add3A_2208 = vector.broadcast %reshape3A : vector<1x128xf32> to vector<256x128xf32>
    %add3A_2209 = arith.addf %dot_general3A_2207, %add3A_2208 : vector<256x128xf32>
    %reduce_max3A_2210 = arith.constant dense<0xFF800000> : vector<256xf32>
    %reduce_max3A_2211 = vector.multi_reduction <maximumf>, %add3A_2209, %reduce_max3A_2210 [1] : vector<256x128xf32> to vector<256xf32>
    %broadcast_in_dim3A_2212 = vector.shape_cast %reduce_max3A_2211 : vector<256xf32> to vector<256x1xf32>
    %sub3A_2213 = vector.broadcast %broadcast_in_dim3A_2212 : vector<256x1xf32> to vector<256x128xf32>
    %sub3A_2214 = arith.subf %add3A_2209, %sub3A_2213 : vector<256x128xf32>
    %exp3A_2215 = math.exp %sub3A_2214 : vector<256x128xf32>
    %convert_element_type3A_2216 = arith.truncf %exp3A_2215 : vector<256x128xf32> to vector<256x128xbf16>
    %swap3A_2217 = arith.constant 58 : index
    %swap3A_2218 = arith.constant 0 : index
    %swap3A_2219 = arith.constant 0 : index
    %swap3A_2220 = vector.load %arg6[%swap3A_2217, %swap3A_2218, %swap3A_2219] : memref<64x256x128xbf16, #tpu.memory_space<vmem>>, vector<1x256x128xbf16>
    %swap3A_2221 = vector.shape_cast %swap3A_2220 : vector<1x256x128xbf16> to vector<256x128xbf16>
    %swap3A_2222 = vector.shape_cast %convert_element_type3A_2216 : vector<256x128xbf16> to vector<1x256x128xbf16>
    tpu.vector_store %arg6[%swap3A_2217, %swap3A_2218, %swap3A_2219], %swap3A_2222 {strides = array<i32>} : memref<64x256x128xbf16, #tpu.memory_space<vmem>>, vector<1x256x128xbf16>,
    %get3A_2223 = arith.constant 58 : index
    %get3A_2224 = arith.constant 0 : index
    %get3A_2225 = vector.load %arg4[%get3A_2223, %get3A_2224] : memref<64x1xi32, #tpu.memory_space<vmem>>, vector<1x1xi32>
    %get3A_2226 = vector.extract %get3A_2225[0, 0] : i32 from vector<1x1xi32>
    %lt3A_2227 = vector.broadcast %get3A_2226 : i32 to vector<256x1xi32>
    %lt3A_2228 = arith.cmpi slt, %iota3A, %lt3A_2227 : vector<256x1xi32>
    %jit3A_2229 = arith.constant 0.000000e+00 : f32
    %broadcast_in_dim3A_2230 = vector.broadcast %jit3A_2229 : f32 to vector<256x1xf32>
    %select_n3A_2231 = arith.select %lt3A_2228, %broadcast_in_dim3A_2212, %broadcast_in_dim3A_2230 : vector<256x1xi1>, vector<256x1xf32>
    %reduce_sum3A_2232 = arith.constant dense<0.000000e+00> : vector<1xf32>
    %reduce_sum3A_2233 = vector.multi_reduction <add>, %select_n3A_2231, %reduce_sum3A_2232 [0] : vector<256x1xf32> to vector<1xf32>
    %broadcast_in_dim3A_2234 = vector.shape_cast %reduce_sum3A_2233 : vector<1xf32> to vector<1x1xf32>
    %swap3A_2235 = arith.constant 58 : index
    %swap3A_2236 = arith.constant 0 : index
    %swap3A_2237 = vector.load %arg7[%swap3A_2235, %swap3A_2236] : memref<64x1xf32, #tpu.memory_space<vmem>>, vector<1x1xf32>
    tpu.vector_store %arg7[%swap3A_2235, %swap3A_2236], %broadcast_in_dim3A_2234 {strides = array<i32>} : memref<64x1xf32, #tpu.memory_space<vmem>>, vector<1x1xf32>,
    %get3A_2238 = arith.constant 59 : index
    %get3A_2239 = arith.constant 0 : index
    %get3A_2240 = arith.constant 0 : index
    %get3A_2241 = vector.load %arg1[%get3A_2238, %get3A_2239, %get3A_2240] : memref<64x256x88xi8, #tpu.memory_space<vmem>>, vector<1x256x88xi8>
    %get3A_2242 = vector.shape_cast %get3A_2241 : vector<1x256x88xi8> to vector<256x88xi8>
    %convert_element_type3A_2243 = arith.sitofp %get3A_2242 : vector<256x88xi8> to vector<256x88xbf16>
    %dot_general3A_2244 = arith.constant dense<0.000000e+00> : vector<256x128xf32>
    %dot_general3A_2245 = tpu.matmul %convert_element_type3A_2243, %convert_element_type3A, %dot_general3A_2244 {dimension_numbers = #tpu.dot_dimension_numbers<[1], [1], [0], [0], [0, 0, 1, 0], [], []>, transpose_lhs_hint = false} : vector<256x88xbf16>, vector<128x88xbf16>, vector<256x128xf32> -> vector<256x128xf32>
    %add3A_2246 = vector.broadcast %reshape3A : vector<1x128xf32> to vector<256x128xf32>
    %add3A_2247 = arith.addf %dot_general3A_2245, %add3A_2246 : vector<256x128xf32>
    %reduce_max3A_2248 = arith.constant dense<0xFF800000> : vector<256xf32>
    %reduce_max3A_2249 = vector.multi_reduction <maximumf>, %add3A_2247, %reduce_max3A_2248 [1] : vector<256x128xf32> to vector<256xf32>
    %broadcast_in_dim3A_2250 = vector.shape_cast %reduce_max3A_2249 : vector<256xf32> to vector<256x1xf32>
    %sub3A_2251 = vector.broadcast %broadcast_in_dim3A_2250 : vector<256x1xf32> to vector<256x128xf32>
    %sub3A_2252 = arith.subf %add3A_2247, %sub3A_2251 : vector<256x128xf32>
    %exp3A_2253 = math.exp %sub3A_2252 : vector<256x128xf32>
    %convert_element_type3A_2254 = arith.truncf %exp3A_2253 : vector<256x128xf32> to vector<256x128xbf16>
    %swap3A_2255 = arith.constant 59 : index
    %swap3A_2256 = arith.constant 0 : index
    %swap3A_2257 = arith.constant 0 : index
    %swap3A_2258 = vector.load %arg6[%swap3A_2255, %swap3A_2256, %swap3A_2257] : memref<64x256x128xbf16, #tpu.memory_space<vmem>>, vector<1x256x128xbf16>
    %swap3A_2259 = vector.shape_cast %swap3A_2258 : vector<1x256x128xbf16> to vector<256x128xbf16>
    %swap3A_2260 = vector.shape_cast %convert_element_type3A_2254 : vector<256x128xbf16> to vector<1x256x128xbf16>
    tpu.vector_store %arg6[%swap3A_2255, %swap3A_2256, %swap3A_2257], %swap3A_2260 {strides = array<i32>} : memref<64x256x128xbf16, #tpu.memory_space<vmem>>, vector<1x256x128xbf16>,
    %get3A_2261 = arith.constant 59 : index
    %get3A_2262 = arith.constant 0 : index
    %get3A_2263 = vector.load %arg4[%get3A_2261, %get3A_2262] : memref<64x1xi32, #tpu.memory_space<vmem>>, vector<1x1xi32>
    %get3A_2264 = vector.extract %get3A_2263[0, 0] : i32 from vector<1x1xi32>
    %lt3A_2265 = vector.broadcast %get3A_2264 : i32 to vector<256x1xi32>
    %lt3A_2266 = arith.cmpi slt, %iota3A, %lt3A_2265 : vector<256x1xi32>
    %jit3A_2267 = arith.constant 0.000000e+00 : f32
    %broadcast_in_dim3A_2268 = vector.broadcast %jit3A_2267 : f32 to vector<256x1xf32>
    %select_n3A_2269 = arith.select %lt3A_2266, %broadcast_in_dim3A_2250, %broadcast_in_dim3A_2268 : vector<256x1xi1>, vector<256x1xf32>
    %reduce_sum3A_2270 = arith.constant dense<0.000000e+00> : vector<1xf32>
    %reduce_sum3A_2271 = vector.multi_reduction <add>, %select_n3A_2269, %reduce_sum3A_2270 [0] : vector<256x1xf32> to vector<1xf32>
    %broadcast_in_dim3A_2272 = vector.shape_cast %reduce_sum3A_2271 : vector<1xf32> to vector<1x1xf32>
    %swap3A_2273 = arith.constant 59 : index
    %swap3A_2274 = arith.constant 0 : index
    %swap3A_2275 = vector.load %arg7[%swap3A_2273, %swap3A_2274] : memref<64x1xf32, #tpu.memory_space<vmem>>, vector<1x1xf32>
    tpu.vector_store %arg7[%swap3A_2273, %swap3A_2274], %broadcast_in_dim3A_2272 {strides = array<i32>} : memref<64x1xf32, #tpu.memory_space<vmem>>, vector<1x1xf32>,
    %get3A_2276 = arith.constant 60 : index
    %get3A_2277 = arith.constant 0 : index
    %get3A_2278 = arith.constant 0 : index
    %get3A_2279 = vector.load %arg1[%get3A_2276, %get3A_2277, %get3A_2278] : memref<64x256x88xi8, #tpu.memory_space<vmem>>, vector<1x256x88xi8>
    %get3A_2280 = vector.shape_cast %get3A_2279 : vector<1x256x88xi8> to vector<256x88xi8>
    %convert_element_type3A_2281 = arith.sitofp %get3A_2280 : vector<256x88xi8> to vector<256x88xbf16>
    %dot_general3A_2282 = arith.constant dense<0.000000e+00> : vector<256x128xf32>
    %dot_general3A_2283 = tpu.matmul %convert_element_type3A_2281, %convert_element_type3A, %dot_general3A_2282 {dimension_numbers = #tpu.dot_dimension_numbers<[1], [1], [0], [0], [0, 0, 1, 0], [], []>, transpose_lhs_hint = false} : vector<256x88xbf16>, vector<128x88xbf16>, vector<256x128xf32> -> vector<256x128xf32>
    %add3A_2284 = vector.broadcast %reshape3A : vector<1x128xf32> to vector<256x128xf32>
    %add3A_2285 = arith.addf %dot_general3A_2283, %add3A_2284 : vector<256x128xf32>
    %reduce_max3A_2286 = arith.constant dense<0xFF800000> : vector<256xf32>
    %reduce_max3A_2287 = vector.multi_reduction <maximumf>, %add3A_2285, %reduce_max3A_2286 [1] : vector<256x128xf32> to vector<256xf32>
    %broadcast_in_dim3A_2288 = vector.shape_cast %reduce_max3A_2287 : vector<256xf32> to vector<256x1xf32>
    %sub3A_2289 = vector.broadcast %broadcast_in_dim3A_2288 : vector<256x1xf32> to vector<256x128xf32>
    %sub3A_2290 = arith.subf %add3A_2285, %sub3A_2289 : vector<256x128xf32>
    %exp3A_2291 = math.exp %sub3A_2290 : vector<256x128xf32>
    %convert_element_type3A_2292 = arith.truncf %exp3A_2291 : vector<256x128xf32> to vector<256x128xbf16>
    %swap3A_2293 = arith.constant 60 : index
    %swap3A_2294 = arith.constant 0 : index
    %swap3A_2295 = arith.constant 0 : index
    %swap3A_2296 = vector.load %arg6[%swap3A_2293, %swap3A_2294, %swap3A_2295] : memref<64x256x128xbf16, #tpu.memory_space<vmem>>, vector<1x256x128xbf16>
    %swap3A_2297 = vector.shape_cast %swap3A_2296 : vector<1x256x128xbf16> to vector<256x128xbf16>
    %swap3A_2298 = vector.shape_cast %convert_element_type3A_2292 : vector<256x128xbf16> to vector<1x256x128xbf16>
    tpu.vector_store %arg6[%swap3A_2293, %swap3A_2294, %swap3A_2295], %swap3A_2298 {strides = array<i32>} : memref<64x256x128xbf16, #tpu.memory_space<vmem>>, vector<1x256x128xbf16>,
    %get3A_2299 = arith.constant 60 : index
    %get3A_2300 = arith.constant 0 : index
    %get3A_2301 = vector.load %arg4[%get3A_2299, %get3A_2300] : memref<64x1xi32, #tpu.memory_space<vmem>>, vector<1x1xi32>
    %get3A_2302 = vector.extract %get3A_2301[0, 0] : i32 from vector<1x1xi32>
    %lt3A_2303 = vector.broadcast %get3A_2302 : i32 to vector<256x1xi32>
    %lt3A_2304 = arith.cmpi slt, %iota3A, %lt3A_2303 : vector<256x1xi32>
    %jit3A_2305 = arith.constant 0.000000e+00 : f32
    %broadcast_in_dim3A_2306 = vector.broadcast %jit3A_2305 : f32 to vector<256x1xf32>
    %select_n3A_2307 = arith.select %lt3A_2304, %broadcast_in_dim3A_2288, %broadcast_in_dim3A_2306 : vector<256x1xi1>, vector<256x1xf32>
    %reduce_sum3A_2308 = arith.constant dense<0.000000e+00> : vector<1xf32>
    %reduce_sum3A_2309 = vector.multi_reduction <add>, %select_n3A_2307, %reduce_sum3A_2308 [0] : vector<256x1xf32> to vector<1xf32>
    %broadcast_in_dim3A_2310 = vector.shape_cast %reduce_sum3A_2309 : vector<1xf32> to vector<1x1xf32>
    %swap3A_2311 = arith.constant 60 : index
    %swap3A_2312 = arith.constant 0 : index
    %swap3A_2313 = vector.load %arg7[%swap3A_2311, %swap3A_2312] : memref<64x1xf32, #tpu.memory_space<vmem>>, vector<1x1xf32>
    tpu.vector_store %arg7[%swap3A_2311, %swap3A_2312], %broadcast_in_dim3A_2310 {strides = array<i32>} : memref<64x1xf32, #tpu.memory_space<vmem>>, vector<1x1xf32>,
    %get3A_2314 = arith.constant 61 : index
    %get3A_2315 = arith.constant 0 : index
    %get3A_2316 = arith.constant 0 : index
    %get3A_2317 = vector.load %arg1[%get3A_2314, %get3A_2315, %get3A_2316] : memref<64x256x88xi8, #tpu.memory_space<vmem>>, vector<1x256x88xi8>
    %get3A_2318 = vector.shape_cast %get3A_2317 : vector<1x256x88xi8> to vector<256x88xi8>
    %convert_element_type3A_2319 = arith.sitofp %get3A_2318 : vector<256x88xi8> to vector<256x88xbf16>
    %dot_general3A_2320 = arith.constant dense<0.000000e+00> : vector<256x128xf32>
    %dot_general3A_2321 = tpu.matmul %convert_element_type3A_2319, %convert_element_type3A, %dot_general3A_2320 {dimension_numbers = #tpu.dot_dimension_numbers<[1], [1], [0], [0], [0, 0, 1, 0], [], []>, transpose_lhs_hint = false} : vector<256x88xbf16>, vector<128x88xbf16>, vector<256x128xf32> -> vector<256x128xf32>
    %add3A_2322 = vector.broadcast %reshape3A : vector<1x128xf32> to vector<256x128xf32>
    %add3A_2323 = arith.addf %dot_general3A_2321, %add3A_2322 : vector<256x128xf32>
    %reduce_max3A_2324 = arith.constant dense<0xFF800000> : vector<256xf32>
    %reduce_max3A_2325 = vector.multi_reduction <maximumf>, %add3A_2323, %reduce_max3A_2324 [1] : vector<256x128xf32> to vector<256xf32>
    %broadcast_in_dim3A_2326 = vector.shape_cast %reduce_max3A_2325 : vector<256xf32> to vector<256x1xf32>
    %sub3A_2327 = vector.broadcast %broadcast_in_dim3A_2326 : vector<256x1xf32> to vector<256x128xf32>
    %sub3A_2328 = arith.subf %add3A_2323, %sub3A_2327 : vector<256x128xf32>
    %exp3A_2329 = math.exp %sub3A_2328 : vector<256x128xf32>
    %convert_element_type3A_2330 = arith.truncf %exp3A_2329 : vector<256x128xf32> to vector<256x128xbf16>
    %swap3A_2331 = arith.constant 61 : index
    %swap3A_2332 = arith.constant 0 : index
    %swap3A_2333 = arith.constant 0 : index
    %swap3A_2334 = vector.load %arg6[%swap3A_2331, %swap3A_2332, %swap3A_2333] : memref<64x256x128xbf16, #tpu.memory_space<vmem>>, vector<1x256x128xbf16>
    %swap3A_2335 = vector.shape_cast %swap3A_2334 : vector<1x256x128xbf16> to vector<256x128xbf16>
    %swap3A_2336 = vector.shape_cast %convert_element_type3A_2330 : vector<256x128xbf16> to vector<1x256x128xbf16>
    tpu.vector_store %arg6[%swap3A_2331, %swap3A_2332, %swap3A_2333], %swap3A_2336 {strides = array<i32>} : memref<64x256x128xbf16, #tpu.memory_space<vmem>>, vector<1x256x128xbf16>,
    %get3A_2337 = arith.constant 61 : index
    %get3A_2338 = arith.constant 0 : index
    %get3A_2339 = vector.load %arg4[%get3A_2337, %get3A_2338] : memref<64x1xi32, #tpu.memory_space<vmem>>, vector<1x1xi32>
    %get3A_2340 = vector.extract %get3A_2339[0, 0] : i32 from vector<1x1xi32>
    %lt3A_2341 = vector.broadcast %get3A_2340 : i32 to vector<256x1xi32>
    %lt3A_2342 = arith.cmpi slt, %iota3A, %lt3A_2341 : vector<256x1xi32>
    %jit3A_2343 = arith.constant 0.000000e+00 : f32
    %broadcast_in_dim3A_2344 = vector.broadcast %jit3A_2343 : f32 to vector<256x1xf32>
    %select_n3A_2345 = arith.select %lt3A_2342, %broadcast_in_dim3A_2326, %broadcast_in_dim3A_2344 : vector<256x1xi1>, vector<256x1xf32>
    %reduce_sum3A_2346 = arith.constant dense<0.000000e+00> : vector<1xf32>
    %reduce_sum3A_2347 = vector.multi_reduction <add>, %select_n3A_2345, %reduce_sum3A_2346 [0] : vector<256x1xf32> to vector<1xf32>
    %broadcast_in_dim3A_2348 = vector.shape_cast %reduce_sum3A_2347 : vector<1xf32> to vector<1x1xf32>
    %swap3A_2349 = arith.constant 61 : index
    %swap3A_2350 = arith.constant 0 : index
    %swap3A_2351 = vector.load %arg7[%swap3A_2349, %swap3A_2350] : memref<64x1xf32, #tpu.memory_space<vmem>>, vector<1x1xf32>
    tpu.vector_store %arg7[%swap3A_2349, %swap3A_2350], %broadcast_in_dim3A_2348 {strides = array<i32>} : memref<64x1xf32, #tpu.memory_space<vmem>>, vector<1x1xf32>,
    %get3A_2352 = arith.constant 62 : index
    %get3A_2353 = arith.constant 0 : index
    %get3A_2354 = arith.constant 0 : index
    %get3A_2355 = vector.load %arg1[%get3A_2352, %get3A_2353, %get3A_2354] : memref<64x256x88xi8, #tpu.memory_space<vmem>>, vector<1x256x88xi8>
    %get3A_2356 = vector.shape_cast %get3A_2355 : vector<1x256x88xi8> to vector<256x88xi8>
    %convert_element_type3A_2357 = arith.sitofp %get3A_2356 : vector<256x88xi8> to vector<256x88xbf16>
    %dot_general3A_2358 = arith.constant dense<0.000000e+00> : vector<256x128xf32>
    %dot_general3A_2359 = tpu.matmul %convert_element_type3A_2357, %convert_element_type3A, %dot_general3A_2358 {dimension_numbers = #tpu.dot_dimension_numbers<[1], [1], [0], [0], [0, 0, 1, 0], [], []>, transpose_lhs_hint = false} : vector<256x88xbf16>, vector<128x88xbf16>, vector<256x128xf32> -> vector<256x128xf32>
    %add3A_2360 = vector.broadcast %reshape3A : vector<1x128xf32> to vector<256x128xf32>
    %add3A_2361 = arith.addf %dot_general3A_2359, %add3A_2360 : vector<256x128xf32>
    %reduce_max3A_2362 = arith.constant dense<0xFF800000> : vector<256xf32>
    %reduce_max3A_2363 = vector.multi_reduction <maximumf>, %add3A_2361, %reduce_max3A_2362 [1] : vector<256x128xf32> to vector<256xf32>
    %broadcast_in_dim3A_2364 = vector.shape_cast %reduce_max3A_2363 : vector<256xf32> to vector<256x1xf32>
    %sub3A_2365 = vector.broadcast %broadcast_in_dim3A_2364 : vector<256x1xf32> to vector<256x128xf32>
    %sub3A_2366 = arith.subf %add3A_2361, %sub3A_2365 : vector<256x128xf32>
    %exp3A_2367 = math.exp %sub3A_2366 : vector<256x128xf32>
    %convert_element_type3A_2368 = arith.truncf %exp3A_2367 : vector<256x128xf32> to vector<256x128xbf16>
    %swap3A_2369 = arith.constant 62 : index
    %swap3A_2370 = arith.constant 0 : index
    %swap3A_2371 = arith.constant 0 : index
    %swap3A_2372 = vector.load %arg6[%swap3A_2369, %swap3A_2370, %swap3A_2371] : memref<64x256x128xbf16, #tpu.memory_space<vmem>>, vector<1x256x128xbf16>
    %swap3A_2373 = vector.shape_cast %swap3A_2372 : vector<1x256x128xbf16> to vector<256x128xbf16>
    %swap3A_2374 = vector.shape_cast %convert_element_type3A_2368 : vector<256x128xbf16> to vector<1x256x128xbf16>
    tpu.vector_store %arg6[%swap3A_2369, %swap3A_2370, %swap3A_2371], %swap3A_2374 {strides = array<i32>} : memref<64x256x128xbf16, #tpu.memory_space<vmem>>, vector<1x256x128xbf16>,
    %get3A_2375 = arith.constant 62 : index
    %get3A_2376 = arith.constant 0 : index
    %get3A_2377 = vector.load %arg4[%get3A_2375, %get3A_2376] : memref<64x1xi32, #tpu.memory_space<vmem>>, vector<1x1xi32>
    %get3A_2378 = vector.extract %get3A_2377[0, 0] : i32 from vector<1x1xi32>
    %lt3A_2379 = vector.broadcast %get3A_2378 : i32 to vector<256x1xi32>
    %lt3A_2380 = arith.cmpi slt, %iota3A, %lt3A_2379 : vector<256x1xi32>
    %jit3A_2381 = arith.constant 0.000000e+00 : f32
    %broadcast_in_dim3A_2382 = vector.broadcast %jit3A_2381 : f32 to vector<256x1xf32>
    %select_n3A_2383 = arith.select %lt3A_2380, %broadcast_in_dim3A_2364, %broadcast_in_dim3A_2382 : vector<256x1xi1>, vector<256x1xf32>
    %reduce_sum3A_2384 = arith.constant dense<0.000000e+00> : vector<1xf32>
    %reduce_sum3A_2385 = vector.multi_reduction <add>, %select_n3A_2383, %reduce_sum3A_2384 [0] : vector<256x1xf32> to vector<1xf32>
    %broadcast_in_dim3A_2386 = vector.shape_cast %reduce_sum3A_2385 : vector<1xf32> to vector<1x1xf32>
    %swap3A_2387 = arith.constant 62 : index
    %swap3A_2388 = arith.constant 0 : index
    %swap3A_2389 = vector.load %arg7[%swap3A_2387, %swap3A_2388] : memref<64x1xf32, #tpu.memory_space<vmem>>, vector<1x1xf32>
    tpu.vector_store %arg7[%swap3A_2387, %swap3A_2388], %broadcast_in_dim3A_2386 {strides = array<i32>} : memref<64x1xf32, #tpu.memory_space<vmem>>, vector<1x1xf32>,
    %get3A_2390 = arith.constant 63 : index
    %get3A_2391 = arith.constant 0 : index
    %get3A_2392 = arith.constant 0 : index
    %get3A_2393 = vector.load %arg1[%get3A_2390, %get3A_2391, %get3A_2392] : memref<64x256x88xi8, #tpu.memory_space<vmem>>, vector<1x256x88xi8>
    %get3A_2394 = vector.shape_cast %get3A_2393 : vector<1x256x88xi8> to vector<256x88xi8>
    %convert_element_type3A_2395 = arith.sitofp %get3A_2394 : vector<256x88xi8> to vector<256x88xbf16>
    %dot_general3A_2396 = arith.constant dense<0.000000e+00> : vector<256x128xf32>
    %dot_general3A_2397 = tpu.matmul %convert_element_type3A_2395, %convert_element_type3A, %dot_general3A_2396 {dimension_numbers = #tpu.dot_dimension_numbers<[1], [1], [0], [0], [0, 0, 1, 0], [], []>, transpose_lhs_hint = false} : vector<256x88xbf16>, vector<128x88xbf16>, vector<256x128xf32> -> vector<256x128xf32>
    %add3A_2398 = vector.broadcast %reshape3A : vector<1x128xf32> to vector<256x128xf32>
    %add3A_2399 = arith.addf %dot_general3A_2397, %add3A_2398 : vector<256x128xf32>
    %reduce_max3A_2400 = arith.constant dense<0xFF800000> : vector<256xf32>
    %reduce_max3A_2401 = vector.multi_reduction <maximumf>, %add3A_2399, %reduce_max3A_2400 [1] : vector<256x128xf32> to vector<256xf32>
    %broadcast_in_dim3A_2402 = vector.shape_cast %reduce_max3A_2401 : vector<256xf32> to vector<256x1xf32>
    %sub3A_2403 = vector.broadcast %broadcast_in_dim3A_2402 : vector<256x1xf32> to vector<256x128xf32>
    %sub3A_2404 = arith.subf %add3A_2399, %sub3A_2403 : vector<256x128xf32>
    %exp3A_2405 = math.exp %sub3A_2404 : vector<256x128xf32>
    %convert_element_type3A_2406 = arith.truncf %exp3A_2405 : vector<256x128xf32> to vector<256x128xbf16>
    %swap3A_2407 = arith.constant 63 : index
    %swap3A_2408 = arith.constant 0 : index
    %swap3A_2409 = arith.constant 0 : index
    %swap3A_2410 = vector.load %arg6[%swap3A_2407, %swap3A_2408, %swap3A_2409] : memref<64x256x128xbf16, #tpu.memory_space<vmem>>, vector<1x256x128xbf16>
    %swap3A_2411 = vector.shape_cast %swap3A_2410 : vector<1x256x128xbf16> to vector<256x128xbf16>
    %swap3A_2412 = vector.shape_cast %convert_element_type3A_2406 : vector<256x128xbf16> to vector<1x256x128xbf16>
    tpu.vector_store %arg6[%swap3A_2407, %swap3A_2408, %swap3A_2409], %swap3A_2412 {strides = array<i32>} : memref<64x256x128xbf16, #tpu.memory_space<vmem>>, vector<1x256x128xbf16>,
    %get3A_2413 = arith.constant 63 : index
    %get3A_2414 = arith.constant 0 : index
    %get3A_2415 = vector.load %arg4[%get3A_2413, %get3A_2414] : memref<64x1xi32, #tpu.memory_space<vmem>>, vector<1x1xi32>
    %get3A_2416 = vector.extract %get3A_2415[0, 0] : i32 from vector<1x1xi32>
    %lt3A_2417 = vector.broadcast %get3A_2416 : i32 to vector<256x1xi32>
    %lt3A_2418 = arith.cmpi slt, %iota3A, %lt3A_2417 : vector<256x1xi32>
    %jit3A_2419 = arith.constant 0.000000e+00 : f32
    %broadcast_in_dim3A_2420 = vector.broadcast %jit3A_2419 : f32 to vector<256x1xf32>
    %select_n3A_2421 = arith.select %lt3A_2418, %broadcast_in_dim3A_2402, %broadcast_in_dim3A_2420 : vector<256x1xi1>, vector<256x1xf32>
    %reduce_sum3A_2422 = arith.constant dense<0.000000e+00> : vector<1xf32>
    %reduce_sum3A_2423 = vector.multi_reduction <add>, %select_n3A_2421, %reduce_sum3A_2422 [0] : vector<256x1xf32> to vector<1xf32>
    %broadcast_in_dim3A_2424 = vector.shape_cast %reduce_sum3A_2423 : vector<1xf32> to vector<1x1xf32>
    %swap3A_2425 = arith.constant 63 : index
    %swap3A_2426 = arith.constant 0 : index
    %swap3A_2427 = vector.load %arg7[%swap3A_2425, %swap3A_2426] : memref<64x1xf32, #tpu.memory_space<vmem>>, vector<1x1xf32>
    tpu.vector_store %arg7[%swap3A_2425, %swap3A_2426], %broadcast_in_dim3A_2424 {strides = array<i32>} : memref<64x1xf32, #tpu.memory_space<vmem>>, vector<1x1xf32>,
    %get3A_2428 = arith.constant 0 : index
    %get3A_2429 = arith.constant 0 : index
    %get3A_2430 = vector.load %arg2[%get3A_2428, %get3A_2429] : memref<128x128xf32, #tpu.memory_space<vmem>>, vector<128x128xf32>
    %convert_element_type3A_2431 = arith.truncf %get3A_2430 : vector<128x128xf32> to vector<128x128xbf16>
    %get3A_2432 = arith.constant 0 : index
    %get3A_2433 = arith.constant 0 : index
    %get3A_2434 = vector.load %arg4[%get3A_2432, %get3A_2433] : memref<64x1xi32, #tpu.memory_space<vmem>>, vector<64x1xi32>
    %slice3A = vector.extract_strided_slice %convert_element_type3A_2431 {offsets = [0, 0], sizes = [1, 128], strides = [1, 1]} : vector<128x128xbf16> to vector<1x128xbf16>
    %get3A_2435 = arith.constant 0 : index
    %get3A_2436 = arith.constant 0 : index
    %get3A_2437 = arith.constant 0 : index
    %get3A_2438 = vector.load %arg6[%get3A_2435, %get3A_2436, %get3A_2437] : memref<64x256x128xbf16, #tpu.memory_space<vmem>>, vector<64x1x128xbf16>
    %get3A_2439 = vector.shape_cast %get3A_2438 : vector<64x1x128xbf16> to vector<64x128xbf16>
    %mul3A = vector.broadcast %slice3A : vector<1x128xbf16> to vector<64x128xbf16>
    %mul3A_2440 = arith.mulf %mul3A, %get3A_2439 : vector<64x128xbf16>
    %convert_element_type3A_2441 = arith.extf %mul3A_2440 : vector<64x128xbf16> to vector<64x128xf32>
    %broadcast_in_dim3A_2442 = arith.constant 0.000000e+00 : f32
    %broadcast_in_dim3A_2443 = vector.broadcast %broadcast_in_dim3A_2442 : f32 to vector<64x1xf32>
    %eq3A = arith.constant 1 : i32
    %eq3A_2444 = vector.broadcast %eq3A : i32 to vector<64x1xi32>
    %eq3A_2445 = arith.cmpi eq, %get3A_2434, %eq3A_2444 : vector<64x1xi32>
    %jit3A_2446 = arith.constant 0.000000e+00 : f32
    %broadcast_in_dim3A_2447 = vector.shape_cast %eq3A_2445 : vector<64x1xi1> to vector<64x1xi1>
    %broadcast_in_dim3A_2448 = vector.broadcast %broadcast_in_dim3A_2447 : vector<64x1xi1> to vector<64x128xi1>
    %broadcast_in_dim3A_2449 = vector.broadcast %jit3A_2446 : f32 to vector<64x128xf32>
    %select_n3A_2450 = arith.select %broadcast_in_dim3A_2448, %convert_element_type3A_2441, %broadcast_in_dim3A_2449 : vector<64x128xi1>, vector<64x128xf32>
    %broadcast_in_dim3A_2451 = arith.constant 0.000000e+00 : f32
    %broadcast_in_dim3A_2452 = vector.broadcast %broadcast_in_dim3A_2451 : f32 to vector<64x1xf32>
    %broadcast_in_dim3A_2453 = arith.constant 1.000000e+00 : f32
    %broadcast_in_dim3A_2454 = vector.broadcast %broadcast_in_dim3A_2453 : f32 to vector<64x128xf32>
    %broadcast_in_dim3A_2455 = arith.constant 0.000000e+00 : f32
    %broadcast_in_dim3A_2456 = vector.broadcast %broadcast_in_dim3A_2455 : f32 to vector<64x1xf32>
    %get3A_2457 = arith.constant 0 : index
    %get3A_2458 = arith.constant 0 : index
    %get3A_2459 = arith.constant 0 : index
    %get3A_2460 = vector.load %arg6[%get3A_2457, %get3A_2458, %get3A_2459] : memref<64x256x128xbf16, #tpu.memory_space<vmem>>, vector<64x16x128xbf16>
    %slice3A_2461 = vector.extract_strided_slice %get3A_2460 {offsets = [0, 0, 0], sizes = [64, 8, 128], strides = [1, 1, 1]} : vector<64x16x128xbf16> to vector<64x8x128xbf16>
    %convert_element_type3A_2462 = arith.truncf %convert_element_type3A_2441 : vector<64x128xf32> to vector<64x128xbf16>
    %dot_general3A_2463 = arith.constant dense<0.000000e+00> : vector<64x128xf32>
    %dot_general3A_2464 = tpu.matmul %convert_element_type3A_2462, %convert_element_type3A_2431, %dot_general3A_2463 {dimension_numbers = #tpu.dot_dimension_numbers<[1], [0], [0], [1], [0, 0, 1, 1], [], []>, transpose_lhs_hint = false} : vector<64x128xbf16>, vector<128x128xbf16>, vector<64x128xf32> -> vector<64x128xf32>
    %slice3A_2465 = vector.extract_strided_slice %slice3A_2461 {offsets = [0, 1, 0], sizes = [64, 1, 128], strides = [1, 1, 1]} : vector<64x8x128xbf16> to vector<64x1x128xbf16>
    %squeeze3A = vector.shape_cast %slice3A_2465 : vector<64x1x128xbf16> to vector<64x128xbf16>
    %convert_element_type3A_2466 = arith.extf %squeeze3A : vector<64x128xbf16> to vector<64x128xf32>
    %mul3A_2467 = arith.mulf %dot_general3A_2464, %convert_element_type3A_2466 : vector<64x128xf32>
    %eq3A_2468 = arith.constant 2 : i32
    %eq3A_2469 = vector.broadcast %eq3A_2468 : i32 to vector<64x1xi32>
    %eq3A_2470 = arith.cmpi eq, %get3A_2434, %eq3A_2469 : vector<64x1xi32>
    %broadcast_in_dim3A_2471 = vector.shape_cast %eq3A_2470 : vector<64x1xi1> to vector<64x1xi1>
    %broadcast_in_dim3A_2472 = vector.broadcast %broadcast_in_dim3A_2471 : vector<64x1xi1> to vector<64x128xi1>
    %select_n3A_2473 = arith.select %broadcast_in_dim3A_2472, %mul3A_2467, %select_n3A_2450 : vector<64x128xi1>, vector<64x128xf32>
    %convert_element_type3A_2474 = arith.truncf %mul3A_2467 : vector<64x128xf32> to vector<64x128xbf16>
    %dot_general3A_2475 = arith.constant dense<0.000000e+00> : vector<64x128xf32>
    %dot_general3A_2476 = tpu.matmul %convert_element_type3A_2474, %convert_element_type3A_2431, %dot_general3A_2475 {dimension_numbers = #tpu.dot_dimension_numbers<[1], [0], [0], [1], [0, 0, 1, 1], [], []>, transpose_lhs_hint = false} : vector<64x128xbf16>, vector<128x128xbf16>, vector<64x128xf32> -> vector<64x128xf32>
    %slice3A_2477 = vector.extract_strided_slice %slice3A_2461 {offsets = [0, 2, 0], sizes = [64, 1, 128], strides = [1, 1, 1]} : vector<64x8x128xbf16> to vector<64x1x128xbf16>
    %squeeze3A_2478 = vector.shape_cast %slice3A_2477 : vector<64x1x128xbf16> to vector<64x128xbf16>
    %convert_element_type3A_2479 = arith.extf %squeeze3A_2478 : vector<64x128xbf16> to vector<64x128xf32>
    %mul3A_2480 = arith.mulf %dot_general3A_2476, %convert_element_type3A_2479 : vector<64x128xf32>
    %eq3A_2481 = arith.constant 3 : i32
    %eq3A_2482 = vector.broadcast %eq3A_2481 : i32 to vector<64x1xi32>
    %eq3A_2483 = arith.cmpi eq, %get3A_2434, %eq3A_2482 : vector<64x1xi32>
    %broadcast_in_dim3A_2484 = vector.shape_cast %eq3A_2483 : vector<64x1xi1> to vector<64x1xi1>
    %broadcast_in_dim3A_2485 = vector.broadcast %broadcast_in_dim3A_2484 : vector<64x1xi1> to vector<64x128xi1>
    %select_n3A_2486 = arith.select %broadcast_in_dim3A_2485, %mul3A_2480, %select_n3A_2473 : vector<64x128xi1>, vector<64x128xf32>
    %convert_element_type3A_2487 = arith.truncf %mul3A_2480 : vector<64x128xf32> to vector<64x128xbf16>
    %dot_general3A_2488 = arith.constant dense<0.000000e+00> : vector<64x128xf32>
    %dot_general3A_2489 = tpu.matmul %convert_element_type3A_2487, %convert_element_type3A_2431, %dot_general3A_2488 {dimension_numbers = #tpu.dot_dimension_numbers<[1], [0], [0], [1], [0, 0, 1, 1], [], []>, transpose_lhs_hint = false} : vector<64x128xbf16>, vector<128x128xbf16>, vector<64x128xf32> -> vector<64x128xf32>
    %slice3A_2490 = vector.extract_strided_slice %slice3A_2461 {offsets = [0, 3, 0], sizes = [64, 1, 128], strides = [1, 1, 1]} : vector<64x8x128xbf16> to vector<64x1x128xbf16>
    %squeeze3A_2491 = vector.shape_cast %slice3A_2490 : vector<64x1x128xbf16> to vector<64x128xbf16>
    %convert_element_type3A_2492 = arith.extf %squeeze3A_2491 : vector<64x128xbf16> to vector<64x128xf32>
    %mul3A_2493 = arith.mulf %dot_general3A_2489, %convert_element_type3A_2492 : vector<64x128xf32>
    %eq3A_2494 = arith.constant 4 : i32
    %eq3A_2495 = vector.broadcast %eq3A_2494 : i32 to vector<64x1xi32>
    %eq3A_2496 = arith.cmpi eq, %get3A_2434, %eq3A_2495 : vector<64x1xi32>
    %broadcast_in_dim3A_2497 = vector.shape_cast %eq3A_2496 : vector<64x1xi1> to vector<64x1xi1>
    %broadcast_in_dim3A_2498 = vector.broadcast %broadcast_in_dim3A_2497 : vector<64x1xi1> to vector<64x128xi1>
    %select_n3A_2499 = arith.select %broadcast_in_dim3A_2498, %mul3A_2493, %select_n3A_2486 : vector<64x128xi1>, vector<64x128xf32>
    %convert_element_type3A_2500 = arith.truncf %mul3A_2493 : vector<64x128xf32> to vector<64x128xbf16>
    %dot_general3A_2501 = arith.constant dense<0.000000e+00> : vector<64x128xf32>
    %dot_general3A_2502 = tpu.matmul %convert_element_type3A_2500, %convert_element_type3A_2431, %dot_general3A_2501 {dimension_numbers = #tpu.dot_dimension_numbers<[1], [0], [0], [1], [0, 0, 1, 1], [], []>, transpose_lhs_hint = false} : vector<64x128xbf16>, vector<128x128xbf16>, vector<64x128xf32> -> vector<64x128xf32>
    %slice3A_2503 = vector.extract_strided_slice %slice3A_2461 {offsets = [0, 4, 0], sizes = [64, 1, 128], strides = [1, 1, 1]} : vector<64x8x128xbf16> to vector<64x1x128xbf16>
    %squeeze3A_2504 = vector.shape_cast %slice3A_2503 : vector<64x1x128xbf16> to vector<64x128xbf16>
    %convert_element_type3A_2505 = arith.extf %squeeze3A_2504 : vector<64x128xbf16> to vector<64x128xf32>
    %mul3A_2506 = arith.mulf %dot_general3A_2502, %convert_element_type3A_2505 : vector<64x128xf32>
    %eq3A_2507 = arith.constant 5 : i32
    %eq3A_2508 = vector.broadcast %eq3A_2507 : i32 to vector<64x1xi32>
    %eq3A_2509 = arith.cmpi eq, %get3A_2434, %eq3A_2508 : vector<64x1xi32>
    %broadcast_in_dim3A_2510 = vector.shape_cast %eq3A_2509 : vector<64x1xi1> to vector<64x1xi1>
    %broadcast_in_dim3A_2511 = vector.broadcast %broadcast_in_dim3A_2510 : vector<64x1xi1> to vector<64x128xi1>
    %select_n3A_2512 = arith.select %broadcast_in_dim3A_2511, %mul3A_2506, %select_n3A_2499 : vector<64x128xi1>, vector<64x128xf32>
    %convert_element_type3A_2513 = arith.truncf %mul3A_2506 : vector<64x128xf32> to vector<64x128xbf16>
    %dot_general3A_2514 = arith.constant dense<0.000000e+00> : vector<64x128xf32>
    %dot_general3A_2515 = tpu.matmul %convert_element_type3A_2513, %convert_element_type3A_2431, %dot_general3A_2514 {dimension_numbers = #tpu.dot_dimension_numbers<[1], [0], [0], [1], [0, 0, 1, 1], [], []>, transpose_lhs_hint = false} : vector<64x128xbf16>, vector<128x128xbf16>, vector<64x128xf32> -> vector<64x128xf32>
    %slice3A_2516 = vector.extract_strided_slice %slice3A_2461 {offsets = [0, 5, 0], sizes = [64, 1, 128], strides = [1, 1, 1]} : vector<64x8x128xbf16> to vector<64x1x128xbf16>
    %squeeze3A_2517 = vector.shape_cast %slice3A_2516 : vector<64x1x128xbf16> to vector<64x128xbf16>
    %convert_element_type3A_2518 = arith.extf %squeeze3A_2517 : vector<64x128xbf16> to vector<64x128xf32>
    %mul3A_2519 = arith.mulf %dot_general3A_2515, %convert_element_type3A_2518 : vector<64x128xf32>
    %eq3A_2520 = arith.constant 6 : i32
    %eq3A_2521 = vector.broadcast %eq3A_2520 : i32 to vector<64x1xi32>
    %eq3A_2522 = arith.cmpi eq, %get3A_2434, %eq3A_2521 : vector<64x1xi32>
    %broadcast_in_dim3A_2523 = vector.shape_cast %eq3A_2522 : vector<64x1xi1> to vector<64x1xi1>
    %broadcast_in_dim3A_2524 = vector.broadcast %broadcast_in_dim3A_2523 : vector<64x1xi1> to vector<64x128xi1>
    %select_n3A_2525 = arith.select %broadcast_in_dim3A_2524, %mul3A_2519, %select_n3A_2512 : vector<64x128xi1>, vector<64x128xf32>
    %convert_element_type3A_2526 = arith.truncf %mul3A_2519 : vector<64x128xf32> to vector<64x128xbf16>
    %dot_general3A_2527 = arith.constant dense<0.000000e+00> : vector<64x128xf32>
    %dot_general3A_2528 = tpu.matmul %convert_element_type3A_2526, %convert_element_type3A_2431, %dot_general3A_2527 {dimension_numbers = #tpu.dot_dimension_numbers<[1], [0], [0], [1], [0, 0, 1, 1], [], []>, transpose_lhs_hint = false} : vector<64x128xbf16>, vector<128x128xbf16>, vector<64x128xf32> -> vector<64x128xf32>
    %slice3A_2529 = vector.extract_strided_slice %slice3A_2461 {offsets = [0, 6, 0], sizes = [64, 1, 128], strides = [1, 1, 1]} : vector<64x8x128xbf16> to vector<64x1x128xbf16>
    %squeeze3A_2530 = vector.shape_cast %slice3A_2529 : vector<64x1x128xbf16> to vector<64x128xbf16>
    %convert_element_type3A_2531 = arith.extf %squeeze3A_2530 : vector<64x128xbf16> to vector<64x128xf32>
    %mul3A_2532 = arith.mulf %dot_general3A_2528, %convert_element_type3A_2531 : vector<64x128xf32>
    %eq3A_2533 = arith.constant 7 : i32
    %eq3A_2534 = vector.broadcast %eq3A_2533 : i32 to vector<64x1xi32>
    %eq3A_2535 = arith.cmpi eq, %get3A_2434, %eq3A_2534 : vector<64x1xi32>
    %broadcast_in_dim3A_2536 = vector.shape_cast %eq3A_2535 : vector<64x1xi1> to vector<64x1xi1>
    %broadcast_in_dim3A_2537 = vector.broadcast %broadcast_in_dim3A_2536 : vector<64x1xi1> to vector<64x128xi1>
    %select_n3A_2538 = arith.select %broadcast_in_dim3A_2537, %mul3A_2532, %select_n3A_2525 : vector<64x128xi1>, vector<64x128xf32>
    %convert_element_type3A_2539 = arith.truncf %mul3A_2532 : vector<64x128xf32> to vector<64x128xbf16>
    %dot_general3A_2540 = arith.constant dense<0.000000e+00> : vector<64x128xf32>
    %dot_general3A_2541 = tpu.matmul %convert_element_type3A_2539, %convert_element_type3A_2431, %dot_general3A_2540 {dimension_numbers = #tpu.dot_dimension_numbers<[1], [0], [0], [1], [0, 0, 1, 1], [], []>, transpose_lhs_hint = false} : vector<64x128xbf16>, vector<128x128xbf16>, vector<64x128xf32> -> vector<64x128xf32>
    %slice3A_2542 = vector.extract_strided_slice %slice3A_2461 {offsets = [0, 7, 0], sizes = [64, 1, 128], strides = [1, 1, 1]} : vector<64x8x128xbf16> to vector<64x1x128xbf16>
    %squeeze3A_2543 = vector.shape_cast %slice3A_2542 : vector<64x1x128xbf16> to vector<64x128xbf16>
    %convert_element_type3A_2544 = arith.extf %squeeze3A_2543 : vector<64x128xbf16> to vector<64x128xf32>
    %mul3A_2545 = arith.mulf %dot_general3A_2541, %convert_element_type3A_2544 : vector<64x128xf32>
    %eq3A_2546 = arith.constant 8 : i32
    %eq3A_2547 = vector.broadcast %eq3A_2546 : i32 to vector<64x1xi32>
    %eq3A_2548 = arith.cmpi eq, %get3A_2434, %eq3A_2547 : vector<64x1xi32>
    %broadcast_in_dim3A_2549 = vector.shape_cast %eq3A_2548 : vector<64x1xi1> to vector<64x1xi1>
    %broadcast_in_dim3A_2550 = vector.broadcast %broadcast_in_dim3A_2549 : vector<64x1xi1> to vector<64x128xi1>
    %select_n3A_2551 = arith.select %broadcast_in_dim3A_2550, %mul3A_2545, %select_n3A_2538 : vector<64x128xi1>, vector<64x128xf32>
    %gt3A = arith.constant 0 : i32
    %gt3A_2552 = vector.broadcast %gt3A : i32 to vector<64x1xi32>
    %gt3A_2553 = arith.cmpi sgt, %get3A_2434, %gt3A_2552 : vector<64x1xi32>
    %le3A = arith.constant 8 : i32
    %le3A_2554 = vector.broadcast %le3A : i32 to vector<64x1xi32>
    %le3A_2555 = arith.cmpi sle, %get3A_2434, %le3A_2554 : vector<64x1xi32>
    %and3A = arith.andi %gt3A_2553, %le3A_2555 : vector<64x1xi1>
    %select_n3A_2556 = arith.select %and3A, %broadcast_in_dim3A_2443, %broadcast_in_dim3A_2452 : vector<64x1xi1>, vector<64x1xf32>
    %reduce_max3A_2557 = arith.constant dense<0xFF800000> : vector<64xf32>
    %reduce_max3A_2558 = vector.multi_reduction <maximumf>, %mul3A_2545, %reduce_max3A_2557 [1] : vector<64x128xf32> to vector<64xf32>
    %broadcast_in_dim3A_2559 = vector.shape_cast %reduce_max3A_2558 : vector<64xf32> to vector<64x1xf32>
    %div3A = arith.constant 1.000000e+00 : f32
    %div3A_2560 = vector.broadcast %div3A : f32 to vector<64x1xf32>
    %div3A_2561 = arith.divf %div3A_2560, %broadcast_in_dim3A_2559 : vector<64x1xf32>
    %mul3A_2562 = vector.broadcast %div3A_2561 : vector<64x1xf32> to vector<64x128xf32>
    %mul3A_2563 = arith.mulf %mul3A_2545, %mul3A_2562 : vector<64x128xf32>
    %log3A_2564 = math.log %broadcast_in_dim3A_2559 : vector<64x1xf32>
    %add3A_2565 = arith.addf %broadcast_in_dim3A_2443, %log3A_2564 : vector<64x1xf32>
    %slice3A_2566 = vector.extract_strided_slice %get3A_2460 {offsets = [0, 8, 0], sizes = [64, 8, 128], strides = [1, 1, 1]} : vector<64x16x128xbf16> to vector<64x8x128xbf16>
    %convert_element_type3A_2567 = arith.truncf %mul3A_2563 : vector<64x128xf32> to vector<64x128xbf16>
    %dot_general3A_2568 = arith.constant dense<0.000000e+00> : vector<64x128xf32>
    %dot_general3A_2569 = tpu.matmul %convert_element_type3A_2567, %convert_element_type3A_2431, %dot_general3A_2568 {dimension_numbers = #tpu.dot_dimension_numbers<[1], [0], [0], [1], [0, 0, 1, 1], [], []>, transpose_lhs_hint = false} : vector<64x128xbf16>, vector<128x128xbf16>, vector<64x128xf32> -> vector<64x128xf32>
    %slice3A_2570 = vector.extract_strided_slice %slice3A_2566 {offsets = [0, 0, 0], sizes = [64, 1, 128], strides = [1, 1, 1]} : vector<64x8x128xbf16> to vector<64x1x128xbf16>
    %squeeze3A_2571 = vector.shape_cast %slice3A_2570 : vector<64x1x128xbf16> to vector<64x128xbf16>
    %convert_element_type3A_2572 = arith.extf %squeeze3A_2571 : vector<64x128xbf16> to vector<64x128xf32>
    %mul3A_2573 = arith.mulf %dot_general3A_2569, %convert_element_type3A_2572 : vector<64x128xf32>
    %eq3A_2574 = arith.constant 9 : i32
    %eq3A_2575 = vector.broadcast %eq3A_2574 : i32 to vector<64x1xi32>
    %eq3A_2576 = arith.cmpi eq, %get3A_2434, %eq3A_2575 : vector<64x1xi32>
    %broadcast_in_dim3A_2577 = vector.shape_cast %eq3A_2576 : vector<64x1xi1> to vector<64x1xi1>
    %broadcast_in_dim3A_2578 = vector.broadcast %broadcast_in_dim3A_2577 : vector<64x1xi1> to vector<64x128xi1>
    %select_n3A_2579 = arith.select %broadcast_in_dim3A_2578, %mul3A_2573, %select_n3A_2551 : vector<64x128xi1>, vector<64x128xf32>
    %convert_element_type3A_2580 = arith.truncf %mul3A_2573 : vector<64x128xf32> to vector<64x128xbf16>
    %dot_general3A_2581 = arith.constant dense<0.000000e+00> : vector<64x128xf32>
    %dot_general3A_2582 = tpu.matmul %convert_element_type3A_2580, %convert_element_type3A_2431, %dot_general3A_2581 {dimension_numbers = #tpu.dot_dimension_numbers<[1], [0], [0], [1], [0, 0, 1, 1], [], []>, transpose_lhs_hint = false} : vector<64x128xbf16>, vector<128x128xbf16>, vector<64x128xf32> -> vector<64x128xf32>
    %slice3A_2583 = vector.extract_strided_slice %slice3A_2566 {offsets = [0, 1, 0], sizes = [64, 1, 128], strides = [1, 1, 1]} : vector<64x8x128xbf16> to vector<64x1x128xbf16>
    %squeeze3A_2584 = vector.shape_cast %slice3A_2583 : vector<64x1x128xbf16> to vector<64x128xbf16>
    %convert_element_type3A_2585 = arith.extf %squeeze3A_2584 : vector<64x128xbf16> to vector<64x128xf32>
    %mul3A_2586 = arith.mulf %dot_general3A_2582, %convert_element_type3A_2585 : vector<64x128xf32>
    %eq3A_2587 = arith.constant 10 : i32
    %eq3A_2588 = vector.broadcast %eq3A_2587 : i32 to vector<64x1xi32>
    %eq3A_2589 = arith.cmpi eq, %get3A_2434, %eq3A_2588 : vector<64x1xi32>
    %broadcast_in_dim3A_2590 = vector.shape_cast %eq3A_2589 : vector<64x1xi1> to vector<64x1xi1>
    %broadcast_in_dim3A_2591 = vector.broadcast %broadcast_in_dim3A_2590 : vector<64x1xi1> to vector<64x128xi1>
    %select_n3A_2592 = arith.select %broadcast_in_dim3A_2591, %mul3A_2586, %select_n3A_2579 : vector<64x128xi1>, vector<64x128xf32>
    %convert_element_type3A_2593 = arith.truncf %mul3A_2586 : vector<64x128xf32> to vector<64x128xbf16>
    %dot_general3A_2594 = arith.constant dense<0.000000e+00> : vector<64x128xf32>
    %dot_general3A_2595 = tpu.matmul %convert_element_type3A_2593, %convert_element_type3A_2431, %dot_general3A_2594 {dimension_numbers = #tpu.dot_dimension_numbers<[1], [0], [0], [1], [0, 0, 1, 1], [], []>, transpose_lhs_hint = false} : vector<64x128xbf16>, vector<128x128xbf16>, vector<64x128xf32> -> vector<64x128xf32>
    %slice3A_2596 = vector.extract_strided_slice %slice3A_2566 {offsets = [0, 2, 0], sizes = [64, 1, 128], strides = [1, 1, 1]} : vector<64x8x128xbf16> to vector<64x1x128xbf16>
    %squeeze3A_2597 = vector.shape_cast %slice3A_2596 : vector<64x1x128xbf16> to vector<64x128xbf16>
    %convert_element_type3A_2598 = arith.extf %squeeze3A_2597 : vector<64x128xbf16> to vector<64x128xf32>
    %mul3A_2599 = arith.mulf %dot_general3A_2595, %convert_element_type3A_2598 : vector<64x128xf32>
    %eq3A_2600 = arith.constant 11 : i32
    %eq3A_2601 = vector.broadcast %eq3A_2600 : i32 to vector<64x1xi32>
    %eq3A_2602 = arith.cmpi eq, %get3A_2434, %eq3A_2601 : vector<64x1xi32>
    %broadcast_in_dim3A_2603 = vector.shape_cast %eq3A_2602 : vector<64x1xi1> to vector<64x1xi1>
    %broadcast_in_dim3A_2604 = vector.broadcast %broadcast_in_dim3A_2603 : vector<64x1xi1> to vector<64x128xi1>
    %select_n3A_2605 = arith.select %broadcast_in_dim3A_2604, %mul3A_2599, %select_n3A_2592 : vector<64x128xi1>, vector<64x128xf32>
    %convert_element_type3A_2606 = arith.truncf %mul3A_2599 : vector<64x128xf32> to vector<64x128xbf16>
    %dot_general3A_2607 = arith.constant dense<0.000000e+00> : vector<64x128xf32>
    %dot_general3A_2608 = tpu.matmul %convert_element_type3A_2606, %convert_element_type3A_2431, %dot_general3A_2607 {dimension_numbers = #tpu.dot_dimension_numbers<[1], [0], [0], [1], [0, 0, 1, 1], [], []>, transpose_lhs_hint = false} : vector<64x128xbf16>, vector<128x128xbf16>, vector<64x128xf32> -> vector<64x128xf32>
    %slice3A_2609 = vector.extract_strided_slice %slice3A_2566 {offsets = [0, 3, 0], sizes = [64, 1, 128], strides = [1, 1, 1]} : vector<64x8x128xbf16> to vector<64x1x128xbf16>
    %squeeze3A_2610 = vector.shape_cast %slice3A_2609 : vector<64x1x128xbf16> to vector<64x128xbf16>
    %convert_element_type3A_2611 = arith.extf %squeeze3A_2610 : vector<64x128xbf16> to vector<64x128xf32>
    %mul3A_2612 = arith.mulf %dot_general3A_2608, %convert_element_type3A_2611 : vector<64x128xf32>
    %eq3A_2613 = arith.constant 12 : i32
    %eq3A_2614 = vector.broadcast %eq3A_2613 : i32 to vector<64x1xi32>
    %eq3A_2615 = arith.cmpi eq, %get3A_2434, %eq3A_2614 : vector<64x1xi32>
    %broadcast_in_dim3A_2616 = vector.shape_cast %eq3A_2615 : vector<64x1xi1> to vector<64x1xi1>
    %broadcast_in_dim3A_2617 = vector.broadcast %broadcast_in_dim3A_2616 : vector<64x1xi1> to vector<64x128xi1>
    %select_n3A_2618 = arith.select %broadcast_in_dim3A_2617, %mul3A_2612, %select_n3A_2605 : vector<64x128xi1>, vector<64x128xf32>
    %convert_element_type3A_2619 = arith.truncf %mul3A_2612 : vector<64x128xf32> to vector<64x128xbf16>
    %dot_general3A_2620 = arith.constant dense<0.000000e+00> : vector<64x128xf32>
    %dot_general3A_2621 = tpu.matmul %convert_element_type3A_2619, %convert_element_type3A_2431, %dot_general3A_2620 {dimension_numbers = #tpu.dot_dimension_numbers<[1], [0], [0], [1], [0, 0, 1, 1], [], []>, transpose_lhs_hint = false} : vector<64x128xbf16>, vector<128x128xbf16>, vector<64x128xf32> -> vector<64x128xf32>
    %slice3A_2622 = vector.extract_strided_slice %slice3A_2566 {offsets = [0, 4, 0], sizes = [64, 1, 128], strides = [1, 1, 1]} : vector<64x8x128xbf16> to vector<64x1x128xbf16>
    %squeeze3A_2623 = vector.shape_cast %slice3A_2622 : vector<64x1x128xbf16> to vector<64x128xbf16>
    %convert_element_type3A_2624 = arith.extf %squeeze3A_2623 : vector<64x128xbf16> to vector<64x128xf32>
    %mul3A_2625 = arith.mulf %dot_general3A_2621, %convert_element_type3A_2624 : vector<64x128xf32>
    %eq3A_2626 = arith.constant 13 : i32
    %eq3A_2627 = vector.broadcast %eq3A_2626 : i32 to vector<64x1xi32>
    %eq3A_2628 = arith.cmpi eq, %get3A_2434, %eq3A_2627 : vector<64x1xi32>
    %broadcast_in_dim3A_2629 = vector.shape_cast %eq3A_2628 : vector<64x1xi1> to vector<64x1xi1>
    %broadcast_in_dim3A_2630 = vector.broadcast %broadcast_in_dim3A_2629 : vector<64x1xi1> to vector<64x128xi1>
    %select_n3A_2631 = arith.select %broadcast_in_dim3A_2630, %mul3A_2625, %select_n3A_2618 : vector<64x128xi1>, vector<64x128xf32>
    %convert_element_type3A_2632 = arith.truncf %mul3A_2625 : vector<64x128xf32> to vector<64x128xbf16>
    %dot_general3A_2633 = arith.constant dense<0.000000e+00> : vector<64x128xf32>
    %dot_general3A_2634 = tpu.matmul %convert_element_type3A_2632, %convert_element_type3A_2431, %dot_general3A_2633 {dimension_numbers = #tpu.dot_dimension_numbers<[1], [0], [0], [1], [0, 0, 1, 1], [], []>, transpose_lhs_hint = false} : vector<64x128xbf16>, vector<128x128xbf16>, vector<64x128xf32> -> vector<64x128xf32>
    %slice3A_2635 = vector.extract_strided_slice %slice3A_2566 {offsets = [0, 5, 0], sizes = [64, 1, 128], strides = [1, 1, 1]} : vector<64x8x128xbf16> to vector<64x1x128xbf16>
    %squeeze3A_2636 = vector.shape_cast %slice3A_2635 : vector<64x1x128xbf16> to vector<64x128xbf16>
    %convert_element_type3A_2637 = arith.extf %squeeze3A_2636 : vector<64x128xbf16> to vector<64x128xf32>
    %mul3A_2638 = arith.mulf %dot_general3A_2634, %convert_element_type3A_2637 : vector<64x128xf32>
    %eq3A_2639 = arith.constant 14 : i32
    %eq3A_2640 = vector.broadcast %eq3A_2639 : i32 to vector<64x1xi32>
    %eq3A_2641 = arith.cmpi eq, %get3A_2434, %eq3A_2640 : vector<64x1xi32>
    %broadcast_in_dim3A_2642 = vector.shape_cast %eq3A_2641 : vector<64x1xi1> to vector<64x1xi1>
    %broadcast_in_dim3A_2643 = vector.broadcast %broadcast_in_dim3A_2642 : vector<64x1xi1> to vector<64x128xi1>
    %select_n3A_2644 = arith.select %broadcast_in_dim3A_2643, %mul3A_2638, %select_n3A_2631 : vector<64x128xi1>, vector<64x128xf32>
    %convert_element_type3A_2645 = arith.truncf %mul3A_2638 : vector<64x128xf32> to vector<64x128xbf16>
    %dot_general3A_2646 = arith.constant dense<0.000000e+00> : vector<64x128xf32>
    %dot_general3A_2647 = tpu.matmul %convert_element_type3A_2645, %convert_element_type3A_2431, %dot_general3A_2646 {dimension_numbers = #tpu.dot_dimension_numbers<[1], [0], [0], [1], [0, 0, 1, 1], [], []>, transpose_lhs_hint = false} : vector<64x128xbf16>, vector<128x128xbf16>, vector<64x128xf32> -> vector<64x128xf32>
    %slice3A_2648 = vector.extract_strided_slice %slice3A_2566 {offsets = [0, 6, 0], sizes = [64, 1, 128], strides = [1, 1, 1]} : vector<64x8x128xbf16> to vector<64x1x128xbf16>
    %squeeze3A_2649 = vector.shape_cast %slice3A_2648 : vector<64x1x128xbf16> to vector<64x128xbf16>
    %convert_element_type3A_2650 = arith.extf %squeeze3A_2649 : vector<64x128xbf16> to vector<64x128xf32>
    %mul3A_2651 = arith.mulf %dot_general3A_2647, %convert_element_type3A_2650 : vector<64x128xf32>
    %eq3A_2652 = arith.constant 15 : i32
    %eq3A_2653 = vector.broadcast %eq3A_2652 : i32 to vector<64x1xi32>
    %eq3A_2654 = arith.cmpi eq, %get3A_2434, %eq3A_2653 : vector<64x1xi32>
    %broadcast_in_dim3A_2655 = vector.shape_cast %eq3A_2654 : vector<64x1xi1> to vector<64x1xi1>
    %broadcast_in_dim3A_2656 = vector.broadcast %broadcast_in_dim3A_2655 : vector<64x1xi1> to vector<64x128xi1>
    %select_n3A_2657 = arith.select %broadcast_in_dim3A_2656, %mul3A_2651, %select_n3A_2644 : vector<64x128xi1>, vector<64x128xf32>
    %convert_element_type3A_2658 = arith.truncf %mul3A_2651 : vector<64x128xf32> to vector<64x128xbf16>
    %dot_general3A_2659 = arith.constant dense<0.000000e+00> : vector<64x128xf32>
    %dot_general3A_2660 = tpu.matmul %convert_element_type3A_2658, %convert_element_type3A_2431, %dot_general3A_2659 {dimension_numbers = #tpu.dot_dimension_numbers<[1], [0], [0], [1], [0, 0, 1, 1], [], []>, transpose_lhs_hint = false} : vector<64x128xbf16>, vector<128x128xbf16>, vector<64x128xf32> -> vector<64x128xf32>
    %slice3A_2661 = vector.extract_strided_slice %slice3A_2566 {offsets = [0, 7, 0], sizes = [64, 1, 128], strides = [1, 1, 1]} : vector<64x8x128xbf16> to vector<64x1x128xbf16>
    %squeeze3A_2662 = vector.shape_cast %slice3A_2661 : vector<64x1x128xbf16> to vector<64x128xbf16>
    %convert_element_type3A_2663 = arith.extf %squeeze3A_2662 : vector<64x128xbf16> to vector<64x128xf32>
    %mul3A_2664 = arith.mulf %dot_general3A_2660, %convert_element_type3A_2663 : vector<64x128xf32>
    %eq3A_2665 = arith.constant 16 : i32
    %eq3A_2666 = vector.broadcast %eq3A_2665 : i32 to vector<64x1xi32>
    %eq3A_2667 = arith.cmpi eq, %get3A_2434, %eq3A_2666 : vector<64x1xi32>
    %broadcast_in_dim3A_2668 = vector.shape_cast %eq3A_2667 : vector<64x1xi1> to vector<64x1xi1>
    %broadcast_in_dim3A_2669 = vector.broadcast %broadcast_in_dim3A_2668 : vector<64x1xi1> to vector<64x128xi1>
    %select_n3A_2670 = arith.select %broadcast_in_dim3A_2669, %mul3A_2664, %select_n3A_2657 : vector<64x128xi1>, vector<64x128xf32>
    %gt3A_2671 = arith.constant 8 : i32
    %gt3A_2672 = vector.broadcast %gt3A_2671 : i32 to vector<64x1xi32>
    %gt3A_2673 = arith.cmpi sgt, %get3A_2434, %gt3A_2672 : vector<64x1xi32>
    %le3A_2674 = arith.constant 16 : i32
    %le3A_2675 = vector.broadcast %le3A_2674 : i32 to vector<64x1xi32>
    %le3A_2676 = arith.cmpi sle, %get3A_2434, %le3A_2675 : vector<64x1xi32>
    %and3A_2677 = arith.andi %gt3A_2673, %le3A_2676 : vector<64x1xi1>
    %select_n3A_2678 = arith.select %and3A_2677, %add3A_2565, %select_n3A_2556 : vector<64x1xi1>, vector<64x1xf32>
    %reduce_max3A_2679 = arith.constant dense<0xFF800000> : vector<64xf32>
    %reduce_max3A_2680 = vector.multi_reduction <maximumf>, %mul3A_2664, %reduce_max3A_2679 [1] : vector<64x128xf32> to vector<64xf32>
    %broadcast_in_dim3A_2681 = vector.shape_cast %reduce_max3A_2680 : vector<64xf32> to vector<64x1xf32>
    %div3A_2682 = arith.constant 1.000000e+00 : f32
    %div3A_2683 = vector.broadcast %div3A_2682 : f32 to vector<64x1xf32>
    %div3A_2684 = arith.divf %div3A_2683, %broadcast_in_dim3A_2681 : vector<64x1xf32>
    %mul3A_2685 = vector.broadcast %div3A_2684 : vector<64x1xf32> to vector<64x128xf32>
    %mul3A_2686 = arith.mulf %mul3A_2664, %mul3A_2685 : vector<64x128xf32>
    %log3A_2687 = math.log %broadcast_in_dim3A_2681 : vector<64x1xf32>
    %add3A_2688 = arith.addf %add3A_2565, %log3A_2687 : vector<64x1xf32>
    %get3A_2689 = arith.constant 0 : index
    %get3A_2690 = arith.constant 240 : index
    %get3A_2691 = arith.constant 0 : index
    %get3A_2692 = vector.load %arg6[%get3A_2689, %get3A_2690, %get3A_2691] : memref<64x256x128xbf16, #tpu.memory_space<vmem>>, vector<64x16x128xbf16>
    %slice3A_2693 = vector.extract_strided_slice %get3A_2692 {offsets = [0, 8, 0], sizes = [64, 8, 128], strides = [1, 1, 1]} : vector<64x16x128xbf16> to vector<64x8x128xbf16>
    %slice3A_2694 = vector.extract_strided_slice %slice3A_2693 {offsets = [0, 7, 0], sizes = [64, 1, 128], strides = [1, 1, 1]} : vector<64x8x128xbf16> to vector<64x1x128xbf16>
    %squeeze3A_2695 = vector.shape_cast %slice3A_2694 : vector<64x1x128xbf16> to vector<64x128xbf16>
    %convert_element_type3A_2696 = arith.extf %squeeze3A_2695 : vector<64x128xbf16> to vector<64x128xf32>
    %mul3A_2697 = arith.mulf %broadcast_in_dim3A_2454, %convert_element_type3A_2696 : vector<64x128xf32>
    %convert_element_type3A_2698 = arith.truncf %mul3A_2697 : vector<64x128xf32> to vector<64x128xbf16>
    %dot_general3A_2699 = arith.constant dense<0.000000e+00> : vector<64x128xf32>
    %dot_general3A_2700 = tpu.matmul %convert_element_type3A_2698, %convert_element_type3A_2431, %dot_general3A_2699 {dimension_numbers = #tpu.dot_dimension_numbers<[1], [1], [0], [0], [0, 0, 1, 0], [], []>, transpose_lhs_hint = false} : vector<64x128xbf16>, vector<128x128xbf16>, vector<64x128xf32> -> vector<64x128xf32>
    %eq3A_2701 = arith.constant 255 : i32
    %eq3A_2702 = vector.broadcast %eq3A_2701 : i32 to vector<64x1xi32>
    %eq3A_2703 = arith.cmpi eq, %get3A_2434, %eq3A_2702 : vector<64x1xi32>
    %jit3A_2704 = arith.constant 1.000000e+00 : f32
    %broadcast_in_dim3A_2705 = vector.shape_cast %eq3A_2703 : vector<64x1xi1> to vector<64x1xi1>
    %broadcast_in_dim3A_2706 = vector.broadcast %broadcast_in_dim3A_2705 : vector<64x1xi1> to vector<64x128xi1>
    %broadcast_in_dim3A_2707 = vector.broadcast %jit3A_2704 : f32 to vector<64x128xf32>
    %select_n3A_2708 = arith.select %broadcast_in_dim3A_2706, %broadcast_in_dim3A_2707, %dot_general3A_2700 : vector<64x128xi1>, vector<64x128xf32>
    %slice3A_2709 = vector.extract_strided_slice %slice3A_2693 {offsets = [0, 6, 0], sizes = [64, 1, 128], strides = [1, 1, 1]} : vector<64x8x128xbf16> to vector<64x1x128xbf16>
    %squeeze3A_2710 = vector.shape_cast %slice3A_2709 : vector<64x1x128xbf16> to vector<64x128xbf16>
    %convert_element_type3A_2711 = arith.extf %squeeze3A_2710 : vector<64x128xbf16> to vector<64x128xf32>
    %mul3A_2712 = arith.mulf %select_n3A_2708, %convert_element_type3A_2711 : vector<64x128xf32>
    %convert_element_type3A_2713 = arith.truncf %mul3A_2712 : vector<64x128xf32> to vector<64x128xbf16>
    %dot_general3A_2714 = arith.constant dense<0.000000e+00> : vector<64x128xf32>
    %dot_general3A_2715 = tpu.matmul %convert_element_type3A_2713, %convert_element_type3A_2431, %dot_general3A_2714 {dimension_numbers = #tpu.dot_dimension_numbers<[1], [1], [0], [0], [0, 0, 1, 0], [], []>, transpose_lhs_hint = false} : vector<64x128xbf16>, vector<128x128xbf16>, vector<64x128xf32> -> vector<64x128xf32>
    %eq3A_2716 = arith.constant 254 : i32
    %eq3A_2717 = vector.broadcast %eq3A_2716 : i32 to vector<64x1xi32>
    %eq3A_2718 = arith.cmpi eq, %get3A_2434, %eq3A_2717 : vector<64x1xi32>
    %jit3A_2719 = arith.constant 1.000000e+00 : f32
    %broadcast_in_dim3A_2720 = vector.shape_cast %eq3A_2718 : vector<64x1xi1> to vector<64x1xi1>
    %broadcast_in_dim3A_2721 = vector.broadcast %broadcast_in_dim3A_2720 : vector<64x1xi1> to vector<64x128xi1>
    %broadcast_in_dim3A_2722 = vector.broadcast %jit3A_2719 : f32 to vector<64x128xf32>
    %select_n3A_2723 = arith.select %broadcast_in_dim3A_2721, %broadcast_in_dim3A_2722, %dot_general3A_2715 : vector<64x128xi1>, vector<64x128xf32>
    %slice3A_2724 = vector.extract_strided_slice %slice3A_2693 {offsets = [0, 5, 0], sizes = [64, 1, 128], strides = [1, 1, 1]} : vector<64x8x128xbf16> to vector<64x1x128xbf16>
    %squeeze3A_2725 = vector.shape_cast %slice3A_2724 : vector<64x1x128xbf16> to vector<64x128xbf16>
    %convert_element_type3A_2726 = arith.extf %squeeze3A_2725 : vector<64x128xbf16> to vector<64x128xf32>
    %mul3A_2727 = arith.mulf %select_n3A_2723, %convert_element_type3A_2726 : vector<64x128xf32>
    %convert_element_type3A_2728 = arith.truncf %mul3A_2727 : vector<64x128xf32> to vector<64x128xbf16>
    %dot_general3A_2729 = arith.constant dense<0.000000e+00> : vector<64x128xf32>
    %dot_general3A_2730 = tpu.matmul %convert_element_type3A_2728, %convert_element_type3A_2431, %dot_general3A_2729 {dimension_numbers = #tpu.dot_dimension_numbers<[1], [1], [0], [0], [0, 0, 1, 0], [], []>, transpose_lhs_hint = false} : vector<64x128xbf16>, vector<128x128xbf16>, vector<64x128xf32> -> vector<64x128xf32>
    %eq3A_2731 = arith.constant 253 : i32
    %eq3A_2732 = vector.broadcast %eq3A_2731 : i32 to vector<64x1xi32>
    %eq3A_2733 = arith.cmpi eq, %get3A_2434, %eq3A_2732 : vector<64x1xi32>
    %jit3A_2734 = arith.constant 1.000000e+00 : f32
    %broadcast_in_dim3A_2735 = vector.shape_cast %eq3A_2733 : vector<64x1xi1> to vector<64x1xi1>
    %broadcast_in_dim3A_2736 = vector.broadcast %broadcast_in_dim3A_2735 : vector<64x1xi1> to vector<64x128xi1>
    %broadcast_in_dim3A_2737 = vector.broadcast %jit3A_2734 : f32 to vector<64x128xf32>
    %select_n3A_2738 = arith.select %broadcast_in_dim3A_2736, %broadcast_in_dim3A_2737, %dot_general3A_2730 : vector<64x128xi1>, vector<64x128xf32>
    %slice3A_2739 = vector.extract_strided_slice %slice3A_2693 {offsets = [0, 4, 0], sizes = [64, 1, 128], strides = [1, 1, 1]} : vector<64x8x128xbf16> to vector<64x1x128xbf16>
    %squeeze3A_2740 = vector.shape_cast %slice3A_2739 : vector<64x1x128xbf16> to vector<64x128xbf16>
    %convert_element_type3A_2741 = arith.extf %squeeze3A_2740 : vector<64x128xbf16> to vector<64x128xf32>
    %mul3A_2742 = arith.mulf %select_n3A_2738, %convert_element_type3A_2741 : vector<64x128xf32>
    %convert_element_type3A_2743 = arith.truncf %mul3A_2742 : vector<64x128xf32> to vector<64x128xbf16>
    %dot_general3A_2744 = arith.constant dense<0.000000e+00> : vector<64x128xf32>
    %dot_general3A_2745 = tpu.matmul %convert_element_type3A_2743, %convert_element_type3A_2431, %dot_general3A_2744 {dimension_numbers = #tpu.dot_dimension_numbers<[1], [1], [0], [0], [0, 0, 1, 0], [], []>, transpose_lhs_hint = false} : vector<64x128xbf16>, vector<128x128xbf16>, vector<64x128xf32> -> vector<64x128xf32>
    %eq3A_2746 = arith.constant 252 : i32
    %eq3A_2747 = vector.broadcast %eq3A_2746 : i32 to vector<64x1xi32>
    %eq3A_2748 = arith.cmpi eq, %get3A_2434, %eq3A_2747 : vector<64x1xi32>
    %jit3A_2749 = arith.constant 1.000000e+00 : f32
    %broadcast_in_dim3A_2750 = vector.shape_cast %eq3A_2748 : vector<64x1xi1> to vector<64x1xi1>
    %broadcast_in_dim3A_2751 = vector.broadcast %broadcast_in_dim3A_2750 : vector<64x1xi1> to vector<64x128xi1>
    %broadcast_in_dim3A_2752 = vector.broadcast %jit3A_2749 : f32 to vector<64x128xf32>
    %select_n3A_2753 = arith.select %broadcast_in_dim3A_2751, %broadcast_in_dim3A_2752, %dot_general3A_2745 : vector<64x128xi1>, vector<64x128xf32>
    %slice3A_2754 = vector.extract_strided_slice %slice3A_2693 {offsets = [0, 3, 0], sizes = [64, 1, 128], strides = [1, 1, 1]} : vector<64x8x128xbf16> to vector<64x1x128xbf16>
    %squeeze3A_2755 = vector.shape_cast %slice3A_2754 : vector<64x1x128xbf16> to vector<64x128xbf16>
    %convert_element_type3A_2756 = arith.extf %squeeze3A_2755 : vector<64x128xbf16> to vector<64x128xf32>
    %mul3A_2757 = arith.mulf %select_n3A_2753, %convert_element_type3A_2756 : vector<64x128xf32>
    %convert_element_type3A_2758 = arith.truncf %mul3A_2757 : vector<64x128xf32> to vector<64x128xbf16>
    %dot_general3A_2759 = arith.constant dense<0.000000e+00> : vector<64x128xf32>
    %dot_general3A_2760 = tpu.matmul %convert_element_type3A_2758, %convert_element_type3A_2431, %dot_general3A_2759 {dimension_numbers = #tpu.dot_dimension_numbers<[1], [1], [0], [0], [0, 0, 1, 0], [], []>, transpose_lhs_hint = false} : vector<64x128xbf16>, vector<128x128xbf16>, vector<64x128xf32> -> vector<64x128xf32>
    %eq3A_2761 = arith.constant 251 : i32
    %eq3A_2762 = vector.broadcast %eq3A_2761 : i32 to vector<64x1xi32>
    %eq3A_2763 = arith.cmpi eq, %get3A_2434, %eq3A_2762 : vector<64x1xi32>
    %jit3A_2764 = arith.constant 1.000000e+00 : f32
    %broadcast_in_dim3A_2765 = vector.shape_cast %eq3A_2763 : vector<64x1xi1> to vector<64x1xi1>
    %broadcast_in_dim3A_2766 = vector.broadcast %broadcast_in_dim3A_2765 : vector<64x1xi1> to vector<64x128xi1>
    %broadcast_in_dim3A_2767 = vector.broadcast %jit3A_2764 : f32 to vector<64x128xf32>
    %select_n3A_2768 = arith.select %broadcast_in_dim3A_2766, %broadcast_in_dim3A_2767, %dot_general3A_2760 : vector<64x128xi1>, vector<64x128xf32>
    %slice3A_2769 = vector.extract_strided_slice %slice3A_2693 {offsets = [0, 2, 0], sizes = [64, 1, 128], strides = [1, 1, 1]} : vector<64x8x128xbf16> to vector<64x1x128xbf16>
    %squeeze3A_2770 = vector.shape_cast %slice3A_2769 : vector<64x1x128xbf16> to vector<64x128xbf16>
    %convert_element_type3A_2771 = arith.extf %squeeze3A_2770 : vector<64x128xbf16> to vector<64x128xf32>
    %mul3A_2772 = arith.mulf %select_n3A_2768, %convert_element_type3A_2771 : vector<64x128xf32>
    %convert_element_type3A_2773 = arith.truncf %mul3A_2772 : vector<64x128xf32> to vector<64x128xbf16>
    %dot_general3A_2774 = arith.constant dense<0.000000e+00> : vector<64x128xf32>
    %dot_general3A_2775 = tpu.matmul %convert_element_type3A_2773, %convert_element_type3A_2431, %dot_general3A_2774 {dimension_numbers = #tpu.dot_dimension_numbers<[1], [1], [0], [0], [0, 0, 1, 0], [], []>, transpose_lhs_hint = false} : vector<64x128xbf16>, vector<128x128xbf16>, vector<64x128xf32> -> vector<64x128xf32>
    %eq3A_2776 = arith.constant 250 : i32
    %eq3A_2777 = vector.broadcast %eq3A_2776 : i32 to vector<64x1xi32>
    %eq3A_2778 = arith.cmpi eq, %get3A_2434, %eq3A_2777 : vector<64x1xi32>
    %jit3A_2779 = arith.constant 1.000000e+00 : f32
    %broadcast_in_dim3A_2780 = vector.shape_cast %eq3A_2778 : vector<64x1xi1> to vector<64x1xi1>
    %broadcast_in_dim3A_2781 = vector.broadcast %broadcast_in_dim3A_2780 : vector<64x1xi1> to vector<64x128xi1>
    %broadcast_in_dim3A_2782 = vector.broadcast %jit3A_2779 : f32 to vector<64x128xf32>
    %select_n3A_2783 = arith.select %broadcast_in_dim3A_2781, %broadcast_in_dim3A_2782, %dot_general3A_2775 : vector<64x128xi1>, vector<64x128xf32>
    %slice3A_2784 = vector.extract_strided_slice %slice3A_2693 {offsets = [0, 1, 0], sizes = [64, 1, 128], strides = [1, 1, 1]} : vector<64x8x128xbf16> to vector<64x1x128xbf16>
    %squeeze3A_2785 = vector.shape_cast %slice3A_2784 : vector<64x1x128xbf16> to vector<64x128xbf16>
    %convert_element_type3A_2786 = arith.extf %squeeze3A_2785 : vector<64x128xbf16> to vector<64x128xf32>
    %mul3A_2787 = arith.mulf %select_n3A_2783, %convert_element_type3A_2786 : vector<64x128xf32>
    %convert_element_type3A_2788 = arith.truncf %mul3A_2787 : vector<64x128xf32> to vector<64x128xbf16>
    %dot_general3A_2789 = arith.constant dense<0.000000e+00> : vector<64x128xf32>
    %dot_general3A_2790 = tpu.matmul %convert_element_type3A_2788, %convert_element_type3A_2431, %dot_general3A_2789 {dimension_numbers = #tpu.dot_dimension_numbers<[1], [1], [0], [0], [0, 0, 1, 0], [], []>, transpose_lhs_hint = false} : vector<64x128xbf16>, vector<128x128xbf16>, vector<64x128xf32> -> vector<64x128xf32>
    %eq3A_2791 = arith.constant 249 : i32
    %eq3A_2792 = vector.broadcast %eq3A_2791 : i32 to vector<64x1xi32>
    %eq3A_2793 = arith.cmpi eq, %get3A_2434, %eq3A_2792 : vector<64x1xi32>
    %jit3A_2794 = arith.constant 1.000000e+00 : f32
    %broadcast_in_dim3A_2795 = vector.shape_cast %eq3A_2793 : vector<64x1xi1> to vector<64x1xi1>
    %broadcast_in_dim3A_2796 = vector.broadcast %broadcast_in_dim3A_2795 : vector<64x1xi1> to vector<64x128xi1>
    %broadcast_in_dim3A_2797 = vector.broadcast %jit3A_2794 : f32 to vector<64x128xf32>
    %select_n3A_2798 = arith.select %broadcast_in_dim3A_2796, %broadcast_in_dim3A_2797, %dot_general3A_2790 : vector<64x128xi1>, vector<64x128xf32>
    %slice3A_2799 = vector.extract_strided_slice %slice3A_2693 {offsets = [0, 0, 0], sizes = [64, 1, 128], strides = [1, 1, 1]} : vector<64x8x128xbf16> to vector<64x1x128xbf16>
    %squeeze3A_2800 = vector.shape_cast %slice3A_2799 : vector<64x1x128xbf16> to vector<64x128xbf16>
    %convert_element_type3A_2801 = arith.extf %squeeze3A_2800 : vector<64x128xbf16> to vector<64x128xf32>
    %mul3A_2802 = arith.mulf %select_n3A_2798, %convert_element_type3A_2801 : vector<64x128xf32>
    %convert_element_type3A_2803 = arith.truncf %mul3A_2802 : vector<64x128xf32> to vector<64x128xbf16>
    %dot_general3A_2804 = arith.constant dense<0.000000e+00> : vector<64x128xf32>
    %dot_general3A_2805 = tpu.matmul %convert_element_type3A_2803, %convert_element_type3A_2431, %dot_general3A_2804 {dimension_numbers = #tpu.dot_dimension_numbers<[1], [1], [0], [0], [0, 0, 1, 0], [], []>, transpose_lhs_hint = false} : vector<64x128xbf16>, vector<128x128xbf16>, vector<64x128xf32> -> vector<64x128xf32>
    %eq3A_2806 = arith.constant 248 : i32
    %eq3A_2807 = vector.broadcast %eq3A_2806 : i32 to vector<64x1xi32>
    %eq3A_2808 = arith.cmpi eq, %get3A_2434, %eq3A_2807 : vector<64x1xi32>
    %jit3A_2809 = arith.constant 1.000000e+00 : f32
    %broadcast_in_dim3A_2810 = vector.shape_cast %eq3A_2808 : vector<64x1xi1> to vector<64x1xi1>
    %broadcast_in_dim3A_2811 = vector.broadcast %broadcast_in_dim3A_2810 : vector<64x1xi1> to vector<64x128xi1>
    %broadcast_in_dim3A_2812 = vector.broadcast %jit3A_2809 : f32 to vector<64x128xf32>
    %select_n3A_2813 = arith.select %broadcast_in_dim3A_2811, %broadcast_in_dim3A_2812, %dot_general3A_2805 : vector<64x128xi1>, vector<64x128xf32>
    %ge3A = arith.constant 248 : i32
    %ge3A_2814 = vector.broadcast %ge3A : i32 to vector<64x1xi32>
    %ge3A_2815 = arith.cmpi sge, %get3A_2434, %ge3A_2814 : vector<64x1xi32>
    %le3A_2816 = arith.constant 256 : i32
    %le3A_2817 = vector.broadcast %le3A_2816 : i32 to vector<64x1xi32>
    %le3A_2818 = arith.cmpi sle, %get3A_2434, %le3A_2817 : vector<64x1xi32>
    %and3A_2819 = arith.andi %ge3A_2815, %le3A_2818 : vector<64x1xi1>
    %jit3A_2820 = arith.constant 0.000000e+00 : f32
    %broadcast_in_dim3A_2821 = vector.broadcast %jit3A_2820 : f32 to vector<64x1xf32>
    %select_n3A_2822 = arith.select %and3A_2819, %broadcast_in_dim3A_2821, %broadcast_in_dim3A_2456 : vector<64x1xi1>, vector<64x1xf32>
    %reduce_max3A_2823 = arith.constant dense<0xFF800000> : vector<64xf32>
    %reduce_max3A_2824 = vector.multi_reduction <maximumf>, %select_n3A_2813, %reduce_max3A_2823 [1] : vector<64x128xf32> to vector<64xf32>
    %broadcast_in_dim3A_2825 = vector.shape_cast %reduce_max3A_2824 : vector<64xf32> to vector<64x1xf32>
    %div3A_2826 = arith.constant 1.000000e+00 : f32
    %div3A_2827 = vector.broadcast %div3A_2826 : f32 to vector<64x1xf32>
    %div3A_2828 = arith.divf %div3A_2827, %broadcast_in_dim3A_2825 : vector<64x1xf32>
    %mul3A_2829 = vector.broadcast %div3A_2828 : vector<64x1xf32> to vector<64x128xf32>
    %mul3A_2830 = arith.mulf %select_n3A_2813, %mul3A_2829 : vector<64x128xf32>
    %log3A_2831 = math.log %broadcast_in_dim3A_2825 : vector<64x1xf32>
    %add3A_2832 = arith.addf %select_n3A_2822, %log3A_2831 : vector<64x1xf32>
    %slice3A_2833 = vector.extract_strided_slice %get3A_2692 {offsets = [0, 0, 0], sizes = [64, 8, 128], strides = [1, 1, 1]} : vector<64x16x128xbf16> to vector<64x8x128xbf16>
    %slice3A_2834 = vector.extract_strided_slice %slice3A_2833 {offsets = [0, 7, 0], sizes = [64, 1, 128], strides = [1, 1, 1]} : vector<64x8x128xbf16> to vector<64x1x128xbf16>
    %squeeze3A_2835 = vector.shape_cast %slice3A_2834 : vector<64x1x128xbf16> to vector<64x128xbf16>
    %convert_element_type3A_2836 = arith.extf %squeeze3A_2835 : vector<64x128xbf16> to vector<64x128xf32>
    %mul3A_2837 = arith.mulf %mul3A_2830, %convert_element_type3A_2836 : vector<64x128xf32>
    %convert_element_type3A_2838 = arith.truncf %mul3A_2837 : vector<64x128xf32> to vector<64x128xbf16>
    %dot_general3A_2839 = arith.constant dense<0.000000e+00> : vector<64x128xf32>
    %dot_general3A_2840 = tpu.matmul %convert_element_type3A_2838, %convert_element_type3A_2431, %dot_general3A_2839 {dimension_numbers = #tpu.dot_dimension_numbers<[1], [1], [0], [0], [0, 0, 1, 0], [], []>, transpose_lhs_hint = false} : vector<64x128xbf16>, vector<128x128xbf16>, vector<64x128xf32> -> vector<64x128xf32>
    %eq3A_2841 = arith.constant 247 : i32
    %eq3A_2842 = vector.broadcast %eq3A_2841 : i32 to vector<64x1xi32>
    %eq3A_2843 = arith.cmpi eq, %get3A_2434, %eq3A_2842 : vector<64x1xi32>
    %jit3A_2844 = arith.constant 1.000000e+00 : f32
    %broadcast_in_dim3A_2845 = vector.shape_cast %eq3A_2843 : vector<64x1xi1> to vector<64x1xi1>
    %broadcast_in_dim3A_2846 = vector.broadcast %broadcast_in_dim3A_2845 : vector<64x1xi1> to vector<64x128xi1>
    %broadcast_in_dim3A_2847 = vector.broadcast %jit3A_2844 : f32 to vector<64x128xf32>
    %select_n3A_2848 = arith.select %broadcast_in_dim3A_2846, %broadcast_in_dim3A_2847, %dot_general3A_2840 : vector<64x128xi1>, vector<64x128xf32>
    %slice3A_2849 = vector.extract_strided_slice %slice3A_2833 {offsets = [0, 6, 0], sizes = [64, 1, 128], strides = [1, 1, 1]} : vector<64x8x128xbf16> to vector<64x1x128xbf16>
    %squeeze3A_2850 = vector.shape_cast %slice3A_2849 : vector<64x1x128xbf16> to vector<64x128xbf16>
    %convert_element_type3A_2851 = arith.extf %squeeze3A_2850 : vector<64x128xbf16> to vector<64x128xf32>
    %mul3A_2852 = arith.mulf %select_n3A_2848, %convert_element_type3A_2851 : vector<64x128xf32>
    %convert_element_type3A_2853 = arith.truncf %mul3A_2852 : vector<64x128xf32> to vector<64x128xbf16>
    %dot_general3A_2854 = arith.constant dense<0.000000e+00> : vector<64x128xf32>
    %dot_general3A_2855 = tpu.matmul %convert_element_type3A_2853, %convert_element_type3A_2431, %dot_general3A_2854 {dimension_numbers = #tpu.dot_dimension_numbers<[1], [1], [0], [0], [0, 0, 1, 0], [], []>, transpose_lhs_hint = false} : vector<64x128xbf16>, vector<128x128xbf16>, vector<64x128xf32> -> vector<64x128xf32>
    %eq3A_2856 = arith.constant 246 : i32
    %eq3A_2857 = vector.broadcast %eq3A_2856 : i32 to vector<64x1xi32>
    %eq3A_2858 = arith.cmpi eq, %get3A_2434, %eq3A_2857 : vector<64x1xi32>
    %jit3A_2859 = arith.constant 1.000000e+00 : f32
    %broadcast_in_dim3A_2860 = vector.shape_cast %eq3A_2858 : vector<64x1xi1> to vector<64x1xi1>
    %broadcast_in_dim3A_2861 = vector.broadcast %broadcast_in_dim3A_2860 : vector<64x1xi1> to vector<64x128xi1>
    %broadcast_in_dim3A_2862 = vector.broadcast %jit3A_2859 : f32 to vector<64x128xf32>
    %select_n3A_2863 = arith.select %broadcast_in_dim3A_2861, %broadcast_in_dim3A_2862, %dot_general3A_2855 : vector<64x128xi1>, vector<64x128xf32>
    %slice3A_2864 = vector.extract_strided_slice %slice3A_2833 {offsets = [0, 5, 0], sizes = [64, 1, 128], strides = [1, 1, 1]} : vector<64x8x128xbf16> to vector<64x1x128xbf16>
    %squeeze3A_2865 = vector.shape_cast %slice3A_2864 : vector<64x1x128xbf16> to vector<64x128xbf16>
    %convert_element_type3A_2866 = arith.extf %squeeze3A_2865 : vector<64x128xbf16> to vector<64x128xf32>
    %mul3A_2867 = arith.mulf %select_n3A_2863, %convert_element_type3A_2866 : vector<64x128xf32>
    %convert_element_type3A_2868 = arith.truncf %mul3A_2867 : vector<64x128xf32> to vector<64x128xbf16>
    %dot_general3A_2869 = arith.constant dense<0.000000e+00> : vector<64x128xf32>
    %dot_general3A_2870 = tpu.matmul %convert_element_type3A_2868, %convert_element_type3A_2431, %dot_general3A_2869 {dimension_numbers = #tpu.dot_dimension_numbers<[1], [1], [0], [0], [0, 0, 1, 0], [], []>, transpose_lhs_hint = false} : vector<64x128xbf16>, vector<128x128xbf16>, vector<64x128xf32> -> vector<64x128xf32>
    %eq3A_2871 = arith.constant 245 : i32
    %eq3A_2872 = vector.broadcast %eq3A_2871 : i32 to vector<64x1xi32>
    %eq3A_2873 = arith.cmpi eq, %get3A_2434, %eq3A_2872 : vector<64x1xi32>
    %jit3A_2874 = arith.constant 1.000000e+00 : f32
    %broadcast_in_dim3A_2875 = vector.shape_cast %eq3A_2873 : vector<64x1xi1> to vector<64x1xi1>
    %broadcast_in_dim3A_2876 = vector.broadcast %broadcast_in_dim3A_2875 : vector<64x1xi1> to vector<64x128xi1>
    %broadcast_in_dim3A_2877 = vector.broadcast %jit3A_2874 : f32 to vector<64x128xf32>
    %select_n3A_2878 = arith.select %broadcast_in_dim3A_2876, %broadcast_in_dim3A_2877, %dot_general3A_2870 : vector<64x128xi1>, vector<64x128xf32>
    %slice3A_2879 = vector.extract_strided_slice %slice3A_2833 {offsets = [0, 4, 0], sizes = [64, 1, 128], strides = [1, 1, 1]} : vector<64x8x128xbf16> to vector<64x1x128xbf16>
    %squeeze3A_2880 = vector.shape_cast %slice3A_2879 : vector<64x1x128xbf16> to vector<64x128xbf16>
    %convert_element_type3A_2881 = arith.extf %squeeze3A_2880 : vector<64x128xbf16> to vector<64x128xf32>
    %mul3A_2882 = arith.mulf %select_n3A_2878, %convert_element_type3A_2881 : vector<64x128xf32>
    %convert_element_type3A_2883 = arith.truncf %mul3A_2882 : vector<64x128xf32> to vector<64x128xbf16>
    %dot_general3A_2884 = arith.constant dense<0.000000e+00> : vector<64x128xf32>
    %dot_general3A_2885 = tpu.matmul %convert_element_type3A_2883, %convert_element_type3A_2431, %dot_general3A_2884 {dimension_numbers = #tpu.dot_dimension_numbers<[1], [1], [0], [0], [0, 0, 1, 0], [], []>, transpose_lhs_hint = false} : vector<64x128xbf16>, vector<128x128xbf16>, vector<64x128xf32> -> vector<64x128xf32>
    %eq3A_2886 = arith.constant 244 : i32
    %eq3A_2887 = vector.broadcast %eq3A_2886 : i32 to vector<64x1xi32>
    %eq3A_2888 = arith.cmpi eq, %get3A_2434, %eq3A_2887 : vector<64x1xi32>
    %jit3A_2889 = arith.constant 1.000000e+00 : f32
    %broadcast_in_dim3A_2890 = vector.shape_cast %eq3A_2888 : vector<64x1xi1> to vector<64x1xi1>
    %broadcast_in_dim3A_2891 = vector.broadcast %broadcast_in_dim3A_2890 : vector<64x1xi1> to vector<64x128xi1>
    %broadcast_in_dim3A_2892 = vector.broadcast %jit3A_2889 : f32 to vector<64x128xf32>
    %select_n3A_2893 = arith.select %broadcast_in_dim3A_2891, %broadcast_in_dim3A_2892, %dot_general3A_2885 : vector<64x128xi1>, vector<64x128xf32>
    %slice3A_2894 = vector.extract_strided_slice %slice3A_2833 {offsets = [0, 3, 0], sizes = [64, 1, 128], strides = [1, 1, 1]} : vector<64x8x128xbf16> to vector<64x1x128xbf16>
    %squeeze3A_2895 = vector.shape_cast %slice3A_2894 : vector<64x1x128xbf16> to vector<64x128xbf16>
    %convert_element_type3A_2896 = arith.extf %squeeze3A_2895 : vector<64x128xbf16> to vector<64x128xf32>
    %mul3A_2897 = arith.mulf %select_n3A_2893, %convert_element_type3A_2896 : vector<64x128xf32>
    %convert_element_type3A_2898 = arith.truncf %mul3A_2897 : vector<64x128xf32> to vector<64x128xbf16>
    %dot_general3A_2899 = arith.constant dense<0.000000e+00> : vector<64x128xf32>
    %dot_general3A_2900 = tpu.matmul %convert_element_type3A_2898, %convert_element_type3A_2431, %dot_general3A_2899 {dimension_numbers = #tpu.dot_dimension_numbers<[1], [1], [0], [0], [0, 0, 1, 0], [], []>, transpose_lhs_hint = false} : vector<64x128xbf16>, vector<128x128xbf16>, vector<64x128xf32> -> vector<64x128xf32>
    %eq3A_2901 = arith.constant 243 : i32
    %eq3A_2902 = vector.broadcast %eq3A_2901 : i32 to vector<64x1xi32>
    %eq3A_2903 = arith.cmpi eq, %get3A_2434, %eq3A_2902 : vector<64x1xi32>
    %jit3A_2904 = arith.constant 1.000000e+00 : f32
    %broadcast_in_dim3A_2905 = vector.shape_cast %eq3A_2903 : vector<64x1xi1> to vector<64x1xi1>
    %broadcast_in_dim3A_2906 = vector.broadcast %broadcast_in_dim3A_2905 : vector<64x1xi1> to vector<64x128xi1>
    %broadcast_in_dim3A_2907 = vector.broadcast %jit3A_2904 : f32 to vector<64x128xf32>
    %select_n3A_2908 = arith.select %broadcast_in_dim3A_2906, %broadcast_in_dim3A_2907, %dot_general3A_2900 : vector<64x128xi1>, vector<64x128xf32>
    %slice3A_2909 = vector.extract_strided_slice %slice3A_2833 {offsets = [0, 2, 0], sizes = [64, 1, 128], strides = [1, 1, 1]} : vector<64x8x128xbf16> to vector<64x1x128xbf16>
    %squeeze3A_2910 = vector.shape_cast %slice3A_2909 : vector<64x1x128xbf16> to vector<64x128xbf16>
    %convert_element_type3A_2911 = arith.extf %squeeze3A_2910 : vector<64x128xbf16> to vector<64x128xf32>
    %mul3A_2912 = arith.mulf %select_n3A_2908, %convert_element_type3A_2911 : vector<64x128xf32>
    %convert_element_type3A_2913 = arith.truncf %mul3A_2912 : vector<64x128xf32> to vector<64x128xbf16>
    %dot_general3A_2914 = arith.constant dense<0.000000e+00> : vector<64x128xf32>
    %dot_general3A_2915 = tpu.matmul %convert_element_type3A_2913, %convert_element_type3A_2431, %dot_general3A_2914 {dimension_numbers = #tpu.dot_dimension_numbers<[1], [1], [0], [0], [0, 0, 1, 0], [], []>, transpose_lhs_hint = false} : vector<64x128xbf16>, vector<128x128xbf16>, vector<64x128xf32> -> vector<64x128xf32>
    %eq3A_2916 = arith.constant 242 : i32
    %eq3A_2917 = vector.broadcast %eq3A_2916 : i32 to vector<64x1xi32>
    %eq3A_2918 = arith.cmpi eq, %get3A_2434, %eq3A_2917 : vector<64x1xi32>
    %jit3A_2919 = arith.constant 1.000000e+00 : f32
    %broadcast_in_dim3A_2920 = vector.shape_cast %eq3A_2918 : vector<64x1xi1> to vector<64x1xi1>
    %broadcast_in_dim3A_2921 = vector.broadcast %broadcast_in_dim3A_2920 : vector<64x1xi1> to vector<64x128xi1>
    %broadcast_in_dim3A_2922 = vector.broadcast %jit3A_2919 : f32 to vector<64x128xf32>
    %select_n3A_2923 = arith.select %broadcast_in_dim3A_2921, %broadcast_in_dim3A_2922, %dot_general3A_2915 : vector<64x128xi1>, vector<64x128xf32>
    %slice3A_2924 = vector.extract_strided_slice %slice3A_2833 {offsets = [0, 1, 0], sizes = [64, 1, 128], strides = [1, 1, 1]} : vector<64x8x128xbf16> to vector<64x1x128xbf16>
    %squeeze3A_2925 = vector.shape_cast %slice3A_2924 : vector<64x1x128xbf16> to vector<64x128xbf16>
    %convert_element_type3A_2926 = arith.extf %squeeze3A_2925 : vector<64x128xbf16> to vector<64x128xf32>
    %mul3A_2927 = arith.mulf %select_n3A_2923, %convert_element_type3A_2926 : vector<64x128xf32>
    %convert_element_type3A_2928 = arith.truncf %mul3A_2927 : vector<64x128xf32> to vector<64x128xbf16>
    %dot_general3A_2929 = arith.constant dense<0.000000e+00> : vector<64x128xf32>
    %dot_general3A_2930 = tpu.matmul %convert_element_type3A_2928, %convert_element_type3A_2431, %dot_general3A_2929 {dimension_numbers = #tpu.dot_dimension_numbers<[1], [1], [0], [0], [0, 0, 1, 0], [], []>, transpose_lhs_hint = false} : vector<64x128xbf16>, vector<128x128xbf16>, vector<64x128xf32> -> vector<64x128xf32>
    %eq3A_2931 = arith.constant 241 : i32
    %eq3A_2932 = vector.broadcast %eq3A_2931 : i32 to vector<64x1xi32>
    %eq3A_2933 = arith.cmpi eq, %get3A_2434, %eq3A_2932 : vector<64x1xi32>
    %jit3A_2934 = arith.constant 1.000000e+00 : f32
    %broadcast_in_dim3A_2935 = vector.shape_cast %eq3A_2933 : vector<64x1xi1> to vector<64x1xi1>
    %broadcast_in_dim3A_2936 = vector.broadcast %broadcast_in_dim3A_2935 : vector<64x1xi1> to vector<64x128xi1>
    %broadcast_in_dim3A_2937 = vector.broadcast %jit3A_2934 : f32 to vector<64x128xf32>
    %select_n3A_2938 = arith.select %broadcast_in_dim3A_2936, %broadcast_in_dim3A_2937, %dot_general3A_2930 : vector<64x128xi1>, vector<64x128xf32>
    %slice3A_2939 = vector.extract_strided_slice %slice3A_2833 {offsets = [0, 0, 0], sizes = [64, 1, 128], strides = [1, 1, 1]} : vector<64x8x128xbf16> to vector<64x1x128xbf16>
    %squeeze3A_2940 = vector.shape_cast %slice3A_2939 : vector<64x1x128xbf16> to vector<64x128xbf16>
    %convert_element_type3A_2941 = arith.extf %squeeze3A_2940 : vector<64x128xbf16> to vector<64x128xf32>
    %mul3A_2942 = arith.mulf %select_n3A_2938, %convert_element_type3A_2941 : vector<64x128xf32>
    %convert_element_type3A_2943 = arith.truncf %mul3A_2942 : vector<64x128xf32> to vector<64x128xbf16>
    %dot_general3A_2944 = arith.constant dense<0.000000e+00> : vector<64x128xf32>
    %dot_general3A_2945 = tpu.matmul %convert_element_type3A_2943, %convert_element_type3A_2431, %dot_general3A_2944 {dimension_numbers = #tpu.dot_dimension_numbers<[1], [1], [0], [0], [0, 0, 1, 0], [], []>, transpose_lhs_hint = false} : vector<64x128xbf16>, vector<128x128xbf16>, vector<64x128xf32> -> vector<64x128xf32>
    %eq3A_2946 = arith.constant 240 : i32
    %eq3A_2947 = vector.broadcast %eq3A_2946 : i32 to vector<64x1xi32>
    %eq3A_2948 = arith.cmpi eq, %get3A_2434, %eq3A_2947 : vector<64x1xi32>
    %jit3A_2949 = arith.constant 1.000000e+00 : f32
    %broadcast_in_dim3A_2950 = vector.shape_cast %eq3A_2948 : vector<64x1xi1> to vector<64x1xi1>
    %broadcast_in_dim3A_2951 = vector.broadcast %broadcast_in_dim3A_2950 : vector<64x1xi1> to vector<64x128xi1>
    %broadcast_in_dim3A_2952 = vector.broadcast %jit3A_2949 : f32 to vector<64x128xf32>
    %select_n3A_2953 = arith.select %broadcast_in_dim3A_2951, %broadcast_in_dim3A_2952, %dot_general3A_2945 : vector<64x128xi1>, vector<64x128xf32>
    %ge3A_2954 = arith.constant 240 : i32
    %ge3A_2955 = vector.broadcast %ge3A_2954 : i32 to vector<64x1xi32>
    %ge3A_2956 = arith.cmpi sge, %get3A_2434, %ge3A_2955 : vector<64x1xi32>
    %le3A_2957 = arith.constant 248 : i32
    %le3A_2958 = vector.broadcast %le3A_2957 : i32 to vector<64x1xi32>
    %le3A_2959 = arith.cmpi sle, %get3A_2434, %le3A_2958 : vector<64x1xi32>
    %and3A_2960 = arith.andi %ge3A_2956, %le3A_2959 : vector<64x1xi1>
    %jit3A_2961 = arith.constant 0.000000e+00 : f32
    %broadcast_in_dim3A_2962 = vector.broadcast %jit3A_2961 : f32 to vector<64x1xf32>
    %select_n3A_2963 = arith.select %and3A_2960, %broadcast_in_dim3A_2962, %add3A_2832 : vector<64x1xi1>, vector<64x1xf32>
    %reduce_max3A_2964 = arith.constant dense<0xFF800000> : vector<64xf32>
    %reduce_max3A_2965 = vector.multi_reduction <maximumf>, %select_n3A_2953, %reduce_max3A_2964 [1] : vector<64x128xf32> to vector<64xf32>
    %broadcast_in_dim3A_2966 = vector.shape_cast %reduce_max3A_2965 : vector<64xf32> to vector<64x1xf32>
    %div3A_2967 = arith.constant 1.000000e+00 : f32
    %div3A_2968 = vector.broadcast %div3A_2967 : f32 to vector<64x1xf32>
    %div3A_2969 = arith.divf %div3A_2968, %broadcast_in_dim3A_2966 : vector<64x1xf32>
    %mul3A_2970 = vector.broadcast %div3A_2969 : vector<64x1xf32> to vector<64x128xf32>
    %mul3A_2971 = arith.mulf %select_n3A_2953, %mul3A_2970 : vector<64x128xf32>
    %log3A_2972 = math.log %broadcast_in_dim3A_2966 : vector<64x1xf32>
    %add3A_2973 = arith.addf %select_n3A_2963, %log3A_2972 : vector<64x1xf32>
    %scan3A = arith.constant 1 : i32
    %scan3A_2974 = arith.constant 7 : i32
    %scan3A_2975 = arith.addi %scan3A, %scan3A_2974 : i32
    %scan3A_2976 = arith.constant 1 : i32
    %scan3A_2977:6 = scf.for %scan3A_3005 = %scan3A to %scan3A_2975 step %scan3A_2976 iter_args(%scan3A_3006 = %mul3A_2686, %scan3A_3007 = %add3A_2688, %scan3A_3008 = %select_n3A_2670, %scan3A_3009 = %select_n3A_2678, %scan3A_3010 = %mul3A_2971, %scan3A_3011 = %add3A_2973) -> (vector<64x128xf32>, vector<64x1xf32>, vector<64x128xf32>, vector<64x1xf32>, vector<64x128xf32>, vector<64x1xf32>)  : i32 {
      %mul3A_3012 = arith.constant 16 : i32
      %mul3A_3013 = arith.muli %scan3A_3005, %mul3A_3012 : i32
      %multiple_of3A = tpu.assume_multiple %mul3A_3013, 16 : i32
      %get3A_3014 = arith.constant 0 : index
      %get3A_3015 = arith.index_cast %multiple_of3A : i32 to index
      %get3A_3016 = arith.constant 0 : index
      %get3A_3017 = vector.load %arg6[%get3A_3014, %get3A_3015, %get3A_3016] : memref<64x256x128xbf16, #tpu.memory_space<vmem>>, vector<64x16x128xbf16>
      %mul3A_3018 = arith.constant 16 : i32
      %mul3A_3019 = arith.muli %scan3A_3005, %mul3A_3018 : i32
      %slice3A_3020 = vector.extract_strided_slice %get3A_3017 {offsets = [0, 0, 0], sizes = [64, 8, 128], strides = [1, 1, 1]} : vector<64x16x128xbf16> to vector<64x8x128xbf16>
      %add3A_3021 = arith.constant 0 : i32
      %add3A_3022 = arith.addi %mul3A_3019, %add3A_3021 : i32
      %convert_element_type3A_3023 = arith.truncf %scan3A_3006 : vector<64x128xf32> to vector<64x128xbf16>
      %dot_general3A_3024 = arith.constant dense<0.000000e+00> : vector<64x128xf32>
      %dot_general3A_3025 = tpu.matmul %convert_element_type3A_3023, %convert_element_type3A_2431, %dot_general3A_3024 {dimension_numbers = #tpu.dot_dimension_numbers<[1], [0], [0], [1], [0, 0, 1, 1], [], []>, transpose_lhs_hint = false} : vector<64x128xbf16>, vector<128x128xbf16>, vector<64x128xf32> -> vector<64x128xf32>
      %slice3A_3026 = vector.extract_strided_slice %slice3A_3020 {offsets = [0, 0, 0], sizes = [64, 1, 128], strides = [1, 1, 1]} : vector<64x8x128xbf16> to vector<64x1x128xbf16>
      %squeeze3A_3027 = vector.shape_cast %slice3A_3026 : vector<64x1x128xbf16> to vector<64x128xbf16>
      %convert_element_type3A_3028 = arith.extf %squeeze3A_3027 : vector<64x128xbf16> to vector<64x128xf32>
      %mul3A_3029 = arith.mulf %dot_general3A_3025, %convert_element_type3A_3028 : vector<64x128xf32>
      %add3A_3030 = arith.constant 1 : i32
      %add3A_3031 = arith.addi %add3A_3022, %add3A_3030 : i32
      %eq3A_3032 = vector.broadcast %add3A_3031 : i32 to vector<64x1xi32>
      %eq3A_3033 = arith.cmpi eq, %get3A_2434, %eq3A_3032 : vector<64x1xi32>
      %broadcast_in_dim3A_3034 = vector.shape_cast %eq3A_3033 : vector<64x1xi1> to vector<64x1xi1>
      %broadcast_in_dim3A_3035 = vector.broadcast %broadcast_in_dim3A_3034 : vector<64x1xi1> to vector<64x128xi1>
      %select_n3A_3036 = arith.select %broadcast_in_dim3A_3035, %mul3A_3029, %scan3A_3008 : vector<64x128xi1>, vector<64x128xf32>
      %add3A_3037 = arith.constant 1 : i32
      %add3A_3038 = arith.addi %mul3A_3019, %add3A_3037 : i32
      %convert_element_type3A_3039 = arith.truncf %mul3A_3029 : vector<64x128xf32> to vector<64x128xbf16>
      %dot_general3A_3040 = arith.constant dense<0.000000e+00> : vector<64x128xf32>
      %dot_general3A_3041 = tpu.matmul %convert_element_type3A_3039, %convert_element_type3A_2431, %dot_general3A_3040 {dimension_numbers = #tpu.dot_dimension_numbers<[1], [0], [0], [1], [0, 0, 1, 1], [], []>, transpose_lhs_hint = false} : vector<64x128xbf16>, vector<128x128xbf16>, vector<64x128xf32> -> vector<64x128xf32>
      %slice3A_3042 = vector.extract_strided_slice %slice3A_3020 {offsets = [0, 1, 0], sizes = [64, 1, 128], strides = [1, 1, 1]} : vector<64x8x128xbf16> to vector<64x1x128xbf16>
      %squeeze3A_3043 = vector.shape_cast %slice3A_3042 : vector<64x1x128xbf16> to vector<64x128xbf16>
      %convert_element_type3A_3044 = arith.extf %squeeze3A_3043 : vector<64x128xbf16> to vector<64x128xf32>
      %mul3A_3045 = arith.mulf %dot_general3A_3041, %convert_element_type3A_3044 : vector<64x128xf32>
      %add3A_3046 = arith.constant 1 : i32
      %add3A_3047 = arith.addi %add3A_3038, %add3A_3046 : i32
      %eq3A_3048 = vector.broadcast %add3A_3047 : i32 to vector<64x1xi32>
      %eq3A_3049 = arith.cmpi eq, %get3A_2434, %eq3A_3048 : vector<64x1xi32>
      %broadcast_in_dim3A_3050 = vector.shape_cast %eq3A_3049 : vector<64x1xi1> to vector<64x1xi1>
      %broadcast_in_dim3A_3051 = vector.broadcast %broadcast_in_dim3A_3050 : vector<64x1xi1> to vector<64x128xi1>
      %select_n3A_3052 = arith.select %broadcast_in_dim3A_3051, %mul3A_3045, %select_n3A_3036 : vector<64x128xi1>, vector<64x128xf32>
      %add3A_3053 = arith.constant 2 : i32
      %add3A_3054 = arith.addi %mul3A_3019, %add3A_3053 : i32
      %convert_element_type3A_3055 = arith.truncf %mul3A_3045 : vector<64x128xf32> to vector<64x128xbf16>
      %dot_general3A_3056 = arith.constant dense<0.000000e+00> : vector<64x128xf32>
      %dot_general3A_3057 = tpu.matmul %convert_element_type3A_3055, %convert_element_type3A_2431, %dot_general3A_3056 {dimension_numbers = #tpu.dot_dimension_numbers<[1], [0], [0], [1], [0, 0, 1, 1], [], []>, transpose_lhs_hint = false} : vector<64x128xbf16>, vector<128x128xbf16>, vector<64x128xf32> -> vector<64x128xf32>
      %slice3A_3058 = vector.extract_strided_slice %slice3A_3020 {offsets = [0, 2, 0], sizes = [64, 1, 128], strides = [1, 1, 1]} : vector<64x8x128xbf16> to vector<64x1x128xbf16>
      %squeeze3A_3059 = vector.shape_cast %slice3A_3058 : vector<64x1x128xbf16> to vector<64x128xbf16>
      %convert_element_type3A_3060 = arith.extf %squeeze3A_3059 : vector<64x128xbf16> to vector<64x128xf32>
      %mul3A_3061 = arith.mulf %dot_general3A_3057, %convert_element_type3A_3060 : vector<64x128xf32>
      %add3A_3062 = arith.constant 1 : i32
      %add3A_3063 = arith.addi %add3A_3054, %add3A_3062 : i32
      %eq3A_3064 = vector.broadcast %add3A_3063 : i32 to vector<64x1xi32>
      %eq3A_3065 = arith.cmpi eq, %get3A_2434, %eq3A_3064 : vector<64x1xi32>
      %broadcast_in_dim3A_3066 = vector.shape_cast %eq3A_3065 : vector<64x1xi1> to vector<64x1xi1>
      %broadcast_in_dim3A_3067 = vector.broadcast %broadcast_in_dim3A_3066 : vector<64x1xi1> to vector<64x128xi1>
      %select_n3A_3068 = arith.select %broadcast_in_dim3A_3067, %mul3A_3061, %select_n3A_3052 : vector<64x128xi1>, vector<64x128xf32>
      %add3A_3069 = arith.constant 3 : i32
      %add3A_3070 = arith.addi %mul3A_3019, %add3A_3069 : i32
      %convert_element_type3A_3071 = arith.truncf %mul3A_3061 : vector<64x128xf32> to vector<64x128xbf16>
      %dot_general3A_3072 = arith.constant dense<0.000000e+00> : vector<64x128xf32>
      %dot_general3A_3073 = tpu.matmul %convert_element_type3A_3071, %convert_element_type3A_2431, %dot_general3A_3072 {dimension_numbers = #tpu.dot_dimension_numbers<[1], [0], [0], [1], [0, 0, 1, 1], [], []>, transpose_lhs_hint = false} : vector<64x128xbf16>, vector<128x128xbf16>, vector<64x128xf32> -> vector<64x128xf32>
      %slice3A_3074 = vector.extract_strided_slice %slice3A_3020 {offsets = [0, 3, 0], sizes = [64, 1, 128], strides = [1, 1, 1]} : vector<64x8x128xbf16> to vector<64x1x128xbf16>
      %squeeze3A_3075 = vector.shape_cast %slice3A_3074 : vector<64x1x128xbf16> to vector<64x128xbf16>
      %convert_element_type3A_3076 = arith.extf %squeeze3A_3075 : vector<64x128xbf16> to vector<64x128xf32>
      %mul3A_3077 = arith.mulf %dot_general3A_3073, %convert_element_type3A_3076 : vector<64x128xf32>
      %add3A_3078 = arith.constant 1 : i32
      %add3A_3079 = arith.addi %add3A_3070, %add3A_3078 : i32
      %eq3A_3080 = vector.broadcast %add3A_3079 : i32 to vector<64x1xi32>
      %eq3A_3081 = arith.cmpi eq, %get3A_2434, %eq3A_3080 : vector<64x1xi32>
      %broadcast_in_dim3A_3082 = vector.shape_cast %eq3A_3081 : vector<64x1xi1> to vector<64x1xi1>
      %broadcast_in_dim3A_3083 = vector.broadcast %broadcast_in_dim3A_3082 : vector<64x1xi1> to vector<64x128xi1>
      %select_n3A_3084 = arith.select %broadcast_in_dim3A_3083, %mul3A_3077, %select_n3A_3068 : vector<64x128xi1>, vector<64x128xf32>
      %add3A_3085 = arith.constant 4 : i32
      %add3A_3086 = arith.addi %mul3A_3019, %add3A_3085 : i32
      %convert_element_type3A_3087 = arith.truncf %mul3A_3077 : vector<64x128xf32> to vector<64x128xbf16>
      %dot_general3A_3088 = arith.constant dense<0.000000e+00> : vector<64x128xf32>
      %dot_general3A_3089 = tpu.matmul %convert_element_type3A_3087, %convert_element_type3A_2431, %dot_general3A_3088 {dimension_numbers = #tpu.dot_dimension_numbers<[1], [0], [0], [1], [0, 0, 1, 1], [], []>, transpose_lhs_hint = false} : vector<64x128xbf16>, vector<128x128xbf16>, vector<64x128xf32> -> vector<64x128xf32>
      %slice3A_3090 = vector.extract_strided_slice %slice3A_3020 {offsets = [0, 4, 0], sizes = [64, 1, 128], strides = [1, 1, 1]} : vector<64x8x128xbf16> to vector<64x1x128xbf16>
      %squeeze3A_3091 = vector.shape_cast %slice3A_3090 : vector<64x1x128xbf16> to vector<64x128xbf16>
      %convert_element_type3A_3092 = arith.extf %squeeze3A_3091 : vector<64x128xbf16> to vector<64x128xf32>
      %mul3A_3093 = arith.mulf %dot_general3A_3089, %convert_element_type3A_3092 : vector<64x128xf32>
      %add3A_3094 = arith.constant 1 : i32
      %add3A_3095 = arith.addi %add3A_3086, %add3A_3094 : i32
      %eq3A_3096 = vector.broadcast %add3A_3095 : i32 to vector<64x1xi32>
      %eq3A_3097 = arith.cmpi eq, %get3A_2434, %eq3A_3096 : vector<64x1xi32>
      %broadcast_in_dim3A_3098 = vector.shape_cast %eq3A_3097 : vector<64x1xi1> to vector<64x1xi1>
      %broadcast_in_dim3A_3099 = vector.broadcast %broadcast_in_dim3A_3098 : vector<64x1xi1> to vector<64x128xi1>
      %select_n3A_3100 = arith.select %broadcast_in_dim3A_3099, %mul3A_3093, %select_n3A_3084 : vector<64x128xi1>, vector<64x128xf32>
      %add3A_3101 = arith.constant 5 : i32
      %add3A_3102 = arith.addi %mul3A_3019, %add3A_3101 : i32
      %convert_element_type3A_3103 = arith.truncf %mul3A_3093 : vector<64x128xf32> to vector<64x128xbf16>
      %dot_general3A_3104 = arith.constant dense<0.000000e+00> : vector<64x128xf32>
      %dot_general3A_3105 = tpu.matmul %convert_element_type3A_3103, %convert_element_type3A_2431, %dot_general3A_3104 {dimension_numbers = #tpu.dot_dimension_numbers<[1], [0], [0], [1], [0, 0, 1, 1], [], []>, transpose_lhs_hint = false} : vector<64x128xbf16>, vector<128x128xbf16>, vector<64x128xf32> -> vector<64x128xf32>
      %slice3A_3106 = vector.extract_strided_slice %slice3A_3020 {offsets = [0, 5, 0], sizes = [64, 1, 128], strides = [1, 1, 1]} : vector<64x8x128xbf16> to vector<64x1x128xbf16>
      %squeeze3A_3107 = vector.shape_cast %slice3A_3106 : vector<64x1x128xbf16> to vector<64x128xbf16>
      %convert_element_type3A_3108 = arith.extf %squeeze3A_3107 : vector<64x128xbf16> to vector<64x128xf32>
      %mul3A_3109 = arith.mulf %dot_general3A_3105, %convert_element_type3A_3108 : vector<64x128xf32>
      %add3A_3110 = arith.constant 1 : i32
      %add3A_3111 = arith.addi %add3A_3102, %add3A_3110 : i32
      %eq3A_3112 = vector.broadcast %add3A_3111 : i32 to vector<64x1xi32>
      %eq3A_3113 = arith.cmpi eq, %get3A_2434, %eq3A_3112 : vector<64x1xi32>
      %broadcast_in_dim3A_3114 = vector.shape_cast %eq3A_3113 : vector<64x1xi1> to vector<64x1xi1>
      %broadcast_in_dim3A_3115 = vector.broadcast %broadcast_in_dim3A_3114 : vector<64x1xi1> to vector<64x128xi1>
      %select_n3A_3116 = arith.select %broadcast_in_dim3A_3115, %mul3A_3109, %select_n3A_3100 : vector<64x128xi1>, vector<64x128xf32>
      %add3A_3117 = arith.constant 6 : i32
      %add3A_3118 = arith.addi %mul3A_3019, %add3A_3117 : i32
      %convert_element_type3A_3119 = arith.truncf %mul3A_3109 : vector<64x128xf32> to vector<64x128xbf16>
      %dot_general3A_3120 = arith.constant dense<0.000000e+00> : vector<64x128xf32>
      %dot_general3A_3121 = tpu.matmul %convert_element_type3A_3119, %convert_element_type3A_2431, %dot_general3A_3120 {dimension_numbers = #tpu.dot_dimension_numbers<[1], [0], [0], [1], [0, 0, 1, 1], [], []>, transpose_lhs_hint = false} : vector<64x128xbf16>, vector<128x128xbf16>, vector<64x128xf32> -> vector<64x128xf32>
      %slice3A_3122 = vector.extract_strided_slice %slice3A_3020 {offsets = [0, 6, 0], sizes = [64, 1, 128], strides = [1, 1, 1]} : vector<64x8x128xbf16> to vector<64x1x128xbf16>
      %squeeze3A_3123 = vector.shape_cast %slice3A_3122 : vector<64x1x128xbf16> to vector<64x128xbf16>
      %convert_element_type3A_3124 = arith.extf %squeeze3A_3123 : vector<64x128xbf16> to vector<64x128xf32>
      %mul3A_3125 = arith.mulf %dot_general3A_3121, %convert_element_type3A_3124 : vector<64x128xf32>
      %add3A_3126 = arith.constant 1 : i32
      %add3A_3127 = arith.addi %add3A_3118, %add3A_3126 : i32
      %eq3A_3128 = vector.broadcast %add3A_3127 : i32 to vector<64x1xi32>
      %eq3A_3129 = arith.cmpi eq, %get3A_2434, %eq3A_3128 : vector<64x1xi32>
      %broadcast_in_dim3A_3130 = vector.shape_cast %eq3A_3129 : vector<64x1xi1> to vector<64x1xi1>
      %broadcast_in_dim3A_3131 = vector.broadcast %broadcast_in_dim3A_3130 : vector<64x1xi1> to vector<64x128xi1>
      %select_n3A_3132 = arith.select %broadcast_in_dim3A_3131, %mul3A_3125, %select_n3A_3116 : vector<64x128xi1>, vector<64x128xf32>
      %add3A_3133 = arith.constant 7 : i32
      %add3A_3134 = arith.addi %mul3A_3019, %add3A_3133 : i32
      %convert_element_type3A_3135 = arith.truncf %mul3A_3125 : vector<64x128xf32> to vector<64x128xbf16>
      %dot_general3A_3136 = arith.constant dense<0.000000e+00> : vector<64x128xf32>
      %dot_general3A_3137 = tpu.matmul %convert_element_type3A_3135, %convert_element_type3A_2431, %dot_general3A_3136 {dimension_numbers = #tpu.dot_dimension_numbers<[1], [0], [0], [1], [0, 0, 1, 1], [], []>, transpose_lhs_hint = false} : vector<64x128xbf16>, vector<128x128xbf16>, vector<64x128xf32> -> vector<64x128xf32>
      %slice3A_3138 = vector.extract_strided_slice %slice3A_3020 {offsets = [0, 7, 0], sizes = [64, 1, 128], strides = [1, 1, 1]} : vector<64x8x128xbf16> to vector<64x1x128xbf16>
      %squeeze3A_3139 = vector.shape_cast %slice3A_3138 : vector<64x1x128xbf16> to vector<64x128xbf16>
      %convert_element_type3A_3140 = arith.extf %squeeze3A_3139 : vector<64x128xbf16> to vector<64x128xf32>
      %mul3A_3141 = arith.mulf %dot_general3A_3137, %convert_element_type3A_3140 : vector<64x128xf32>
      %add3A_3142 = arith.constant 1 : i32
      %add3A_3143 = arith.addi %add3A_3134, %add3A_3142 : i32
      %eq3A_3144 = vector.broadcast %add3A_3143 : i32 to vector<64x1xi32>
      %eq3A_3145 = arith.cmpi eq, %get3A_2434, %eq3A_3144 : vector<64x1xi32>
      %broadcast_in_dim3A_3146 = vector.shape_cast %eq3A_3145 : vector<64x1xi1> to vector<64x1xi1>
      %broadcast_in_dim3A_3147 = vector.broadcast %broadcast_in_dim3A_3146 : vector<64x1xi1> to vector<64x128xi1>
      %select_n3A_3148 = arith.select %broadcast_in_dim3A_3147, %mul3A_3141, %select_n3A_3132 : vector<64x128xi1>, vector<64x128xf32>
      %gt3A_3149 = vector.broadcast %mul3A_3019 : i32 to vector<64x1xi32>
      %gt3A_3150 = arith.cmpi sgt, %get3A_2434, %gt3A_3149 : vector<64x1xi32>
      %add3A_3151 = arith.constant 8 : i32
      %add3A_3152 = arith.addi %mul3A_3019, %add3A_3151 : i32
      %le3A_3153 = vector.broadcast %add3A_3152 : i32 to vector<64x1xi32>
      %le3A_3154 = arith.cmpi sle, %get3A_2434, %le3A_3153 : vector<64x1xi32>
      %and3A_3155 = arith.andi %gt3A_3150, %le3A_3154 : vector<64x1xi1>
      %select_n3A_3156 = arith.select %and3A_3155, %scan3A_3007, %scan3A_3009 : vector<64x1xi1>, vector<64x1xf32>
      %reduce_max3A_3157 = arith.constant dense<0xFF800000> : vector<64xf32>
      %reduce_max3A_3158 = vector.multi_reduction <maximumf>, %mul3A_3141, %reduce_max3A_3157 [1] : vector<64x128xf32> to vector<64xf32>
      %broadcast_in_dim3A_3159 = vector.shape_cast %reduce_max3A_3158 : vector<64xf32> to vector<64x1xf32>
      %div3A_3160 = arith.constant 1.000000e+00 : f32
      %div3A_3161 = vector.broadcast %div3A_3160 : f32 to vector<64x1xf32>
      %div3A_3162 = arith.divf %div3A_3161, %broadcast_in_dim3A_3159 : vector<64x1xf32>
      %mul3A_3163 = vector.broadcast %div3A_3162 : vector<64x1xf32> to vector<64x128xf32>
      %mul3A_3164 = arith.mulf %mul3A_3141, %mul3A_3163 : vector<64x128xf32>
      %log3A_3165 = math.log %broadcast_in_dim3A_3159 : vector<64x1xf32>
      %add3A_3166 = arith.addf %scan3A_3007, %log3A_3165 : vector<64x1xf32>
      %mul3A_3167 = arith.constant 16 : i32
      %mul3A_3168 = arith.muli %scan3A_3005, %mul3A_3167 : i32
      %add3A_3169 = arith.constant 8 : i32
      %add3A_3170 = arith.addi %mul3A_3168, %add3A_3169 : i32
      %slice3A_3171 = vector.extract_strided_slice %get3A_3017 {offsets = [0, 8, 0], sizes = [64, 8, 128], strides = [1, 1, 1]} : vector<64x16x128xbf16> to vector<64x8x128xbf16>
      %add3A_3172 = arith.constant 0 : i32
      %add3A_3173 = arith.addi %add3A_3170, %add3A_3172 : i32
      %convert_element_type3A_3174 = arith.truncf %mul3A_3164 : vector<64x128xf32> to vector<64x128xbf16>
      %dot_general3A_3175 = arith.constant dense<0.000000e+00> : vector<64x128xf32>
      %dot_general3A_3176 = tpu.matmul %convert_element_type3A_3174, %convert_element_type3A_2431, %dot_general3A_3175 {dimension_numbers = #tpu.dot_dimension_numbers<[1], [0], [0], [1], [0, 0, 1, 1], [], []>, transpose_lhs_hint = false} : vector<64x128xbf16>, vector<128x128xbf16>, vector<64x128xf32> -> vector<64x128xf32>
      %slice3A_3177 = vector.extract_strided_slice %slice3A_3171 {offsets = [0, 0, 0], sizes = [64, 1, 128], strides = [1, 1, 1]} : vector<64x8x128xbf16> to vector<64x1x128xbf16>
      %squeeze3A_3178 = vector.shape_cast %slice3A_3177 : vector<64x1x128xbf16> to vector<64x128xbf16>
      %convert_element_type3A_3179 = arith.extf %squeeze3A_3178 : vector<64x128xbf16> to vector<64x128xf32>
      %mul3A_3180 = arith.mulf %dot_general3A_3176, %convert_element_type3A_3179 : vector<64x128xf32>
      %add3A_3181 = arith.constant 1 : i32
      %add3A_3182 = arith.addi %add3A_3173, %add3A_3181 : i32
      %eq3A_3183 = vector.broadcast %add3A_3182 : i32 to vector<64x1xi32>
      %eq3A_3184 = arith.cmpi eq, %get3A_2434, %eq3A_3183 : vector<64x1xi32>
      %broadcast_in_dim3A_3185 = vector.shape_cast %eq3A_3184 : vector<64x1xi1> to vector<64x1xi1>
      %broadcast_in_dim3A_3186 = vector.broadcast %broadcast_in_dim3A_3185 : vector<64x1xi1> to vector<64x128xi1>
      %select_n3A_3187 = arith.select %broadcast_in_dim3A_3186, %mul3A_3180, %select_n3A_3148 : vector<64x128xi1>, vector<64x128xf32>
      %add3A_3188 = arith.constant 1 : i32
      %add3A_3189 = arith.addi %add3A_3170, %add3A_3188 : i32
      %convert_element_type3A_3190 = arith.truncf %mul3A_3180 : vector<64x128xf32> to vector<64x128xbf16>
      %dot_general3A_3191 = arith.constant dense<0.000000e+00> : vector<64x128xf32>
      %dot_general3A_3192 = tpu.matmul %convert_element_type3A_3190, %convert_element_type3A_2431, %dot_general3A_3191 {dimension_numbers = #tpu.dot_dimension_numbers<[1], [0], [0], [1], [0, 0, 1, 1], [], []>, transpose_lhs_hint = false} : vector<64x128xbf16>, vector<128x128xbf16>, vector<64x128xf32> -> vector<64x128xf32>
      %slice3A_3193 = vector.extract_strided_slice %slice3A_3171 {offsets = [0, 1, 0], sizes = [64, 1, 128], strides = [1, 1, 1]} : vector<64x8x128xbf16> to vector<64x1x128xbf16>
      %squeeze3A_3194 = vector.shape_cast %slice3A_3193 : vector<64x1x128xbf16> to vector<64x128xbf16>
      %convert_element_type3A_3195 = arith.extf %squeeze3A_3194 : vector<64x128xbf16> to vector<64x128xf32>
      %mul3A_3196 = arith.mulf %dot_general3A_3192, %convert_element_type3A_3195 : vector<64x128xf32>
      %add3A_3197 = arith.constant 1 : i32
      %add3A_3198 = arith.addi %add3A_3189, %add3A_3197 : i32
      %eq3A_3199 = vector.broadcast %add3A_3198 : i32 to vector<64x1xi32>
      %eq3A_3200 = arith.cmpi eq, %get3A_2434, %eq3A_3199 : vector<64x1xi32>
      %broadcast_in_dim3A_3201 = vector.shape_cast %eq3A_3200 : vector<64x1xi1> to vector<64x1xi1>
      %broadcast_in_dim3A_3202 = vector.broadcast %broadcast_in_dim3A_3201 : vector<64x1xi1> to vector<64x128xi1>
      %select_n3A_3203 = arith.select %broadcast_in_dim3A_3202, %mul3A_3196, %select_n3A_3187 : vector<64x128xi1>, vector<64x128xf32>
      %add3A_3204 = arith.constant 2 : i32
      %add3A_3205 = arith.addi %add3A_3170, %add3A_3204 : i32
      %convert_element_type3A_3206 = arith.truncf %mul3A_3196 : vector<64x128xf32> to vector<64x128xbf16>
      %dot_general3A_3207 = arith.constant dense<0.000000e+00> : vector<64x128xf32>
      %dot_general3A_3208 = tpu.matmul %convert_element_type3A_3206, %convert_element_type3A_2431, %dot_general3A_3207 {dimension_numbers = #tpu.dot_dimension_numbers<[1], [0], [0], [1], [0, 0, 1, 1], [], []>, transpose_lhs_hint = false} : vector<64x128xbf16>, vector<128x128xbf16>, vector<64x128xf32> -> vector<64x128xf32>
      %slice3A_3209 = vector.extract_strided_slice %slice3A_3171 {offsets = [0, 2, 0], sizes = [64, 1, 128], strides = [1, 1, 1]} : vector<64x8x128xbf16> to vector<64x1x128xbf16>
      %squeeze3A_3210 = vector.shape_cast %slice3A_3209 : vector<64x1x128xbf16> to vector<64x128xbf16>
      %convert_element_type3A_3211 = arith.extf %squeeze3A_3210 : vector<64x128xbf16> to vector<64x128xf32>
      %mul3A_3212 = arith.mulf %dot_general3A_3208, %convert_element_type3A_3211 : vector<64x128xf32>
      %add3A_3213 = arith.constant 1 : i32
      %add3A_3214 = arith.addi %add3A_3205, %add3A_3213 : i32
      %eq3A_3215 = vector.broadcast %add3A_3214 : i32 to vector<64x1xi32>
      %eq3A_3216 = arith.cmpi eq, %get3A_2434, %eq3A_3215 : vector<64x1xi32>
      %broadcast_in_dim3A_3217 = vector.shape_cast %eq3A_3216 : vector<64x1xi1> to vector<64x1xi1>
      %broadcast_in_dim3A_3218 = vector.broadcast %broadcast_in_dim3A_3217 : vector<64x1xi1> to vector<64x128xi1>
      %select_n3A_3219 = arith.select %broadcast_in_dim3A_3218, %mul3A_3212, %select_n3A_3203 : vector<64x128xi1>, vector<64x128xf32>
      %add3A_3220 = arith.constant 3 : i32
      %add3A_3221 = arith.addi %add3A_3170, %add3A_3220 : i32
      %convert_element_type3A_3222 = arith.truncf %mul3A_3212 : vector<64x128xf32> to vector<64x128xbf16>
      %dot_general3A_3223 = arith.constant dense<0.000000e+00> : vector<64x128xf32>
      %dot_general3A_3224 = tpu.matmul %convert_element_type3A_3222, %convert_element_type3A_2431, %dot_general3A_3223 {dimension_numbers = #tpu.dot_dimension_numbers<[1], [0], [0], [1], [0, 0, 1, 1], [], []>, transpose_lhs_hint = false} : vector<64x128xbf16>, vector<128x128xbf16>, vector<64x128xf32> -> vector<64x128xf32>
      %slice3A_3225 = vector.extract_strided_slice %slice3A_3171 {offsets = [0, 3, 0], sizes = [64, 1, 128], strides = [1, 1, 1]} : vector<64x8x128xbf16> to vector<64x1x128xbf16>
      %squeeze3A_3226 = vector.shape_cast %slice3A_3225 : vector<64x1x128xbf16> to vector<64x128xbf16>
      %convert_element_type3A_3227 = arith.extf %squeeze3A_3226 : vector<64x128xbf16> to vector<64x128xf32>
      %mul3A_3228 = arith.mulf %dot_general3A_3224, %convert_element_type3A_3227 : vector<64x128xf32>
      %add3A_3229 = arith.constant 1 : i32
      %add3A_3230 = arith.addi %add3A_3221, %add3A_3229 : i32
      %eq3A_3231 = vector.broadcast %add3A_3230 : i32 to vector<64x1xi32>
      %eq3A_3232 = arith.cmpi eq, %get3A_2434, %eq3A_3231 : vector<64x1xi32>
      %broadcast_in_dim3A_3233 = vector.shape_cast %eq3A_3232 : vector<64x1xi1> to vector<64x1xi1>
      %broadcast_in_dim3A_3234 = vector.broadcast %broadcast_in_dim3A_3233 : vector<64x1xi1> to vector<64x128xi1>
      %select_n3A_3235 = arith.select %broadcast_in_dim3A_3234, %mul3A_3228, %select_n3A_3219 : vector<64x128xi1>, vector<64x128xf32>
      %add3A_3236 = arith.constant 4 : i32
      %add3A_3237 = arith.addi %add3A_3170, %add3A_3236 : i32
      %convert_element_type3A_3238 = arith.truncf %mul3A_3228 : vector<64x128xf32> to vector<64x128xbf16>
      %dot_general3A_3239 = arith.constant dense<0.000000e+00> : vector<64x128xf32>
      %dot_general3A_3240 = tpu.matmul %convert_element_type3A_3238, %convert_element_type3A_2431, %dot_general3A_3239 {dimension_numbers = #tpu.dot_dimension_numbers<[1], [0], [0], [1], [0, 0, 1, 1], [], []>, transpose_lhs_hint = false} : vector<64x128xbf16>, vector<128x128xbf16>, vector<64x128xf32> -> vector<64x128xf32>
      %slice3A_3241 = vector.extract_strided_slice %slice3A_3171 {offsets = [0, 4, 0], sizes = [64, 1, 128], strides = [1, 1, 1]} : vector<64x8x128xbf16> to vector<64x1x128xbf16>
      %squeeze3A_3242 = vector.shape_cast %slice3A_3241 : vector<64x1x128xbf16> to vector<64x128xbf16>
      %convert_element_type3A_3243 = arith.extf %squeeze3A_3242 : vector<64x128xbf16> to vector<64x128xf32>
      %mul3A_3244 = arith.mulf %dot_general3A_3240, %convert_element_type3A_3243 : vector<64x128xf32>
      %add3A_3245 = arith.constant 1 : i32
      %add3A_3246 = arith.addi %add3A_3237, %add3A_3245 : i32
      %eq3A_3247 = vector.broadcast %add3A_3246 : i32 to vector<64x1xi32>
      %eq3A_3248 = arith.cmpi eq, %get3A_2434, %eq3A_3247 : vector<64x1xi32>
      %broadcast_in_dim3A_3249 = vector.shape_cast %eq3A_3248 : vector<64x1xi1> to vector<64x1xi1>
      %broadcast_in_dim3A_3250 = vector.broadcast %broadcast_in_dim3A_3249 : vector<64x1xi1> to vector<64x128xi1>
      %select_n3A_3251 = arith.select %broadcast_in_dim3A_3250, %mul3A_3244, %select_n3A_3235 : vector<64x128xi1>, vector<64x128xf32>
      %add3A_3252 = arith.constant 5 : i32
      %add3A_3253 = arith.addi %add3A_3170, %add3A_3252 : i32
      %convert_element_type3A_3254 = arith.truncf %mul3A_3244 : vector<64x128xf32> to vector<64x128xbf16>
      %dot_general3A_3255 = arith.constant dense<0.000000e+00> : vector<64x128xf32>
      %dot_general3A_3256 = tpu.matmul %convert_element_type3A_3254, %convert_element_type3A_2431, %dot_general3A_3255 {dimension_numbers = #tpu.dot_dimension_numbers<[1], [0], [0], [1], [0, 0, 1, 1], [], []>, transpose_lhs_hint = false} : vector<64x128xbf16>, vector<128x128xbf16>, vector<64x128xf32> -> vector<64x128xf32>
      %slice3A_3257 = vector.extract_strided_slice %slice3A_3171 {offsets = [0, 5, 0], sizes = [64, 1, 128], strides = [1, 1, 1]} : vector<64x8x128xbf16> to vector<64x1x128xbf16>
      %squeeze3A_3258 = vector.shape_cast %slice3A_3257 : vector<64x1x128xbf16> to vector<64x128xbf16>
      %convert_element_type3A_3259 = arith.extf %squeeze3A_3258 : vector<64x128xbf16> to vector<64x128xf32>
      %mul3A_3260 = arith.mulf %dot_general3A_3256, %convert_element_type3A_3259 : vector<64x128xf32>
      %add3A_3261 = arith.constant 1 : i32
      %add3A_3262 = arith.addi %add3A_3253, %add3A_3261 : i32
      %eq3A_3263 = vector.broadcast %add3A_3262 : i32 to vector<64x1xi32>
      %eq3A_3264 = arith.cmpi eq, %get3A_2434, %eq3A_3263 : vector<64x1xi32>
      %broadcast_in_dim3A_3265 = vector.shape_cast %eq3A_3264 : vector<64x1xi1> to vector<64x1xi1>
      %broadcast_in_dim3A_3266 = vector.broadcast %broadcast_in_dim3A_3265 : vector<64x1xi1> to vector<64x128xi1>
      %select_n3A_3267 = arith.select %broadcast_in_dim3A_3266, %mul3A_3260, %select_n3A_3251 : vector<64x128xi1>, vector<64x128xf32>
      %add3A_3268 = arith.constant 6 : i32
      %add3A_3269 = arith.addi %add3A_3170, %add3A_3268 : i32
      %convert_element_type3A_3270 = arith.truncf %mul3A_3260 : vector<64x128xf32> to vector<64x128xbf16>
      %dot_general3A_3271 = arith.constant dense<0.000000e+00> : vector<64x128xf32>
      %dot_general3A_3272 = tpu.matmul %convert_element_type3A_3270, %convert_element_type3A_2431, %dot_general3A_3271 {dimension_numbers = #tpu.dot_dimension_numbers<[1], [0], [0], [1], [0, 0, 1, 1], [], []>, transpose_lhs_hint = false} : vector<64x128xbf16>, vector<128x128xbf16>, vector<64x128xf32> -> vector<64x128xf32>
      %slice3A_3273 = vector.extract_strided_slice %slice3A_3171 {offsets = [0, 6, 0], sizes = [64, 1, 128], strides = [1, 1, 1]} : vector<64x8x128xbf16> to vector<64x1x128xbf16>
      %squeeze3A_3274 = vector.shape_cast %slice3A_3273 : vector<64x1x128xbf16> to vector<64x128xbf16>
      %convert_element_type3A_3275 = arith.extf %squeeze3A_3274 : vector<64x128xbf16> to vector<64x128xf32>
      %mul3A_3276 = arith.mulf %dot_general3A_3272, %convert_element_type3A_3275 : vector<64x128xf32>
      %add3A_3277 = arith.constant 1 : i32
      %add3A_3278 = arith.addi %add3A_3269, %add3A_3277 : i32
      %eq3A_3279 = vector.broadcast %add3A_3278 : i32 to vector<64x1xi32>
      %eq3A_3280 = arith.cmpi eq, %get3A_2434, %eq3A_3279 : vector<64x1xi32>
      %broadcast_in_dim3A_3281 = vector.shape_cast %eq3A_3280 : vector<64x1xi1> to vector<64x1xi1>
      %broadcast_in_dim3A_3282 = vector.broadcast %broadcast_in_dim3A_3281 : vector<64x1xi1> to vector<64x128xi1>
      %select_n3A_3283 = arith.select %broadcast_in_dim3A_3282, %mul3A_3276, %select_n3A_3267 : vector<64x128xi1>, vector<64x128xf32>
      %add3A_3284 = arith.constant 7 : i32
      %add3A_3285 = arith.addi %add3A_3170, %add3A_3284 : i32
      %convert_element_type3A_3286 = arith.truncf %mul3A_3276 : vector<64x128xf32> to vector<64x128xbf16>
      %dot_general3A_3287 = arith.constant dense<0.000000e+00> : vector<64x128xf32>
      %dot_general3A_3288 = tpu.matmul %convert_element_type3A_3286, %convert_element_type3A_2431, %dot_general3A_3287 {dimension_numbers = #tpu.dot_dimension_numbers<[1], [0], [0], [1], [0, 0, 1, 1], [], []>, transpose_lhs_hint = false} : vector<64x128xbf16>, vector<128x128xbf16>, vector<64x128xf32> -> vector<64x128xf32>
      %slice3A_3289 = vector.extract_strided_slice %slice3A_3171 {offsets = [0, 7, 0], sizes = [64, 1, 128], strides = [1, 1, 1]} : vector<64x8x128xbf16> to vector<64x1x128xbf16>
      %squeeze3A_3290 = vector.shape_cast %slice3A_3289 : vector<64x1x128xbf16> to vector<64x128xbf16>
      %convert_element_type3A_3291 = arith.extf %squeeze3A_3290 : vector<64x128xbf16> to vector<64x128xf32>
      %mul3A_3292 = arith.mulf %dot_general3A_3288, %convert_element_type3A_3291 : vector<64x128xf32>
      %add3A_3293 = arith.constant 1 : i32
      %add3A_3294 = arith.addi %add3A_3285, %add3A_3293 : i32
      %eq3A_3295 = vector.broadcast %add3A_3294 : i32 to vector<64x1xi32>
      %eq3A_3296 = arith.cmpi eq, %get3A_2434, %eq3A_3295 : vector<64x1xi32>
      %broadcast_in_dim3A_3297 = vector.shape_cast %eq3A_3296 : vector<64x1xi1> to vector<64x1xi1>
      %broadcast_in_dim3A_3298 = vector.broadcast %broadcast_in_dim3A_3297 : vector<64x1xi1> to vector<64x128xi1>
      %select_n3A_3299 = arith.select %broadcast_in_dim3A_3298, %mul3A_3292, %select_n3A_3283 : vector<64x128xi1>, vector<64x128xf32>
      %gt3A_3300 = vector.broadcast %add3A_3170 : i32 to vector<64x1xi32>
      %gt3A_3301 = arith.cmpi sgt, %get3A_2434, %gt3A_3300 : vector<64x1xi32>
      %add3A_3302 = arith.constant 8 : i32
      %add3A_3303 = arith.addi %add3A_3170, %add3A_3302 : i32
      %le3A_3304 = vector.broadcast %add3A_3303 : i32 to vector<64x1xi32>
      %le3A_3305 = arith.cmpi sle, %get3A_2434, %le3A_3304 : vector<64x1xi32>
      %and3A_3306 = arith.andi %gt3A_3301, %le3A_3305 : vector<64x1xi1>
      %select_n3A_3307 = arith.select %and3A_3306, %add3A_3166, %select_n3A_3156 : vector<64x1xi1>, vector<64x1xf32>
      %reduce_max3A_3308 = arith.constant dense<0xFF800000> : vector<64xf32>
      %reduce_max3A_3309 = vector.multi_reduction <maximumf>, %mul3A_3292, %reduce_max3A_3308 [1] : vector<64x128xf32> to vector<64xf32>
      %broadcast_in_dim3A_3310 = vector.shape_cast %reduce_max3A_3309 : vector<64xf32> to vector<64x1xf32>
      %div3A_3311 = arith.constant 1.000000e+00 : f32
      %div3A_3312 = vector.broadcast %div3A_3311 : f32 to vector<64x1xf32>
      %div3A_3313 = arith.divf %div3A_3312, %broadcast_in_dim3A_3310 : vector<64x1xf32>
      %mul3A_3314 = vector.broadcast %div3A_3313 : vector<64x1xf32> to vector<64x128xf32>
      %mul3A_3315 = arith.mulf %mul3A_3292, %mul3A_3314 : vector<64x128xf32>
      %log3A_3316 = math.log %broadcast_in_dim3A_3310 : vector<64x1xf32>
      %add3A_3317 = arith.addf %add3A_3166, %log3A_3316 : vector<64x1xf32>
      %sub3A_3318 = arith.constant 15 : i32
      %sub3A_3319 = arith.subi %sub3A_3318, %scan3A_3005 : i32
      %mul3A_3320 = arith.constant 16 : i32
      %mul3A_3321 = arith.muli %sub3A_3319, %mul3A_3320 : i32
      %multiple_of3A_3322 = tpu.assume_multiple %mul3A_3321, 16 : i32
      %get3A_3323 = arith.constant 0 : index
      %get3A_3324 = arith.index_cast %multiple_of3A_3322 : i32 to index
      %get3A_3325 = arith.constant 0 : index
      %get3A_3326 = vector.load %arg6[%get3A_3323, %get3A_3324, %get3A_3325] : memref<64x256x128xbf16, #tpu.memory_space<vmem>>, vector<64x16x128xbf16>
      %mul3A_3327 = arith.constant 2 : i32
      %mul3A_3328 = arith.muli %mul3A_3327, %sub3A_3319 : i32
      %add3A_3329 = arith.constant 1 : i32
      %add3A_3330 = arith.addi %mul3A_3328, %add3A_3329 : i32
      %mul3A_3331 = arith.constant 8 : i32
      %mul3A_3332 = arith.muli %add3A_3330, %mul3A_3331 : i32
      %slice3A_3333 = vector.extract_strided_slice %get3A_3326 {offsets = [0, 8, 0], sizes = [64, 8, 128], strides = [1, 1, 1]} : vector<64x16x128xbf16> to vector<64x8x128xbf16>
      %add3A_3334 = arith.constant 7 : i32
      %add3A_3335 = arith.addi %mul3A_3332, %add3A_3334 : i32
      %slice3A_3336 = vector.extract_strided_slice %slice3A_3333 {offsets = [0, 7, 0], sizes = [64, 1, 128], strides = [1, 1, 1]} : vector<64x8x128xbf16> to vector<64x1x128xbf16>
      %squeeze3A_3337 = vector.shape_cast %slice3A_3336 : vector<64x1x128xbf16> to vector<64x128xbf16>
      %convert_element_type3A_3338 = arith.extf %squeeze3A_3337 : vector<64x128xbf16> to vector<64x128xf32>
      %mul3A_3339 = arith.mulf %scan3A_3010, %convert_element_type3A_3338 : vector<64x128xf32>
      %convert_element_type3A_3340 = arith.truncf %mul3A_3339 : vector<64x128xf32> to vector<64x128xbf16>
      %dot_general3A_3341 = arith.constant dense<0.000000e+00> : vector<64x128xf32>
      %dot_general3A_3342 = tpu.matmul %convert_element_type3A_3340, %convert_element_type3A_2431, %dot_general3A_3341 {dimension_numbers = #tpu.dot_dimension_numbers<[1], [1], [0], [0], [0, 0, 1, 0], [], []>, transpose_lhs_hint = false} : vector<64x128xbf16>, vector<128x128xbf16>, vector<64x128xf32> -> vector<64x128xf32>
      %eq3A_3343 = vector.broadcast %add3A_3335 : i32 to vector<64x1xi32>
      %eq3A_3344 = arith.cmpi eq, %get3A_2434, %eq3A_3343 : vector<64x1xi32>
      %jit3A_3345 = arith.constant 1.000000e+00 : f32
      %broadcast_in_dim3A_3346 = vector.shape_cast %eq3A_3344 : vector<64x1xi1> to vector<64x1xi1>
      %broadcast_in_dim3A_3347 = vector.broadcast %broadcast_in_dim3A_3346 : vector<64x1xi1> to vector<64x128xi1>
      %broadcast_in_dim3A_3348 = vector.broadcast %jit3A_3345 : f32 to vector<64x128xf32>
      %select_n3A_3349 = arith.select %broadcast_in_dim3A_3347, %broadcast_in_dim3A_3348, %dot_general3A_3342 : vector<64x128xi1>, vector<64x128xf32>
      %add3A_3350 = arith.constant 6 : i32
      %add3A_3351 = arith.addi %mul3A_3332, %add3A_3350 : i32
      %slice3A_3352 = vector.extract_strided_slice %slice3A_3333 {offsets = [0, 6, 0], sizes = [64, 1, 128], strides = [1, 1, 1]} : vector<64x8x128xbf16> to vector<64x1x128xbf16>
      %squeeze3A_3353 = vector.shape_cast %slice3A_3352 : vector<64x1x128xbf16> to vector<64x128xbf16>
      %convert_element_type3A_3354 = arith.extf %squeeze3A_3353 : vector<64x128xbf16> to vector<64x128xf32>
      %mul3A_3355 = arith.mulf %select_n3A_3349, %convert_element_type3A_3354 : vector<64x128xf32>
      %convert_element_type3A_3356 = arith.truncf %mul3A_3355 : vector<64x128xf32> to vector<64x128xbf16>
      %dot_general3A_3357 = arith.constant dense<0.000000e+00> : vector<64x128xf32>
      %dot_general3A_3358 = tpu.matmul %convert_element_type3A_3356, %convert_element_type3A_2431, %dot_general3A_3357 {dimension_numbers = #tpu.dot_dimension_numbers<[1], [1], [0], [0], [0, 0, 1, 0], [], []>, transpose_lhs_hint = false} : vector<64x128xbf16>, vector<128x128xbf16>, vector<64x128xf32> -> vector<64x128xf32>
      %eq3A_3359 = vector.broadcast %add3A_3351 : i32 to vector<64x1xi32>
      %eq3A_3360 = arith.cmpi eq, %get3A_2434, %eq3A_3359 : vector<64x1xi32>
      %jit3A_3361 = arith.constant 1.000000e+00 : f32
      %broadcast_in_dim3A_3362 = vector.shape_cast %eq3A_3360 : vector<64x1xi1> to vector<64x1xi1>
      %broadcast_in_dim3A_3363 = vector.broadcast %broadcast_in_dim3A_3362 : vector<64x1xi1> to vector<64x128xi1>
      %broadcast_in_dim3A_3364 = vector.broadcast %jit3A_3361 : f32 to vector<64x128xf32>
      %select_n3A_3365 = arith.select %broadcast_in_dim3A_3363, %broadcast_in_dim3A_3364, %dot_general3A_3358 : vector<64x128xi1>, vector<64x128xf32>
      %add3A_3366 = arith.constant 5 : i32
      %add3A_3367 = arith.addi %mul3A_3332, %add3A_3366 : i32
      %slice3A_3368 = vector.extract_strided_slice %slice3A_3333 {offsets = [0, 5, 0], sizes = [64, 1, 128], strides = [1, 1, 1]} : vector<64x8x128xbf16> to vector<64x1x128xbf16>
      %squeeze3A_3369 = vector.shape_cast %slice3A_3368 : vector<64x1x128xbf16> to vector<64x128xbf16>
      %convert_element_type3A_3370 = arith.extf %squeeze3A_3369 : vector<64x128xbf16> to vector<64x128xf32>
      %mul3A_3371 = arith.mulf %select_n3A_3365, %convert_element_type3A_3370 : vector<64x128xf32>
      %convert_element_type3A_3372 = arith.truncf %mul3A_3371 : vector<64x128xf32> to vector<64x128xbf16>
      %dot_general3A_3373 = arith.constant dense<0.000000e+00> : vector<64x128xf32>
      %dot_general3A_3374 = tpu.matmul %convert_element_type3A_3372, %convert_element_type3A_2431, %dot_general3A_3373 {dimension_numbers = #tpu.dot_dimension_numbers<[1], [1], [0], [0], [0, 0, 1, 0], [], []>, transpose_lhs_hint = false} : vector<64x128xbf16>, vector<128x128xbf16>, vector<64x128xf32> -> vector<64x128xf32>
      %eq3A_3375 = vector.broadcast %add3A_3367 : i32 to vector<64x1xi32>
      %eq3A_3376 = arith.cmpi eq, %get3A_2434, %eq3A_3375 : vector<64x1xi32>
      %jit3A_3377 = arith.constant 1.000000e+00 : f32
      %broadcast_in_dim3A_3378 = vector.shape_cast %eq3A_3376 : vector<64x1xi1> to vector<64x1xi1>
      %broadcast_in_dim3A_3379 = vector.broadcast %broadcast_in_dim3A_3378 : vector<64x1xi1> to vector<64x128xi1>
      %broadcast_in_dim3A_3380 = vector.broadcast %jit3A_3377 : f32 to vector<64x128xf32>
      %select_n3A_3381 = arith.select %broadcast_in_dim3A_3379, %broadcast_in_dim3A_3380, %dot_general3A_3374 : vector<64x128xi1>, vector<64x128xf32>
      %add3A_3382 = arith.constant 4 : i32
      %add3A_3383 = arith.addi %mul3A_3332, %add3A_3382 : i32
      %slice3A_3384 = vector.extract_strided_slice %slice3A_3333 {offsets = [0, 4, 0], sizes = [64, 1, 128], strides = [1, 1, 1]} : vector<64x8x128xbf16> to vector<64x1x128xbf16>
      %squeeze3A_3385 = vector.shape_cast %slice3A_3384 : vector<64x1x128xbf16> to vector<64x128xbf16>
      %convert_element_type3A_3386 = arith.extf %squeeze3A_3385 : vector<64x128xbf16> to vector<64x128xf32>
      %mul3A_3387 = arith.mulf %select_n3A_3381, %convert_element_type3A_3386 : vector<64x128xf32>
      %convert_element_type3A_3388 = arith.truncf %mul3A_3387 : vector<64x128xf32> to vector<64x128xbf16>
      %dot_general3A_3389 = arith.constant dense<0.000000e+00> : vector<64x128xf32>
      %dot_general3A_3390 = tpu.matmul %convert_element_type3A_3388, %convert_element_type3A_2431, %dot_general3A_3389 {dimension_numbers = #tpu.dot_dimension_numbers<[1], [1], [0], [0], [0, 0, 1, 0], [], []>, transpose_lhs_hint = false} : vector<64x128xbf16>, vector<128x128xbf16>, vector<64x128xf32> -> vector<64x128xf32>
      %eq3A_3391 = vector.broadcast %add3A_3383 : i32 to vector<64x1xi32>
      %eq3A_3392 = arith.cmpi eq, %get3A_2434, %eq3A_3391 : vector<64x1xi32>
      %jit3A_3393 = arith.constant 1.000000e+00 : f32
      %broadcast_in_dim3A_3394 = vector.shape_cast %eq3A_3392 : vector<64x1xi1> to vector<64x1xi1>
      %broadcast_in_dim3A_3395 = vector.broadcast %broadcast_in_dim3A_3394 : vector<64x1xi1> to vector<64x128xi1>
      %broadcast_in_dim3A_3396 = vector.broadcast %jit3A_3393 : f32 to vector<64x128xf32>
      %select_n3A_3397 = arith.select %broadcast_in_dim3A_3395, %broadcast_in_dim3A_3396, %dot_general3A_3390 : vector<64x128xi1>, vector<64x128xf32>
      %add3A_3398 = arith.constant 3 : i32
      %add3A_3399 = arith.addi %mul3A_3332, %add3A_3398 : i32
      %slice3A_3400 = vector.extract_strided_slice %slice3A_3333 {offsets = [0, 3, 0], sizes = [64, 1, 128], strides = [1, 1, 1]} : vector<64x8x128xbf16> to vector<64x1x128xbf16>
      %squeeze3A_3401 = vector.shape_cast %slice3A_3400 : vector<64x1x128xbf16> to vector<64x128xbf16>
      %convert_element_type3A_3402 = arith.extf %squeeze3A_3401 : vector<64x128xbf16> to vector<64x128xf32>
      %mul3A_3403 = arith.mulf %select_n3A_3397, %convert_element_type3A_3402 : vector<64x128xf32>
      %convert_element_type3A_3404 = arith.truncf %mul3A_3403 : vector<64x128xf32> to vector<64x128xbf16>
      %dot_general3A_3405 = arith.constant dense<0.000000e+00> : vector<64x128xf32>
      %dot_general3A_3406 = tpu.matmul %convert_element_type3A_3404, %convert_element_type3A_2431, %dot_general3A_3405 {dimension_numbers = #tpu.dot_dimension_numbers<[1], [1], [0], [0], [0, 0, 1, 0], [], []>, transpose_lhs_hint = false} : vector<64x128xbf16>, vector<128x128xbf16>, vector<64x128xf32> -> vector<64x128xf32>
      %eq3A_3407 = vector.broadcast %add3A_3399 : i32 to vector<64x1xi32>
      %eq3A_3408 = arith.cmpi eq, %get3A_2434, %eq3A_3407 : vector<64x1xi32>
      %jit3A_3409 = arith.constant 1.000000e+00 : f32
      %broadcast_in_dim3A_3410 = vector.shape_cast %eq3A_3408 : vector<64x1xi1> to vector<64x1xi1>
      %broadcast_in_dim3A_3411 = vector.broadcast %broadcast_in_dim3A_3410 : vector<64x1xi1> to vector<64x128xi1>
      %broadcast_in_dim3A_3412 = vector.broadcast %jit3A_3409 : f32 to vector<64x128xf32>
      %select_n3A_3413 = arith.select %broadcast_in_dim3A_3411, %broadcast_in_dim3A_3412, %dot_general3A_3406 : vector<64x128xi1>, vector<64x128xf32>
      %add3A_3414 = arith.constant 2 : i32
      %add3A_3415 = arith.addi %mul3A_3332, %add3A_3414 : i32
      %slice3A_3416 = vector.extract_strided_slice %slice3A_3333 {offsets = [0, 2, 0], sizes = [64, 1, 128], strides = [1, 1, 1]} : vector<64x8x128xbf16> to vector<64x1x128xbf16>
      %squeeze3A_3417 = vector.shape_cast %slice3A_3416 : vector<64x1x128xbf16> to vector<64x128xbf16>
      %convert_element_type3A_3418 = arith.extf %squeeze3A_3417 : vector<64x128xbf16> to vector<64x128xf32>
      %mul3A_3419 = arith.mulf %select_n3A_3413, %convert_element_type3A_3418 : vector<64x128xf32>
      %convert_element_type3A_3420 = arith.truncf %mul3A_3419 : vector<64x128xf32> to vector<64x128xbf16>
      %dot_general3A_3421 = arith.constant dense<0.000000e+00> : vector<64x128xf32>
      %dot_general3A_3422 = tpu.matmul %convert_element_type3A_3420, %convert_element_type3A_2431, %dot_general3A_3421 {dimension_numbers = #tpu.dot_dimension_numbers<[1], [1], [0], [0], [0, 0, 1, 0], [], []>, transpose_lhs_hint = false} : vector<64x128xbf16>, vector<128x128xbf16>, vector<64x128xf32> -> vector<64x128xf32>
      %eq3A_3423 = vector.broadcast %add3A_3415 : i32 to vector<64x1xi32>
      %eq3A_3424 = arith.cmpi eq, %get3A_2434, %eq3A_3423 : vector<64x1xi32>
      %jit3A_3425 = arith.constant 1.000000e+00 : f32
      %broadcast_in_dim3A_3426 = vector.shape_cast %eq3A_3424 : vector<64x1xi1> to vector<64x1xi1>
      %broadcast_in_dim3A_3427 = vector.broadcast %broadcast_in_dim3A_3426 : vector<64x1xi1> to vector<64x128xi1>
      %broadcast_in_dim3A_3428 = vector.broadcast %jit3A_3425 : f32 to vector<64x128xf32>
      %select_n3A_3429 = arith.select %broadcast_in_dim3A_3427, %broadcast_in_dim3A_3428, %dot_general3A_3422 : vector<64x128xi1>, vector<64x128xf32>
      %add3A_3430 = arith.constant 1 : i32
      %add3A_3431 = arith.addi %mul3A_3332, %add3A_3430 : i32
      %slice3A_3432 = vector.extract_strided_slice %slice3A_3333 {offsets = [0, 1, 0], sizes = [64, 1, 128], strides = [1, 1, 1]} : vector<64x8x128xbf16> to vector<64x1x128xbf16>
      %squeeze3A_3433 = vector.shape_cast %slice3A_3432 : vector<64x1x128xbf16> to vector<64x128xbf16>
      %convert_element_type3A_3434 = arith.extf %squeeze3A_3433 : vector<64x128xbf16> to vector<64x128xf32>
      %mul3A_3435 = arith.mulf %select_n3A_3429, %convert_element_type3A_3434 : vector<64x128xf32>
      %convert_element_type3A_3436 = arith.truncf %mul3A_3435 : vector<64x128xf32> to vector<64x128xbf16>
      %dot_general3A_3437 = arith.constant dense<0.000000e+00> : vector<64x128xf32>
      %dot_general3A_3438 = tpu.matmul %convert_element_type3A_3436, %convert_element_type3A_2431, %dot_general3A_3437 {dimension_numbers = #tpu.dot_dimension_numbers<[1], [1], [0], [0], [0, 0, 1, 0], [], []>, transpose_lhs_hint = false} : vector<64x128xbf16>, vector<128x128xbf16>, vector<64x128xf32> -> vector<64x128xf32>
      %eq3A_3439 = vector.broadcast %add3A_3431 : i32 to vector<64x1xi32>
      %eq3A_3440 = arith.cmpi eq, %get3A_2434, %eq3A_3439 : vector<64x1xi32>
      %jit3A_3441 = arith.constant 1.000000e+00 : f32
      %broadcast_in_dim3A_3442 = vector.shape_cast %eq3A_3440 : vector<64x1xi1> to vector<64x1xi1>
      %broadcast_in_dim3A_3443 = vector.broadcast %broadcast_in_dim3A_3442 : vector<64x1xi1> to vector<64x128xi1>
      %broadcast_in_dim3A_3444 = vector.broadcast %jit3A_3441 : f32 to vector<64x128xf32>
      %select_n3A_3445 = arith.select %broadcast_in_dim3A_3443, %broadcast_in_dim3A_3444, %dot_general3A_3438 : vector<64x128xi1>, vector<64x128xf32>
      %add3A_3446 = arith.constant 0 : i32
      %add3A_3447 = arith.addi %mul3A_3332, %add3A_3446 : i32
      %slice3A_3448 = vector.extract_strided_slice %slice3A_3333 {offsets = [0, 0, 0], sizes = [64, 1, 128], strides = [1, 1, 1]} : vector<64x8x128xbf16> to vector<64x1x128xbf16>
      %squeeze3A_3449 = vector.shape_cast %slice3A_3448 : vector<64x1x128xbf16> to vector<64x128xbf16>
      %convert_element_type3A_3450 = arith.extf %squeeze3A_3449 : vector<64x128xbf16> to vector<64x128xf32>
      %mul3A_3451 = arith.mulf %select_n3A_3445, %convert_element_type3A_3450 : vector<64x128xf32>
      %convert_element_type3A_3452 = arith.truncf %mul3A_3451 : vector<64x128xf32> to vector<64x128xbf16>
      %dot_general3A_3453 = arith.constant dense<0.000000e+00> : vector<64x128xf32>
      %dot_general3A_3454 = tpu.matmul %convert_element_type3A_3452, %convert_element_type3A_2431, %dot_general3A_3453 {dimension_numbers = #tpu.dot_dimension_numbers<[1], [1], [0], [0], [0, 0, 1, 0], [], []>, transpose_lhs_hint = false} : vector<64x128xbf16>, vector<128x128xbf16>, vector<64x128xf32> -> vector<64x128xf32>
      %eq3A_3455 = vector.broadcast %add3A_3447 : i32 to vector<64x1xi32>
      %eq3A_3456 = arith.cmpi eq, %get3A_2434, %eq3A_3455 : vector<64x1xi32>
      %jit3A_3457 = arith.constant 1.000000e+00 : f32
      %broadcast_in_dim3A_3458 = vector.shape_cast %eq3A_3456 : vector<64x1xi1> to vector<64x1xi1>
      %broadcast_in_dim3A_3459 = vector.broadcast %broadcast_in_dim3A_3458 : vector<64x1xi1> to vector<64x128xi1>
      %broadcast_in_dim3A_3460 = vector.broadcast %jit3A_3457 : f32 to vector<64x128xf32>
      %select_n3A_3461 = arith.select %broadcast_in_dim3A_3459, %broadcast_in_dim3A_3460, %dot_general3A_3454 : vector<64x128xi1>, vector<64x128xf32>
      %ge3A_3462 = vector.broadcast %mul3A_3332 : i32 to vector<64x1xi32>
      %ge3A_3463 = arith.cmpi sge, %get3A_2434, %ge3A_3462 : vector<64x1xi32>
      %add3A_3464 = arith.constant 8 : i32
      %add3A_3465 = arith.addi %mul3A_3332, %add3A_3464 : i32
      %le3A_3466 = vector.broadcast %add3A_3465 : i32 to vector<64x1xi32>
      %le3A_3467 = arith.cmpi sle, %get3A_2434, %le3A_3466 : vector<64x1xi32>
      %and3A_3468 = arith.andi %ge3A_3463, %le3A_3467 : vector<64x1xi1>
      %jit3A_3469 = arith.constant 0.000000e+00 : f32
      %broadcast_in_dim3A_3470 = vector.broadcast %jit3A_3469 : f32 to vector<64x1xf32>
      %select_n3A_3471 = arith.select %and3A_3468, %broadcast_in_dim3A_3470, %scan3A_3011 : vector<64x1xi1>, vector<64x1xf32>
      %reduce_max3A_3472 = arith.constant dense<0xFF800000> : vector<64xf32>
      %reduce_max3A_3473 = vector.multi_reduction <maximumf>, %select_n3A_3461, %reduce_max3A_3472 [1] : vector<64x128xf32> to vector<64xf32>
      %broadcast_in_dim3A_3474 = vector.shape_cast %reduce_max3A_3473 : vector<64xf32> to vector<64x1xf32>
      %div3A_3475 = arith.constant 1.000000e+00 : f32
      %div3A_3476 = vector.broadcast %div3A_3475 : f32 to vector<64x1xf32>
      %div3A_3477 = arith.divf %div3A_3476, %broadcast_in_dim3A_3474 : vector<64x1xf32>
      %mul3A_3478 = vector.broadcast %div3A_3477 : vector<64x1xf32> to vector<64x128xf32>
      %mul3A_3479 = arith.mulf %select_n3A_3461, %mul3A_3478 : vector<64x128xf32>
      %log3A_3480 = math.log %broadcast_in_dim3A_3474 : vector<64x1xf32>
      %add3A_3481 = arith.addf %select_n3A_3471, %log3A_3480 : vector<64x1xf32>
      %mul3A_3482 = arith.constant 2 : i32
      %mul3A_3483 = arith.muli %mul3A_3482, %sub3A_3319 : i32
      %mul3A_3484 = arith.constant 8 : i32
      %mul3A_3485 = arith.muli %mul3A_3483, %mul3A_3484 : i32
      %slice3A_3486 = vector.extract_strided_slice %get3A_3326 {offsets = [0, 0, 0], sizes = [64, 8, 128], strides = [1, 1, 1]} : vector<64x16x128xbf16> to vector<64x8x128xbf16>
      %add3A_3487 = arith.constant 7 : i32
      %add3A_3488 = arith.addi %mul3A_3485, %add3A_3487 : i32
      %slice3A_3489 = vector.extract_strided_slice %slice3A_3486 {offsets = [0, 7, 0], sizes = [64, 1, 128], strides = [1, 1, 1]} : vector<64x8x128xbf16> to vector<64x1x128xbf16>
      %squeeze3A_3490 = vector.shape_cast %slice3A_3489 : vector<64x1x128xbf16> to vector<64x128xbf16>
      %convert_element_type3A_3491 = arith.extf %squeeze3A_3490 : vector<64x128xbf16> to vector<64x128xf32>
      %mul3A_3492 = arith.mulf %mul3A_3479, %convert_element_type3A_3491 : vector<64x128xf32>
      %convert_element_type3A_3493 = arith.truncf %mul3A_3492 : vector<64x128xf32> to vector<64x128xbf16>
      %dot_general3A_3494 = arith.constant dense<0.000000e+00> : vector<64x128xf32>
      %dot_general3A_3495 = tpu.matmul %convert_element_type3A_3493, %convert_element_type3A_2431, %dot_general3A_3494 {dimension_numbers = #tpu.dot_dimension_numbers<[1], [1], [0], [0], [0, 0, 1, 0], [], []>, transpose_lhs_hint = false} : vector<64x128xbf16>, vector<128x128xbf16>, vector<64x128xf32> -> vector<64x128xf32>
      %eq3A_3496 = vector.broadcast %add3A_3488 : i32 to vector<64x1xi32>
      %eq3A_3497 = arith.cmpi eq, %get3A_2434, %eq3A_3496 : vector<64x1xi32>
      %jit3A_3498 = arith.constant 1.000000e+00 : f32
      %broadcast_in_dim3A_3499 = vector.shape_cast %eq3A_3497 : vector<64x1xi1> to vector<64x1xi1>
      %broadcast_in_dim3A_3500 = vector.broadcast %broadcast_in_dim3A_3499 : vector<64x1xi1> to vector<64x128xi1>
      %broadcast_in_dim3A_3501 = vector.broadcast %jit3A_3498 : f32 to vector<64x128xf32>
      %select_n3A_3502 = arith.select %broadcast_in_dim3A_3500, %broadcast_in_dim3A_3501, %dot_general3A_3495 : vector<64x128xi1>, vector<64x128xf32>
      %add3A_3503 = arith.constant 6 : i32
      %add3A_3504 = arith.addi %mul3A_3485, %add3A_3503 : i32
      %slice3A_3505 = vector.extract_strided_slice %slice3A_3486 {offsets = [0, 6, 0], sizes = [64, 1, 128], strides = [1, 1, 1]} : vector<64x8x128xbf16> to vector<64x1x128xbf16>
      %squeeze3A_3506 = vector.shape_cast %slice3A_3505 : vector<64x1x128xbf16> to vector<64x128xbf16>
      %convert_element_type3A_3507 = arith.extf %squeeze3A_3506 : vector<64x128xbf16> to vector<64x128xf32>
      %mul3A_3508 = arith.mulf %select_n3A_3502, %convert_element_type3A_3507 : vector<64x128xf32>
      %convert_element_type3A_3509 = arith.truncf %mul3A_3508 : vector<64x128xf32> to vector<64x128xbf16>
      %dot_general3A_3510 = arith.constant dense<0.000000e+00> : vector<64x128xf32>
      %dot_general3A_3511 = tpu.matmul %convert_element_type3A_3509, %convert_element_type3A_2431, %dot_general3A_3510 {dimension_numbers = #tpu.dot_dimension_numbers<[1], [1], [0], [0], [0, 0, 1, 0], [], []>, transpose_lhs_hint = false} : vector<64x128xbf16>, vector<128x128xbf16>, vector<64x128xf32> -> vector<64x128xf32>
      %eq3A_3512 = vector.broadcast %add3A_3504 : i32 to vector<64x1xi32>
      %eq3A_3513 = arith.cmpi eq, %get3A_2434, %eq3A_3512 : vector<64x1xi32>
      %jit3A_3514 = arith.constant 1.000000e+00 : f32
      %broadcast_in_dim3A_3515 = vector.shape_cast %eq3A_3513 : vector<64x1xi1> to vector<64x1xi1>
      %broadcast_in_dim3A_3516 = vector.broadcast %broadcast_in_dim3A_3515 : vector<64x1xi1> to vector<64x128xi1>
      %broadcast_in_dim3A_3517 = vector.broadcast %jit3A_3514 : f32 to vector<64x128xf32>
      %select_n3A_3518 = arith.select %broadcast_in_dim3A_3516, %broadcast_in_dim3A_3517, %dot_general3A_3511 : vector<64x128xi1>, vector<64x128xf32>
      %add3A_3519 = arith.constant 5 : i32
      %add3A_3520 = arith.addi %mul3A_3485, %add3A_3519 : i32
      %slice3A_3521 = vector.extract_strided_slice %slice3A_3486 {offsets = [0, 5, 0], sizes = [64, 1, 128], strides = [1, 1, 1]} : vector<64x8x128xbf16> to vector<64x1x128xbf16>
      %squeeze3A_3522 = vector.shape_cast %slice3A_3521 : vector<64x1x128xbf16> to vector<64x128xbf16>
      %convert_element_type3A_3523 = arith.extf %squeeze3A_3522 : vector<64x128xbf16> to vector<64x128xf32>
      %mul3A_3524 = arith.mulf %select_n3A_3518, %convert_element_type3A_3523 : vector<64x128xf32>
      %convert_element_type3A_3525 = arith.truncf %mul3A_3524 : vector<64x128xf32> to vector<64x128xbf16>
      %dot_general3A_3526 = arith.constant dense<0.000000e+00> : vector<64x128xf32>
      %dot_general3A_3527 = tpu.matmul %convert_element_type3A_3525, %convert_element_type3A_2431, %dot_general3A_3526 {dimension_numbers = #tpu.dot_dimension_numbers<[1], [1], [0], [0], [0, 0, 1, 0], [], []>, transpose_lhs_hint = false} : vector<64x128xbf16>, vector<128x128xbf16>, vector<64x128xf32> -> vector<64x128xf32>
      %eq3A_3528 = vector.broadcast %add3A_3520 : i32 to vector<64x1xi32>
      %eq3A_3529 = arith.cmpi eq, %get3A_2434, %eq3A_3528 : vector<64x1xi32>
      %jit3A_3530 = arith.constant 1.000000e+00 : f32
      %broadcast_in_dim3A_3531 = vector.shape_cast %eq3A_3529 : vector<64x1xi1> to vector<64x1xi1>
      %broadcast_in_dim3A_3532 = vector.broadcast %broadcast_in_dim3A_3531 : vector<64x1xi1> to vector<64x128xi1>
      %broadcast_in_dim3A_3533 = vector.broadcast %jit3A_3530 : f32 to vector<64x128xf32>
      %select_n3A_3534 = arith.select %broadcast_in_dim3A_3532, %broadcast_in_dim3A_3533, %dot_general3A_3527 : vector<64x128xi1>, vector<64x128xf32>
      %add3A_3535 = arith.constant 4 : i32
      %add3A_3536 = arith.addi %mul3A_3485, %add3A_3535 : i32
      %slice3A_3537 = vector.extract_strided_slice %slice3A_3486 {offsets = [0, 4, 0], sizes = [64, 1, 128], strides = [1, 1, 1]} : vector<64x8x128xbf16> to vector<64x1x128xbf16>
      %squeeze3A_3538 = vector.shape_cast %slice3A_3537 : vector<64x1x128xbf16> to vector<64x128xbf16>
      %convert_element_type3A_3539 = arith.extf %squeeze3A_3538 : vector<64x128xbf16> to vector<64x128xf32>
      %mul3A_3540 = arith.mulf %select_n3A_3534, %convert_element_type3A_3539 : vector<64x128xf32>
      %convert_element_type3A_3541 = arith.truncf %mul3A_3540 : vector<64x128xf32> to vector<64x128xbf16>
      %dot_general3A_3542 = arith.constant dense<0.000000e+00> : vector<64x128xf32>
      %dot_general3A_3543 = tpu.matmul %convert_element_type3A_3541, %convert_element_type3A_2431, %dot_general3A_3542 {dimension_numbers = #tpu.dot_dimension_numbers<[1], [1], [0], [0], [0, 0, 1, 0], [], []>, transpose_lhs_hint = false} : vector<64x128xbf16>, vector<128x128xbf16>, vector<64x128xf32> -> vector<64x128xf32>
      %eq3A_3544 = vector.broadcast %add3A_3536 : i32 to vector<64x1xi32>
      %eq3A_3545 = arith.cmpi eq, %get3A_2434, %eq3A_3544 : vector<64x1xi32>
      %jit3A_3546 = arith.constant 1.000000e+00 : f32
      %broadcast_in_dim3A_3547 = vector.shape_cast %eq3A_3545 : vector<64x1xi1> to vector<64x1xi1>
      %broadcast_in_dim3A_3548 = vector.broadcast %broadcast_in_dim3A_3547 : vector<64x1xi1> to vector<64x128xi1>
      %broadcast_in_dim3A_3549 = vector.broadcast %jit3A_3546 : f32 to vector<64x128xf32>
      %select_n3A_3550 = arith.select %broadcast_in_dim3A_3548, %broadcast_in_dim3A_3549, %dot_general3A_3543 : vector<64x128xi1>, vector<64x128xf32>
      %add3A_3551 = arith.constant 3 : i32
      %add3A_3552 = arith.addi %mul3A_3485, %add3A_3551 : i32
      %slice3A_3553 = vector.extract_strided_slice %slice3A_3486 {offsets = [0, 3, 0], sizes = [64, 1, 128], strides = [1, 1, 1]} : vector<64x8x128xbf16> to vector<64x1x128xbf16>
      %squeeze3A_3554 = vector.shape_cast %slice3A_3553 : vector<64x1x128xbf16> to vector<64x128xbf16>
      %convert_element_type3A_3555 = arith.extf %squeeze3A_3554 : vector<64x128xbf16> to vector<64x128xf32>
      %mul3A_3556 = arith.mulf %select_n3A_3550, %convert_element_type3A_3555 : vector<64x128xf32>
      %convert_element_type3A_3557 = arith.truncf %mul3A_3556 : vector<64x128xf32> to vector<64x128xbf16>
      %dot_general3A_3558 = arith.constant dense<0.000000e+00> : vector<64x128xf32>
      %dot_general3A_3559 = tpu.matmul %convert_element_type3A_3557, %convert_element_type3A_2431, %dot_general3A_3558 {dimension_numbers = #tpu.dot_dimension_numbers<[1], [1], [0], [0], [0, 0, 1, 0], [], []>, transpose_lhs_hint = false} : vector<64x128xbf16>, vector<128x128xbf16>, vector<64x128xf32> -> vector<64x128xf32>
      %eq3A_3560 = vector.broadcast %add3A_3552 : i32 to vector<64x1xi32>
      %eq3A_3561 = arith.cmpi eq, %get3A_2434, %eq3A_3560 : vector<64x1xi32>
      %jit3A_3562 = arith.constant 1.000000e+00 : f32
      %broadcast_in_dim3A_3563 = vector.shape_cast %eq3A_3561 : vector<64x1xi1> to vector<64x1xi1>
      %broadcast_in_dim3A_3564 = vector.broadcast %broadcast_in_dim3A_3563 : vector<64x1xi1> to vector<64x128xi1>
      %broadcast_in_dim3A_3565 = vector.broadcast %jit3A_3562 : f32 to vector<64x128xf32>
      %select_n3A_3566 = arith.select %broadcast_in_dim3A_3564, %broadcast_in_dim3A_3565, %dot_general3A_3559 : vector<64x128xi1>, vector<64x128xf32>
      %add3A_3567 = arith.constant 2 : i32
      %add3A_3568 = arith.addi %mul3A_3485, %add3A_3567 : i32
      %slice3A_3569 = vector.extract_strided_slice %slice3A_3486 {offsets = [0, 2, 0], sizes = [64, 1, 128], strides = [1, 1, 1]} : vector<64x8x128xbf16> to vector<64x1x128xbf16>
      %squeeze3A_3570 = vector.shape_cast %slice3A_3569 : vector<64x1x128xbf16> to vector<64x128xbf16>
      %convert_element_type3A_3571 = arith.extf %squeeze3A_3570 : vector<64x128xbf16> to vector<64x128xf32>
      %mul3A_3572 = arith.mulf %select_n3A_3566, %convert_element_type3A_3571 : vector<64x128xf32>
      %convert_element_type3A_3573 = arith.truncf %mul3A_3572 : vector<64x128xf32> to vector<64x128xbf16>
      %dot_general3A_3574 = arith.constant dense<0.000000e+00> : vector<64x128xf32>
      %dot_general3A_3575 = tpu.matmul %convert_element_type3A_3573, %convert_element_type3A_2431, %dot_general3A_3574 {dimension_numbers = #tpu.dot_dimension_numbers<[1], [1], [0], [0], [0, 0, 1, 0], [], []>, transpose_lhs_hint = false} : vector<64x128xbf16>, vector<128x128xbf16>, vector<64x128xf32> -> vector<64x128xf32>
      %eq3A_3576 = vector.broadcast %add3A_3568 : i32 to vector<64x1xi32>
      %eq3A_3577 = arith.cmpi eq, %get3A_2434, %eq3A_3576 : vector<64x1xi32>
      %jit3A_3578 = arith.constant 1.000000e+00 : f32
      %broadcast_in_dim3A_3579 = vector.shape_cast %eq3A_3577 : vector<64x1xi1> to vector<64x1xi1>
      %broadcast_in_dim3A_3580 = vector.broadcast %broadcast_in_dim3A_3579 : vector<64x1xi1> to vector<64x128xi1>
      %broadcast_in_dim3A_3581 = vector.broadcast %jit3A_3578 : f32 to vector<64x128xf32>
      %select_n3A_3582 = arith.select %broadcast_in_dim3A_3580, %broadcast_in_dim3A_3581, %dot_general3A_3575 : vector<64x128xi1>, vector<64x128xf32>
      %add3A_3583 = arith.constant 1 : i32
      %add3A_3584 = arith.addi %mul3A_3485, %add3A_3583 : i32
      %slice3A_3585 = vector.extract_strided_slice %slice3A_3486 {offsets = [0, 1, 0], sizes = [64, 1, 128], strides = [1, 1, 1]} : vector<64x8x128xbf16> to vector<64x1x128xbf16>
      %squeeze3A_3586 = vector.shape_cast %slice3A_3585 : vector<64x1x128xbf16> to vector<64x128xbf16>
      %convert_element_type3A_3587 = arith.extf %squeeze3A_3586 : vector<64x128xbf16> to vector<64x128xf32>
      %mul3A_3588 = arith.mulf %select_n3A_3582, %convert_element_type3A_3587 : vector<64x128xf32>
      %convert_element_type3A_3589 = arith.truncf %mul3A_3588 : vector<64x128xf32> to vector<64x128xbf16>
      %dot_general3A_3590 = arith.constant dense<0.000000e+00> : vector<64x128xf32>
      %dot_general3A_3591 = tpu.matmul %convert_element_type3A_3589, %convert_element_type3A_2431, %dot_general3A_3590 {dimension_numbers = #tpu.dot_dimension_numbers<[1], [1], [0], [0], [0, 0, 1, 0], [], []>, transpose_lhs_hint = false} : vector<64x128xbf16>, vector<128x128xbf16>, vector<64x128xf32> -> vector<64x128xf32>
      %eq3A_3592 = vector.broadcast %add3A_3584 : i32 to vector<64x1xi32>
      %eq3A_3593 = arith.cmpi eq, %get3A_2434, %eq3A_3592 : vector<64x1xi32>
      %jit3A_3594 = arith.constant 1.000000e+00 : f32
      %broadcast_in_dim3A_3595 = vector.shape_cast %eq3A_3593 : vector<64x1xi1> to vector<64x1xi1>
      %broadcast_in_dim3A_3596 = vector.broadcast %broadcast_in_dim3A_3595 : vector<64x1xi1> to vector<64x128xi1>
      %broadcast_in_dim3A_3597 = vector.broadcast %jit3A_3594 : f32 to vector<64x128xf32>
      %select_n3A_3598 = arith.select %broadcast_in_dim3A_3596, %broadcast_in_dim3A_3597, %dot_general3A_3591 : vector<64x128xi1>, vector<64x128xf32>
      %add3A_3599 = arith.constant 0 : i32
      %add3A_3600 = arith.addi %mul3A_3485, %add3A_3599 : i32
      %slice3A_3601 = vector.extract_strided_slice %slice3A_3486 {offsets = [0, 0, 0], sizes = [64, 1, 128], strides = [1, 1, 1]} : vector<64x8x128xbf16> to vector<64x1x128xbf16>
      %squeeze3A_3602 = vector.shape_cast %slice3A_3601 : vector<64x1x128xbf16> to vector<64x128xbf16>
      %convert_element_type3A_3603 = arith.extf %squeeze3A_3602 : vector<64x128xbf16> to vector<64x128xf32>
      %mul3A_3604 = arith.mulf %select_n3A_3598, %convert_element_type3A_3603 : vector<64x128xf32>
      %convert_element_type3A_3605 = arith.truncf %mul3A_3604 : vector<64x128xf32> to vector<64x128xbf16>
      %dot_general3A_3606 = arith.constant dense<0.000000e+00> : vector<64x128xf32>
      %dot_general3A_3607 = tpu.matmul %convert_element_type3A_3605, %convert_element_type3A_2431, %dot_general3A_3606 {dimension_numbers = #tpu.dot_dimension_numbers<[1], [1], [0], [0], [0, 0, 1, 0], [], []>, transpose_lhs_hint = false} : vector<64x128xbf16>, vector<128x128xbf16>, vector<64x128xf32> -> vector<64x128xf32>
      %eq3A_3608 = vector.broadcast %add3A_3600 : i32 to vector<64x1xi32>
      %eq3A_3609 = arith.cmpi eq, %get3A_2434, %eq3A_3608 : vector<64x1xi32>
      %jit3A_3610 = arith.constant 1.000000e+00 : f32
      %broadcast_in_dim3A_3611 = vector.shape_cast %eq3A_3609 : vector<64x1xi1> to vector<64x1xi1>
      %broadcast_in_dim3A_3612 = vector.broadcast %broadcast_in_dim3A_3611 : vector<64x1xi1> to vector<64x128xi1>
      %broadcast_in_dim3A_3613 = vector.broadcast %jit3A_3610 : f32 to vector<64x128xf32>
      %select_n3A_3614 = arith.select %broadcast_in_dim3A_3612, %broadcast_in_dim3A_3613, %dot_general3A_3607 : vector<64x128xi1>, vector<64x128xf32>
      %ge3A_3615 = vector.broadcast %mul3A_3485 : i32 to vector<64x1xi32>
      %ge3A_3616 = arith.cmpi sge, %get3A_2434, %ge3A_3615 : vector<64x1xi32>
      %add3A_3617 = arith.constant 8 : i32
      %add3A_3618 = arith.addi %mul3A_3485, %add3A_3617 : i32
      %le3A_3619 = vector.broadcast %add3A_3618 : i32 to vector<64x1xi32>
      %le3A_3620 = arith.cmpi sle, %get3A_2434, %le3A_3619 : vector<64x1xi32>
      %and3A_3621 = arith.andi %ge3A_3616, %le3A_3620 : vector<64x1xi1>
      %jit3A_3622 = arith.constant 0.000000e+00 : f32
      %broadcast_in_dim3A_3623 = vector.broadcast %jit3A_3622 : f32 to vector<64x1xf32>
      %select_n3A_3624 = arith.select %and3A_3621, %broadcast_in_dim3A_3623, %add3A_3481 : vector<64x1xi1>, vector<64x1xf32>
      %reduce_max3A_3625 = arith.constant dense<0xFF800000> : vector<64xf32>
      %reduce_max3A_3626 = vector.multi_reduction <maximumf>, %select_n3A_3614, %reduce_max3A_3625 [1] : vector<64x128xf32> to vector<64xf32>
      %broadcast_in_dim3A_3627 = vector.shape_cast %reduce_max3A_3626 : vector<64xf32> to vector<64x1xf32>
      %div3A_3628 = arith.constant 1.000000e+00 : f32
      %div3A_3629 = vector.broadcast %div3A_3628 : f32 to vector<64x1xf32>
      %div3A_3630 = arith.divf %div3A_3629, %broadcast_in_dim3A_3627 : vector<64x1xf32>
      %mul3A_3631 = vector.broadcast %div3A_3630 : vector<64x1xf32> to vector<64x128xf32>
      %mul3A_3632 = arith.mulf %select_n3A_3614, %mul3A_3631 : vector<64x128xf32>
      %log3A_3633 = math.log %broadcast_in_dim3A_3627 : vector<64x1xf32>
      %add3A_3634 = arith.addf %select_n3A_3624, %log3A_3633 : vector<64x1xf32>
      scf.yield %mul3A_3315, %add3A_3317, %select_n3A_3299, %select_n3A_3307, %mul3A_3632, %add3A_3634 : vector<64x128xf32>, vector<64x1xf32>, vector<64x128xf32>, vector<64x1xf32>, vector<64x128xf32>, vector<64x1xf32>
    }
    %scan3A_2978 = arith.constant 7 : i32
    %reduce_sum3A_2979 = arith.constant dense<0.000000e+00> : vector<64xf32>
    %reduce_sum3A_2980 = vector.multi_reduction <add>, %scan3A_2977#2, %reduce_sum3A_2979 [1] : vector<64x128xf32> to vector<64xf32>
    %broadcast_in_dim3A_2981 = vector.shape_cast %reduce_sum3A_2980 : vector<64xf32> to vector<64x1xf32>
    %log3A_2982 = math.log %broadcast_in_dim3A_2981 : vector<64x1xf32>
    %add3A_2983 = arith.addf %scan3A_2977#3, %log3A_2982 : vector<64x1xf32>
    %add3A_2984 = arith.addf %scan3A_2977#1, %scan3A_2977#5 : vector<64x1xf32>
    %mul3A_2985 = arith.mulf %scan3A_2977#0, %scan3A_2977#4 : vector<64x128xf32>
    %reduce_sum3A_2986 = arith.constant dense<0.000000e+00> : vector<64xf32>
    %reduce_sum3A_2987 = vector.multi_reduction <add>, %mul3A_2985, %reduce_sum3A_2986 [1] : vector<64x128xf32> to vector<64xf32>
    %broadcast_in_dim3A_2988 = vector.shape_cast %reduce_sum3A_2987 : vector<64xf32> to vector<64x1xf32>
    %log3A_2989 = math.log %broadcast_in_dim3A_2988 : vector<64x1xf32>
    %add3A_2990 = arith.addf %add3A_2984, %log3A_2989 : vector<64x1xf32>
    %get3A_2991 = arith.constant 0 : index
    %get3A_2992 = arith.constant 0 : index
    %get3A_2993 = vector.load %arg7[%get3A_2991, %get3A_2992] : memref<64x1xf32, #tpu.memory_space<vmem>>, vector<64x1xf32>
    %le3A_2994 = arith.constant 128 : i32
    %le3A_2995 = vector.broadcast %le3A_2994 : i32 to vector<64x1xi32>
    %le3A_2996 = arith.cmpi sle, %get3A_2434, %le3A_2995 : vector<64x1xi32>
    %select_n3A_2997 = arith.select %le3A_2996, %add3A_2983, %add3A_2990 : vector<64x1xi1>, vector<64x1xf32>
    %add3A_2998 = arith.addf %get3A_2993, %select_n3A_2997 : vector<64x1xf32>
    %reduce_sum3A_2999 = arith.constant dense<0.000000e+00> : vector<1xf32>
    %reduce_sum3A_3000 = vector.multi_reduction <add>, %add3A_2998, %reduce_sum3A_2999 [0] : vector<64x1xf32> to vector<1xf32>
    %broadcast_in_dim3A_3001 = vector.shape_cast %reduce_sum3A_3000 : vector<1xf32> to vector<1x1xf32>
    %swap3A_3002 = arith.constant 0 : index
    %swap3A_3003 = arith.constant 0 : index
    %swap3A_3004 = vector.load %arg5[%swap3A_3002, %swap3A_3003] : memref<1x1xf32, #tpu.memory_space<vmem>>, vector<1x1xf32>
    tpu.vector_store %arg5[%swap3A_3002, %swap3A_3003], %broadcast_in_dim3A_3001 {strides = array<i32>} : memref<1x1xf32, #tpu.memory_space<vmem>>, vector<1x1xf32>,
    return
  }
  func.func @transform_0(%arg0: i32) -> (i32, i32, i32) {
    %c0_i32 = arith.constant 0 : i32
    %c0_i32_0 = arith.constant 0 : i32
    %c0_i32_1 = arith.constant 0 : i32
    %c0_i32_2 = arith.constant 0 : i32
    return %c0_i32, %c0_i32_0, %c0_i32_1 : i32, i32, i32
  }
  func.func @transform_1(%arg0: i32) -> (i32, i32) {
    %c0_i32 = arith.constant 0 : i32
    %c0_i32_0 = arith.constant 0 : i32
    %c0_i32_1 = arith.constant 0 : i32
    return %c0_i32, %c0_i32_0 : i32, i32
  }
  func.func @transform_2(%arg0: i32) -> (i32, i32) {
    %c0_i32 = arith.constant 0 : i32
    %c0_i32_0 = arith.constant 0 : i32
    %c0_i32_1 = arith.constant 0 : i32
    return %c0_i32, %c0_i32_0 : i32, i32
  }
  func.func @transform_3(%arg0: i32) -> (i32, i32) {
    %c0_i32 = arith.constant 0 : i32
    %c0_i32_0 = arith.constant 0 : i32
    %c0_i32_1 = arith.constant 0 : i32
    return %c0_i32, %c0_i32_0 : i32, i32
  }
  func.func @transform_4(%arg0: i32) -> (i32, i32) {
    %c0_i32 = arith.constant 0 : i32
    %c0_i32_0 = arith.constant 0 : i32
    %c0_i32_1 = arith.constant 0 : i32
    return %c0_i32, %c0_i32_0 : i32, i32
  }
}

</mosaic_0001>

<sc_bundles>
// kernel: kernel.4.cloned.1.call-start
scs
__scs_entry_jumppad:
0x0: {  	(pc) =	sbr.rel $0x88, $3  }
0x1: {  	(tag) =	ssettag $0x0;
	lr =	simm.s32 $0x1  }
0x2: {  	[smem:$0x3F9B] =	sst lr;
	_ =	strace $0xD0000000  }
0x3: {  	_ = 	snop  }
0x4: {  	_ = 	snop  }
0x5: {  	_ = 	snop  }
0x6: {  	_ = 	snop  }
0x7: {  	_ = 	snop  }
__scs_overlays_trampoline_lowered:
0x8: {  	[smem:$0x3FAA] =	sst s0  }
0x9: {  	[smem:$0x3FAB] =	sst s1  }
0xa: {  	[smem:$0x3FAC] =	sst s2  }
0xb: {  	[smem:$0x3FAD] =	sst s3  }
0xc: {  	[smem:$0x3FAE] =	sst s4  }
0xd: {  	[smem:$0x3FAF] =	sst s5  }
0xe: {  	[smem:$0x3FB0] =	sst s6  }
0xf: {  	[smem:$0x3FB1] =	sst s7  }
0x10: {  	[smem:$0x3FB2] =	sst s8  }
0x11: {  	[smem:$0x3FB3] =	sst s9;
	s0 =	simm.s32 @!p0 $0x0  }
0x12: {  	s1 =	sld [smem:$0x3F99];
	s0 =	simm.s32 @p0 $0x1  }
0x13: {  	[smem:$0x3FB4] =	sst s0;
	s0 =	simm.s32 @!p1 $0x0  }
0x14: {  	s2 =	sld [smem:$0x3F98];
	s0 =	simm.s32 @p1 $0x1  }
0x15: {  	[smem:$0x3FB5] =	sst s0;
	s0 =	simm.s32 @!p2 $0x0  }
0x16: {  	s3 =	sld [smem:$0x3FDB];
	s0 =	simm.s32 @p2 $0x1  }
0x17: {  	s4 =	simm.s32 $0x1BF5;
	[smem:$0x3FB7] =	sst s0  }
0x18: {  	s0 =	sld [smem:$0x3F9A];
	_ =	swait.ge [sflag:s4], $0x0  }
0x19: {  	s7 =	sld [smem:$0x3F9B]  }
0x1a: {  	s8 =	sadd.s32 $0xFFFFE003, lr  }
0x1b: {  	s9 =	sadd.s32 $0xFFFFFEF7, lr;
	s5 =	simm.s32 $0xFFFFFFFF;
	p2 =	slt.u32 s8, $0xFFFFF086  }
0x1c: {  	p1 =	slt.u32 s9, $0xF7A;
	s5 =	simm.s32 @!p2 $0x0  }
0x1d: {  	s5 =	simm.s32 @p1 $0x1;
	p0 =	seq.s32 s7, s2  }
0x1e: {  	s7 =	smul.u32 @!p0 $0xF7A, s2;
	p2 =	seq.s32 @!p0 s5, $0x0  }
0x1f: {  	s9 =	smul.u32 $0xF7A, s1;
	s8 =	simm.s32 @!p0 $0x1BF5;
	p2 =	por !p2, p0  }
0x20: {  	[sflag:s8] =	ssyncset.s32 @!p0 $0xFFFFF086;
	s6 =	sadd.s32 @!p0 s3, s7;
	s7 =	simm.s32 @!p0 $0x108  }
0x21: {  	s3 =	sadd.s32 s3, s9;
	s6 =	sadd.s32 @!p0 $0x88, s6;
	s7 =	simm.s32 @p2 $0x1082  }
0x22: {  	[simem:s7], [sflag:s8] =	dma.local @!p0 [hbm:s6], $0xF7A  }
0x23: {  	s9 =	sor.u32 $0xD0000000, s2;
	s6 =	simm.s32 $0x108;
	_ =	swait.ge @!p0 [sflag:s8], $0x0  }
0x24: {  	s3 =	sadd.s32 $0x88, s3;
	s6 =	simm.s32 @!p1 $0x1082;
	[sflag:s4] =	ssyncset.s32 $0xFFFFF086  }
0x25: {  	[simem:s6], [sflag:s4] =	dma.local [hbm:s3], $0xF7A  }
0x26: {  	[smem:$0x3F9B] =	sst s1;
	(tag) =	ssettag s2;
	_ =	strace s9  }
0x27: {  	s1 =	sld [smem:$0x3FAB]  }
0x28: {  	s2 =	sld [smem:$0x3FAC]  }
0x29: {  	s4 =	sld [smem:$0x3FAE]  }
0x2a: {  	p0 =	seq.s32 s5, $0x0;
	s5 =	sld [smem:$0x3FAF]  }
0x2b: {  	s6 =	sld [smem:$0x3FB0]  }
0x2c: {  	s7 =	sld [smem:$0x3FB1]  }
0x2d: {  	s3 =	simm.s32 $0x108;
	s8 =	sld [smem:$0x3FB2]  }
0x2e: {  	s3 =	simm.s32 @!p0 $0x1082;
	s9 =	sld [smem:$0x3FB3]  }
0x2f: {  	lr =	sadd.s32 s0, s3;
	s0 =	sld [smem:$0x3FAA]  }
0x30: {  	s3 =	sld [smem:$0x3FAD]  }
0x31: {  	[smem:$0x3FB6] =	sst s10  }
0x32: {  	s10 =	sld [smem:$0x3FB4];
	_ =	sdelay $0x3  }
0x33: {  	p0 =	seq.s32 s10, $0x1;
	s10 =	sld [smem:$0x3FB6];
	_ =	sdelay $0x3  }
0x34: {  	[smem:$0x3FB6] =	sst s10  }
0x35: {  	s10 =	sld [smem:$0x3FB5];
	_ =	sdelay $0x3  }
0x36: {  	p1 =	seq.s32 s10, $0x1;
	s10 =	sld [smem:$0x3FB6];
	_ =	sdelay $0x3  }
0x37: {  	[smem:$0x3FB6] =	sst s10  }
0x38: {  	s10 =	sld [smem:$0x3FB7]  }
0x39: {  	_ = 	snop;
	(pc) =	sbr.ind lr, $3  }
0x3a: {  	_ = 	snop  }
0x3b: {  	_ = 	snop  }
0x3c: {  	p2 =	seq.s32 s10, $0x1;
	s10 =	sld [smem:$0x3FB6]  }
0x3d: {  	_ =	shalt  }
0x3e: {  	_ =	shalt  }
0x3f: {  	_ =	shalt  }
0x40: {  	_ =	shalt  }
0x41: {  	_ =	shalt  }
0x42: {  	_ =	shalt  }
0x43: {  	_ =	shalt  }
0x44: {  	_ =	shalt  }
0x45: {  	_ =	shalt  }
0x46: {  	_ =	shalt  }
0x47: {  	_ =	shalt  }
0x48: {  	_ =	shalt  }
0x49: {  	_ =	shalt  }
0x4a: {  	_ =	shalt  }
0x4b: {  	_ =	shalt  }
0x4c: {  	_ =	shalt  }
0x4d: {  	_ =	shalt  }
0x4e: {  	_ =	shalt  }
0x4f: {  	_ =	shalt  }
0x50: {  	_ =	shalt  }
0x51: {  	_ =	shalt  }
0x52: {  	_ =	shalt  }
0x53: {  	_ =	shalt  }
0x54: {  	_ =	shalt  }
0x55: {  	_ =	shalt  }
0x56: {  	_ =	shalt  }
0x57: {  	_ =	shalt  }
0x58: {  	_ =	shalt  }
0x59: {  	_ =	shalt  }
0x5a: {  	_ =	shalt  }
0x5b: {  	_ =	shalt  }
0x5c: {  	_ =	shalt  }
0x5d: {  	_ =	shalt  }
0x5e: {  	_ =	shalt  }
0x5f: {  	_ =	shalt  }
0x60: {  	_ =	shalt  }
0x61: {  	_ =	shalt  }
0x62: {  	_ =	shalt  }
0x63: {  	_ =	shalt  }
0x64: {  	_ =	shalt  }
0x65: {  	_ =	shalt  }
0x66: {  	_ =	shalt  }
0x67: {  	_ =	shalt  }
0x68: {  	_ =	shalt  }
0x69: {  	_ =	shalt  }
0x6a: {  	_ =	shalt  }
0x6b: {  	_ =	shalt  }
0x6c: {  	_ =	shalt  }
0x6d: {  	_ =	shalt  }
0x6e: {  	_ =	shalt  }
0x6f: {  	_ =	shalt  }
0x70: {  	_ =	shalt  }
0x71: {  	_ =	shalt  }
0x72: {  	_ =	shalt  }
0x73: {  	_ =	shalt  }
0x74: {  	_ =	shalt  }
0x75: {  	_ =	shalt  }
0x76: {  	_ =	shalt  }
0x77: {  	_ =	shalt  }
0x78: {  	_ =	shalt  }
0x79: {  	_ =	shalt  }
0x7a: {  	_ =	shalt  }
0x7b: {  	_ =	shalt  }
0x7c: {  	_ =	shalt  }
0x7d: {  	_ =	shalt  }
0x7e: {  	_ =	shalt  }
0x7f: {  	_ =	shalt  }
0x80: {  	_ =	shalt  }
0x81: {  	_ =	shalt  }
0x82: {  	_ =	shalt  }
0x83: {  	_ =	shalt  }
0x84: {  	_ =	shalt  }
0x85: {  	_ =	shalt  }
0x86: {  	_ =	shalt  }
0x87: {  	_ =	shalt  }
.Lfunc_end0:
.L_simem_size_0:
called_computation_lowered:
.L_overlay_start_0:
0x88: {  	s2 =	sld [smem:$0x3FD9]  }
0x89: {  	s3 =	sld [smem:$0x3FFE];
	_ =	sdelay $0x1  }
0x8a: {  	s1 =	srdreg.scid  }
0x8b: {  	s0 =	sand.u32 $0x1, s1  }
0x8c: {  	s16 =	sshll.u32 s0, $0xA;
	s2 =	sadd.s32 s3, s2  }
0x8d: {  	s2 =	sadd.s32 s2, s16  }
0x8e: {  	[smem:$0x3FC2] =	sst s2  }
0x8f: {  	_ = 	snop  }
0x90: {  	(tm) =	ssettm $0x1  }
0x91: {  	s17 =	sld [smem:$0x3FFB];
	_ =	sdelay $0x3  }
0x92: {  	_ =	strace s17  }
0x93: {  	s2 =	sld [smem:$0x3FFC];
	_ =	sdelay $0x3  }
0x94: {  	_ =	strace s2  }
0x95: {  	s2 =	sld [smem:$0x3FFD];
	_ =	sdelay $0x3  }
0x96: {  	_ =	strace s2  }
0x97: {  	_ =	strace $0x8FFFFFFF  }
0x98: {  	s18 =	sld [smem:$0x3FDB];
	_ =	sdelay $0x1  }
0x99: {  	s19 =	simm.s32 $_scs_section_size  }
0x9a: {  	s4 =	simm.s32 $_size__tile_overlayer_lowered;
	s5 =	simm.s32 $_tile_overlayer_lowered  }
0x9b: {  	s22 =	simm.s32 $0x1BFF;
	s21 =	sshll.u32 s5, $0x1;
	s2 =	sadd.s32 s19, s18  }
0x9c: {  	s6 =	simm.s32 $0x0;
	s20 =	sshll.u32 s4, $0x1;
	s4 =	sadd.s32 s21, s2  }
0x9d: {  	[timem:s6], [sflag:s22] =	dma.local [hbm:s4], s20  }
0x9e: {  	_ =	swait.ge [sflag:s22], s20  }
0x9f: {  	s3 =	ssub.s32 $0x0, s20;
	[sflag:s22] =	ssyncset.done $0x0  }
0xa0: {  	[sflag:s22] =	ssyncadd.s32 s3;
	_ =	sdelay $0x1  }
0xa1: {  	s23 =	simm.s32 $0x1B8B  }
0xa2: {  	_ =	swait.ge [sflag:s23], $0x1  }
0xa3: {  	[sflag:s23] =	ssyncset.done $0x0  }
0xa4: {  	s25 =	simm.s32 $0x1B8E;
	s24 =	sld [smem:$0x3FFE];
	[sflag:s23] =	ssyncadd.s32 $0xFFFFFFFF  }
0xa5: {  	s26 =	simm.s32 $execute0_lowered;
	[smem:$0x3FD2] =	sst s25  }
0xa6: {  	s4 =	sshll.u32 s26, $0x1;
	_ =	strace $0x80000046;
	[dreg:$0x1] =	wrdreg $0xFFFFFFFF  }
0xa7: {  	s28 =	simm.s32 $_size_execute0_lowered;
	s2 =	sadd.s32 s2, s4;
	[dreg:$0x0] =	wrdreg $0x0  }
0xa8: {  	s4 =	sshll.u32 s28, $0x1;
	[dreg:$0x2] =	wrdreg s2  }
0xa9: {  	[dreg:$0x3] =	wrdreg s4  }
0xaa: {  	[dreg:$0x4] =	wrdreg $0xC0  }
0xab: {  	_ =	task [dreg:s6], $0x5FFFF  }
0xac: {  	[dreg:$0x1] =	wrdreg $0xFFFFFFFF  }
0xad: {  	[dreg:$0x0] =	wrdreg $0x60  }
0xae: {  	[dreg:$0x2] =	wrdreg s24  }
0xaf: {  	[dreg:$0x3] =	wrdreg $0x9  }
0xb0: {  	_ =	task.clear_ibuf [dreg:s6], $0x4FFFF;
	_ =	strace $0x90000046  }
0xb1: {  	s29 =	simm.s32 $0x9;
	_ =	strace $0x80000048  }
0xb2: {  	_ =	swait.ge [sflag:s29], $0x1  }
0xb3: {  	[sflag:s29] =	ssyncadd.s32 $0xFFFFFFFF  }
0xb4: {  	_ =	strace $0x90000048  }
0xb5: {  	_ =	sfence  }
0xb6: {  	s30 =	sld [smem:$0x0];
	_ =	sdelay $0x2  }
0xb7: {  	s31 =	sshll.u32 s1, $0xD;
	s1 =	sshrl.u32 s1, $0x2  }
0xb8: {  	s3 =	sand.u32 $0x4000, s31;
	s1 =	sadd.s32 s1, s30  }
0xb9: {  	s0 =	sor.u32 s3, s0;
	s1 =	sshll.u32 s1, $0x11  }
0xba: {  	s0 =	sor.u32 s1, s0  }
0xbb: {  	s0 =	sadd.s32 $0x8F2B, s0  }
0xbc: {  	[sflag:s0] =	ssyncadd.remote.s32 $0x1  }
0xbd: {  	_ =	sfence.sel $0xFFFF  }
0xbe: {  	[dreg:$0x0] =	wrdreg $0xFFFFFFFF;
	(pc) =	sbr.abs _section_cstart, $3  }
0xbf: {  	[dreg:$0x1] =	wrdreg $0xFFFFFFFF  }
0xc0: {  	_ =	task.clear_ibuf [dreg:s6], $0x2FFFF;
	_ =	strace $0x9FFFFFFF  }
0xc1: {  	(tm) =	ssettm $0x7FFFFFFF  }
tec
execute0_lowered:
.L_overlay_start_1:
0x0: {  	(tag) =	ssettag $0x1  }
0x1: {  	s1 =	stileid.u32  }
0x2: {  	p0 =	sgt.u32 s1, $0x3  }
.Ltmp0:
0x3: {  	_ = 	snop;
	(pc) =	sbr.rel @p0 .LBB2_4-.Ltmp0, $4  }
0x4: {  	_ = 	snop  }
0x5: {  	s31 =	rddreg [dreg:$0x0];
	s2 =	simm.s32 $0x0  }
0x6: {  	[smem:$0x7FF] =	sst s2  }
0x7: {  	s0 =	rddreg [dreg:$0x1];
	_ =	strace $0x80000047  }
0x8: {  	s0 =	sadd.s32 $0x800, s31  }
0x9: {  	s6 =	sadd.s32 $0x900, s31;
	[dreg:$0x2] =	wrdreg s0  }
0xa: {  	s7 =	sadd.s32 $0xA00, s31;
	[dreg:$0x3] =	wrdreg s6  }
0xb: {  	s8 =	sadd.s32 $0xB00, s31;
	[dreg:$0x4] =	wrdreg s7  }
0xc: {  	s9 =	sadd.s32 $0xC00, s31;
	[dreg:$0x5] =	wrdreg s8  }
0xd: {  	s10 =	sadd.s32 $0xD00, s31;
	[dreg:$0x6] =	wrdreg s9  }
0xe: {  	s11 =	sadd.s32 $0xE00, s31;
	[dreg:$0x7] =	wrdreg s10  }
0xf: {  	s12 =	sadd.s32 $0xF00, s31;
	[dreg:$0x8] =	wrdreg s11  }
0x10: {  	s13 =	sadd.s32 $0x1000, s31;
	[dreg:$0x9] =	wrdreg s12  }
0x11: {  	s14 =	sadd.s32 $0x1100, s31;
	[dreg:$0xa] =	wrdreg s13  }
0x12: {  	s15 =	sadd.s32 $0x1200, s31;
	[dreg:$0xb] =	wrdreg s14  }
0x13: {  	s16 =	sadd.s32 $0x1300, s31;
	[dreg:$0xc] =	wrdreg s15  }
0x14: {  	s17 =	sadd.s32 $0x1400, s31;
	[dreg:$0xd] =	wrdreg s16  }
0x15: {  	s18 =	sadd.s32 $0x1500, s31;
	[dreg:$0xe] =	wrdreg s17  }
0x16: {  	s3 =	sadd.s32 $0x2C800, s31;
	s19 =	sadd.s32 $0x1600, s31;
	[dreg:$0xf] =	wrdreg s18  }
0x17: {  	s4 =	srdreg.scid;
	s5 =	sadd.s32 $0x1700, s31;
	[dreg:$0x10] =	wrdreg s19  }
0x18: {  	s20 =	sadd.s32 $0x1800, s31;
	s21 =	sshll.u32 s1, $0x1;
	[dreg:$0x11] =	wrdreg s5  }
0x19: {  	s22 =	sadd.s32 $0x1900, s31;
	s0 =	sand.u32 $0x1, s4;
	[dreg:$0x12] =	wrdreg s20  }
0x1a: {  	s23 =	sadd.s32 $0x1A00, s31;
	[dreg:$0x13] =	wrdreg s22;
	s30 =	sor.u32 s0, s21  }
0x1b: {  	s24 =	sadd.s32 $0x1B00, s31;
	[dreg:$0x14] =	wrdreg s23;
	s5 =	sshll.u32 s30, $0x4  }
0x1c: {  	[dreg:$0x15] =	wrdreg s24;
	s4 =	sadd.s32 s3, s5;
	s3 =	simm.s32 $0x2  }
0x1d: {  	[tilespmem:s2], [sflag:$0x2] =	stream.linear.gather [hbm4b:s4+s2], $0x80, $0x38;
	[tilespmem:$0xB080] =	vst v63  }
0x1e: {  	_ =	swait.ge [sflag:s3], $0x80  }
0x1f: {  	[sflag:s3] =	ssyncset.done $0x0  }
0x20: {  	[sflag:s3] =	ssyncadd.s32 $0xFFFFFF80  }
0x21: {  	v0 =	vld.msk [tilespmem:$0x0], $0xff;
	_ =	sdelay $0x4  }
0x22: {  	v1 =	vshrl.u32 v0, $0x3  }
0x23: {  	v1 =	vmul.u32 $0x160, v1  }
0x24: {  	v2 =	vlaneseq.u32;
	v3 =	vand.u32 $0x7, v0  }
0x25: {  	v0 =	vand.u32 $0x7, v2;
	v2 =	vshrl.u32 v2, $0x3;
	v3 =	vor.u32 v3, v1  }
0x26: {  	v1 =	vmul.u32 $0x8, v2;
	v2 =	vperm.xlane v3, v0;
	_ =	sdelay $0x1  }
0x27: {  	v2 =	vadd.s32 v1, v2;
	_ =	sdelay $0x3  }
0x28: {  	vm0 =	vmmov $0xffff;
	s5 =	simm.s32 $0x80;
	s6 =	rddreg [dreg:$0x2]  }
0x29: {  	[tilespmem:s5], [sflag:$0x1] =	stream.indirect_vreg.gather [hbm4b:s6+s2], $0x80, v2, vm0, $0xb8;
	[tilespmem:$0xB080] =	vst v63  }
0x2a: {  	s25 =	simm.s32 $0x880;
	s7 =	rddreg [dreg:$0x3]  }
0x2b: {  	[tilespmem:s25], [sflag:$0x1] =	stream.indirect_vreg.gather [hbm4b:s7+s2], $0x80, v2, vm0, $0xb8;
	[tilespmem:$0xB080] =	vst v63  }
0x2c: {  	s26 =	simm.s32 $0x1080;
	s8 =	rddreg [dreg:$0x4]  }
0x2d: {  	[tilespmem:s26], [sflag:$0x1] =	stream.indirect_vreg.gather [hbm4b:s8+s2], $0x80, v2, vm0, $0xb8;
	[tilespmem:$0xB080] =	vst v63  }
0x2e: {  	s9 =	rddreg [dreg:$0x5];
	s8 =	simm.s32 $0x1880  }
0x2f: {  	[tilespmem:s8], [sflag:$0x1] =	stream.indirect_vreg.gather [hbm4b:s9+s2], $0x80, v2, vm0, $0xb8;
	[tilespmem:$0xB080] =	vst v63  }
0x30: {  	s10 =	rddreg [dreg:$0x6];
	s9 =	simm.s32 $0x2080  }
0x31: {  	[tilespmem:s9], [sflag:$0x1] =	stream.indirect_vreg.gather [hbm4b:s10+s2], $0x80, v2, vm0, $0xb8;
	[tilespmem:$0xB080] =	vst v63  }
0x32: {  	s11 =	rddreg [dreg:$0x7];
	s10 =	simm.s32 $0x2880  }
0x33: {  	[tilespmem:s10], [sflag:$0x1] =	stream.indirect_vreg.gather [hbm4b:s11+s2], $0x80, v2, vm0, $0xb8;
	[tilespmem:$0xB080] =	vst v63  }
0x34: {  	s12 =	rddreg [dreg:$0x8];
	s11 =	simm.s32 $0x3080  }
0x35: {  	[tilespmem:s11], [sflag:$0x1] =	stream.indirect_vreg.gather [hbm4b:s12+s2], $0x80, v2, vm0, $0xb8;
	[tilespmem:$0xB080] =	vst v63  }
0x36: {  	s13 =	rddreg [dreg:$0x9];
	s12 =	simm.s32 $0x3880  }
0x37: {  	[tilespmem:s12], [sflag:$0x1] =	stream.indirect_vreg.gather [hbm4b:s13+s2], $0x80, v2, vm0, $0xb8;
	[tilespmem:$0xB080] =	vst v63  }
0x38: {  	s14 =	rddreg [dreg:$0xa];
	s13 =	simm.s32 $0x4080  }
0x39: {  	[tilespmem:s13], [sflag:$0x1] =	stream.indirect_vreg.gather [hbm4b:s14+s2], $0x80, v2, vm0, $0xb8;
	[tilespmem:$0xB080] =	vst v63  }
0x3a: {  	s15 =	rddreg [dreg:$0xb];
	s14 =	simm.s32 $0x4880  }
0x3b: {  	[tilespmem:s14], [sflag:$0x1] =	stream.indirect_vreg.gather [hbm4b:s15+s2], $0x80, v2, vm0, $0xb8;
	[tilespmem:$0xB080] =	vst v63  }
0x3c: {  	s16 =	rddreg [dreg:$0xc];
	s15 =	simm.s32 $0x5080  }
0x3d: {  	[tilespmem:s15], [sflag:$0x1] =	stream.indirect_vreg.gather [hbm4b:s16+s2], $0x80, v2, vm0, $0xb8;
	[tilespmem:$0xB080] =	vst v63  }
0x3e: {  	s17 =	rddreg [dreg:$0xd];
	s16 =	simm.s32 $0x5880  }
0x3f: {  	[tilespmem:s16], [sflag:$0x1] =	stream.indirect_vreg.gather [hbm4b:s17+s2], $0x80, v2, vm0, $0xb8;
	[tilespmem:$0xB080] =	vst v63  }
0x40: {  	s18 =	rddreg [dreg:$0xe];
	s17 =	simm.s32 $0x6080  }
0x41: {  	[tilespmem:s17], [sflag:$0x1] =	stream.indirect_vreg.gather [hbm4b:s18+s2], $0x80, v2, vm0, $0xb8;
	[tilespmem:$0xB080] =	vst v63  }
0x42: {  	s19 =	rddreg [dreg:$0xf];
	s18 =	simm.s32 $0x6880  }
0x43: {  	[tilespmem:s18], [sflag:$0x1] =	stream.indirect_vreg.gather [hbm4b:s19+s2], $0x80, v2, vm0, $0xb8;
	[tilespmem:$0xB080] =	vst v63  }
0x44: {  	s20 =	rddreg [dreg:$0x10];
	s19 =	simm.s32 $0x7080  }
0x45: {  	[tilespmem:s19], [sflag:$0x1] =	stream.indirect_vreg.gather [hbm4b:s20+s2], $0x80, v2, vm0, $0xb8;
	[tilespmem:$0xB080] =	vst v63  }
0x46: {  	s21 =	rddreg [dreg:$0x11];
	s20 =	simm.s32 $0x7880  }
0x47: {  	[tilespmem:s20], [sflag:$0x1] =	stream.indirect_vreg.gather [hbm4b:s21+s2], $0x80, v2, vm0, $0xb8;
	[tilespmem:$0xB080] =	vst v63  }
0x48: {  	s28 =	sadd.s32 $0x1D00, s31;
	s22 =	rddreg [dreg:$0x12];
	s21 =	simm.s32 $0x8080  }
0x49: {  	[tilespmem:s21], [sflag:$0x1] =	stream.indirect_vreg.gather [hbm4b:s22+s2], $0x80, v2, vm0, $0xb8;
	[tilespmem:$0xB080] =	vst v63  }
0x4a: {  	s29 =	simm.s32 $0xA880;
	s23 =	rddreg [dreg:$0x13];
	s22 =	simm.s32 $0x8880  }
0x4b: {  	[tilespmem:s22], [sflag:$0x1] =	stream.indirect_vreg.gather [hbm4b:s23+s2], $0x80, v2, vm0, $0xb8;
	[tilespmem:$0xB080] =	vst v63  }
0x4c: {  	s0 =	ssub.s32 $0x2, s0;
	s24 =	rddreg [dreg:$0x14];
	s23 =	simm.s32 $0x9080  }
0x4d: {  	[tilespmem:s23], [sflag:$0x1] =	stream.indirect_vreg.gather [hbm4b:s24+s2], $0x80, v2, vm0, $0xb8;
	[tilespmem:$0xB080] =	vst v63  }
0x4e: {  	s25 =	rddreg [dreg:$0x15];
	s7 =	sshrl.u32 s0, $0x1;
	s24 =	simm.s32 $0x9880  }
0x4f: {  	[tilespmem:s24], [sflag:$0x1] =	stream.indirect_vreg.gather [hbm4b:s25+s2], $0x80, v2, vm0, $0xb8;
	[tilespmem:$0xB080] =	vst v63  }
0x50: {  	s0 =	ssub.s32 s0, s7;
	s26 =	simm.s32 $0xA080;
	s25 =	sadd.s32 $0x1C00, s31  }
0x51: {  	[tilespmem:s26], [sflag:$0x1] =	stream.indirect_vreg.gather [hbm4b:s25+s2], $0x80, v2, vm0, $0xb8;
	[tilespmem:$0xB080] =	vst v63  }
0x52: {  	s1 =	smul.u32 $0x1600, s30;
	s30 =	simm.s32 $0x1;
	s0 =	smax.u32 s0, $0x1  }
0x53: {  	[tilespmem:s29], [sflag:$0x1] =	stream.indirect_vreg.gather [hbm4b:s28+s2], $0x80, v2, vm0, $0xb8;
	[tilespmem:$0xB080] =	vst v63  }
0x54: {  	p0 =	sne.s32 s0, $0x1;
	_ =	swait.ge [sflag:s30], $0xB000  }
.Ltmp1:
0x55: {  	s31 =	sadd.s32 s1, s31;
	[sflag:s30] =	ssyncset.done $0x0;
	(pc) =	sbr.rel @!p0 .LBB2_3-.Ltmp1, $4  }
0x56: {  	s31 =	sadd.s32 $0x2CA00, s31;
	[sflag:s30] =	ssyncadd.s32 $0xFFFF5000  }
0x57: {  	[hbm4b:s31+s2] =	stream.linear.scatter [tilespmem:s5], [sflag:$0x2], $0xB000, $0x38;
	[tilespmem:$0xB080] =	vst v63  }
0x58: {  	_ =	swait.ge [sflag:s3], $0xB000  }
0x59: {  	s0 =	sadd.s32 $0xFFFFFFFF, s0;
	[sflag:s3] =	ssyncset.done $0x0  }
.LBB2_2:
0x5a: {  	[sflag:s3] =	ssyncadd.s32 $0xFFFF5000  }
0x5b: {  	[tilespmem:s2], [sflag:$0x2] =	stream.linear.gather [hbm4b:s4+s2], $0x80, $0x38;
	[tilespmem:$0xB080] =	vst v63  }
0x5c: {  	_ =	swait.ge [sflag:s3], $0x80  }
0x5d: {  	[sflag:s3] =	ssyncset.done $0x0  }
0x5e: {  	[sflag:s3] =	ssyncadd.s32 $0xFFFFFF80  }
0x5f: {  	v2 =	vld.msk [tilespmem:$0x0], $0xff;
	_ =	sdelay $0x4  }
0x60: {  	v3 =	vshrl.u32 v2, $0x3  }
0x61: {  	v3 =	vmul.u32 $0x160, v3  }
0x62: {  	v2 =	vand.u32 $0x7, v2  }
0x63: {  	v2 =	vor.u32 v2, v3  }
0x64: {  	v2 =	vperm.xlane v2, v0;
	_ =	sdelay $0x1  }
0x65: {  	v2 =	vadd.s32 v1, v2;
	_ =	sdelay $0x3  }
0x66: {  	s1 =	rddreg [dreg:$0x2]  }
0x67: {  	[tilespmem:s5], [sflag:$0x1] =	stream.indirect_vreg.gather [hbm4b:s1+s2], $0x80, v2, vm0, $0xb8;
	[tilespmem:$0xB080] =	vst v63  }
0x68: {  	s7 =	simm.s32 $0x880;
	s6 =	rddreg [dreg:$0x3]  }
0x69: {  	[tilespmem:s7], [sflag:$0x1] =	stream.indirect_vreg.gather [hbm4b:s6+s2], $0x80, v2, vm0, $0xb8;
	[tilespmem:$0xB080] =	vst v63  }
0x6a: {  	s1 =	rddreg [dreg:$0x4];
	s7 =	simm.s32 $0x1080  }
0x6b: {  	[tilespmem:s7], [sflag:$0x1] =	stream.indirect_vreg.gather [hbm4b:s1+s2], $0x80, v2, vm0, $0xb8;
	[tilespmem:$0xB080] =	vst v63  }
0x6c: {  	s6 =	rddreg [dreg:$0x5]  }
0x6d: {  	[tilespmem:s8], [sflag:$0x1] =	stream.indirect_vreg.gather [hbm4b:s6+s2], $0x80, v2, vm0, $0xb8;
	[tilespmem:$0xB080] =	vst v63  }
0x6e: {  	s1 =	rddreg [dreg:$0x6]  }
0x6f: {  	[tilespmem:s9], [sflag:$0x1] =	stream.indirect_vreg.gather [hbm4b:s1+s2], $0x80, v2, vm0, $0xb8;
	[tilespmem:$0xB080] =	vst v63  }
0x70: {  	s7 =	rddreg [dreg:$0x7]  }
0x71: {  	[tilespmem:s10], [sflag:$0x1] =	stream.indirect_vreg.gather [hbm4b:s7+s2], $0x80, v2, vm0, $0xb8;
	[tilespmem:$0xB080] =	vst v63  }
0x72: {  	s1 =	rddreg [dreg:$0x8]  }
0x73: {  	[tilespmem:s11], [sflag:$0x1] =	stream.indirect_vreg.gather [hbm4b:s1+s2], $0x80, v2, vm0, $0xb8;
	[tilespmem:$0xB080] =	vst v63  }
0x74: {  	s7 =	rddreg [dreg:$0x9]  }
0x75: {  	[tilespmem:s12], [sflag:$0x1] =	stream.indirect_vreg.gather [hbm4b:s7+s2], $0x80, v2, vm0, $0xb8;
	[tilespmem:$0xB080] =	vst v63  }
0x76: {  	s1 =	rddreg [dreg:$0xa]  }
0x77: {  	[tilespmem:s13], [sflag:$0x1] =	stream.indirect_vreg.gather [hbm4b:s1+s2], $0x80, v2, vm0, $0xb8;
	[tilespmem:$0xB080] =	vst v63  }
0x78: {  	s7 =	rddreg [dreg:$0xb]  }
0x79: {  	[tilespmem:s14], [sflag:$0x1] =	stream.indirect_vreg.gather [hbm4b:s7+s2], $0x80, v2, vm0, $0xb8;
	[tilespmem:$0xB080] =	vst v63  }
0x7a: {  	s1 =	rddreg [dreg:$0xc]  }
0x7b: {  	[tilespmem:s15], [sflag:$0x1] =	stream.indirect_vreg.gather [hbm4b:s1+s2], $0x80, v2, vm0, $0xb8;
	[tilespmem:$0xB080] =	vst v63  }
0x7c: {  	s7 =	rddreg [dreg:$0xd]  }
0x7d: {  	[tilespmem:s16], [sflag:$0x1] =	stream.indirect_vreg.gather [hbm4b:s7+s2], $0x80, v2, vm0, $0xb8;
	[tilespmem:$0xB080] =	vst v63  }
0x7e: {  	s1 =	rddreg [dreg:$0xe]  }
0x7f: {  	[tilespmem:s17], [sflag:$0x1] =	stream.indirect_vreg.gather [hbm4b:s1+s2], $0x80, v2, vm0, $0xb8;
	[tilespmem:$0xB080] =	vst v63  }
0x80: {  	s7 =	rddreg [dreg:$0xf]  }
0x81: {  	[tilespmem:s18], [sflag:$0x1] =	stream.indirect_vreg.gather [hbm4b:s7+s2], $0x80, v2, vm0, $0xb8;
	[tilespmem:$0xB080] =	vst v63  }
0x82: {  	s1 =	rddreg [dreg:$0x10]  }
0x83: {  	[tilespmem:s19], [sflag:$0x1] =	stream.indirect_vreg.gather [hbm4b:s1+s2], $0x80, v2, vm0, $0xb8;
	[tilespmem:$0xB080] =	vst v63  }
0x84: {  	s7 =	rddreg [dreg:$0x11]  }
0x85: {  	[tilespmem:s20], [sflag:$0x1] =	stream.indirect_vreg.gather [hbm4b:s7+s2], $0x80, v2, vm0, $0xb8;
	[tilespmem:$0xB080] =	vst v63  }
0x86: {  	s1 =	rddreg [dreg:$0x12]  }
0x87: {  	[tilespmem:s21], [sflag:$0x1] =	stream.indirect_vreg.gather [hbm4b:s1+s2], $0x80, v2, vm0, $0xb8;
	[tilespmem:$0xB080] =	vst v63  }
0x88: {  	s7 =	rddreg [dreg:$0x13]  }
0x89: {  	[tilespmem:s22], [sflag:$0x1] =	stream.indirect_vreg.gather [hbm4b:s7+s2], $0x80, v2, vm0, $0xb8;
	[tilespmem:$0xB080] =	vst v63  }
0x8a: {  	s1 =	rddreg [dreg:$0x14]  }
0x8b: {  	[tilespmem:s23], [sflag:$0x1] =	stream.indirect_vreg.gather [hbm4b:s1+s2], $0x80, v2, vm0, $0xb8;
	[tilespmem:$0xB080] =	vst v63  }
0x8c: {  	s7 =	rddreg [dreg:$0x15]  }
0x8d: {  	[tilespmem:s24], [sflag:$0x1] =	stream.indirect_vreg.gather [hbm4b:s7+s2], $0x80, v2, vm0, $0xb8;
	[tilespmem:$0xB080] =	vst v63  }
0x8e: {  	_ = 	snop  }
0x8f: {  	[tilespmem:s26], [sflag:$0x1] =	stream.indirect_vreg.gather [hbm4b:s25+s2], $0x80, v2, vm0, $0xb8;
	[tilespmem:$0xB080] =	vst v63  }
0x90: {  	_ = 	snop  }
0x91: {  	[tilespmem:s29], [sflag:$0x1] =	stream.indirect_vreg.gather [hbm4b:s28+s2], $0x80, v2, vm0, $0xb8;
	[tilespmem:$0xB080] =	vst v63  }
0x92: {  	p0 =	sne.s32 s0, $0x1;
	_ =	swait.ge [sflag:s30], $0xB000  }
.Ltmp2:
0x93: {  	[sflag:s30] =	ssyncset.done $0x0;
	(pc) =	sbr.rel @p0 .LBB2_2-.Ltmp2, $4  }
0x94: {  	[sflag:s30] =	ssyncadd.s32 $0xFFFF5000  }
0x95: {  	[hbm4b:s31+s2] =	stream.linear.scatter [tilespmem:s5], [sflag:$0x2], $0xB000, $0x38;
	[tilespmem:$0xB080] =	vst v63  }
0x96: {  	_ =	swait.ge [sflag:s3], $0xB000  }
0x97: {  	s0 =	sadd.s32 $0xFFFFFFFF, s0;
	[sflag:s3] =	ssyncset.done $0x0  }
.LBB2_3:
0x98: {  	[sflag:s3] =	ssyncadd.s32 $0xFFFF5000  }
0x99: {  	s1 =	stileid.u32;
	s0 =	rddreg [dreg:$0x1]  }
.LBB2_4:
0x9a: {  	_ =	sfence.sel $0x180000  }
0x9b: {  	[bflag:$0x0] =	sbarrier.arrive $0xFFFF  }
0x9c: {  	p0 =	sne.s32 s1, $0x0;
	_ =	strace $0x90000047  }
0x9d: {  	s0 =	sadd.s32 @!p0 $0x100000, s0;
	[bflag:$0x2] =	sbarrier.arrive $0xFFFF  }
0x9e: {  	[sflag:s0] =	ssyncadd.tile.s32 @!p0 $0x1;
	_ =	shalt  }
.Lfunc_end2:
_tile_overlayer_lowered:
.L_overlay_start_2:
0x9f: {  	(tag) =	ssettag $0x2  }
0xa0: {  	s0 =	rddreg [dreg:$0x0];
	s2 =	stileid.u32  }
0xa1: {  	s1 =	rddreg [dreg:$0x1];
	p0 =	sne.s32 s2, $0x0  }
0xa2: {  	s3 =	rddreg [dreg:$0x2];
	[bflag:$0x3] =	sbarrier.arrive $0xFFFF;
	s2 =	simm.s32 @!p0 $0x1C02  }
0xa3: {  	[timem:s3], [sflag:s2] =	dma.local @!p0 [hbm:s0], s1  }
0xa4: {  	s0 =	simm.s32 @!p0 $0x2  }
0xa5: {  	_ =	swait.ge @!p0 [sflag:s0], s1  }
0xa6: {  	s1 =	ssub.s32 @!p0 $0x0, s1;
	[sflag:s0] =	ssyncset.done @!p0 $0x0  }
0xa7: {  	[sflag:s0] =	ssyncadd.s32 @!p0 s1  }
0xa8: {  	[bflag:$0x3] =	sbarrier.arrive $0xFFFF  }
0xa9: {  	_ =	shalt  }

</sc_bundles>
